<compile_context>
chip_gen: v7x
topology: tpu7x:2x2x1
jax: 0.10.2.dev20260603
libtpu: 0.0.44.dev20260713+nightly
codegen_flags: <defaults>
</compile_context>

<pallas_src>
import jax
import jax.numpy as jnp
from jax import lax
from jax.experimental import pallas as pl
from jax.experimental.pallas import tpu as pltpu
from jax.experimental.pallas import tpu_sc as plsc

_VOCAB = 1000
_EMB = 16
_B = 1024
_L = 50

_NC = 2
_NS = 16
_NW = _NC * _NS
_VT = 32


def _mesh():
    return plsc.VectorSubcoreMesh(core_axis_name="c", subcore_axis_name="s",
                                  num_cores=_NC, num_subcores=_NS)


_SC_PARAMS = pltpu.CompilerParams(needs_layout_passes=False,
                                  disable_bounds_checks=True)


def _hist_body(idx_hbm, zeros_hbm, part_hbm, idx_v, hist_v):
    wid = lax.axis_index("s") * _NC + lax.axis_index("c")
    bpw = _B // _NW
    b0 = wid * bpw
    pltpu.sync_copy(zeros_hbm, hist_v)
    pltpu.sync_copy(idx_hbm.at[pl.ds(b0, bpw)], idx_v)
    ones = jnp.ones((16,), jnp.float32)
    iota = lax.iota(jnp.int32, 16)
    tailmask = iota >= 14
    for bi in range(bpw):
        for off in (0, 16, 32):
            lbase = (iota + off) * _VOCAB
            plsc.addupdate_scatter(
                hist_v, [lbase + idx_v[bi, pl.ds(off, 16)]], ones)
        lbase = (iota + 34) * _VOCAB
        plsc.addupdate_scatter(
            hist_v, [lbase + idx_v[bi, pl.ds(34, 16)]], ones, mask=tailmask)
    pltpu.sync_copy(hist_v, part_hbm.at[wid])


def _histograms(idx, zeros):
    parts = pl.kernel(
        _hist_body,
        out_type=jax.ShapeDtypeStruct((_NW, _L * _VOCAB), jnp.float32),
        mesh=_mesh(),
        scratch_types=[
            pltpu.VMEM((_B // _NW, _L), jnp.int32),
            pltpu.VMEM((_L * _VOCAB,), jnp.float32),
        ],
        compiler_params=_SC_PARAMS,
    )(idx, zeros)
    return parts.reshape(_NW, _L, _VOCAB)


def _tables_body(w_ref, emb_ref, part_ref, idx_ref, et_ref, rt_ref, idxt_ref):
    mt = lax.dot_general(w_ref[...], emb_ref[...], (((1,), (1,)), ((), ())),
                         preferred_element_type=jnp.float32,
                         precision=lax.Precision.HIGHEST)
    mx = jnp.max(mt, axis=1, keepdims=True)
    et = jnp.exp(mt - mx)
    et_ref[...] = et
    cnt = jnp.sum(part_ref[...], axis=0)
    denom_t = lax.dot_general(et, cnt, (((1,), (1,)), ((), ())),
                              preferred_element_type=jnp.float32,
                              precision=lax.Precision.HIGHEST)
    rt_ref[...] = 1.0 / denom_t
    idxt_ref[...] = idx_ref[...].T


def _tables(W, emb, parts, idx):
    return pl.pallas_call(
        _tables_body,
        out_shape=(
            jax.ShapeDtypeStruct((_VOCAB, _VOCAB), jnp.float32),
            jax.ShapeDtypeStruct((_VOCAB, _L), jnp.float32),
            jax.ShapeDtypeStruct((_L, _B), jnp.int32),
        ),
    )(W, emb, parts, idx)


def _main_body(et_hbm, rt_hbm, idxt_hbm, out_hbm,
               et_v, rt_v, idx_v0, idx_v1, ov0, ov1,
               sem_i0, sem_i1, sem_o0, sem_o1):
    wid = lax.axis_index("s") * _NC + lax.axis_index("c")
    v_base = jnp.minimum(wid * _VT, _VOCAB - _VT)
    pltpu.sync_copy(et_hbm.at[pl.ds(v_base * _VOCAB, _VT * _VOCAB)], et_v)
    pltpu.sync_copy(rt_hbm.at[pl.ds(v_base * _L, _VT * _L)], rt_v)
    iota = lax.iota(jnp.int32, 16)
    idx_bufs = (idx_v0, idx_v1)
    out_bufs = (ov0, ov1)
    sem_i = (sem_i0, sem_i1)
    sem_o = (sem_o0, sem_o1)

    pltpu.async_copy(idxt_hbm.at[pl.ds(0, _B)], idx_v0, sem_i0)

    def do_l(l, p):
        idxb, outb = idx_bufs[p], out_bufs[p]

        @pl.when(l + 1 < _L)
        def _prefetch():
            pltpu.async_copy(idxt_hbm.at[pl.ds((l + 1) * _B, _B)],
                             idx_bufs[1 - p], sem_i[1 - p])

        pltpu.make_async_copy(idxt_hbm.at[pl.ds(l * _B, _B)], idxb,
                              sem_i[p]).wait()

        @pl.when(l >= 2)
        def _drain():
            pltpu.make_async_copy(outb, out_hbm.at[pl.ds(0, _VT * _B)],
                                  sem_o[p]).wait()

        lsplat = jnp.full((16,), l, jnp.int32)
        rsp = [plsc.load_gather(rt_v, [lsplat + v * _L]) for v in range(_VT)]

        @plsc.parallel_loop(0, _B // 16, unroll=8)
        def cloop(c):
            cb_load = jnp.full((16,), c * 16, jnp.int32) + iota
            chunk = plsc.load_gather(idxb, [cb_load])
            c_hi = c // 8
            base_c = c_hi * 1024 + (c * 16 - c_hi * 128)
            cb_store = jnp.full((16,), base_c, jnp.int32) + iota
            for v in range(_VT):
                g = plsc.load_gather(et_v, [chunk + v * _VOCAB])
                plsc.store_scatter(
                    outb,
                    [cb_store + ((v // 8) * 8192 + (v % 8) * 128)],
                    g * rsp[v])
        pltpu.async_copy(
            outb,
            out_hbm.at[pl.ds(l * (_VOCAB * _B) + v_base * _B, _VT * _B)],
            sem_o[p])

    def l2loop(l2, carry):
        do_l(2 * l2, 0)
        do_l(2 * l2 + 1, 1)
        return carry

    lax.fori_loop(0, _L // 2, l2loop, 0)
    pltpu.make_async_copy(ov0, out_hbm.at[pl.ds(0, _VT * _B)], sem_o0).wait()
    pltpu.make_async_copy(ov1, out_hbm.at[pl.ds(0, _VT * _B)], sem_o1).wait()


def _main(et, rt, idxt):
    out = pl.kernel(
        _main_body,
        out_type=jax.ShapeDtypeStruct((_L * _VOCAB * _B,), jnp.float32),
        mesh=_mesh(),
        scratch_types=[
            pltpu.VMEM((_VT * _VOCAB,), jnp.float32),
            pltpu.VMEM((_VT * _L,), jnp.float32),
            pltpu.VMEM((_B,), jnp.int32),
            pltpu.VMEM((_B,), jnp.int32),
            pltpu.VMEM((_VT * _B,), jnp.float32),
            pltpu.VMEM((_VT * _B,), jnp.float32),
            pltpu.SemaphoreType.DMA,
            pltpu.SemaphoreType.DMA,
            pltpu.SemaphoreType.DMA,
            pltpu.SemaphoreType.DMA,
        ],
        compiler_params=_SC_PARAMS,
    )(et.reshape(-1), rt.reshape(-1), idxt.reshape(-1))
    return (out.reshape(_L, _VOCAB // 8, 8, 8, 128)
            .transpose(2, 4, 1, 3, 0)
            .reshape(_B, _VOCAB, _L))


def kernel(train_input_indices, train_output_indices, emb_table, W, b):
    del train_input_indices
    del b
    zeros = jnp.zeros((_L * _VOCAB,), jnp.float32)
    parts = _histograms(train_output_indices, zeros)
    et, rt, idxt = _tables(W, emb_table, parts, train_output_indices)
    return _main(et, rt, idxt)

# --- scband reference (transcript-rebuilt; emitter-appended) ---
"""Pipeline reference for scband-model-30425548325276 (READ-ONLY COPY).

The authoritative reference and input builder live on the scoring server;
editing this copy changes nothing except your own understanding.
"""

import jax, jax.numpy as jnp
import numpy as np

VOCAB = 1000
EMB = 16
B = 1024
L_IN = 50
L_OUT = 50


def setup_inputs(seed: int = 0) -> dict:
    key = jax.random.key(seed)
    k1, k2, k3, k4, k5 = jax.random.split(key, 5)
    train_input_indices = jax.random.randint(k1, (B, L_IN), 0, VOCAB, dtype=jnp.int32)
    train_output_indices = jax.random.randint(k2, (B, L_OUT), 0, VOCAB, dtype=jnp.int32)
    # learned params: embedding table + output linear (torch Linear: W [out,in], b [out])
    emb_table = jax.random.normal(k3, (VOCAB, EMB), dtype=jnp.float32)
    W = jax.random.normal(k4, (VOCAB, EMB), dtype=jnp.float32) * (1.0 / np.sqrt(EMB))
    b = jax.random.normal(k5, (VOCAB,), dtype=jnp.float32) * 0.01
    return {
        "train_input_indices": train_input_indices,
        "train_output_indices": train_output_indices,
        "emb_table": emb_table,
        "W": W,
        "b": b,
    }


def reference(train_input_indices, train_output_indices, emb_table, W, b):
    # embedding lookup for inputs (computed in the torch forward but unused in output)
    x_in = jnp.take(emb_table, train_input_indices, axis=0)  # [B, L_IN, EMB]
    # embedding lookup for outputs
    x_out = jnp.take(emb_table, train_output_indices, axis=0)  # [B, L_OUT, EMB]
    # output linear projection to vocab
    logits = jnp.einsum("ble,ve->blv", x_out, W) + b  # [B, L_OUT, VOCAB]
    # F.softmax with no dim on a 3-D tensor uses torch legacy dim=0
    probs = jax.nn.softmax(logits, axis=0)
    # permute(0, 2, 1)
    out = jnp.transpose(probs, (0, 2, 1))  # [B, VOCAB, L_OUT]
    return out

if __name__ == "__main__":
    import jax
    _d = setup_inputs()
    print(jax.jit(kernel)(*tuple(_d.values())))

</pallas_src>

<mosaic_0001>
#map = affine_map<(d0, d1) -> (0, 0)>
#map1 = affine_map<(d0, d1) -> (0)>
module attributes {stable_mosaic.version = 14 : i64} {
  func.func @_hist_body(%arg0: i32, %arg1: i32, %arg2: memref<1024x50xi32, #tpu.memory_space<hbm>>, %arg3: memref<50000xf32, #tpu.memory_space<hbm>>, %arg4: memref<32x50000xf32, #tpu.memory_space<hbm>>, %arg5: memref<32x50xi32, #tpu.memory_space<vmem>>, %arg6: memref<50000xf32, #tpu.memory_space<vmem>>) attributes {dimension_semantics = [#tpu.dimension_semantics<core_parallel>, #tpu.dimension_semantics<subcore_parallel>], iteration_bounds = array<i64: 2, 16>, scalar_prefetch = 0 : i64, scratch_operands = 2 : i64, tpu.core_type = #tpu.core_type<sc_vector_subcore>, window_params = [{transform_indices = #map}, {transform_indices = #map1}, {transform_indices = #map}]} {
    %mul3A = arith.constant 2 : i32
    %mul3A_0 = arith.muli %arg1, %mul3A : i32
    %add3A = arith.addi %mul3A_0, %arg0 : i32
    %mul3A_1 = arith.constant 32 : i32
    %mul3A_2 = arith.muli %add3A, %mul3A_1 : i32
    "tpu.region"() ({
      %run_scoped3A = tpu.sem_alloc : memref<!tpu.dma_semaphore, #tpu.memory_space<semaphore_mem>>
      tpu.enqueue_dma source(%arg3 : memref<50000xf32, #tpu.memory_space<hbm>>) target(%arg6 : memref<50000xf32, #tpu.memory_space<vmem>>) target_semaphore(%run_scoped3A : memref<!tpu.dma_semaphore, #tpu.memory_space<semaphore_mem>>)
      tpu.wait_dma2 semaphore(%run_scoped3A : memref<!tpu.dma_semaphore, #tpu.memory_space<semaphore_mem>>) src(%arg3 : memref<50000xf32, #tpu.memory_space<hbm>>) dst(%arg6 : memref<50000xf32, #tpu.memory_space<vmem>>)
      tpu.yield
    }) : () -> ()
    "tpu.region"() ({
      %run_scoped3A = tpu.sem_alloc : memref<!tpu.dma_semaphore, #tpu.memory_space<semaphore_mem>>
      %dma_start3A = arith.constant 0 : i32
      %dma_start3A_1413 = tpu.memref_slice %arg2[%mul3A_2, %dma_start3A] : memref<1024x50xi32, #tpu.memory_space<hbm>> -> memref<32x50xi32, #tpu.memory_space<hbm>>
      %dma_start3A_1414 = arith.constant 0 : i32
      %dma_start3A_1415 = tpu.memref_slice %arg2[%mul3A_2, %dma_start3A_1414] : memref<1024x50xi32, #tpu.memory_space<hbm>> -> memref<32x50xi32, #tpu.memory_space<hbm>>
      tpu.enqueue_dma source(%dma_start3A_1415 : memref<32x50xi32, #tpu.memory_space<hbm>>) target(%arg5 : memref<32x50xi32, #tpu.memory_space<vmem>>) target_semaphore(%run_scoped3A : memref<!tpu.dma_semaphore, #tpu.memory_space<semaphore_mem>>)
      %dma_wait3A = arith.constant 0 : i32
      %dma_wait3A_1416 = tpu.memref_slice %arg2[%mul3A_2, %dma_wait3A] : memref<1024x50xi32, #tpu.memory_space<hbm>> -> memref<32x50xi32, #tpu.memory_space<hbm>>
      %dma_wait3A_1417 = arith.constant 0 : i32
      %dma_wait3A_1418 = tpu.memref_slice %arg2[%mul3A_2, %dma_wait3A_1417] : memref<1024x50xi32, #tpu.memory_space<hbm>> -> memref<32x50xi32, #tpu.memory_space<hbm>>
      tpu.wait_dma2 semaphore(%run_scoped3A : memref<!tpu.dma_semaphore, #tpu.memory_space<semaphore_mem>>) src(%dma_wait3A_1418 : memref<32x50xi32, #tpu.memory_space<hbm>>) dst(%arg5 : memref<32x50xi32, #tpu.memory_space<vmem>>)
      tpu.yield
    }) : () -> ()
    %broadcast_in_dim3A = arith.constant 1.000000e+00 : f32
    %broadcast_in_dim3A_3 = vector.broadcast %broadcast_in_dim3A : f32 to vector<16xf32>
    %iota3A = tpu.iota {dimensions = array<i32: 0>} : vector<16xi32>
    %ge3A = arith.constant 14 : i32
    %ge3A_4 = vector.broadcast %ge3A : i32 to vector<16xi32>
    %ge3A_5 = arith.cmpi sge, %iota3A, %ge3A_4 : vector<16xi32>
    %add3A_6 = arith.constant 0 : i32
    %add3A_7 = vector.broadcast %add3A_6 : i32 to vector<16xi32>
    %add3A_8 = arith.addi %iota3A, %add3A_7 : vector<16xi32>
    %mul3A_9 = arith.constant 1000 : i32
    %mul3A_10 = vector.broadcast %mul3A_9 : i32 to vector<16xi32>
    %mul3A_11 = arith.muli %add3A_8, %mul3A_10 : vector<16xi32>
    %get3A = arith.constant 0 : i32
    %get3A_12 = arith.index_cast %get3A : i32 to index
    %get3A_13 = arith.constant 0 : index
    %get3A_14 = tpu.vector_load %arg5[%get3A_12, %get3A_13] {strides = array<i32>} : memref<32x50xi32, #tpu.memory_space<vmem>>, vector<16xi32>,
    %add3A_15 = arith.addi %mul3A_11, %get3A_14 : vector<16xi32>
    tpu.vector_store_idx %arg6[%add3A_15], %broadcast_in_dim3A_3 {add = true} : memref<50000xf32, #tpu.memory_space<vmem>>[vector<16xi32>], vector<16xf32>,
    %add3A_16 = arith.constant 16 : i32
    %add3A_17 = vector.broadcast %add3A_16 : i32 to vector<16xi32>
    %add3A_18 = arith.addi %iota3A, %add3A_17 : vector<16xi32>
    %mul3A_19 = arith.constant 1000 : i32
    %mul3A_20 = vector.broadcast %mul3A_19 : i32 to vector<16xi32>
    %mul3A_21 = arith.muli %add3A_18, %mul3A_20 : vector<16xi32>
    %get3A_22 = arith.constant 0 : i32
    %get3A_23 = arith.index_cast %get3A_22 : i32 to index
    %get3A_24 = arith.constant 16 : index
    %get3A_25 = tpu.vector_load %arg5[%get3A_23, %get3A_24] {strides = array<i32>} : memref<32x50xi32, #tpu.memory_space<vmem>>, vector<16xi32>,
    %add3A_26 = arith.addi %mul3A_21, %get3A_25 : vector<16xi32>
    tpu.vector_store_idx %arg6[%add3A_26], %broadcast_in_dim3A_3 {add = true} : memref<50000xf32, #tpu.memory_space<vmem>>[vector<16xi32>], vector<16xf32>,
    %add3A_27 = arith.constant 32 : i32
    %add3A_28 = vector.broadcast %add3A_27 : i32 to vector<16xi32>
    %add3A_29 = arith.addi %iota3A, %add3A_28 : vector<16xi32>
    %mul3A_30 = arith.constant 1000 : i32
    %mul3A_31 = vector.broadcast %mul3A_30 : i32 to vector<16xi32>
    %mul3A_32 = arith.muli %add3A_29, %mul3A_31 : vector<16xi32>
    %get3A_33 = arith.constant 0 : i32
    %get3A_34 = arith.index_cast %get3A_33 : i32 to index
    %get3A_35 = arith.constant 32 : index
    %get3A_36 = tpu.vector_load %arg5[%get3A_34, %get3A_35] {strides = array<i32>} : memref<32x50xi32, #tpu.memory_space<vmem>>, vector<16xi32>,
    %add3A_37 = arith.addi %mul3A_32, %get3A_36 : vector<16xi32>
    tpu.vector_store_idx %arg6[%add3A_37], %broadcast_in_dim3A_3 {add = true} : memref<50000xf32, #tpu.memory_space<vmem>>[vector<16xi32>], vector<16xf32>,
    %add3A_38 = arith.constant 34 : i32
    %add3A_39 = vector.broadcast %add3A_38 : i32 to vector<16xi32>
    %add3A_40 = arith.addi %iota3A, %add3A_39 : vector<16xi32>
    %mul3A_41 = arith.constant 1000 : i32
    %mul3A_42 = vector.broadcast %mul3A_41 : i32 to vector<16xi32>
    %mul3A_43 = arith.muli %add3A_40, %mul3A_42 : vector<16xi32>
    %get3A_44 = arith.constant 0 : i32
    %get3A_45 = arith.index_cast %get3A_44 : i32 to index
    %get3A_46 = arith.constant 34 : index
    %get3A_47 = tpu.vector_load %arg5[%get3A_45, %get3A_46] {strides = array<i32>} : memref<32x50xi32, #tpu.memory_space<vmem>>, vector<16xi32>,
    %add3A_48 = arith.addi %mul3A_43, %get3A_47 : vector<16xi32>
    tpu.vector_store_idx %arg6[%add3A_48], %broadcast_in_dim3A_3 masked %ge3A_5 {add = true} : memref<50000xf32, #tpu.memory_space<vmem>>[vector<16xi32>], vector<16xf32>, vector<16xi1>
    %add3A_49 = arith.constant 0 : i32
    %add3A_50 = vector.broadcast %add3A_49 : i32 to vector<16xi32>
    %add3A_51 = arith.addi %iota3A, %add3A_50 : vector<16xi32>
    %mul3A_52 = arith.constant 1000 : i32
    %mul3A_53 = vector.broadcast %mul3A_52 : i32 to vector<16xi32>
    %mul3A_54 = arith.muli %add3A_51, %mul3A_53 : vector<16xi32>
    %get3A_55 = arith.constant 1 : i32
    %get3A_56 = arith.index_cast %get3A_55 : i32 to index
    %get3A_57 = arith.constant 0 : index
    %get3A_58 = tpu.vector_load %arg5[%get3A_56, %get3A_57] {strides = array<i32>} : memref<32x50xi32, #tpu.memory_space<vmem>>, vector<16xi32>,
    %add3A_59 = arith.addi %mul3A_54, %get3A_58 : vector<16xi32>
    tpu.vector_store_idx %arg6[%add3A_59], %broadcast_in_dim3A_3 {add = true} : memref<50000xf32, #tpu.memory_space<vmem>>[vector<16xi32>], vector<16xf32>,
    %add3A_60 = arith.constant 16 : i32
    %add3A_61 = vector.broadcast %add3A_60 : i32 to vector<16xi32>
    %add3A_62 = arith.addi %iota3A, %add3A_61 : vector<16xi32>
    %mul3A_63 = arith.constant 1000 : i32
    %mul3A_64 = vector.broadcast %mul3A_63 : i32 to vector<16xi32>
    %mul3A_65 = arith.muli %add3A_62, %mul3A_64 : vector<16xi32>
    %get3A_66 = arith.constant 1 : i32
    %get3A_67 = arith.index_cast %get3A_66 : i32 to index
    %get3A_68 = arith.constant 16 : index
    %get3A_69 = tpu.vector_load %arg5[%get3A_67, %get3A_68] {strides = array<i32>} : memref<32x50xi32, #tpu.memory_space<vmem>>, vector<16xi32>,
    %add3A_70 = arith.addi %mul3A_65, %get3A_69 : vector<16xi32>
    tpu.vector_store_idx %arg6[%add3A_70], %broadcast_in_dim3A_3 {add = true} : memref<50000xf32, #tpu.memory_space<vmem>>[vector<16xi32>], vector<16xf32>,
    %add3A_71 = arith.constant 32 : i32
    %add3A_72 = vector.broadcast %add3A_71 : i32 to vector<16xi32>
    %add3A_73 = arith.addi %iota3A, %add3A_72 : vector<16xi32>
    %mul3A_74 = arith.constant 1000 : i32
    %mul3A_75 = vector.broadcast %mul3A_74 : i32 to vector<16xi32>
    %mul3A_76 = arith.muli %add3A_73, %mul3A_75 : vector<16xi32>
    %get3A_77 = arith.constant 1 : i32
    %get3A_78 = arith.index_cast %get3A_77 : i32 to index
    %get3A_79 = arith.constant 32 : index
    %get3A_80 = tpu.vector_load %arg5[%get3A_78, %get3A_79] {strides = array<i32>} : memref<32x50xi32, #tpu.memory_space<vmem>>, vector<16xi32>,
    %add3A_81 = arith.addi %mul3A_76, %get3A_80 : vector<16xi32>
    tpu.vector_store_idx %arg6[%add3A_81], %broadcast_in_dim3A_3 {add = true} : memref<50000xf32, #tpu.memory_space<vmem>>[vector<16xi32>], vector<16xf32>,
    %add3A_82 = arith.constant 34 : i32
    %add3A_83 = vector.broadcast %add3A_82 : i32 to vector<16xi32>
    %add3A_84 = arith.addi %iota3A, %add3A_83 : vector<16xi32>
    %mul3A_85 = arith.constant 1000 : i32
    %mul3A_86 = vector.broadcast %mul3A_85 : i32 to vector<16xi32>
    %mul3A_87 = arith.muli %add3A_84, %mul3A_86 : vector<16xi32>
    %get3A_88 = arith.constant 1 : i32
    %get3A_89 = arith.index_cast %get3A_88 : i32 to index
    %get3A_90 = arith.constant 34 : index
    %get3A_91 = tpu.vector_load %arg5[%get3A_89, %get3A_90] {strides = array<i32>} : memref<32x50xi32, #tpu.memory_space<vmem>>, vector<16xi32>,
    %add3A_92 = arith.addi %mul3A_87, %get3A_91 : vector<16xi32>
    tpu.vector_store_idx %arg6[%add3A_92], %broadcast_in_dim3A_3 masked %ge3A_5 {add = true} : memref<50000xf32, #tpu.memory_space<vmem>>[vector<16xi32>], vector<16xf32>, vector<16xi1>
    %add3A_93 = arith.constant 0 : i32
    %add3A_94 = vector.broadcast %add3A_93 : i32 to vector<16xi32>
    %add3A_95 = arith.addi %iota3A, %add3A_94 : vector<16xi32>
    %mul3A_96 = arith.constant 1000 : i32
    %mul3A_97 = vector.broadcast %mul3A_96 : i32 to vector<16xi32>
    %mul3A_98 = arith.muli %add3A_95, %mul3A_97 : vector<16xi32>
    %get3A_99 = arith.constant 2 : i32
    %get3A_100 = arith.index_cast %get3A_99 : i32 to index
    %get3A_101 = arith.constant 0 : index
    %get3A_102 = tpu.vector_load %arg5[%get3A_100, %get3A_101] {strides = array<i32>} : memref<32x50xi32, #tpu.memory_space<vmem>>, vector<16xi32>,
    %add3A_103 = arith.addi %mul3A_98, %get3A_102 : vector<16xi32>
    tpu.vector_store_idx %arg6[%add3A_103], %broadcast_in_dim3A_3 {add = true} : memref<50000xf32, #tpu.memory_space<vmem>>[vector<16xi32>], vector<16xf32>,
    %add3A_104 = arith.constant 16 : i32
    %add3A_105 = vector.broadcast %add3A_104 : i32 to vector<16xi32>
    %add3A_106 = arith.addi %iota3A, %add3A_105 : vector<16xi32>
    %mul3A_107 = arith.constant 1000 : i32
    %mul3A_108 = vector.broadcast %mul3A_107 : i32 to vector<16xi32>
    %mul3A_109 = arith.muli %add3A_106, %mul3A_108 : vector<16xi32>
    %get3A_110 = arith.constant 2 : i32
    %get3A_111 = arith.index_cast %get3A_110 : i32 to index
    %get3A_112 = arith.constant 16 : index
    %get3A_113 = tpu.vector_load %arg5[%get3A_111, %get3A_112] {strides = array<i32>} : memref<32x50xi32, #tpu.memory_space<vmem>>, vector<16xi32>,
    %add3A_114 = arith.addi %mul3A_109, %get3A_113 : vector<16xi32>
    tpu.vector_store_idx %arg6[%add3A_114], %broadcast_in_dim3A_3 {add = true} : memref<50000xf32, #tpu.memory_space<vmem>>[vector<16xi32>], vector<16xf32>,
    %add3A_115 = arith.constant 32 : i32
    %add3A_116 = vector.broadcast %add3A_115 : i32 to vector<16xi32>
    %add3A_117 = arith.addi %iota3A, %add3A_116 : vector<16xi32>
    %mul3A_118 = arith.constant 1000 : i32
    %mul3A_119 = vector.broadcast %mul3A_118 : i32 to vector<16xi32>
    %mul3A_120 = arith.muli %add3A_117, %mul3A_119 : vector<16xi32>
    %get3A_121 = arith.constant 2 : i32
    %get3A_122 = arith.index_cast %get3A_121 : i32 to index
    %get3A_123 = arith.constant 32 : index
    %get3A_124 = tpu.vector_load %arg5[%get3A_122, %get3A_123] {strides = array<i32>} : memref<32x50xi32, #tpu.memory_space<vmem>>, vector<16xi32>,
    %add3A_125 = arith.addi %mul3A_120, %get3A_124 : vector<16xi32>
    tpu.vector_store_idx %arg6[%add3A_125], %broadcast_in_dim3A_3 {add = true} : memref<50000xf32, #tpu.memory_space<vmem>>[vector<16xi32>], vector<16xf32>,
    %add3A_126 = arith.constant 34 : i32
    %add3A_127 = vector.broadcast %add3A_126 : i32 to vector<16xi32>
    %add3A_128 = arith.addi %iota3A, %add3A_127 : vector<16xi32>
    %mul3A_129 = arith.constant 1000 : i32
    %mul3A_130 = vector.broadcast %mul3A_129 : i32 to vector<16xi32>
    %mul3A_131 = arith.muli %add3A_128, %mul3A_130 : vector<16xi32>
    %get3A_132 = arith.constant 2 : i32
    %get3A_133 = arith.index_cast %get3A_132 : i32 to index
    %get3A_134 = arith.constant 34 : index
    %get3A_135 = tpu.vector_load %arg5[%get3A_133, %get3A_134] {strides = array<i32>} : memref<32x50xi32, #tpu.memory_space<vmem>>, vector<16xi32>,
    %add3A_136 = arith.addi %mul3A_131, %get3A_135 : vector<16xi32>
    tpu.vector_store_idx %arg6[%add3A_136], %broadcast_in_dim3A_3 masked %ge3A_5 {add = true} : memref<50000xf32, #tpu.memory_space<vmem>>[vector<16xi32>], vector<16xf32>, vector<16xi1>
    %add3A_137 = arith.constant 0 : i32
    %add3A_138 = vector.broadcast %add3A_137 : i32 to vector<16xi32>
    %add3A_139 = arith.addi %iota3A, %add3A_138 : vector<16xi32>
    %mul3A_140 = arith.constant 1000 : i32
    %mul3A_141 = vector.broadcast %mul3A_140 : i32 to vector<16xi32>
    %mul3A_142 = arith.muli %add3A_139, %mul3A_141 : vector<16xi32>
    %get3A_143 = arith.constant 3 : i32
    %get3A_144 = arith.index_cast %get3A_143 : i32 to index
    %get3A_145 = arith.constant 0 : index
    %get3A_146 = tpu.vector_load %arg5[%get3A_144, %get3A_145] {strides = array<i32>} : memref<32x50xi32, #tpu.memory_space<vmem>>, vector<16xi32>,
    %add3A_147 = arith.addi %mul3A_142, %get3A_146 : vector<16xi32>
    tpu.vector_store_idx %arg6[%add3A_147], %broadcast_in_dim3A_3 {add = true} : memref<50000xf32, #tpu.memory_space<vmem>>[vector<16xi32>], vector<16xf32>,
    %add3A_148 = arith.constant 16 : i32
    %add3A_149 = vector.broadcast %add3A_148 : i32 to vector<16xi32>
    %add3A_150 = arith.addi %iota3A, %add3A_149 : vector<16xi32>
    %mul3A_151 = arith.constant 1000 : i32
    %mul3A_152 = vector.broadcast %mul3A_151 : i32 to vector<16xi32>
    %mul3A_153 = arith.muli %add3A_150, %mul3A_152 : vector<16xi32>
    %get3A_154 = arith.constant 3 : i32
    %get3A_155 = arith.index_cast %get3A_154 : i32 to index
    %get3A_156 = arith.constant 16 : index
    %get3A_157 = tpu.vector_load %arg5[%get3A_155, %get3A_156] {strides = array<i32>} : memref<32x50xi32, #tpu.memory_space<vmem>>, vector<16xi32>,
    %add3A_158 = arith.addi %mul3A_153, %get3A_157 : vector<16xi32>
    tpu.vector_store_idx %arg6[%add3A_158], %broadcast_in_dim3A_3 {add = true} : memref<50000xf32, #tpu.memory_space<vmem>>[vector<16xi32>], vector<16xf32>,
    %add3A_159 = arith.constant 32 : i32
    %add3A_160 = vector.broadcast %add3A_159 : i32 to vector<16xi32>
    %add3A_161 = arith.addi %iota3A, %add3A_160 : vector<16xi32>
    %mul3A_162 = arith.constant 1000 : i32
    %mul3A_163 = vector.broadcast %mul3A_162 : i32 to vector<16xi32>
    %mul3A_164 = arith.muli %add3A_161, %mul3A_163 : vector<16xi32>
    %get3A_165 = arith.constant 3 : i32
    %get3A_166 = arith.index_cast %get3A_165 : i32 to index
    %get3A_167 = arith.constant 32 : index
    %get3A_168 = tpu.vector_load %arg5[%get3A_166, %get3A_167] {strides = array<i32>} : memref<32x50xi32, #tpu.memory_space<vmem>>, vector<16xi32>,
    %add3A_169 = arith.addi %mul3A_164, %get3A_168 : vector<16xi32>
    tpu.vector_store_idx %arg6[%add3A_169], %broadcast_in_dim3A_3 {add = true} : memref<50000xf32, #tpu.memory_space<vmem>>[vector<16xi32>], vector<16xf32>,
    %add3A_170 = arith.constant 34 : i32
    %add3A_171 = vector.broadcast %add3A_170 : i32 to vector<16xi32>
    %add3A_172 = arith.addi %iota3A, %add3A_171 : vector<16xi32>
    %mul3A_173 = arith.constant 1000 : i32
    %mul3A_174 = vector.broadcast %mul3A_173 : i32 to vector<16xi32>
    %mul3A_175 = arith.muli %add3A_172, %mul3A_174 : vector<16xi32>
    %get3A_176 = arith.constant 3 : i32
    %get3A_177 = arith.index_cast %get3A_176 : i32 to index
    %get3A_178 = arith.constant 34 : index
    %get3A_179 = tpu.vector_load %arg5[%get3A_177, %get3A_178] {strides = array<i32>} : memref<32x50xi32, #tpu.memory_space<vmem>>, vector<16xi32>,
    %add3A_180 = arith.addi %mul3A_175, %get3A_179 : vector<16xi32>
    tpu.vector_store_idx %arg6[%add3A_180], %broadcast_in_dim3A_3 masked %ge3A_5 {add = true} : memref<50000xf32, #tpu.memory_space<vmem>>[vector<16xi32>], vector<16xf32>, vector<16xi1>
    %add3A_181 = arith.constant 0 : i32
    %add3A_182 = vector.broadcast %add3A_181 : i32 to vector<16xi32>
    %add3A_183 = arith.addi %iota3A, %add3A_182 : vector<16xi32>
    %mul3A_184 = arith.constant 1000 : i32
    %mul3A_185 = vector.broadcast %mul3A_184 : i32 to vector<16xi32>
    %mul3A_186 = arith.muli %add3A_183, %mul3A_185 : vector<16xi32>
    %get3A_187 = arith.constant 4 : i32
    %get3A_188 = arith.index_cast %get3A_187 : i32 to index
    %get3A_189 = arith.constant 0 : index
    %get3A_190 = tpu.vector_load %arg5[%get3A_188, %get3A_189] {strides = array<i32>} : memref<32x50xi32, #tpu.memory_space<vmem>>, vector<16xi32>,
    %add3A_191 = arith.addi %mul3A_186, %get3A_190 : vector<16xi32>
    tpu.vector_store_idx %arg6[%add3A_191], %broadcast_in_dim3A_3 {add = true} : memref<50000xf32, #tpu.memory_space<vmem>>[vector<16xi32>], vector<16xf32>,
    %add3A_192 = arith.constant 16 : i32
    %add3A_193 = vector.broadcast %add3A_192 : i32 to vector<16xi32>
    %add3A_194 = arith.addi %iota3A, %add3A_193 : vector<16xi32>
    %mul3A_195 = arith.constant 1000 : i32
    %mul3A_196 = vector.broadcast %mul3A_195 : i32 to vector<16xi32>
    %mul3A_197 = arith.muli %add3A_194, %mul3A_196 : vector<16xi32>
    %get3A_198 = arith.constant 4 : i32
    %get3A_199 = arith.index_cast %get3A_198 : i32 to index
    %get3A_200 = arith.constant 16 : index
    %get3A_201 = tpu.vector_load %arg5[%get3A_199, %get3A_200] {strides = array<i32>} : memref<32x50xi32, #tpu.memory_space<vmem>>, vector<16xi32>,
    %add3A_202 = arith.addi %mul3A_197, %get3A_201 : vector<16xi32>
    tpu.vector_store_idx %arg6[%add3A_202], %broadcast_in_dim3A_3 {add = true} : memref<50000xf32, #tpu.memory_space<vmem>>[vector<16xi32>], vector<16xf32>,
    %add3A_203 = arith.constant 32 : i32
    %add3A_204 = vector.broadcast %add3A_203 : i32 to vector<16xi32>
    %add3A_205 = arith.addi %iota3A, %add3A_204 : vector<16xi32>
    %mul3A_206 = arith.constant 1000 : i32
    %mul3A_207 = vector.broadcast %mul3A_206 : i32 to vector<16xi32>
    %mul3A_208 = arith.muli %add3A_205, %mul3A_207 : vector<16xi32>
    %get3A_209 = arith.constant 4 : i32
    %get3A_210 = arith.index_cast %get3A_209 : i32 to index
    %get3A_211 = arith.constant 32 : index
    %get3A_212 = tpu.vector_load %arg5[%get3A_210, %get3A_211] {strides = array<i32>} : memref<32x50xi32, #tpu.memory_space<vmem>>, vector<16xi32>,
    %add3A_213 = arith.addi %mul3A_208, %get3A_212 : vector<16xi32>
    tpu.vector_store_idx %arg6[%add3A_213], %broadcast_in_dim3A_3 {add = true} : memref<50000xf32, #tpu.memory_space<vmem>>[vector<16xi32>], vector<16xf32>,
    %add3A_214 = arith.constant 34 : i32
    %add3A_215 = vector.broadcast %add3A_214 : i32 to vector<16xi32>
    %add3A_216 = arith.addi %iota3A, %add3A_215 : vector<16xi32>
    %mul3A_217 = arith.constant 1000 : i32
    %mul3A_218 = vector.broadcast %mul3A_217 : i32 to vector<16xi32>
    %mul3A_219 = arith.muli %add3A_216, %mul3A_218 : vector<16xi32>
    %get3A_220 = arith.constant 4 : i32
    %get3A_221 = arith.index_cast %get3A_220 : i32 to index
    %get3A_222 = arith.constant 34 : index
    %get3A_223 = tpu.vector_load %arg5[%get3A_221, %get3A_222] {strides = array<i32>} : memref<32x50xi32, #tpu.memory_space<vmem>>, vector<16xi32>,
    %add3A_224 = arith.addi %mul3A_219, %get3A_223 : vector<16xi32>
    tpu.vector_store_idx %arg6[%add3A_224], %broadcast_in_dim3A_3 masked %ge3A_5 {add = true} : memref<50000xf32, #tpu.memory_space<vmem>>[vector<16xi32>], vector<16xf32>, vector<16xi1>
    %add3A_225 = arith.constant 0 : i32
    %add3A_226 = vector.broadcast %add3A_225 : i32 to vector<16xi32>
    %add3A_227 = arith.addi %iota3A, %add3A_226 : vector<16xi32>
    %mul3A_228 = arith.constant 1000 : i32
    %mul3A_229 = vector.broadcast %mul3A_228 : i32 to vector<16xi32>
    %mul3A_230 = arith.muli %add3A_227, %mul3A_229 : vector<16xi32>
    %get3A_231 = arith.constant 5 : i32
    %get3A_232 = arith.index_cast %get3A_231 : i32 to index
    %get3A_233 = arith.constant 0 : index
    %get3A_234 = tpu.vector_load %arg5[%get3A_232, %get3A_233] {strides = array<i32>} : memref<32x50xi32, #tpu.memory_space<vmem>>, vector<16xi32>,
    %add3A_235 = arith.addi %mul3A_230, %get3A_234 : vector<16xi32>
    tpu.vector_store_idx %arg6[%add3A_235], %broadcast_in_dim3A_3 {add = true} : memref<50000xf32, #tpu.memory_space<vmem>>[vector<16xi32>], vector<16xf32>,
    %add3A_236 = arith.constant 16 : i32
    %add3A_237 = vector.broadcast %add3A_236 : i32 to vector<16xi32>
    %add3A_238 = arith.addi %iota3A, %add3A_237 : vector<16xi32>
    %mul3A_239 = arith.constant 1000 : i32
    %mul3A_240 = vector.broadcast %mul3A_239 : i32 to vector<16xi32>
    %mul3A_241 = arith.muli %add3A_238, %mul3A_240 : vector<16xi32>
    %get3A_242 = arith.constant 5 : i32
    %get3A_243 = arith.index_cast %get3A_242 : i32 to index
    %get3A_244 = arith.constant 16 : index
    %get3A_245 = tpu.vector_load %arg5[%get3A_243, %get3A_244] {strides = array<i32>} : memref<32x50xi32, #tpu.memory_space<vmem>>, vector<16xi32>,
    %add3A_246 = arith.addi %mul3A_241, %get3A_245 : vector<16xi32>
    tpu.vector_store_idx %arg6[%add3A_246], %broadcast_in_dim3A_3 {add = true} : memref<50000xf32, #tpu.memory_space<vmem>>[vector<16xi32>], vector<16xf32>,
    %add3A_247 = arith.constant 32 : i32
    %add3A_248 = vector.broadcast %add3A_247 : i32 to vector<16xi32>
    %add3A_249 = arith.addi %iota3A, %add3A_248 : vector<16xi32>
    %mul3A_250 = arith.constant 1000 : i32
    %mul3A_251 = vector.broadcast %mul3A_250 : i32 to vector<16xi32>
    %mul3A_252 = arith.muli %add3A_249, %mul3A_251 : vector<16xi32>
    %get3A_253 = arith.constant 5 : i32
    %get3A_254 = arith.index_cast %get3A_253 : i32 to index
    %get3A_255 = arith.constant 32 : index
    %get3A_256 = tpu.vector_load %arg5[%get3A_254, %get3A_255] {strides = array<i32>} : memref<32x50xi32, #tpu.memory_space<vmem>>, vector<16xi32>,
    %add3A_257 = arith.addi %mul3A_252, %get3A_256 : vector<16xi32>
    tpu.vector_store_idx %arg6[%add3A_257], %broadcast_in_dim3A_3 {add = true} : memref<50000xf32, #tpu.memory_space<vmem>>[vector<16xi32>], vector<16xf32>,
    %add3A_258 = arith.constant 34 : i32
    %add3A_259 = vector.broadcast %add3A_258 : i32 to vector<16xi32>
    %add3A_260 = arith.addi %iota3A, %add3A_259 : vector<16xi32>
    %mul3A_261 = arith.constant 1000 : i32
    %mul3A_262 = vector.broadcast %mul3A_261 : i32 to vector<16xi32>
    %mul3A_263 = arith.muli %add3A_260, %mul3A_262 : vector<16xi32>
    %get3A_264 = arith.constant 5 : i32
    %get3A_265 = arith.index_cast %get3A_264 : i32 to index
    %get3A_266 = arith.constant 34 : index
    %get3A_267 = tpu.vector_load %arg5[%get3A_265, %get3A_266] {strides = array<i32>} : memref<32x50xi32, #tpu.memory_space<vmem>>, vector<16xi32>,
    %add3A_268 = arith.addi %mul3A_263, %get3A_267 : vector<16xi32>
    tpu.vector_store_idx %arg6[%add3A_268], %broadcast_in_dim3A_3 masked %ge3A_5 {add = true} : memref<50000xf32, #tpu.memory_space<vmem>>[vector<16xi32>], vector<16xf32>, vector<16xi1>
    %add3A_269 = arith.constant 0 : i32
    %add3A_270 = vector.broadcast %add3A_269 : i32 to vector<16xi32>
    %add3A_271 = arith.addi %iota3A, %add3A_270 : vector<16xi32>
    %mul3A_272 = arith.constant 1000 : i32
    %mul3A_273 = vector.broadcast %mul3A_272 : i32 to vector<16xi32>
    %mul3A_274 = arith.muli %add3A_271, %mul3A_273 : vector<16xi32>
    %get3A_275 = arith.constant 6 : i32
    %get3A_276 = arith.index_cast %get3A_275 : i32 to index
    %get3A_277 = arith.constant 0 : index
    %get3A_278 = tpu.vector_load %arg5[%get3A_276, %get3A_277] {strides = array<i32>} : memref<32x50xi32, #tpu.memory_space<vmem>>, vector<16xi32>,
    %add3A_279 = arith.addi %mul3A_274, %get3A_278 : vector<16xi32>
    tpu.vector_store_idx %arg6[%add3A_279], %broadcast_in_dim3A_3 {add = true} : memref<50000xf32, #tpu.memory_space<vmem>>[vector<16xi32>], vector<16xf32>,
    %add3A_280 = arith.constant 16 : i32
    %add3A_281 = vector.broadcast %add3A_280 : i32 to vector<16xi32>
    %add3A_282 = arith.addi %iota3A, %add3A_281 : vector<16xi32>
    %mul3A_283 = arith.constant 1000 : i32
    %mul3A_284 = vector.broadcast %mul3A_283 : i32 to vector<16xi32>
    %mul3A_285 = arith.muli %add3A_282, %mul3A_284 : vector<16xi32>
    %get3A_286 = arith.constant 6 : i32
    %get3A_287 = arith.index_cast %get3A_286 : i32 to index
    %get3A_288 = arith.constant 16 : index
    %get3A_289 = tpu.vector_load %arg5[%get3A_287, %get3A_288] {strides = array<i32>} : memref<32x50xi32, #tpu.memory_space<vmem>>, vector<16xi32>,
    %add3A_290 = arith.addi %mul3A_285, %get3A_289 : vector<16xi32>
    tpu.vector_store_idx %arg6[%add3A_290], %broadcast_in_dim3A_3 {add = true} : memref<50000xf32, #tpu.memory_space<vmem>>[vector<16xi32>], vector<16xf32>,
    %add3A_291 = arith.constant 32 : i32
    %add3A_292 = vector.broadcast %add3A_291 : i32 to vector<16xi32>
    %add3A_293 = arith.addi %iota3A, %add3A_292 : vector<16xi32>
    %mul3A_294 = arith.constant 1000 : i32
    %mul3A_295 = vector.broadcast %mul3A_294 : i32 to vector<16xi32>
    %mul3A_296 = arith.muli %add3A_293, %mul3A_295 : vector<16xi32>
    %get3A_297 = arith.constant 6 : i32
    %get3A_298 = arith.index_cast %get3A_297 : i32 to index
    %get3A_299 = arith.constant 32 : index
    %get3A_300 = tpu.vector_load %arg5[%get3A_298, %get3A_299] {strides = array<i32>} : memref<32x50xi32, #tpu.memory_space<vmem>>, vector<16xi32>,
    %add3A_301 = arith.addi %mul3A_296, %get3A_300 : vector<16xi32>
    tpu.vector_store_idx %arg6[%add3A_301], %broadcast_in_dim3A_3 {add = true} : memref<50000xf32, #tpu.memory_space<vmem>>[vector<16xi32>], vector<16xf32>,
    %add3A_302 = arith.constant 34 : i32
    %add3A_303 = vector.broadcast %add3A_302 : i32 to vector<16xi32>
    %add3A_304 = arith.addi %iota3A, %add3A_303 : vector<16xi32>
    %mul3A_305 = arith.constant 1000 : i32
    %mul3A_306 = vector.broadcast %mul3A_305 : i32 to vector<16xi32>
    %mul3A_307 = arith.muli %add3A_304, %mul3A_306 : vector<16xi32>
    %get3A_308 = arith.constant 6 : i32
    %get3A_309 = arith.index_cast %get3A_308 : i32 to index
    %get3A_310 = arith.constant 34 : index
    %get3A_311 = tpu.vector_load %arg5[%get3A_309, %get3A_310] {strides = array<i32>} : memref<32x50xi32, #tpu.memory_space<vmem>>, vector<16xi32>,
    %add3A_312 = arith.addi %mul3A_307, %get3A_311 : vector<16xi32>
    tpu.vector_store_idx %arg6[%add3A_312], %broadcast_in_dim3A_3 masked %ge3A_5 {add = true} : memref<50000xf32, #tpu.memory_space<vmem>>[vector<16xi32>], vector<16xf32>, vector<16xi1>
    %add3A_313 = arith.constant 0 : i32
    %add3A_314 = vector.broadcast %add3A_313 : i32 to vector<16xi32>
    %add3A_315 = arith.addi %iota3A, %add3A_314 : vector<16xi32>
    %mul3A_316 = arith.constant 1000 : i32
    %mul3A_317 = vector.broadcast %mul3A_316 : i32 to vector<16xi32>
    %mul3A_318 = arith.muli %add3A_315, %mul3A_317 : vector<16xi32>
    %get3A_319 = arith.constant 7 : i32
    %get3A_320 = arith.index_cast %get3A_319 : i32 to index
    %get3A_321 = arith.constant 0 : index
    %get3A_322 = tpu.vector_load %arg5[%get3A_320, %get3A_321] {strides = array<i32>} : memref<32x50xi32, #tpu.memory_space<vmem>>, vector<16xi32>,
    %add3A_323 = arith.addi %mul3A_318, %get3A_322 : vector<16xi32>
    tpu.vector_store_idx %arg6[%add3A_323], %broadcast_in_dim3A_3 {add = true} : memref<50000xf32, #tpu.memory_space<vmem>>[vector<16xi32>], vector<16xf32>,
    %add3A_324 = arith.constant 16 : i32
    %add3A_325 = vector.broadcast %add3A_324 : i32 to vector<16xi32>
    %add3A_326 = arith.addi %iota3A, %add3A_325 : vector<16xi32>
    %mul3A_327 = arith.constant 1000 : i32
    %mul3A_328 = vector.broadcast %mul3A_327 : i32 to vector<16xi32>
    %mul3A_329 = arith.muli %add3A_326, %mul3A_328 : vector<16xi32>
    %get3A_330 = arith.constant 7 : i32
    %get3A_331 = arith.index_cast %get3A_330 : i32 to index
    %get3A_332 = arith.constant 16 : index
    %get3A_333 = tpu.vector_load %arg5[%get3A_331, %get3A_332] {strides = array<i32>} : memref<32x50xi32, #tpu.memory_space<vmem>>, vector<16xi32>,
    %add3A_334 = arith.addi %mul3A_329, %get3A_333 : vector<16xi32>
    tpu.vector_store_idx %arg6[%add3A_334], %broadcast_in_dim3A_3 {add = true} : memref<50000xf32, #tpu.memory_space<vmem>>[vector<16xi32>], vector<16xf32>,
    %add3A_335 = arith.constant 32 : i32
    %add3A_336 = vector.broadcast %add3A_335 : i32 to vector<16xi32>
    %add3A_337 = arith.addi %iota3A, %add3A_336 : vector<16xi32>
    %mul3A_338 = arith.constant 1000 : i32
    %mul3A_339 = vector.broadcast %mul3A_338 : i32 to vector<16xi32>
    %mul3A_340 = arith.muli %add3A_337, %mul3A_339 : vector<16xi32>
    %get3A_341 = arith.constant 7 : i32
    %get3A_342 = arith.index_cast %get3A_341 : i32 to index
    %get3A_343 = arith.constant 32 : index
    %get3A_344 = tpu.vector_load %arg5[%get3A_342, %get3A_343] {strides = array<i32>} : memref<32x50xi32, #tpu.memory_space<vmem>>, vector<16xi32>,
    %add3A_345 = arith.addi %mul3A_340, %get3A_344 : vector<16xi32>
    tpu.vector_store_idx %arg6[%add3A_345], %broadcast_in_dim3A_3 {add = true} : memref<50000xf32, #tpu.memory_space<vmem>>[vector<16xi32>], vector<16xf32>,
    %add3A_346 = arith.constant 34 : i32
    %add3A_347 = vector.broadcast %add3A_346 : i32 to vector<16xi32>
    %add3A_348 = arith.addi %iota3A, %add3A_347 : vector<16xi32>
    %mul3A_349 = arith.constant 1000 : i32
    %mul3A_350 = vector.broadcast %mul3A_349 : i32 to vector<16xi32>
    %mul3A_351 = arith.muli %add3A_348, %mul3A_350 : vector<16xi32>
    %get3A_352 = arith.constant 7 : i32
    %get3A_353 = arith.index_cast %get3A_352 : i32 to index
    %get3A_354 = arith.constant 34 : index
    %get3A_355 = tpu.vector_load %arg5[%get3A_353, %get3A_354] {strides = array<i32>} : memref<32x50xi32, #tpu.memory_space<vmem>>, vector<16xi32>,
    %add3A_356 = arith.addi %mul3A_351, %get3A_355 : vector<16xi32>
    tpu.vector_store_idx %arg6[%add3A_356], %broadcast_in_dim3A_3 masked %ge3A_5 {add = true} : memref<50000xf32, #tpu.memory_space<vmem>>[vector<16xi32>], vector<16xf32>, vector<16xi1>
    %add3A_357 = arith.constant 0 : i32
    %add3A_358 = vector.broadcast %add3A_357 : i32 to vector<16xi32>
    %add3A_359 = arith.addi %iota3A, %add3A_358 : vector<16xi32>
    %mul3A_360 = arith.constant 1000 : i32
    %mul3A_361 = vector.broadcast %mul3A_360 : i32 to vector<16xi32>
    %mul3A_362 = arith.muli %add3A_359, %mul3A_361 : vector<16xi32>
    %get3A_363 = arith.constant 8 : i32
    %get3A_364 = arith.index_cast %get3A_363 : i32 to index
    %get3A_365 = arith.constant 0 : index
    %get3A_366 = tpu.vector_load %arg5[%get3A_364, %get3A_365] {strides = array<i32>} : memref<32x50xi32, #tpu.memory_space<vmem>>, vector<16xi32>,
    %add3A_367 = arith.addi %mul3A_362, %get3A_366 : vector<16xi32>
    tpu.vector_store_idx %arg6[%add3A_367], %broadcast_in_dim3A_3 {add = true} : memref<50000xf32, #tpu.memory_space<vmem>>[vector<16xi32>], vector<16xf32>,
    %add3A_368 = arith.constant 16 : i32
    %add3A_369 = vector.broadcast %add3A_368 : i32 to vector<16xi32>
    %add3A_370 = arith.addi %iota3A, %add3A_369 : vector<16xi32>
    %mul3A_371 = arith.constant 1000 : i32
    %mul3A_372 = vector.broadcast %mul3A_371 : i32 to vector<16xi32>
    %mul3A_373 = arith.muli %add3A_370, %mul3A_372 : vector<16xi32>
    %get3A_374 = arith.constant 8 : i32
    %get3A_375 = arith.index_cast %get3A_374 : i32 to index
    %get3A_376 = arith.constant 16 : index
    %get3A_377 = tpu.vector_load %arg5[%get3A_375, %get3A_376] {strides = array<i32>} : memref<32x50xi32, #tpu.memory_space<vmem>>, vector<16xi32>,
    %add3A_378 = arith.addi %mul3A_373, %get3A_377 : vector<16xi32>
    tpu.vector_store_idx %arg6[%add3A_378], %broadcast_in_dim3A_3 {add = true} : memref<50000xf32, #tpu.memory_space<vmem>>[vector<16xi32>], vector<16xf32>,
    %add3A_379 = arith.constant 32 : i32
    %add3A_380 = vector.broadcast %add3A_379 : i32 to vector<16xi32>
    %add3A_381 = arith.addi %iota3A, %add3A_380 : vector<16xi32>
    %mul3A_382 = arith.constant 1000 : i32
    %mul3A_383 = vector.broadcast %mul3A_382 : i32 to vector<16xi32>
    %mul3A_384 = arith.muli %add3A_381, %mul3A_383 : vector<16xi32>
    %get3A_385 = arith.constant 8 : i32
    %get3A_386 = arith.index_cast %get3A_385 : i32 to index
    %get3A_387 = arith.constant 32 : index
    %get3A_388 = tpu.vector_load %arg5[%get3A_386, %get3A_387] {strides = array<i32>} : memref<32x50xi32, #tpu.memory_space<vmem>>, vector<16xi32>,
    %add3A_389 = arith.addi %mul3A_384, %get3A_388 : vector<16xi32>
    tpu.vector_store_idx %arg6[%add3A_389], %broadcast_in_dim3A_3 {add = true} : memref<50000xf32, #tpu.memory_space<vmem>>[vector<16xi32>], vector<16xf32>,
    %add3A_390 = arith.constant 34 : i32
    %add3A_391 = vector.broadcast %add3A_390 : i32 to vector<16xi32>
    %add3A_392 = arith.addi %iota3A, %add3A_391 : vector<16xi32>
    %mul3A_393 = arith.constant 1000 : i32
    %mul3A_394 = vector.broadcast %mul3A_393 : i32 to vector<16xi32>
    %mul3A_395 = arith.muli %add3A_392, %mul3A_394 : vector<16xi32>
    %get3A_396 = arith.constant 8 : i32
    %get3A_397 = arith.index_cast %get3A_396 : i32 to index
    %get3A_398 = arith.constant 34 : index
    %get3A_399 = tpu.vector_load %arg5[%get3A_397, %get3A_398] {strides = array<i32>} : memref<32x50xi32, #tpu.memory_space<vmem>>, vector<16xi32>,
    %add3A_400 = arith.addi %mul3A_395, %get3A_399 : vector<16xi32>
    tpu.vector_store_idx %arg6[%add3A_400], %broadcast_in_dim3A_3 masked %ge3A_5 {add = true} : memref<50000xf32, #tpu.memory_space<vmem>>[vector<16xi32>], vector<16xf32>, vector<16xi1>
    %add3A_401 = arith.constant 0 : i32
    %add3A_402 = vector.broadcast %add3A_401 : i32 to vector<16xi32>
    %add3A_403 = arith.addi %iota3A, %add3A_402 : vector<16xi32>
    %mul3A_404 = arith.constant 1000 : i32
    %mul3A_405 = vector.broadcast %mul3A_404 : i32 to vector<16xi32>
    %mul3A_406 = arith.muli %add3A_403, %mul3A_405 : vector<16xi32>
    %get3A_407 = arith.constant 9 : i32
    %get3A_408 = arith.index_cast %get3A_407 : i32 to index
    %get3A_409 = arith.constant 0 : index
    %get3A_410 = tpu.vector_load %arg5[%get3A_408, %get3A_409] {strides = array<i32>} : memref<32x50xi32, #tpu.memory_space<vmem>>, vector<16xi32>,
    %add3A_411 = arith.addi %mul3A_406, %get3A_410 : vector<16xi32>
    tpu.vector_store_idx %arg6[%add3A_411], %broadcast_in_dim3A_3 {add = true} : memref<50000xf32, #tpu.memory_space<vmem>>[vector<16xi32>], vector<16xf32>,
    %add3A_412 = arith.constant 16 : i32
    %add3A_413 = vector.broadcast %add3A_412 : i32 to vector<16xi32>
    %add3A_414 = arith.addi %iota3A, %add3A_413 : vector<16xi32>
    %mul3A_415 = arith.constant 1000 : i32
    %mul3A_416 = vector.broadcast %mul3A_415 : i32 to vector<16xi32>
    %mul3A_417 = arith.muli %add3A_414, %mul3A_416 : vector<16xi32>
    %get3A_418 = arith.constant 9 : i32
    %get3A_419 = arith.index_cast %get3A_418 : i32 to index
    %get3A_420 = arith.constant 16 : index
    %get3A_421 = tpu.vector_load %arg5[%get3A_419, %get3A_420] {strides = array<i32>} : memref<32x50xi32, #tpu.memory_space<vmem>>, vector<16xi32>,
    %add3A_422 = arith.addi %mul3A_417, %get3A_421 : vector<16xi32>
    tpu.vector_store_idx %arg6[%add3A_422], %broadcast_in_dim3A_3 {add = true} : memref<50000xf32, #tpu.memory_space<vmem>>[vector<16xi32>], vector<16xf32>,
    %add3A_423 = arith.constant 32 : i32
    %add3A_424 = vector.broadcast %add3A_423 : i32 to vector<16xi32>
    %add3A_425 = arith.addi %iota3A, %add3A_424 : vector<16xi32>
    %mul3A_426 = arith.constant 1000 : i32
    %mul3A_427 = vector.broadcast %mul3A_426 : i32 to vector<16xi32>
    %mul3A_428 = arith.muli %add3A_425, %mul3A_427 : vector<16xi32>
    %get3A_429 = arith.constant 9 : i32
    %get3A_430 = arith.index_cast %get3A_429 : i32 to index
    %get3A_431 = arith.constant 32 : index
    %get3A_432 = tpu.vector_load %arg5[%get3A_430, %get3A_431] {strides = array<i32>} : memref<32x50xi32, #tpu.memory_space<vmem>>, vector<16xi32>,
    %add3A_433 = arith.addi %mul3A_428, %get3A_432 : vector<16xi32>
    tpu.vector_store_idx %arg6[%add3A_433], %broadcast_in_dim3A_3 {add = true} : memref<50000xf32, #tpu.memory_space<vmem>>[vector<16xi32>], vector<16xf32>,
    %add3A_434 = arith.constant 34 : i32
    %add3A_435 = vector.broadcast %add3A_434 : i32 to vector<16xi32>
    %add3A_436 = arith.addi %iota3A, %add3A_435 : vector<16xi32>
    %mul3A_437 = arith.constant 1000 : i32
    %mul3A_438 = vector.broadcast %mul3A_437 : i32 to vector<16xi32>
    %mul3A_439 = arith.muli %add3A_436, %mul3A_438 : vector<16xi32>
    %get3A_440 = arith.constant 9 : i32
    %get3A_441 = arith.index_cast %get3A_440 : i32 to index
    %get3A_442 = arith.constant 34 : index
    %get3A_443 = tpu.vector_load %arg5[%get3A_441, %get3A_442] {strides = array<i32>} : memref<32x50xi32, #tpu.memory_space<vmem>>, vector<16xi32>,
    %add3A_444 = arith.addi %mul3A_439, %get3A_443 : vector<16xi32>
    tpu.vector_store_idx %arg6[%add3A_444], %broadcast_in_dim3A_3 masked %ge3A_5 {add = true} : memref<50000xf32, #tpu.memory_space<vmem>>[vector<16xi32>], vector<16xf32>, vector<16xi1>
    %add3A_445 = arith.constant 0 : i32
    %add3A_446 = vector.broadcast %add3A_445 : i32 to vector<16xi32>
    %add3A_447 = arith.addi %iota3A, %add3A_446 : vector<16xi32>
    %mul3A_448 = arith.constant 1000 : i32
    %mul3A_449 = vector.broadcast %mul3A_448 : i32 to vector<16xi32>
    %mul3A_450 = arith.muli %add3A_447, %mul3A_449 : vector<16xi32>
    %get3A_451 = arith.constant 10 : i32
    %get3A_452 = arith.index_cast %get3A_451 : i32 to index
    %get3A_453 = arith.constant 0 : index
    %get3A_454 = tpu.vector_load %arg5[%get3A_452, %get3A_453] {strides = array<i32>} : memref<32x50xi32, #tpu.memory_space<vmem>>, vector<16xi32>,
    %add3A_455 = arith.addi %mul3A_450, %get3A_454 : vector<16xi32>
    tpu.vector_store_idx %arg6[%add3A_455], %broadcast_in_dim3A_3 {add = true} : memref<50000xf32, #tpu.memory_space<vmem>>[vector<16xi32>], vector<16xf32>,
    %add3A_456 = arith.constant 16 : i32
    %add3A_457 = vector.broadcast %add3A_456 : i32 to vector<16xi32>
    %add3A_458 = arith.addi %iota3A, %add3A_457 : vector<16xi32>
    %mul3A_459 = arith.constant 1000 : i32
    %mul3A_460 = vector.broadcast %mul3A_459 : i32 to vector<16xi32>
    %mul3A_461 = arith.muli %add3A_458, %mul3A_460 : vector<16xi32>
    %get3A_462 = arith.constant 10 : i32
    %get3A_463 = arith.index_cast %get3A_462 : i32 to index
    %get3A_464 = arith.constant 16 : index
    %get3A_465 = tpu.vector_load %arg5[%get3A_463, %get3A_464] {strides = array<i32>} : memref<32x50xi32, #tpu.memory_space<vmem>>, vector<16xi32>,
    %add3A_466 = arith.addi %mul3A_461, %get3A_465 : vector<16xi32>
    tpu.vector_store_idx %arg6[%add3A_466], %broadcast_in_dim3A_3 {add = true} : memref<50000xf32, #tpu.memory_space<vmem>>[vector<16xi32>], vector<16xf32>,
    %add3A_467 = arith.constant 32 : i32
    %add3A_468 = vector.broadcast %add3A_467 : i32 to vector<16xi32>
    %add3A_469 = arith.addi %iota3A, %add3A_468 : vector<16xi32>
    %mul3A_470 = arith.constant 1000 : i32
    %mul3A_471 = vector.broadcast %mul3A_470 : i32 to vector<16xi32>
    %mul3A_472 = arith.muli %add3A_469, %mul3A_471 : vector<16xi32>
    %get3A_473 = arith.constant 10 : i32
    %get3A_474 = arith.index_cast %get3A_473 : i32 to index
    %get3A_475 = arith.constant 32 : index
    %get3A_476 = tpu.vector_load %arg5[%get3A_474, %get3A_475] {strides = array<i32>} : memref<32x50xi32, #tpu.memory_space<vmem>>, vector<16xi32>,
    %add3A_477 = arith.addi %mul3A_472, %get3A_476 : vector<16xi32>
    tpu.vector_store_idx %arg6[%add3A_477], %broadcast_in_dim3A_3 {add = true} : memref<50000xf32, #tpu.memory_space<vmem>>[vector<16xi32>], vector<16xf32>,
    %add3A_478 = arith.constant 34 : i32
    %add3A_479 = vector.broadcast %add3A_478 : i32 to vector<16xi32>
    %add3A_480 = arith.addi %iota3A, %add3A_479 : vector<16xi32>
    %mul3A_481 = arith.constant 1000 : i32
    %mul3A_482 = vector.broadcast %mul3A_481 : i32 to vector<16xi32>
    %mul3A_483 = arith.muli %add3A_480, %mul3A_482 : vector<16xi32>
    %get3A_484 = arith.constant 10 : i32
    %get3A_485 = arith.index_cast %get3A_484 : i32 to index
    %get3A_486 = arith.constant 34 : index
    %get3A_487 = tpu.vector_load %arg5[%get3A_485, %get3A_486] {strides = array<i32>} : memref<32x50xi32, #tpu.memory_space<vmem>>, vector<16xi32>,
    %add3A_488 = arith.addi %mul3A_483, %get3A_487 : vector<16xi32>
    tpu.vector_store_idx %arg6[%add3A_488], %broadcast_in_dim3A_3 masked %ge3A_5 {add = true} : memref<50000xf32, #tpu.memory_space<vmem>>[vector<16xi32>], vector<16xf32>, vector<16xi1>
    %add3A_489 = arith.constant 0 : i32
    %add3A_490 = vector.broadcast %add3A_489 : i32 to vector<16xi32>
    %add3A_491 = arith.addi %iota3A, %add3A_490 : vector<16xi32>
    %mul3A_492 = arith.constant 1000 : i32
    %mul3A_493 = vector.broadcast %mul3A_492 : i32 to vector<16xi32>
    %mul3A_494 = arith.muli %add3A_491, %mul3A_493 : vector<16xi32>
    %get3A_495 = arith.constant 11 : i32
    %get3A_496 = arith.index_cast %get3A_495 : i32 to index
    %get3A_497 = arith.constant 0 : index
    %get3A_498 = tpu.vector_load %arg5[%get3A_496, %get3A_497] {strides = array<i32>} : memref<32x50xi32, #tpu.memory_space<vmem>>, vector<16xi32>,
    %add3A_499 = arith.addi %mul3A_494, %get3A_498 : vector<16xi32>
    tpu.vector_store_idx %arg6[%add3A_499], %broadcast_in_dim3A_3 {add = true} : memref<50000xf32, #tpu.memory_space<vmem>>[vector<16xi32>], vector<16xf32>,
    %add3A_500 = arith.constant 16 : i32
    %add3A_501 = vector.broadcast %add3A_500 : i32 to vector<16xi32>
    %add3A_502 = arith.addi %iota3A, %add3A_501 : vector<16xi32>
    %mul3A_503 = arith.constant 1000 : i32
    %mul3A_504 = vector.broadcast %mul3A_503 : i32 to vector<16xi32>
    %mul3A_505 = arith.muli %add3A_502, %mul3A_504 : vector<16xi32>
    %get3A_506 = arith.constant 11 : i32
    %get3A_507 = arith.index_cast %get3A_506 : i32 to index
    %get3A_508 = arith.constant 16 : index
    %get3A_509 = tpu.vector_load %arg5[%get3A_507, %get3A_508] {strides = array<i32>} : memref<32x50xi32, #tpu.memory_space<vmem>>, vector<16xi32>,
    %add3A_510 = arith.addi %mul3A_505, %get3A_509 : vector<16xi32>
    tpu.vector_store_idx %arg6[%add3A_510], %broadcast_in_dim3A_3 {add = true} : memref<50000xf32, #tpu.memory_space<vmem>>[vector<16xi32>], vector<16xf32>,
    %add3A_511 = arith.constant 32 : i32
    %add3A_512 = vector.broadcast %add3A_511 : i32 to vector<16xi32>
    %add3A_513 = arith.addi %iota3A, %add3A_512 : vector<16xi32>
    %mul3A_514 = arith.constant 1000 : i32
    %mul3A_515 = vector.broadcast %mul3A_514 : i32 to vector<16xi32>
    %mul3A_516 = arith.muli %add3A_513, %mul3A_515 : vector<16xi32>
    %get3A_517 = arith.constant 11 : i32
    %get3A_518 = arith.index_cast %get3A_517 : i32 to index
    %get3A_519 = arith.constant 32 : index
    %get3A_520 = tpu.vector_load %arg5[%get3A_518, %get3A_519] {strides = array<i32>} : memref<32x50xi32, #tpu.memory_space<vmem>>, vector<16xi32>,
    %add3A_521 = arith.addi %mul3A_516, %get3A_520 : vector<16xi32>
    tpu.vector_store_idx %arg6[%add3A_521], %broadcast_in_dim3A_3 {add = true} : memref<50000xf32, #tpu.memory_space<vmem>>[vector<16xi32>], vector<16xf32>,
    %add3A_522 = arith.constant 34 : i32
    %add3A_523 = vector.broadcast %add3A_522 : i32 to vector<16xi32>
    %add3A_524 = arith.addi %iota3A, %add3A_523 : vector<16xi32>
    %mul3A_525 = arith.constant 1000 : i32
    %mul3A_526 = vector.broadcast %mul3A_525 : i32 to vector<16xi32>
    %mul3A_527 = arith.muli %add3A_524, %mul3A_526 : vector<16xi32>
    %get3A_528 = arith.constant 11 : i32
    %get3A_529 = arith.index_cast %get3A_528 : i32 to index
    %get3A_530 = arith.constant 34 : index
    %get3A_531 = tpu.vector_load %arg5[%get3A_529, %get3A_530] {strides = array<i32>} : memref<32x50xi32, #tpu.memory_space<vmem>>, vector<16xi32>,
    %add3A_532 = arith.addi %mul3A_527, %get3A_531 : vector<16xi32>
    tpu.vector_store_idx %arg6[%add3A_532], %broadcast_in_dim3A_3 masked %ge3A_5 {add = true} : memref<50000xf32, #tpu.memory_space<vmem>>[vector<16xi32>], vector<16xf32>, vector<16xi1>
    %add3A_533 = arith.constant 0 : i32
    %add3A_534 = vector.broadcast %add3A_533 : i32 to vector<16xi32>
    %add3A_535 = arith.addi %iota3A, %add3A_534 : vector<16xi32>
    %mul3A_536 = arith.constant 1000 : i32
    %mul3A_537 = vector.broadcast %mul3A_536 : i32 to vector<16xi32>
    %mul3A_538 = arith.muli %add3A_535, %mul3A_537 : vector<16xi32>
    %get3A_539 = arith.constant 12 : i32
    %get3A_540 = arith.index_cast %get3A_539 : i32 to index
    %get3A_541 = arith.constant 0 : index
    %get3A_542 = tpu.vector_load %arg5[%get3A_540, %get3A_541] {strides = array<i32>} : memref<32x50xi32, #tpu.memory_space<vmem>>, vector<16xi32>,
    %add3A_543 = arith.addi %mul3A_538, %get3A_542 : vector<16xi32>
    tpu.vector_store_idx %arg6[%add3A_543], %broadcast_in_dim3A_3 {add = true} : memref<50000xf32, #tpu.memory_space<vmem>>[vector<16xi32>], vector<16xf32>,
    %add3A_544 = arith.constant 16 : i32
    %add3A_545 = vector.broadcast %add3A_544 : i32 to vector<16xi32>
    %add3A_546 = arith.addi %iota3A, %add3A_545 : vector<16xi32>
    %mul3A_547 = arith.constant 1000 : i32
    %mul3A_548 = vector.broadcast %mul3A_547 : i32 to vector<16xi32>
    %mul3A_549 = arith.muli %add3A_546, %mul3A_548 : vector<16xi32>
    %get3A_550 = arith.constant 12 : i32
    %get3A_551 = arith.index_cast %get3A_550 : i32 to index
    %get3A_552 = arith.constant 16 : index
    %get3A_553 = tpu.vector_load %arg5[%get3A_551, %get3A_552] {strides = array<i32>} : memref<32x50xi32, #tpu.memory_space<vmem>>, vector<16xi32>,
    %add3A_554 = arith.addi %mul3A_549, %get3A_553 : vector<16xi32>
    tpu.vector_store_idx %arg6[%add3A_554], %broadcast_in_dim3A_3 {add = true} : memref<50000xf32, #tpu.memory_space<vmem>>[vector<16xi32>], vector<16xf32>,
    %add3A_555 = arith.constant 32 : i32
    %add3A_556 = vector.broadcast %add3A_555 : i32 to vector<16xi32>
    %add3A_557 = arith.addi %iota3A, %add3A_556 : vector<16xi32>
    %mul3A_558 = arith.constant 1000 : i32
    %mul3A_559 = vector.broadcast %mul3A_558 : i32 to vector<16xi32>
    %mul3A_560 = arith.muli %add3A_557, %mul3A_559 : vector<16xi32>
    %get3A_561 = arith.constant 12 : i32
    %get3A_562 = arith.index_cast %get3A_561 : i32 to index
    %get3A_563 = arith.constant 32 : index
    %get3A_564 = tpu.vector_load %arg5[%get3A_562, %get3A_563] {strides = array<i32>} : memref<32x50xi32, #tpu.memory_space<vmem>>, vector<16xi32>,
    %add3A_565 = arith.addi %mul3A_560, %get3A_564 : vector<16xi32>
    tpu.vector_store_idx %arg6[%add3A_565], %broadcast_in_dim3A_3 {add = true} : memref<50000xf32, #tpu.memory_space<vmem>>[vector<16xi32>], vector<16xf32>,
    %add3A_566 = arith.constant 34 : i32
    %add3A_567 = vector.broadcast %add3A_566 : i32 to vector<16xi32>
    %add3A_568 = arith.addi %iota3A, %add3A_567 : vector<16xi32>
    %mul3A_569 = arith.constant 1000 : i32
    %mul3A_570 = vector.broadcast %mul3A_569 : i32 to vector<16xi32>
    %mul3A_571 = arith.muli %add3A_568, %mul3A_570 : vector<16xi32>
    %get3A_572 = arith.constant 12 : i32
    %get3A_573 = arith.index_cast %get3A_572 : i32 to index
    %get3A_574 = arith.constant 34 : index
    %get3A_575 = tpu.vector_load %arg5[%get3A_573, %get3A_574] {strides = array<i32>} : memref<32x50xi32, #tpu.memory_space<vmem>>, vector<16xi32>,
    %add3A_576 = arith.addi %mul3A_571, %get3A_575 : vector<16xi32>
    tpu.vector_store_idx %arg6[%add3A_576], %broadcast_in_dim3A_3 masked %ge3A_5 {add = true} : memref<50000xf32, #tpu.memory_space<vmem>>[vector<16xi32>], vector<16xf32>, vector<16xi1>
    %add3A_577 = arith.constant 0 : i32
    %add3A_578 = vector.broadcast %add3A_577 : i32 to vector<16xi32>
    %add3A_579 = arith.addi %iota3A, %add3A_578 : vector<16xi32>
    %mul3A_580 = arith.constant 1000 : i32
    %mul3A_581 = vector.broadcast %mul3A_580 : i32 to vector<16xi32>
    %mul3A_582 = arith.muli %add3A_579, %mul3A_581 : vector<16xi32>
    %get3A_583 = arith.constant 13 : i32
    %get3A_584 = arith.index_cast %get3A_583 : i32 to index
    %get3A_585 = arith.constant 0 : index
    %get3A_586 = tpu.vector_load %arg5[%get3A_584, %get3A_585] {strides = array<i32>} : memref<32x50xi32, #tpu.memory_space<vmem>>, vector<16xi32>,
    %add3A_587 = arith.addi %mul3A_582, %get3A_586 : vector<16xi32>
    tpu.vector_store_idx %arg6[%add3A_587], %broadcast_in_dim3A_3 {add = true} : memref<50000xf32, #tpu.memory_space<vmem>>[vector<16xi32>], vector<16xf32>,
    %add3A_588 = arith.constant 16 : i32
    %add3A_589 = vector.broadcast %add3A_588 : i32 to vector<16xi32>
    %add3A_590 = arith.addi %iota3A, %add3A_589 : vector<16xi32>
    %mul3A_591 = arith.constant 1000 : i32
    %mul3A_592 = vector.broadcast %mul3A_591 : i32 to vector<16xi32>
    %mul3A_593 = arith.muli %add3A_590, %mul3A_592 : vector<16xi32>
    %get3A_594 = arith.constant 13 : i32
    %get3A_595 = arith.index_cast %get3A_594 : i32 to index
    %get3A_596 = arith.constant 16 : index
    %get3A_597 = tpu.vector_load %arg5[%get3A_595, %get3A_596] {strides = array<i32>} : memref<32x50xi32, #tpu.memory_space<vmem>>, vector<16xi32>,
    %add3A_598 = arith.addi %mul3A_593, %get3A_597 : vector<16xi32>
    tpu.vector_store_idx %arg6[%add3A_598], %broadcast_in_dim3A_3 {add = true} : memref<50000xf32, #tpu.memory_space<vmem>>[vector<16xi32>], vector<16xf32>,
    %add3A_599 = arith.constant 32 : i32
    %add3A_600 = vector.broadcast %add3A_599 : i32 to vector<16xi32>
    %add3A_601 = arith.addi %iota3A, %add3A_600 : vector<16xi32>
    %mul3A_602 = arith.constant 1000 : i32
    %mul3A_603 = vector.broadcast %mul3A_602 : i32 to vector<16xi32>
    %mul3A_604 = arith.muli %add3A_601, %mul3A_603 : vector<16xi32>
    %get3A_605 = arith.constant 13 : i32
    %get3A_606 = arith.index_cast %get3A_605 : i32 to index
    %get3A_607 = arith.constant 32 : index
    %get3A_608 = tpu.vector_load %arg5[%get3A_606, %get3A_607] {strides = array<i32>} : memref<32x50xi32, #tpu.memory_space<vmem>>, vector<16xi32>,
    %add3A_609 = arith.addi %mul3A_604, %get3A_608 : vector<16xi32>
    tpu.vector_store_idx %arg6[%add3A_609], %broadcast_in_dim3A_3 {add = true} : memref<50000xf32, #tpu.memory_space<vmem>>[vector<16xi32>], vector<16xf32>,
    %add3A_610 = arith.constant 34 : i32
    %add3A_611 = vector.broadcast %add3A_610 : i32 to vector<16xi32>
    %add3A_612 = arith.addi %iota3A, %add3A_611 : vector<16xi32>
    %mul3A_613 = arith.constant 1000 : i32
    %mul3A_614 = vector.broadcast %mul3A_613 : i32 to vector<16xi32>
    %mul3A_615 = arith.muli %add3A_612, %mul3A_614 : vector<16xi32>
    %get3A_616 = arith.constant 13 : i32
    %get3A_617 = arith.index_cast %get3A_616 : i32 to index
    %get3A_618 = arith.constant 34 : index
    %get3A_619 = tpu.vector_load %arg5[%get3A_617, %get3A_618] {strides = array<i32>} : memref<32x50xi32, #tpu.memory_space<vmem>>, vector<16xi32>,
    %add3A_620 = arith.addi %mul3A_615, %get3A_619 : vector<16xi32>
    tpu.vector_store_idx %arg6[%add3A_620], %broadcast_in_dim3A_3 masked %ge3A_5 {add = true} : memref<50000xf32, #tpu.memory_space<vmem>>[vector<16xi32>], vector<16xf32>, vector<16xi1>
    %add3A_621 = arith.constant 0 : i32
    %add3A_622 = vector.broadcast %add3A_621 : i32 to vector<16xi32>
    %add3A_623 = arith.addi %iota3A, %add3A_622 : vector<16xi32>
    %mul3A_624 = arith.constant 1000 : i32
    %mul3A_625 = vector.broadcast %mul3A_624 : i32 to vector<16xi32>
    %mul3A_626 = arith.muli %add3A_623, %mul3A_625 : vector<16xi32>
    %get3A_627 = arith.constant 14 : i32
    %get3A_628 = arith.index_cast %get3A_627 : i32 to index
    %get3A_629 = arith.constant 0 : index
    %get3A_630 = tpu.vector_load %arg5[%get3A_628, %get3A_629] {strides = array<i32>} : memref<32x50xi32, #tpu.memory_space<vmem>>, vector<16xi32>,
    %add3A_631 = arith.addi %mul3A_626, %get3A_630 : vector<16xi32>
    tpu.vector_store_idx %arg6[%add3A_631], %broadcast_in_dim3A_3 {add = true} : memref<50000xf32, #tpu.memory_space<vmem>>[vector<16xi32>], vector<16xf32>,
    %add3A_632 = arith.constant 16 : i32
    %add3A_633 = vector.broadcast %add3A_632 : i32 to vector<16xi32>
    %add3A_634 = arith.addi %iota3A, %add3A_633 : vector<16xi32>
    %mul3A_635 = arith.constant 1000 : i32
    %mul3A_636 = vector.broadcast %mul3A_635 : i32 to vector<16xi32>
    %mul3A_637 = arith.muli %add3A_634, %mul3A_636 : vector<16xi32>
    %get3A_638 = arith.constant 14 : i32
    %get3A_639 = arith.index_cast %get3A_638 : i32 to index
    %get3A_640 = arith.constant 16 : index
    %get3A_641 = tpu.vector_load %arg5[%get3A_639, %get3A_640] {strides = array<i32>} : memref<32x50xi32, #tpu.memory_space<vmem>>, vector<16xi32>,
    %add3A_642 = arith.addi %mul3A_637, %get3A_641 : vector<16xi32>
    tpu.vector_store_idx %arg6[%add3A_642], %broadcast_in_dim3A_3 {add = true} : memref<50000xf32, #tpu.memory_space<vmem>>[vector<16xi32>], vector<16xf32>,
    %add3A_643 = arith.constant 32 : i32
    %add3A_644 = vector.broadcast %add3A_643 : i32 to vector<16xi32>
    %add3A_645 = arith.addi %iota3A, %add3A_644 : vector<16xi32>
    %mul3A_646 = arith.constant 1000 : i32
    %mul3A_647 = vector.broadcast %mul3A_646 : i32 to vector<16xi32>
    %mul3A_648 = arith.muli %add3A_645, %mul3A_647 : vector<16xi32>
    %get3A_649 = arith.constant 14 : i32
    %get3A_650 = arith.index_cast %get3A_649 : i32 to index
    %get3A_651 = arith.constant 32 : index
    %get3A_652 = tpu.vector_load %arg5[%get3A_650, %get3A_651] {strides = array<i32>} : memref<32x50xi32, #tpu.memory_space<vmem>>, vector<16xi32>,
    %add3A_653 = arith.addi %mul3A_648, %get3A_652 : vector<16xi32>
    tpu.vector_store_idx %arg6[%add3A_653], %broadcast_in_dim3A_3 {add = true} : memref<50000xf32, #tpu.memory_space<vmem>>[vector<16xi32>], vector<16xf32>,
    %add3A_654 = arith.constant 34 : i32
    %add3A_655 = vector.broadcast %add3A_654 : i32 to vector<16xi32>
    %add3A_656 = arith.addi %iota3A, %add3A_655 : vector<16xi32>
    %mul3A_657 = arith.constant 1000 : i32
    %mul3A_658 = vector.broadcast %mul3A_657 : i32 to vector<16xi32>
    %mul3A_659 = arith.muli %add3A_656, %mul3A_658 : vector<16xi32>
    %get3A_660 = arith.constant 14 : i32
    %get3A_661 = arith.index_cast %get3A_660 : i32 to index
    %get3A_662 = arith.constant 34 : index
    %get3A_663 = tpu.vector_load %arg5[%get3A_661, %get3A_662] {strides = array<i32>} : memref<32x50xi32, #tpu.memory_space<vmem>>, vector<16xi32>,
    %add3A_664 = arith.addi %mul3A_659, %get3A_663 : vector<16xi32>
    tpu.vector_store_idx %arg6[%add3A_664], %broadcast_in_dim3A_3 masked %ge3A_5 {add = true} : memref<50000xf32, #tpu.memory_space<vmem>>[vector<16xi32>], vector<16xf32>, vector<16xi1>
    %add3A_665 = arith.constant 0 : i32
    %add3A_666 = vector.broadcast %add3A_665 : i32 to vector<16xi32>
    %add3A_667 = arith.addi %iota3A, %add3A_666 : vector<16xi32>
    %mul3A_668 = arith.constant 1000 : i32
    %mul3A_669 = vector.broadcast %mul3A_668 : i32 to vector<16xi32>
    %mul3A_670 = arith.muli %add3A_667, %mul3A_669 : vector<16xi32>
    %get3A_671 = arith.constant 15 : i32
    %get3A_672 = arith.index_cast %get3A_671 : i32 to index
    %get3A_673 = arith.constant 0 : index
    %get3A_674 = tpu.vector_load %arg5[%get3A_672, %get3A_673] {strides = array<i32>} : memref<32x50xi32, #tpu.memory_space<vmem>>, vector<16xi32>,
    %add3A_675 = arith.addi %mul3A_670, %get3A_674 : vector<16xi32>
    tpu.vector_store_idx %arg6[%add3A_675], %broadcast_in_dim3A_3 {add = true} : memref<50000xf32, #tpu.memory_space<vmem>>[vector<16xi32>], vector<16xf32>,
    %add3A_676 = arith.constant 16 : i32
    %add3A_677 = vector.broadcast %add3A_676 : i32 to vector<16xi32>
    %add3A_678 = arith.addi %iota3A, %add3A_677 : vector<16xi32>
    %mul3A_679 = arith.constant 1000 : i32
    %mul3A_680 = vector.broadcast %mul3A_679 : i32 to vector<16xi32>
    %mul3A_681 = arith.muli %add3A_678, %mul3A_680 : vector<16xi32>
    %get3A_682 = arith.constant 15 : i32
    %get3A_683 = arith.index_cast %get3A_682 : i32 to index
    %get3A_684 = arith.constant 16 : index
    %get3A_685 = tpu.vector_load %arg5[%get3A_683, %get3A_684] {strides = array<i32>} : memref<32x50xi32, #tpu.memory_space<vmem>>, vector<16xi32>,
    %add3A_686 = arith.addi %mul3A_681, %get3A_685 : vector<16xi32>
    tpu.vector_store_idx %arg6[%add3A_686], %broadcast_in_dim3A_3 {add = true} : memref<50000xf32, #tpu.memory_space<vmem>>[vector<16xi32>], vector<16xf32>,
    %add3A_687 = arith.constant 32 : i32
    %add3A_688 = vector.broadcast %add3A_687 : i32 to vector<16xi32>
    %add3A_689 = arith.addi %iota3A, %add3A_688 : vector<16xi32>
    %mul3A_690 = arith.constant 1000 : i32
    %mul3A_691 = vector.broadcast %mul3A_690 : i32 to vector<16xi32>
    %mul3A_692 = arith.muli %add3A_689, %mul3A_691 : vector<16xi32>
    %get3A_693 = arith.constant 15 : i32
    %get3A_694 = arith.index_cast %get3A_693 : i32 to index
    %get3A_695 = arith.constant 32 : index
    %get3A_696 = tpu.vector_load %arg5[%get3A_694, %get3A_695] {strides = array<i32>} : memref<32x50xi32, #tpu.memory_space<vmem>>, vector<16xi32>,
    %add3A_697 = arith.addi %mul3A_692, %get3A_696 : vector<16xi32>
    tpu.vector_store_idx %arg6[%add3A_697], %broadcast_in_dim3A_3 {add = true} : memref<50000xf32, #tpu.memory_space<vmem>>[vector<16xi32>], vector<16xf32>,
    %add3A_698 = arith.constant 34 : i32
    %add3A_699 = vector.broadcast %add3A_698 : i32 to vector<16xi32>
    %add3A_700 = arith.addi %iota3A, %add3A_699 : vector<16xi32>
    %mul3A_701 = arith.constant 1000 : i32
    %mul3A_702 = vector.broadcast %mul3A_701 : i32 to vector<16xi32>
    %mul3A_703 = arith.muli %add3A_700, %mul3A_702 : vector<16xi32>
    %get3A_704 = arith.constant 15 : i32
    %get3A_705 = arith.index_cast %get3A_704 : i32 to index
    %get3A_706 = arith.constant 34 : index
    %get3A_707 = tpu.vector_load %arg5[%get3A_705, %get3A_706] {strides = array<i32>} : memref<32x50xi32, #tpu.memory_space<vmem>>, vector<16xi32>,
    %add3A_708 = arith.addi %mul3A_703, %get3A_707 : vector<16xi32>
    tpu.vector_store_idx %arg6[%add3A_708], %broadcast_in_dim3A_3 masked %ge3A_5 {add = true} : memref<50000xf32, #tpu.memory_space<vmem>>[vector<16xi32>], vector<16xf32>, vector<16xi1>
    %add3A_709 = arith.constant 0 : i32
    %add3A_710 = vector.broadcast %add3A_709 : i32 to vector<16xi32>
    %add3A_711 = arith.addi %iota3A, %add3A_710 : vector<16xi32>
    %mul3A_712 = arith.constant 1000 : i32
    %mul3A_713 = vector.broadcast %mul3A_712 : i32 to vector<16xi32>
    %mul3A_714 = arith.muli %add3A_711, %mul3A_713 : vector<16xi32>
    %get3A_715 = arith.constant 16 : i32
    %get3A_716 = arith.index_cast %get3A_715 : i32 to index
    %get3A_717 = arith.constant 0 : index
    %get3A_718 = tpu.vector_load %arg5[%get3A_716, %get3A_717] {strides = array<i32>} : memref<32x50xi32, #tpu.memory_space<vmem>>, vector<16xi32>,
    %add3A_719 = arith.addi %mul3A_714, %get3A_718 : vector<16xi32>
    tpu.vector_store_idx %arg6[%add3A_719], %broadcast_in_dim3A_3 {add = true} : memref<50000xf32, #tpu.memory_space<vmem>>[vector<16xi32>], vector<16xf32>,
    %add3A_720 = arith.constant 16 : i32
    %add3A_721 = vector.broadcast %add3A_720 : i32 to vector<16xi32>
    %add3A_722 = arith.addi %iota3A, %add3A_721 : vector<16xi32>
    %mul3A_723 = arith.constant 1000 : i32
    %mul3A_724 = vector.broadcast %mul3A_723 : i32 to vector<16xi32>
    %mul3A_725 = arith.muli %add3A_722, %mul3A_724 : vector<16xi32>
    %get3A_726 = arith.constant 16 : i32
    %get3A_727 = arith.index_cast %get3A_726 : i32 to index
    %get3A_728 = arith.constant 16 : index
    %get3A_729 = tpu.vector_load %arg5[%get3A_727, %get3A_728] {strides = array<i32>} : memref<32x50xi32, #tpu.memory_space<vmem>>, vector<16xi32>,
    %add3A_730 = arith.addi %mul3A_725, %get3A_729 : vector<16xi32>
    tpu.vector_store_idx %arg6[%add3A_730], %broadcast_in_dim3A_3 {add = true} : memref<50000xf32, #tpu.memory_space<vmem>>[vector<16xi32>], vector<16xf32>,
    %add3A_731 = arith.constant 32 : i32
    %add3A_732 = vector.broadcast %add3A_731 : i32 to vector<16xi32>
    %add3A_733 = arith.addi %iota3A, %add3A_732 : vector<16xi32>
    %mul3A_734 = arith.constant 1000 : i32
    %mul3A_735 = vector.broadcast %mul3A_734 : i32 to vector<16xi32>
    %mul3A_736 = arith.muli %add3A_733, %mul3A_735 : vector<16xi32>
    %get3A_737 = arith.constant 16 : i32
    %get3A_738 = arith.index_cast %get3A_737 : i32 to index
    %get3A_739 = arith.constant 32 : index
    %get3A_740 = tpu.vector_load %arg5[%get3A_738, %get3A_739] {strides = array<i32>} : memref<32x50xi32, #tpu.memory_space<vmem>>, vector<16xi32>,
    %add3A_741 = arith.addi %mul3A_736, %get3A_740 : vector<16xi32>
    tpu.vector_store_idx %arg6[%add3A_741], %broadcast_in_dim3A_3 {add = true} : memref<50000xf32, #tpu.memory_space<vmem>>[vector<16xi32>], vector<16xf32>,
    %add3A_742 = arith.constant 34 : i32
    %add3A_743 = vector.broadcast %add3A_742 : i32 to vector<16xi32>
    %add3A_744 = arith.addi %iota3A, %add3A_743 : vector<16xi32>
    %mul3A_745 = arith.constant 1000 : i32
    %mul3A_746 = vector.broadcast %mul3A_745 : i32 to vector<16xi32>
    %mul3A_747 = arith.muli %add3A_744, %mul3A_746 : vector<16xi32>
    %get3A_748 = arith.constant 16 : i32
    %get3A_749 = arith.index_cast %get3A_748 : i32 to index
    %get3A_750 = arith.constant 34 : index
    %get3A_751 = tpu.vector_load %arg5[%get3A_749, %get3A_750] {strides = array<i32>} : memref<32x50xi32, #tpu.memory_space<vmem>>, vector<16xi32>,
    %add3A_752 = arith.addi %mul3A_747, %get3A_751 : vector<16xi32>
    tpu.vector_store_idx %arg6[%add3A_752], %broadcast_in_dim3A_3 masked %ge3A_5 {add = true} : memref<50000xf32, #tpu.memory_space<vmem>>[vector<16xi32>], vector<16xf32>, vector<16xi1>
    %add3A_753 = arith.constant 0 : i32
    %add3A_754 = vector.broadcast %add3A_753 : i32 to vector<16xi32>
    %add3A_755 = arith.addi %iota3A, %add3A_754 : vector<16xi32>
    %mul3A_756 = arith.constant 1000 : i32
    %mul3A_757 = vector.broadcast %mul3A_756 : i32 to vector<16xi32>
    %mul3A_758 = arith.muli %add3A_755, %mul3A_757 : vector<16xi32>
    %get3A_759 = arith.constant 17 : i32
    %get3A_760 = arith.index_cast %get3A_759 : i32 to index
    %get3A_761 = arith.constant 0 : index
    %get3A_762 = tpu.vector_load %arg5[%get3A_760, %get3A_761] {strides = array<i32>} : memref<32x50xi32, #tpu.memory_space<vmem>>, vector<16xi32>,
    %add3A_763 = arith.addi %mul3A_758, %get3A_762 : vector<16xi32>
    tpu.vector_store_idx %arg6[%add3A_763], %broadcast_in_dim3A_3 {add = true} : memref<50000xf32, #tpu.memory_space<vmem>>[vector<16xi32>], vector<16xf32>,
    %add3A_764 = arith.constant 16 : i32
    %add3A_765 = vector.broadcast %add3A_764 : i32 to vector<16xi32>
    %add3A_766 = arith.addi %iota3A, %add3A_765 : vector<16xi32>
    %mul3A_767 = arith.constant 1000 : i32
    %mul3A_768 = vector.broadcast %mul3A_767 : i32 to vector<16xi32>
    %mul3A_769 = arith.muli %add3A_766, %mul3A_768 : vector<16xi32>
    %get3A_770 = arith.constant 17 : i32
    %get3A_771 = arith.index_cast %get3A_770 : i32 to index
    %get3A_772 = arith.constant 16 : index
    %get3A_773 = tpu.vector_load %arg5[%get3A_771, %get3A_772] {strides = array<i32>} : memref<32x50xi32, #tpu.memory_space<vmem>>, vector<16xi32>,
    %add3A_774 = arith.addi %mul3A_769, %get3A_773 : vector<16xi32>
    tpu.vector_store_idx %arg6[%add3A_774], %broadcast_in_dim3A_3 {add = true} : memref<50000xf32, #tpu.memory_space<vmem>>[vector<16xi32>], vector<16xf32>,
    %add3A_775 = arith.constant 32 : i32
    %add3A_776 = vector.broadcast %add3A_775 : i32 to vector<16xi32>
    %add3A_777 = arith.addi %iota3A, %add3A_776 : vector<16xi32>
    %mul3A_778 = arith.constant 1000 : i32
    %mul3A_779 = vector.broadcast %mul3A_778 : i32 to vector<16xi32>
    %mul3A_780 = arith.muli %add3A_777, %mul3A_779 : vector<16xi32>
    %get3A_781 = arith.constant 17 : i32
    %get3A_782 = arith.index_cast %get3A_781 : i32 to index
    %get3A_783 = arith.constant 32 : index
    %get3A_784 = tpu.vector_load %arg5[%get3A_782, %get3A_783] {strides = array<i32>} : memref<32x50xi32, #tpu.memory_space<vmem>>, vector<16xi32>,
    %add3A_785 = arith.addi %mul3A_780, %get3A_784 : vector<16xi32>
    tpu.vector_store_idx %arg6[%add3A_785], %broadcast_in_dim3A_3 {add = true} : memref<50000xf32, #tpu.memory_space<vmem>>[vector<16xi32>], vector<16xf32>,
    %add3A_786 = arith.constant 34 : i32
    %add3A_787 = vector.broadcast %add3A_786 : i32 to vector<16xi32>
    %add3A_788 = arith.addi %iota3A, %add3A_787 : vector<16xi32>
    %mul3A_789 = arith.constant 1000 : i32
    %mul3A_790 = vector.broadcast %mul3A_789 : i32 to vector<16xi32>
    %mul3A_791 = arith.muli %add3A_788, %mul3A_790 : vector<16xi32>
    %get3A_792 = arith.constant 17 : i32
    %get3A_793 = arith.index_cast %get3A_792 : i32 to index
    %get3A_794 = arith.constant 34 : index
    %get3A_795 = tpu.vector_load %arg5[%get3A_793, %get3A_794] {strides = array<i32>} : memref<32x50xi32, #tpu.memory_space<vmem>>, vector<16xi32>,
    %add3A_796 = arith.addi %mul3A_791, %get3A_795 : vector<16xi32>
    tpu.vector_store_idx %arg6[%add3A_796], %broadcast_in_dim3A_3 masked %ge3A_5 {add = true} : memref<50000xf32, #tpu.memory_space<vmem>>[vector<16xi32>], vector<16xf32>, vector<16xi1>
    %add3A_797 = arith.constant 0 : i32
    %add3A_798 = vector.broadcast %add3A_797 : i32 to vector<16xi32>
    %add3A_799 = arith.addi %iota3A, %add3A_798 : vector<16xi32>
    %mul3A_800 = arith.constant 1000 : i32
    %mul3A_801 = vector.broadcast %mul3A_800 : i32 to vector<16xi32>
    %mul3A_802 = arith.muli %add3A_799, %mul3A_801 : vector<16xi32>
    %get3A_803 = arith.constant 18 : i32
    %get3A_804 = arith.index_cast %get3A_803 : i32 to index
    %get3A_805 = arith.constant 0 : index
    %get3A_806 = tpu.vector_load %arg5[%get3A_804, %get3A_805] {strides = array<i32>} : memref<32x50xi32, #tpu.memory_space<vmem>>, vector<16xi32>,
    %add3A_807 = arith.addi %mul3A_802, %get3A_806 : vector<16xi32>
    tpu.vector_store_idx %arg6[%add3A_807], %broadcast_in_dim3A_3 {add = true} : memref<50000xf32, #tpu.memory_space<vmem>>[vector<16xi32>], vector<16xf32>,
    %add3A_808 = arith.constant 16 : i32
    %add3A_809 = vector.broadcast %add3A_808 : i32 to vector<16xi32>
    %add3A_810 = arith.addi %iota3A, %add3A_809 : vector<16xi32>
    %mul3A_811 = arith.constant 1000 : i32
    %mul3A_812 = vector.broadcast %mul3A_811 : i32 to vector<16xi32>
    %mul3A_813 = arith.muli %add3A_810, %mul3A_812 : vector<16xi32>
    %get3A_814 = arith.constant 18 : i32
    %get3A_815 = arith.index_cast %get3A_814 : i32 to index
    %get3A_816 = arith.constant 16 : index
    %get3A_817 = tpu.vector_load %arg5[%get3A_815, %get3A_816] {strides = array<i32>} : memref<32x50xi32, #tpu.memory_space<vmem>>, vector<16xi32>,
    %add3A_818 = arith.addi %mul3A_813, %get3A_817 : vector<16xi32>
    tpu.vector_store_idx %arg6[%add3A_818], %broadcast_in_dim3A_3 {add = true} : memref<50000xf32, #tpu.memory_space<vmem>>[vector<16xi32>], vector<16xf32>,
    %add3A_819 = arith.constant 32 : i32
    %add3A_820 = vector.broadcast %add3A_819 : i32 to vector<16xi32>
    %add3A_821 = arith.addi %iota3A, %add3A_820 : vector<16xi32>
    %mul3A_822 = arith.constant 1000 : i32
    %mul3A_823 = vector.broadcast %mul3A_822 : i32 to vector<16xi32>
    %mul3A_824 = arith.muli %add3A_821, %mul3A_823 : vector<16xi32>
    %get3A_825 = arith.constant 18 : i32
    %get3A_826 = arith.index_cast %get3A_825 : i32 to index
    %get3A_827 = arith.constant 32 : index
    %get3A_828 = tpu.vector_load %arg5[%get3A_826, %get3A_827] {strides = array<i32>} : memref<32x50xi32, #tpu.memory_space<vmem>>, vector<16xi32>,
    %add3A_829 = arith.addi %mul3A_824, %get3A_828 : vector<16xi32>
    tpu.vector_store_idx %arg6[%add3A_829], %broadcast_in_dim3A_3 {add = true} : memref<50000xf32, #tpu.memory_space<vmem>>[vector<16xi32>], vector<16xf32>,
    %add3A_830 = arith.constant 34 : i32
    %add3A_831 = vector.broadcast %add3A_830 : i32 to vector<16xi32>
    %add3A_832 = arith.addi %iota3A, %add3A_831 : vector<16xi32>
    %mul3A_833 = arith.constant 1000 : i32
    %mul3A_834 = vector.broadcast %mul3A_833 : i32 to vector<16xi32>
    %mul3A_835 = arith.muli %add3A_832, %mul3A_834 : vector<16xi32>
    %get3A_836 = arith.constant 18 : i32
    %get3A_837 = arith.index_cast %get3A_836 : i32 to index
    %get3A_838 = arith.constant 34 : index
    %get3A_839 = tpu.vector_load %arg5[%get3A_837, %get3A_838] {strides = array<i32>} : memref<32x50xi32, #tpu.memory_space<vmem>>, vector<16xi32>,
    %add3A_840 = arith.addi %mul3A_835, %get3A_839 : vector<16xi32>
    tpu.vector_store_idx %arg6[%add3A_840], %broadcast_in_dim3A_3 masked %ge3A_5 {add = true} : memref<50000xf32, #tpu.memory_space<vmem>>[vector<16xi32>], vector<16xf32>, vector<16xi1>
    %add3A_841 = arith.constant 0 : i32
    %add3A_842 = vector.broadcast %add3A_841 : i32 to vector<16xi32>
    %add3A_843 = arith.addi %iota3A, %add3A_842 : vector<16xi32>
    %mul3A_844 = arith.constant 1000 : i32
    %mul3A_845 = vector.broadcast %mul3A_844 : i32 to vector<16xi32>
    %mul3A_846 = arith.muli %add3A_843, %mul3A_845 : vector<16xi32>
    %get3A_847 = arith.constant 19 : i32
    %get3A_848 = arith.index_cast %get3A_847 : i32 to index
    %get3A_849 = arith.constant 0 : index
    %get3A_850 = tpu.vector_load %arg5[%get3A_848, %get3A_849] {strides = array<i32>} : memref<32x50xi32, #tpu.memory_space<vmem>>, vector<16xi32>,
    %add3A_851 = arith.addi %mul3A_846, %get3A_850 : vector<16xi32>
    tpu.vector_store_idx %arg6[%add3A_851], %broadcast_in_dim3A_3 {add = true} : memref<50000xf32, #tpu.memory_space<vmem>>[vector<16xi32>], vector<16xf32>,
    %add3A_852 = arith.constant 16 : i32
    %add3A_853 = vector.broadcast %add3A_852 : i32 to vector<16xi32>
    %add3A_854 = arith.addi %iota3A, %add3A_853 : vector<16xi32>
    %mul3A_855 = arith.constant 1000 : i32
    %mul3A_856 = vector.broadcast %mul3A_855 : i32 to vector<16xi32>
    %mul3A_857 = arith.muli %add3A_854, %mul3A_856 : vector<16xi32>
    %get3A_858 = arith.constant 19 : i32
    %get3A_859 = arith.index_cast %get3A_858 : i32 to index
    %get3A_860 = arith.constant 16 : index
    %get3A_861 = tpu.vector_load %arg5[%get3A_859, %get3A_860] {strides = array<i32>} : memref<32x50xi32, #tpu.memory_space<vmem>>, vector<16xi32>,
    %add3A_862 = arith.addi %mul3A_857, %get3A_861 : vector<16xi32>
    tpu.vector_store_idx %arg6[%add3A_862], %broadcast_in_dim3A_3 {add = true} : memref<50000xf32, #tpu.memory_space<vmem>>[vector<16xi32>], vector<16xf32>,
    %add3A_863 = arith.constant 32 : i32
    %add3A_864 = vector.broadcast %add3A_863 : i32 to vector<16xi32>
    %add3A_865 = arith.addi %iota3A, %add3A_864 : vector<16xi32>
    %mul3A_866 = arith.constant 1000 : i32
    %mul3A_867 = vector.broadcast %mul3A_866 : i32 to vector<16xi32>
    %mul3A_868 = arith.muli %add3A_865, %mul3A_867 : vector<16xi32>
    %get3A_869 = arith.constant 19 : i32
    %get3A_870 = arith.index_cast %get3A_869 : i32 to index
    %get3A_871 = arith.constant 32 : index
    %get3A_872 = tpu.vector_load %arg5[%get3A_870, %get3A_871] {strides = array<i32>} : memref<32x50xi32, #tpu.memory_space<vmem>>, vector<16xi32>,
    %add3A_873 = arith.addi %mul3A_868, %get3A_872 : vector<16xi32>
    tpu.vector_store_idx %arg6[%add3A_873], %broadcast_in_dim3A_3 {add = true} : memref<50000xf32, #tpu.memory_space<vmem>>[vector<16xi32>], vector<16xf32>,
    %add3A_874 = arith.constant 34 : i32
    %add3A_875 = vector.broadcast %add3A_874 : i32 to vector<16xi32>
    %add3A_876 = arith.addi %iota3A, %add3A_875 : vector<16xi32>
    %mul3A_877 = arith.constant 1000 : i32
    %mul3A_878 = vector.broadcast %mul3A_877 : i32 to vector<16xi32>
    %mul3A_879 = arith.muli %add3A_876, %mul3A_878 : vector<16xi32>
    %get3A_880 = arith.constant 19 : i32
    %get3A_881 = arith.index_cast %get3A_880 : i32 to index
    %get3A_882 = arith.constant 34 : index
    %get3A_883 = tpu.vector_load %arg5[%get3A_881, %get3A_882] {strides = array<i32>} : memref<32x50xi32, #tpu.memory_space<vmem>>, vector<16xi32>,
    %add3A_884 = arith.addi %mul3A_879, %get3A_883 : vector<16xi32>
    tpu.vector_store_idx %arg6[%add3A_884], %broadcast_in_dim3A_3 masked %ge3A_5 {add = true} : memref<50000xf32, #tpu.memory_space<vmem>>[vector<16xi32>], vector<16xf32>, vector<16xi1>
    %add3A_885 = arith.constant 0 : i32
    %add3A_886 = vector.broadcast %add3A_885 : i32 to vector<16xi32>
    %add3A_887 = arith.addi %iota3A, %add3A_886 : vector<16xi32>
    %mul3A_888 = arith.constant 1000 : i32
    %mul3A_889 = vector.broadcast %mul3A_888 : i32 to vector<16xi32>
    %mul3A_890 = arith.muli %add3A_887, %mul3A_889 : vector<16xi32>
    %get3A_891 = arith.constant 20 : i32
    %get3A_892 = arith.index_cast %get3A_891 : i32 to index
    %get3A_893 = arith.constant 0 : index
    %get3A_894 = tpu.vector_load %arg5[%get3A_892, %get3A_893] {strides = array<i32>} : memref<32x50xi32, #tpu.memory_space<vmem>>, vector<16xi32>,
    %add3A_895 = arith.addi %mul3A_890, %get3A_894 : vector<16xi32>
    tpu.vector_store_idx %arg6[%add3A_895], %broadcast_in_dim3A_3 {add = true} : memref<50000xf32, #tpu.memory_space<vmem>>[vector<16xi32>], vector<16xf32>,
    %add3A_896 = arith.constant 16 : i32
    %add3A_897 = vector.broadcast %add3A_896 : i32 to vector<16xi32>
    %add3A_898 = arith.addi %iota3A, %add3A_897 : vector<16xi32>
    %mul3A_899 = arith.constant 1000 : i32
    %mul3A_900 = vector.broadcast %mul3A_899 : i32 to vector<16xi32>
    %mul3A_901 = arith.muli %add3A_898, %mul3A_900 : vector<16xi32>
    %get3A_902 = arith.constant 20 : i32
    %get3A_903 = arith.index_cast %get3A_902 : i32 to index
    %get3A_904 = arith.constant 16 : index
    %get3A_905 = tpu.vector_load %arg5[%get3A_903, %get3A_904] {strides = array<i32>} : memref<32x50xi32, #tpu.memory_space<vmem>>, vector<16xi32>,
    %add3A_906 = arith.addi %mul3A_901, %get3A_905 : vector<16xi32>
    tpu.vector_store_idx %arg6[%add3A_906], %broadcast_in_dim3A_3 {add = true} : memref<50000xf32, #tpu.memory_space<vmem>>[vector<16xi32>], vector<16xf32>,
    %add3A_907 = arith.constant 32 : i32
    %add3A_908 = vector.broadcast %add3A_907 : i32 to vector<16xi32>
    %add3A_909 = arith.addi %iota3A, %add3A_908 : vector<16xi32>
    %mul3A_910 = arith.constant 1000 : i32
    %mul3A_911 = vector.broadcast %mul3A_910 : i32 to vector<16xi32>
    %mul3A_912 = arith.muli %add3A_909, %mul3A_911 : vector<16xi32>
    %get3A_913 = arith.constant 20 : i32
    %get3A_914 = arith.index_cast %get3A_913 : i32 to index
    %get3A_915 = arith.constant 32 : index
    %get3A_916 = tpu.vector_load %arg5[%get3A_914, %get3A_915] {strides = array<i32>} : memref<32x50xi32, #tpu.memory_space<vmem>>, vector<16xi32>,
    %add3A_917 = arith.addi %mul3A_912, %get3A_916 : vector<16xi32>
    tpu.vector_store_idx %arg6[%add3A_917], %broadcast_in_dim3A_3 {add = true} : memref<50000xf32, #tpu.memory_space<vmem>>[vector<16xi32>], vector<16xf32>,
    %add3A_918 = arith.constant 34 : i32
    %add3A_919 = vector.broadcast %add3A_918 : i32 to vector<16xi32>
    %add3A_920 = arith.addi %iota3A, %add3A_919 : vector<16xi32>
    %mul3A_921 = arith.constant 1000 : i32
    %mul3A_922 = vector.broadcast %mul3A_921 : i32 to vector<16xi32>
    %mul3A_923 = arith.muli %add3A_920, %mul3A_922 : vector<16xi32>
    %get3A_924 = arith.constant 20 : i32
    %get3A_925 = arith.index_cast %get3A_924 : i32 to index
    %get3A_926 = arith.constant 34 : index
    %get3A_927 = tpu.vector_load %arg5[%get3A_925, %get3A_926] {strides = array<i32>} : memref<32x50xi32, #tpu.memory_space<vmem>>, vector<16xi32>,
    %add3A_928 = arith.addi %mul3A_923, %get3A_927 : vector<16xi32>
    tpu.vector_store_idx %arg6[%add3A_928], %broadcast_in_dim3A_3 masked %ge3A_5 {add = true} : memref<50000xf32, #tpu.memory_space<vmem>>[vector<16xi32>], vector<16xf32>, vector<16xi1>
    %add3A_929 = arith.constant 0 : i32
    %add3A_930 = vector.broadcast %add3A_929 : i32 to vector<16xi32>
    %add3A_931 = arith.addi %iota3A, %add3A_930 : vector<16xi32>
    %mul3A_932 = arith.constant 1000 : i32
    %mul3A_933 = vector.broadcast %mul3A_932 : i32 to vector<16xi32>
    %mul3A_934 = arith.muli %add3A_931, %mul3A_933 : vector<16xi32>
    %get3A_935 = arith.constant 21 : i32
    %get3A_936 = arith.index_cast %get3A_935 : i32 to index
    %get3A_937 = arith.constant 0 : index
    %get3A_938 = tpu.vector_load %arg5[%get3A_936, %get3A_937] {strides = array<i32>} : memref<32x50xi32, #tpu.memory_space<vmem>>, vector<16xi32>,
    %add3A_939 = arith.addi %mul3A_934, %get3A_938 : vector<16xi32>
    tpu.vector_store_idx %arg6[%add3A_939], %broadcast_in_dim3A_3 {add = true} : memref<50000xf32, #tpu.memory_space<vmem>>[vector<16xi32>], vector<16xf32>,
    %add3A_940 = arith.constant 16 : i32
    %add3A_941 = vector.broadcast %add3A_940 : i32 to vector<16xi32>
    %add3A_942 = arith.addi %iota3A, %add3A_941 : vector<16xi32>
    %mul3A_943 = arith.constant 1000 : i32
    %mul3A_944 = vector.broadcast %mul3A_943 : i32 to vector<16xi32>
    %mul3A_945 = arith.muli %add3A_942, %mul3A_944 : vector<16xi32>
    %get3A_946 = arith.constant 21 : i32
    %get3A_947 = arith.index_cast %get3A_946 : i32 to index
    %get3A_948 = arith.constant 16 : index
    %get3A_949 = tpu.vector_load %arg5[%get3A_947, %get3A_948] {strides = array<i32>} : memref<32x50xi32, #tpu.memory_space<vmem>>, vector<16xi32>,
    %add3A_950 = arith.addi %mul3A_945, %get3A_949 : vector<16xi32>
    tpu.vector_store_idx %arg6[%add3A_950], %broadcast_in_dim3A_3 {add = true} : memref<50000xf32, #tpu.memory_space<vmem>>[vector<16xi32>], vector<16xf32>,
    %add3A_951 = arith.constant 32 : i32
    %add3A_952 = vector.broadcast %add3A_951 : i32 to vector<16xi32>
    %add3A_953 = arith.addi %iota3A, %add3A_952 : vector<16xi32>
    %mul3A_954 = arith.constant 1000 : i32
    %mul3A_955 = vector.broadcast %mul3A_954 : i32 to vector<16xi32>
    %mul3A_956 = arith.muli %add3A_953, %mul3A_955 : vector<16xi32>
    %get3A_957 = arith.constant 21 : i32
    %get3A_958 = arith.index_cast %get3A_957 : i32 to index
    %get3A_959 = arith.constant 32 : index
    %get3A_960 = tpu.vector_load %arg5[%get3A_958, %get3A_959] {strides = array<i32>} : memref<32x50xi32, #tpu.memory_space<vmem>>, vector<16xi32>,
    %add3A_961 = arith.addi %mul3A_956, %get3A_960 : vector<16xi32>
    tpu.vector_store_idx %arg6[%add3A_961], %broadcast_in_dim3A_3 {add = true} : memref<50000xf32, #tpu.memory_space<vmem>>[vector<16xi32>], vector<16xf32>,
    %add3A_962 = arith.constant 34 : i32
    %add3A_963 = vector.broadcast %add3A_962 : i32 to vector<16xi32>
    %add3A_964 = arith.addi %iota3A, %add3A_963 : vector<16xi32>
    %mul3A_965 = arith.constant 1000 : i32
    %mul3A_966 = vector.broadcast %mul3A_965 : i32 to vector<16xi32>
    %mul3A_967 = arith.muli %add3A_964, %mul3A_966 : vector<16xi32>
    %get3A_968 = arith.constant 21 : i32
    %get3A_969 = arith.index_cast %get3A_968 : i32 to index
    %get3A_970 = arith.constant 34 : index
    %get3A_971 = tpu.vector_load %arg5[%get3A_969, %get3A_970] {strides = array<i32>} : memref<32x50xi32, #tpu.memory_space<vmem>>, vector<16xi32>,
    %add3A_972 = arith.addi %mul3A_967, %get3A_971 : vector<16xi32>
    tpu.vector_store_idx %arg6[%add3A_972], %broadcast_in_dim3A_3 masked %ge3A_5 {add = true} : memref<50000xf32, #tpu.memory_space<vmem>>[vector<16xi32>], vector<16xf32>, vector<16xi1>
    %add3A_973 = arith.constant 0 : i32
    %add3A_974 = vector.broadcast %add3A_973 : i32 to vector<16xi32>
    %add3A_975 = arith.addi %iota3A, %add3A_974 : vector<16xi32>
    %mul3A_976 = arith.constant 1000 : i32
    %mul3A_977 = vector.broadcast %mul3A_976 : i32 to vector<16xi32>
    %mul3A_978 = arith.muli %add3A_975, %mul3A_977 : vector<16xi32>
    %get3A_979 = arith.constant 22 : i32
    %get3A_980 = arith.index_cast %get3A_979 : i32 to index
    %get3A_981 = arith.constant 0 : index
    %get3A_982 = tpu.vector_load %arg5[%get3A_980, %get3A_981] {strides = array<i32>} : memref<32x50xi32, #tpu.memory_space<vmem>>, vector<16xi32>,
    %add3A_983 = arith.addi %mul3A_978, %get3A_982 : vector<16xi32>
    tpu.vector_store_idx %arg6[%add3A_983], %broadcast_in_dim3A_3 {add = true} : memref<50000xf32, #tpu.memory_space<vmem>>[vector<16xi32>], vector<16xf32>,
    %add3A_984 = arith.constant 16 : i32
    %add3A_985 = vector.broadcast %add3A_984 : i32 to vector<16xi32>
    %add3A_986 = arith.addi %iota3A, %add3A_985 : vector<16xi32>
    %mul3A_987 = arith.constant 1000 : i32
    %mul3A_988 = vector.broadcast %mul3A_987 : i32 to vector<16xi32>
    %mul3A_989 = arith.muli %add3A_986, %mul3A_988 : vector<16xi32>
    %get3A_990 = arith.constant 22 : i32
    %get3A_991 = arith.index_cast %get3A_990 : i32 to index
    %get3A_992 = arith.constant 16 : index
    %get3A_993 = tpu.vector_load %arg5[%get3A_991, %get3A_992] {strides = array<i32>} : memref<32x50xi32, #tpu.memory_space<vmem>>, vector<16xi32>,
    %add3A_994 = arith.addi %mul3A_989, %get3A_993 : vector<16xi32>
    tpu.vector_store_idx %arg6[%add3A_994], %broadcast_in_dim3A_3 {add = true} : memref<50000xf32, #tpu.memory_space<vmem>>[vector<16xi32>], vector<16xf32>,
    %add3A_995 = arith.constant 32 : i32
    %add3A_996 = vector.broadcast %add3A_995 : i32 to vector<16xi32>
    %add3A_997 = arith.addi %iota3A, %add3A_996 : vector<16xi32>
    %mul3A_998 = arith.constant 1000 : i32
    %mul3A_999 = vector.broadcast %mul3A_998 : i32 to vector<16xi32>
    %mul3A_1000 = arith.muli %add3A_997, %mul3A_999 : vector<16xi32>
    %get3A_1001 = arith.constant 22 : i32
    %get3A_1002 = arith.index_cast %get3A_1001 : i32 to index
    %get3A_1003 = arith.constant 32 : index
    %get3A_1004 = tpu.vector_load %arg5[%get3A_1002, %get3A_1003] {strides = array<i32>} : memref<32x50xi32, #tpu.memory_space<vmem>>, vector<16xi32>,
    %add3A_1005 = arith.addi %mul3A_1000, %get3A_1004 : vector<16xi32>
    tpu.vector_store_idx %arg6[%add3A_1005], %broadcast_in_dim3A_3 {add = true} : memref<50000xf32, #tpu.memory_space<vmem>>[vector<16xi32>], vector<16xf32>,
    %add3A_1006 = arith.constant 34 : i32
    %add3A_1007 = vector.broadcast %add3A_1006 : i32 to vector<16xi32>
    %add3A_1008 = arith.addi %iota3A, %add3A_1007 : vector<16xi32>
    %mul3A_1009 = arith.constant 1000 : i32
    %mul3A_1010 = vector.broadcast %mul3A_1009 : i32 to vector<16xi32>
    %mul3A_1011 = arith.muli %add3A_1008, %mul3A_1010 : vector<16xi32>
    %get3A_1012 = arith.constant 22 : i32
    %get3A_1013 = arith.index_cast %get3A_1012 : i32 to index
    %get3A_1014 = arith.constant 34 : index
    %get3A_1015 = tpu.vector_load %arg5[%get3A_1013, %get3A_1014] {strides = array<i32>} : memref<32x50xi32, #tpu.memory_space<vmem>>, vector<16xi32>,
    %add3A_1016 = arith.addi %mul3A_1011, %get3A_1015 : vector<16xi32>
    tpu.vector_store_idx %arg6[%add3A_1016], %broadcast_in_dim3A_3 masked %ge3A_5 {add = true} : memref<50000xf32, #tpu.memory_space<vmem>>[vector<16xi32>], vector<16xf32>, vector<16xi1>
    %add3A_1017 = arith.constant 0 : i32
    %add3A_1018 = vector.broadcast %add3A_1017 : i32 to vector<16xi32>
    %add3A_1019 = arith.addi %iota3A, %add3A_1018 : vector<16xi32>
    %mul3A_1020 = arith.constant 1000 : i32
    %mul3A_1021 = vector.broadcast %mul3A_1020 : i32 to vector<16xi32>
    %mul3A_1022 = arith.muli %add3A_1019, %mul3A_1021 : vector<16xi32>
    %get3A_1023 = arith.constant 23 : i32
    %get3A_1024 = arith.index_cast %get3A_1023 : i32 to index
    %get3A_1025 = arith.constant 0 : index
    %get3A_1026 = tpu.vector_load %arg5[%get3A_1024, %get3A_1025] {strides = array<i32>} : memref<32x50xi32, #tpu.memory_space<vmem>>, vector<16xi32>,
    %add3A_1027 = arith.addi %mul3A_1022, %get3A_1026 : vector<16xi32>
    tpu.vector_store_idx %arg6[%add3A_1027], %broadcast_in_dim3A_3 {add = true} : memref<50000xf32, #tpu.memory_space<vmem>>[vector<16xi32>], vector<16xf32>,
    %add3A_1028 = arith.constant 16 : i32
    %add3A_1029 = vector.broadcast %add3A_1028 : i32 to vector<16xi32>
    %add3A_1030 = arith.addi %iota3A, %add3A_1029 : vector<16xi32>
    %mul3A_1031 = arith.constant 1000 : i32
    %mul3A_1032 = vector.broadcast %mul3A_1031 : i32 to vector<16xi32>
    %mul3A_1033 = arith.muli %add3A_1030, %mul3A_1032 : vector<16xi32>
    %get3A_1034 = arith.constant 23 : i32
    %get3A_1035 = arith.index_cast %get3A_1034 : i32 to index
    %get3A_1036 = arith.constant 16 : index
    %get3A_1037 = tpu.vector_load %arg5[%get3A_1035, %get3A_1036] {strides = array<i32>} : memref<32x50xi32, #tpu.memory_space<vmem>>, vector<16xi32>,
    %add3A_1038 = arith.addi %mul3A_1033, %get3A_1037 : vector<16xi32>
    tpu.vector_store_idx %arg6[%add3A_1038], %broadcast_in_dim3A_3 {add = true} : memref<50000xf32, #tpu.memory_space<vmem>>[vector<16xi32>], vector<16xf32>,
    %add3A_1039 = arith.constant 32 : i32
    %add3A_1040 = vector.broadcast %add3A_1039 : i32 to vector<16xi32>
    %add3A_1041 = arith.addi %iota3A, %add3A_1040 : vector<16xi32>
    %mul3A_1042 = arith.constant 1000 : i32
    %mul3A_1043 = vector.broadcast %mul3A_1042 : i32 to vector<16xi32>
    %mul3A_1044 = arith.muli %add3A_1041, %mul3A_1043 : vector<16xi32>
    %get3A_1045 = arith.constant 23 : i32
    %get3A_1046 = arith.index_cast %get3A_1045 : i32 to index
    %get3A_1047 = arith.constant 32 : index
    %get3A_1048 = tpu.vector_load %arg5[%get3A_1046, %get3A_1047] {strides = array<i32>} : memref<32x50xi32, #tpu.memory_space<vmem>>, vector<16xi32>,
    %add3A_1049 = arith.addi %mul3A_1044, %get3A_1048 : vector<16xi32>
    tpu.vector_store_idx %arg6[%add3A_1049], %broadcast_in_dim3A_3 {add = true} : memref<50000xf32, #tpu.memory_space<vmem>>[vector<16xi32>], vector<16xf32>,
    %add3A_1050 = arith.constant 34 : i32
    %add3A_1051 = vector.broadcast %add3A_1050 : i32 to vector<16xi32>
    %add3A_1052 = arith.addi %iota3A, %add3A_1051 : vector<16xi32>
    %mul3A_1053 = arith.constant 1000 : i32
    %mul3A_1054 = vector.broadcast %mul3A_1053 : i32 to vector<16xi32>
    %mul3A_1055 = arith.muli %add3A_1052, %mul3A_1054 : vector<16xi32>
    %get3A_1056 = arith.constant 23 : i32
    %get3A_1057 = arith.index_cast %get3A_1056 : i32 to index
    %get3A_1058 = arith.constant 34 : index
    %get3A_1059 = tpu.vector_load %arg5[%get3A_1057, %get3A_1058] {strides = array<i32>} : memref<32x50xi32, #tpu.memory_space<vmem>>, vector<16xi32>,
    %add3A_1060 = arith.addi %mul3A_1055, %get3A_1059 : vector<16xi32>
    tpu.vector_store_idx %arg6[%add3A_1060], %broadcast_in_dim3A_3 masked %ge3A_5 {add = true} : memref<50000xf32, #tpu.memory_space<vmem>>[vector<16xi32>], vector<16xf32>, vector<16xi1>
    %add3A_1061 = arith.constant 0 : i32
    %add3A_1062 = vector.broadcast %add3A_1061 : i32 to vector<16xi32>
    %add3A_1063 = arith.addi %iota3A, %add3A_1062 : vector<16xi32>
    %mul3A_1064 = arith.constant 1000 : i32
    %mul3A_1065 = vector.broadcast %mul3A_1064 : i32 to vector<16xi32>
    %mul3A_1066 = arith.muli %add3A_1063, %mul3A_1065 : vector<16xi32>
    %get3A_1067 = arith.constant 24 : i32
    %get3A_1068 = arith.index_cast %get3A_1067 : i32 to index
    %get3A_1069 = arith.constant 0 : index
    %get3A_1070 = tpu.vector_load %arg5[%get3A_1068, %get3A_1069] {strides = array<i32>} : memref<32x50xi32, #tpu.memory_space<vmem>>, vector<16xi32>,
    %add3A_1071 = arith.addi %mul3A_1066, %get3A_1070 : vector<16xi32>
    tpu.vector_store_idx %arg6[%add3A_1071], %broadcast_in_dim3A_3 {add = true} : memref<50000xf32, #tpu.memory_space<vmem>>[vector<16xi32>], vector<16xf32>,
    %add3A_1072 = arith.constant 16 : i32
    %add3A_1073 = vector.broadcast %add3A_1072 : i32 to vector<16xi32>
    %add3A_1074 = arith.addi %iota3A, %add3A_1073 : vector<16xi32>
    %mul3A_1075 = arith.constant 1000 : i32
    %mul3A_1076 = vector.broadcast %mul3A_1075 : i32 to vector<16xi32>
    %mul3A_1077 = arith.muli %add3A_1074, %mul3A_1076 : vector<16xi32>
    %get3A_1078 = arith.constant 24 : i32
    %get3A_1079 = arith.index_cast %get3A_1078 : i32 to index
    %get3A_1080 = arith.constant 16 : index
    %get3A_1081 = tpu.vector_load %arg5[%get3A_1079, %get3A_1080] {strides = array<i32>} : memref<32x50xi32, #tpu.memory_space<vmem>>, vector<16xi32>,
    %add3A_1082 = arith.addi %mul3A_1077, %get3A_1081 : vector<16xi32>
    tpu.vector_store_idx %arg6[%add3A_1082], %broadcast_in_dim3A_3 {add = true} : memref<50000xf32, #tpu.memory_space<vmem>>[vector<16xi32>], vector<16xf32>,
    %add3A_1083 = arith.constant 32 : i32
    %add3A_1084 = vector.broadcast %add3A_1083 : i32 to vector<16xi32>
    %add3A_1085 = arith.addi %iota3A, %add3A_1084 : vector<16xi32>
    %mul3A_1086 = arith.constant 1000 : i32
    %mul3A_1087 = vector.broadcast %mul3A_1086 : i32 to vector<16xi32>
    %mul3A_1088 = arith.muli %add3A_1085, %mul3A_1087 : vector<16xi32>
    %get3A_1089 = arith.constant 24 : i32
    %get3A_1090 = arith.index_cast %get3A_1089 : i32 to index
    %get3A_1091 = arith.constant 32 : index
    %get3A_1092 = tpu.vector_load %arg5[%get3A_1090, %get3A_1091] {strides = array<i32>} : memref<32x50xi32, #tpu.memory_space<vmem>>, vector<16xi32>,
    %add3A_1093 = arith.addi %mul3A_1088, %get3A_1092 : vector<16xi32>
    tpu.vector_store_idx %arg6[%add3A_1093], %broadcast_in_dim3A_3 {add = true} : memref<50000xf32, #tpu.memory_space<vmem>>[vector<16xi32>], vector<16xf32>,
    %add3A_1094 = arith.constant 34 : i32
    %add3A_1095 = vector.broadcast %add3A_1094 : i32 to vector<16xi32>
    %add3A_1096 = arith.addi %iota3A, %add3A_1095 : vector<16xi32>
    %mul3A_1097 = arith.constant 1000 : i32
    %mul3A_1098 = vector.broadcast %mul3A_1097 : i32 to vector<16xi32>
    %mul3A_1099 = arith.muli %add3A_1096, %mul3A_1098 : vector<16xi32>
    %get3A_1100 = arith.constant 24 : i32
    %get3A_1101 = arith.index_cast %get3A_1100 : i32 to index
    %get3A_1102 = arith.constant 34 : index
    %get3A_1103 = tpu.vector_load %arg5[%get3A_1101, %get3A_1102] {strides = array<i32>} : memref<32x50xi32, #tpu.memory_space<vmem>>, vector<16xi32>,
    %add3A_1104 = arith.addi %mul3A_1099, %get3A_1103 : vector<16xi32>
    tpu.vector_store_idx %arg6[%add3A_1104], %broadcast_in_dim3A_3 masked %ge3A_5 {add = true} : memref<50000xf32, #tpu.memory_space<vmem>>[vector<16xi32>], vector<16xf32>, vector<16xi1>
    %add3A_1105 = arith.constant 0 : i32
    %add3A_1106 = vector.broadcast %add3A_1105 : i32 to vector<16xi32>
    %add3A_1107 = arith.addi %iota3A, %add3A_1106 : vector<16xi32>
    %mul3A_1108 = arith.constant 1000 : i32
    %mul3A_1109 = vector.broadcast %mul3A_1108 : i32 to vector<16xi32>
    %mul3A_1110 = arith.muli %add3A_1107, %mul3A_1109 : vector<16xi32>
    %get3A_1111 = arith.constant 25 : i32
    %get3A_1112 = arith.index_cast %get3A_1111 : i32 to index
    %get3A_1113 = arith.constant 0 : index
    %get3A_1114 = tpu.vector_load %arg5[%get3A_1112, %get3A_1113] {strides = array<i32>} : memref<32x50xi32, #tpu.memory_space<vmem>>, vector<16xi32>,
    %add3A_1115 = arith.addi %mul3A_1110, %get3A_1114 : vector<16xi32>
    tpu.vector_store_idx %arg6[%add3A_1115], %broadcast_in_dim3A_3 {add = true} : memref<50000xf32, #tpu.memory_space<vmem>>[vector<16xi32>], vector<16xf32>,
    %add3A_1116 = arith.constant 16 : i32
    %add3A_1117 = vector.broadcast %add3A_1116 : i32 to vector<16xi32>
    %add3A_1118 = arith.addi %iota3A, %add3A_1117 : vector<16xi32>
    %mul3A_1119 = arith.constant 1000 : i32
    %mul3A_1120 = vector.broadcast %mul3A_1119 : i32 to vector<16xi32>
    %mul3A_1121 = arith.muli %add3A_1118, %mul3A_1120 : vector<16xi32>
    %get3A_1122 = arith.constant 25 : i32
    %get3A_1123 = arith.index_cast %get3A_1122 : i32 to index
    %get3A_1124 = arith.constant 16 : index
    %get3A_1125 = tpu.vector_load %arg5[%get3A_1123, %get3A_1124] {strides = array<i32>} : memref<32x50xi32, #tpu.memory_space<vmem>>, vector<16xi32>,
    %add3A_1126 = arith.addi %mul3A_1121, %get3A_1125 : vector<16xi32>
    tpu.vector_store_idx %arg6[%add3A_1126], %broadcast_in_dim3A_3 {add = true} : memref<50000xf32, #tpu.memory_space<vmem>>[vector<16xi32>], vector<16xf32>,
    %add3A_1127 = arith.constant 32 : i32
    %add3A_1128 = vector.broadcast %add3A_1127 : i32 to vector<16xi32>
    %add3A_1129 = arith.addi %iota3A, %add3A_1128 : vector<16xi32>
    %mul3A_1130 = arith.constant 1000 : i32
    %mul3A_1131 = vector.broadcast %mul3A_1130 : i32 to vector<16xi32>
    %mul3A_1132 = arith.muli %add3A_1129, %mul3A_1131 : vector<16xi32>
    %get3A_1133 = arith.constant 25 : i32
    %get3A_1134 = arith.index_cast %get3A_1133 : i32 to index
    %get3A_1135 = arith.constant 32 : index
    %get3A_1136 = tpu.vector_load %arg5[%get3A_1134, %get3A_1135] {strides = array<i32>} : memref<32x50xi32, #tpu.memory_space<vmem>>, vector<16xi32>,
    %add3A_1137 = arith.addi %mul3A_1132, %get3A_1136 : vector<16xi32>
    tpu.vector_store_idx %arg6[%add3A_1137], %broadcast_in_dim3A_3 {add = true} : memref<50000xf32, #tpu.memory_space<vmem>>[vector<16xi32>], vector<16xf32>,
    %add3A_1138 = arith.constant 34 : i32
    %add3A_1139 = vector.broadcast %add3A_1138 : i32 to vector<16xi32>
    %add3A_1140 = arith.addi %iota3A, %add3A_1139 : vector<16xi32>
    %mul3A_1141 = arith.constant 1000 : i32
    %mul3A_1142 = vector.broadcast %mul3A_1141 : i32 to vector<16xi32>
    %mul3A_1143 = arith.muli %add3A_1140, %mul3A_1142 : vector<16xi32>
    %get3A_1144 = arith.constant 25 : i32
    %get3A_1145 = arith.index_cast %get3A_1144 : i32 to index
    %get3A_1146 = arith.constant 34 : index
    %get3A_1147 = tpu.vector_load %arg5[%get3A_1145, %get3A_1146] {strides = array<i32>} : memref<32x50xi32, #tpu.memory_space<vmem>>, vector<16xi32>,
    %add3A_1148 = arith.addi %mul3A_1143, %get3A_1147 : vector<16xi32>
    tpu.vector_store_idx %arg6[%add3A_1148], %broadcast_in_dim3A_3 masked %ge3A_5 {add = true} : memref<50000xf32, #tpu.memory_space<vmem>>[vector<16xi32>], vector<16xf32>, vector<16xi1>
    %add3A_1149 = arith.constant 0 : i32
    %add3A_1150 = vector.broadcast %add3A_1149 : i32 to vector<16xi32>
    %add3A_1151 = arith.addi %iota3A, %add3A_1150 : vector<16xi32>
    %mul3A_1152 = arith.constant 1000 : i32
    %mul3A_1153 = vector.broadcast %mul3A_1152 : i32 to vector<16xi32>
    %mul3A_1154 = arith.muli %add3A_1151, %mul3A_1153 : vector<16xi32>
    %get3A_1155 = arith.constant 26 : i32
    %get3A_1156 = arith.index_cast %get3A_1155 : i32 to index
    %get3A_1157 = arith.constant 0 : index
    %get3A_1158 = tpu.vector_load %arg5[%get3A_1156, %get3A_1157] {strides = array<i32>} : memref<32x50xi32, #tpu.memory_space<vmem>>, vector<16xi32>,
    %add3A_1159 = arith.addi %mul3A_1154, %get3A_1158 : vector<16xi32>
    tpu.vector_store_idx %arg6[%add3A_1159], %broadcast_in_dim3A_3 {add = true} : memref<50000xf32, #tpu.memory_space<vmem>>[vector<16xi32>], vector<16xf32>,
    %add3A_1160 = arith.constant 16 : i32
    %add3A_1161 = vector.broadcast %add3A_1160 : i32 to vector<16xi32>
    %add3A_1162 = arith.addi %iota3A, %add3A_1161 : vector<16xi32>
    %mul3A_1163 = arith.constant 1000 : i32
    %mul3A_1164 = vector.broadcast %mul3A_1163 : i32 to vector<16xi32>
    %mul3A_1165 = arith.muli %add3A_1162, %mul3A_1164 : vector<16xi32>
    %get3A_1166 = arith.constant 26 : i32
    %get3A_1167 = arith.index_cast %get3A_1166 : i32 to index
    %get3A_1168 = arith.constant 16 : index
    %get3A_1169 = tpu.vector_load %arg5[%get3A_1167, %get3A_1168] {strides = array<i32>} : memref<32x50xi32, #tpu.memory_space<vmem>>, vector<16xi32>,
    %add3A_1170 = arith.addi %mul3A_1165, %get3A_1169 : vector<16xi32>
    tpu.vector_store_idx %arg6[%add3A_1170], %broadcast_in_dim3A_3 {add = true} : memref<50000xf32, #tpu.memory_space<vmem>>[vector<16xi32>], vector<16xf32>,
    %add3A_1171 = arith.constant 32 : i32
    %add3A_1172 = vector.broadcast %add3A_1171 : i32 to vector<16xi32>
    %add3A_1173 = arith.addi %iota3A, %add3A_1172 : vector<16xi32>
    %mul3A_1174 = arith.constant 1000 : i32
    %mul3A_1175 = vector.broadcast %mul3A_1174 : i32 to vector<16xi32>
    %mul3A_1176 = arith.muli %add3A_1173, %mul3A_1175 : vector<16xi32>
    %get3A_1177 = arith.constant 26 : i32
    %get3A_1178 = arith.index_cast %get3A_1177 : i32 to index
    %get3A_1179 = arith.constant 32 : index
    %get3A_1180 = tpu.vector_load %arg5[%get3A_1178, %get3A_1179] {strides = array<i32>} : memref<32x50xi32, #tpu.memory_space<vmem>>, vector<16xi32>,
    %add3A_1181 = arith.addi %mul3A_1176, %get3A_1180 : vector<16xi32>
    tpu.vector_store_idx %arg6[%add3A_1181], %broadcast_in_dim3A_3 {add = true} : memref<50000xf32, #tpu.memory_space<vmem>>[vector<16xi32>], vector<16xf32>,
    %add3A_1182 = arith.constant 34 : i32
    %add3A_1183 = vector.broadcast %add3A_1182 : i32 to vector<16xi32>
    %add3A_1184 = arith.addi %iota3A, %add3A_1183 : vector<16xi32>
    %mul3A_1185 = arith.constant 1000 : i32
    %mul3A_1186 = vector.broadcast %mul3A_1185 : i32 to vector<16xi32>
    %mul3A_1187 = arith.muli %add3A_1184, %mul3A_1186 : vector<16xi32>
    %get3A_1188 = arith.constant 26 : i32
    %get3A_1189 = arith.index_cast %get3A_1188 : i32 to index
    %get3A_1190 = arith.constant 34 : index
    %get3A_1191 = tpu.vector_load %arg5[%get3A_1189, %get3A_1190] {strides = array<i32>} : memref<32x50xi32, #tpu.memory_space<vmem>>, vector<16xi32>,
    %add3A_1192 = arith.addi %mul3A_1187, %get3A_1191 : vector<16xi32>
    tpu.vector_store_idx %arg6[%add3A_1192], %broadcast_in_dim3A_3 masked %ge3A_5 {add = true} : memref<50000xf32, #tpu.memory_space<vmem>>[vector<16xi32>], vector<16xf32>, vector<16xi1>
    %add3A_1193 = arith.constant 0 : i32
    %add3A_1194 = vector.broadcast %add3A_1193 : i32 to vector<16xi32>
    %add3A_1195 = arith.addi %iota3A, %add3A_1194 : vector<16xi32>
    %mul3A_1196 = arith.constant 1000 : i32
    %mul3A_1197 = vector.broadcast %mul3A_1196 : i32 to vector<16xi32>
    %mul3A_1198 = arith.muli %add3A_1195, %mul3A_1197 : vector<16xi32>
    %get3A_1199 = arith.constant 27 : i32
    %get3A_1200 = arith.index_cast %get3A_1199 : i32 to index
    %get3A_1201 = arith.constant 0 : index
    %get3A_1202 = tpu.vector_load %arg5[%get3A_1200, %get3A_1201] {strides = array<i32>} : memref<32x50xi32, #tpu.memory_space<vmem>>, vector<16xi32>,
    %add3A_1203 = arith.addi %mul3A_1198, %get3A_1202 : vector<16xi32>
    tpu.vector_store_idx %arg6[%add3A_1203], %broadcast_in_dim3A_3 {add = true} : memref<50000xf32, #tpu.memory_space<vmem>>[vector<16xi32>], vector<16xf32>,
    %add3A_1204 = arith.constant 16 : i32
    %add3A_1205 = vector.broadcast %add3A_1204 : i32 to vector<16xi32>
    %add3A_1206 = arith.addi %iota3A, %add3A_1205 : vector<16xi32>
    %mul3A_1207 = arith.constant 1000 : i32
    %mul3A_1208 = vector.broadcast %mul3A_1207 : i32 to vector<16xi32>
    %mul3A_1209 = arith.muli %add3A_1206, %mul3A_1208 : vector<16xi32>
    %get3A_1210 = arith.constant 27 : i32
    %get3A_1211 = arith.index_cast %get3A_1210 : i32 to index
    %get3A_1212 = arith.constant 16 : index
    %get3A_1213 = tpu.vector_load %arg5[%get3A_1211, %get3A_1212] {strides = array<i32>} : memref<32x50xi32, #tpu.memory_space<vmem>>, vector<16xi32>,
    %add3A_1214 = arith.addi %mul3A_1209, %get3A_1213 : vector<16xi32>
    tpu.vector_store_idx %arg6[%add3A_1214], %broadcast_in_dim3A_3 {add = true} : memref<50000xf32, #tpu.memory_space<vmem>>[vector<16xi32>], vector<16xf32>,
    %add3A_1215 = arith.constant 32 : i32
    %add3A_1216 = vector.broadcast %add3A_1215 : i32 to vector<16xi32>
    %add3A_1217 = arith.addi %iota3A, %add3A_1216 : vector<16xi32>
    %mul3A_1218 = arith.constant 1000 : i32
    %mul3A_1219 = vector.broadcast %mul3A_1218 : i32 to vector<16xi32>
    %mul3A_1220 = arith.muli %add3A_1217, %mul3A_1219 : vector<16xi32>
    %get3A_1221 = arith.constant 27 : i32
    %get3A_1222 = arith.index_cast %get3A_1221 : i32 to index
    %get3A_1223 = arith.constant 32 : index
    %get3A_1224 = tpu.vector_load %arg5[%get3A_1222, %get3A_1223] {strides = array<i32>} : memref<32x50xi32, #tpu.memory_space<vmem>>, vector<16xi32>,
    %add3A_1225 = arith.addi %mul3A_1220, %get3A_1224 : vector<16xi32>
    tpu.vector_store_idx %arg6[%add3A_1225], %broadcast_in_dim3A_3 {add = true} : memref<50000xf32, #tpu.memory_space<vmem>>[vector<16xi32>], vector<16xf32>,
    %add3A_1226 = arith.constant 34 : i32
    %add3A_1227 = vector.broadcast %add3A_1226 : i32 to vector<16xi32>
    %add3A_1228 = arith.addi %iota3A, %add3A_1227 : vector<16xi32>
    %mul3A_1229 = arith.constant 1000 : i32
    %mul3A_1230 = vector.broadcast %mul3A_1229 : i32 to vector<16xi32>
    %mul3A_1231 = arith.muli %add3A_1228, %mul3A_1230 : vector<16xi32>
    %get3A_1232 = arith.constant 27 : i32
    %get3A_1233 = arith.index_cast %get3A_1232 : i32 to index
    %get3A_1234 = arith.constant 34 : index
    %get3A_1235 = tpu.vector_load %arg5[%get3A_1233, %get3A_1234] {strides = array<i32>} : memref<32x50xi32, #tpu.memory_space<vmem>>, vector<16xi32>,
    %add3A_1236 = arith.addi %mul3A_1231, %get3A_1235 : vector<16xi32>
    tpu.vector_store_idx %arg6[%add3A_1236], %broadcast_in_dim3A_3 masked %ge3A_5 {add = true} : memref<50000xf32, #tpu.memory_space<vmem>>[vector<16xi32>], vector<16xf32>, vector<16xi1>
    %add3A_1237 = arith.constant 0 : i32
    %add3A_1238 = vector.broadcast %add3A_1237 : i32 to vector<16xi32>
    %add3A_1239 = arith.addi %iota3A, %add3A_1238 : vector<16xi32>
    %mul3A_1240 = arith.constant 1000 : i32
    %mul3A_1241 = vector.broadcast %mul3A_1240 : i32 to vector<16xi32>
    %mul3A_1242 = arith.muli %add3A_1239, %mul3A_1241 : vector<16xi32>
    %get3A_1243 = arith.constant 28 : i32
    %get3A_1244 = arith.index_cast %get3A_1243 : i32 to index
    %get3A_1245 = arith.constant 0 : index
    %get3A_1246 = tpu.vector_load %arg5[%get3A_1244, %get3A_1245] {strides = array<i32>} : memref<32x50xi32, #tpu.memory_space<vmem>>, vector<16xi32>,
    %add3A_1247 = arith.addi %mul3A_1242, %get3A_1246 : vector<16xi32>
    tpu.vector_store_idx %arg6[%add3A_1247], %broadcast_in_dim3A_3 {add = true} : memref<50000xf32, #tpu.memory_space<vmem>>[vector<16xi32>], vector<16xf32>,
    %add3A_1248 = arith.constant 16 : i32
    %add3A_1249 = vector.broadcast %add3A_1248 : i32 to vector<16xi32>
    %add3A_1250 = arith.addi %iota3A, %add3A_1249 : vector<16xi32>
    %mul3A_1251 = arith.constant 1000 : i32
    %mul3A_1252 = vector.broadcast %mul3A_1251 : i32 to vector<16xi32>
    %mul3A_1253 = arith.muli %add3A_1250, %mul3A_1252 : vector<16xi32>
    %get3A_1254 = arith.constant 28 : i32
    %get3A_1255 = arith.index_cast %get3A_1254 : i32 to index
    %get3A_1256 = arith.constant 16 : index
    %get3A_1257 = tpu.vector_load %arg5[%get3A_1255, %get3A_1256] {strides = array<i32>} : memref<32x50xi32, #tpu.memory_space<vmem>>, vector<16xi32>,
    %add3A_1258 = arith.addi %mul3A_1253, %get3A_1257 : vector<16xi32>
    tpu.vector_store_idx %arg6[%add3A_1258], %broadcast_in_dim3A_3 {add = true} : memref<50000xf32, #tpu.memory_space<vmem>>[vector<16xi32>], vector<16xf32>,
    %add3A_1259 = arith.constant 32 : i32
    %add3A_1260 = vector.broadcast %add3A_1259 : i32 to vector<16xi32>
    %add3A_1261 = arith.addi %iota3A, %add3A_1260 : vector<16xi32>
    %mul3A_1262 = arith.constant 1000 : i32
    %mul3A_1263 = vector.broadcast %mul3A_1262 : i32 to vector<16xi32>
    %mul3A_1264 = arith.muli %add3A_1261, %mul3A_1263 : vector<16xi32>
    %get3A_1265 = arith.constant 28 : i32
    %get3A_1266 = arith.index_cast %get3A_1265 : i32 to index
    %get3A_1267 = arith.constant 32 : index
    %get3A_1268 = tpu.vector_load %arg5[%get3A_1266, %get3A_1267] {strides = array<i32>} : memref<32x50xi32, #tpu.memory_space<vmem>>, vector<16xi32>,
    %add3A_1269 = arith.addi %mul3A_1264, %get3A_1268 : vector<16xi32>
    tpu.vector_store_idx %arg6[%add3A_1269], %broadcast_in_dim3A_3 {add = true} : memref<50000xf32, #tpu.memory_space<vmem>>[vector<16xi32>], vector<16xf32>,
    %add3A_1270 = arith.constant 34 : i32
    %add3A_1271 = vector.broadcast %add3A_1270 : i32 to vector<16xi32>
    %add3A_1272 = arith.addi %iota3A, %add3A_1271 : vector<16xi32>
    %mul3A_1273 = arith.constant 1000 : i32
    %mul3A_1274 = vector.broadcast %mul3A_1273 : i32 to vector<16xi32>
    %mul3A_1275 = arith.muli %add3A_1272, %mul3A_1274 : vector<16xi32>
    %get3A_1276 = arith.constant 28 : i32
    %get3A_1277 = arith.index_cast %get3A_1276 : i32 to index
    %get3A_1278 = arith.constant 34 : index
    %get3A_1279 = tpu.vector_load %arg5[%get3A_1277, %get3A_1278] {strides = array<i32>} : memref<32x50xi32, #tpu.memory_space<vmem>>, vector<16xi32>,
    %add3A_1280 = arith.addi %mul3A_1275, %get3A_1279 : vector<16xi32>
    tpu.vector_store_idx %arg6[%add3A_1280], %broadcast_in_dim3A_3 masked %ge3A_5 {add = true} : memref<50000xf32, #tpu.memory_space<vmem>>[vector<16xi32>], vector<16xf32>, vector<16xi1>
    %add3A_1281 = arith.constant 0 : i32
    %add3A_1282 = vector.broadcast %add3A_1281 : i32 to vector<16xi32>
    %add3A_1283 = arith.addi %iota3A, %add3A_1282 : vector<16xi32>
    %mul3A_1284 = arith.constant 1000 : i32
    %mul3A_1285 = vector.broadcast %mul3A_1284 : i32 to vector<16xi32>
    %mul3A_1286 = arith.muli %add3A_1283, %mul3A_1285 : vector<16xi32>
    %get3A_1287 = arith.constant 29 : i32
    %get3A_1288 = arith.index_cast %get3A_1287 : i32 to index
    %get3A_1289 = arith.constant 0 : index
    %get3A_1290 = tpu.vector_load %arg5[%get3A_1288, %get3A_1289] {strides = array<i32>} : memref<32x50xi32, #tpu.memory_space<vmem>>, vector<16xi32>,
    %add3A_1291 = arith.addi %mul3A_1286, %get3A_1290 : vector<16xi32>
    tpu.vector_store_idx %arg6[%add3A_1291], %broadcast_in_dim3A_3 {add = true} : memref<50000xf32, #tpu.memory_space<vmem>>[vector<16xi32>], vector<16xf32>,
    %add3A_1292 = arith.constant 16 : i32
    %add3A_1293 = vector.broadcast %add3A_1292 : i32 to vector<16xi32>
    %add3A_1294 = arith.addi %iota3A, %add3A_1293 : vector<16xi32>
    %mul3A_1295 = arith.constant 1000 : i32
    %mul3A_1296 = vector.broadcast %mul3A_1295 : i32 to vector<16xi32>
    %mul3A_1297 = arith.muli %add3A_1294, %mul3A_1296 : vector<16xi32>
    %get3A_1298 = arith.constant 29 : i32
    %get3A_1299 = arith.index_cast %get3A_1298 : i32 to index
    %get3A_1300 = arith.constant 16 : index
    %get3A_1301 = tpu.vector_load %arg5[%get3A_1299, %get3A_1300] {strides = array<i32>} : memref<32x50xi32, #tpu.memory_space<vmem>>, vector<16xi32>,
    %add3A_1302 = arith.addi %mul3A_1297, %get3A_1301 : vector<16xi32>
    tpu.vector_store_idx %arg6[%add3A_1302], %broadcast_in_dim3A_3 {add = true} : memref<50000xf32, #tpu.memory_space<vmem>>[vector<16xi32>], vector<16xf32>,
    %add3A_1303 = arith.constant 32 : i32
    %add3A_1304 = vector.broadcast %add3A_1303 : i32 to vector<16xi32>
    %add3A_1305 = arith.addi %iota3A, %add3A_1304 : vector<16xi32>
    %mul3A_1306 = arith.constant 1000 : i32
    %mul3A_1307 = vector.broadcast %mul3A_1306 : i32 to vector<16xi32>
    %mul3A_1308 = arith.muli %add3A_1305, %mul3A_1307 : vector<16xi32>
    %get3A_1309 = arith.constant 29 : i32
    %get3A_1310 = arith.index_cast %get3A_1309 : i32 to index
    %get3A_1311 = arith.constant 32 : index
    %get3A_1312 = tpu.vector_load %arg5[%get3A_1310, %get3A_1311] {strides = array<i32>} : memref<32x50xi32, #tpu.memory_space<vmem>>, vector<16xi32>,
    %add3A_1313 = arith.addi %mul3A_1308, %get3A_1312 : vector<16xi32>
    tpu.vector_store_idx %arg6[%add3A_1313], %broadcast_in_dim3A_3 {add = true} : memref<50000xf32, #tpu.memory_space<vmem>>[vector<16xi32>], vector<16xf32>,
    %add3A_1314 = arith.constant 34 : i32
    %add3A_1315 = vector.broadcast %add3A_1314 : i32 to vector<16xi32>
    %add3A_1316 = arith.addi %iota3A, %add3A_1315 : vector<16xi32>
    %mul3A_1317 = arith.constant 1000 : i32
    %mul3A_1318 = vector.broadcast %mul3A_1317 : i32 to vector<16xi32>
    %mul3A_1319 = arith.muli %add3A_1316, %mul3A_1318 : vector<16xi32>
    %get3A_1320 = arith.constant 29 : i32
    %get3A_1321 = arith.index_cast %get3A_1320 : i32 to index
    %get3A_1322 = arith.constant 34 : index
    %get3A_1323 = tpu.vector_load %arg5[%get3A_1321, %get3A_1322] {strides = array<i32>} : memref<32x50xi32, #tpu.memory_space<vmem>>, vector<16xi32>,
    %add3A_1324 = arith.addi %mul3A_1319, %get3A_1323 : vector<16xi32>
    tpu.vector_store_idx %arg6[%add3A_1324], %broadcast_in_dim3A_3 masked %ge3A_5 {add = true} : memref<50000xf32, #tpu.memory_space<vmem>>[vector<16xi32>], vector<16xf32>, vector<16xi1>
    %add3A_1325 = arith.constant 0 : i32
    %add3A_1326 = vector.broadcast %add3A_1325 : i32 to vector<16xi32>
    %add3A_1327 = arith.addi %iota3A, %add3A_1326 : vector<16xi32>
    %mul3A_1328 = arith.constant 1000 : i32
    %mul3A_1329 = vector.broadcast %mul3A_1328 : i32 to vector<16xi32>
    %mul3A_1330 = arith.muli %add3A_1327, %mul3A_1329 : vector<16xi32>
    %get3A_1331 = arith.constant 30 : i32
    %get3A_1332 = arith.index_cast %get3A_1331 : i32 to index
    %get3A_1333 = arith.constant 0 : index
    %get3A_1334 = tpu.vector_load %arg5[%get3A_1332, %get3A_1333] {strides = array<i32>} : memref<32x50xi32, #tpu.memory_space<vmem>>, vector<16xi32>,
    %add3A_1335 = arith.addi %mul3A_1330, %get3A_1334 : vector<16xi32>
    tpu.vector_store_idx %arg6[%add3A_1335], %broadcast_in_dim3A_3 {add = true} : memref<50000xf32, #tpu.memory_space<vmem>>[vector<16xi32>], vector<16xf32>,
    %add3A_1336 = arith.constant 16 : i32
    %add3A_1337 = vector.broadcast %add3A_1336 : i32 to vector<16xi32>
    %add3A_1338 = arith.addi %iota3A, %add3A_1337 : vector<16xi32>
    %mul3A_1339 = arith.constant 1000 : i32
    %mul3A_1340 = vector.broadcast %mul3A_1339 : i32 to vector<16xi32>
    %mul3A_1341 = arith.muli %add3A_1338, %mul3A_1340 : vector<16xi32>
    %get3A_1342 = arith.constant 30 : i32
    %get3A_1343 = arith.index_cast %get3A_1342 : i32 to index
    %get3A_1344 = arith.constant 16 : index
    %get3A_1345 = tpu.vector_load %arg5[%get3A_1343, %get3A_1344] {strides = array<i32>} : memref<32x50xi32, #tpu.memory_space<vmem>>, vector<16xi32>,
    %add3A_1346 = arith.addi %mul3A_1341, %get3A_1345 : vector<16xi32>
    tpu.vector_store_idx %arg6[%add3A_1346], %broadcast_in_dim3A_3 {add = true} : memref<50000xf32, #tpu.memory_space<vmem>>[vector<16xi32>], vector<16xf32>,
    %add3A_1347 = arith.constant 32 : i32
    %add3A_1348 = vector.broadcast %add3A_1347 : i32 to vector<16xi32>
    %add3A_1349 = arith.addi %iota3A, %add3A_1348 : vector<16xi32>
    %mul3A_1350 = arith.constant 1000 : i32
    %mul3A_1351 = vector.broadcast %mul3A_1350 : i32 to vector<16xi32>
    %mul3A_1352 = arith.muli %add3A_1349, %mul3A_1351 : vector<16xi32>
    %get3A_1353 = arith.constant 30 : i32
    %get3A_1354 = arith.index_cast %get3A_1353 : i32 to index
    %get3A_1355 = arith.constant 32 : index
    %get3A_1356 = tpu.vector_load %arg5[%get3A_1354, %get3A_1355] {strides = array<i32>} : memref<32x50xi32, #tpu.memory_space<vmem>>, vector<16xi32>,
    %add3A_1357 = arith.addi %mul3A_1352, %get3A_1356 : vector<16xi32>
    tpu.vector_store_idx %arg6[%add3A_1357], %broadcast_in_dim3A_3 {add = true} : memref<50000xf32, #tpu.memory_space<vmem>>[vector<16xi32>], vector<16xf32>,
    %add3A_1358 = arith.constant 34 : i32
    %add3A_1359 = vector.broadcast %add3A_1358 : i32 to vector<16xi32>
    %add3A_1360 = arith.addi %iota3A, %add3A_1359 : vector<16xi32>
    %mul3A_1361 = arith.constant 1000 : i32
    %mul3A_1362 = vector.broadcast %mul3A_1361 : i32 to vector<16xi32>
    %mul3A_1363 = arith.muli %add3A_1360, %mul3A_1362 : vector<16xi32>
    %get3A_1364 = arith.constant 30 : i32
    %get3A_1365 = arith.index_cast %get3A_1364 : i32 to index
    %get3A_1366 = arith.constant 34 : index
    %get3A_1367 = tpu.vector_load %arg5[%get3A_1365, %get3A_1366] {strides = array<i32>} : memref<32x50xi32, #tpu.memory_space<vmem>>, vector<16xi32>,
    %add3A_1368 = arith.addi %mul3A_1363, %get3A_1367 : vector<16xi32>
    tpu.vector_store_idx %arg6[%add3A_1368], %broadcast_in_dim3A_3 masked %ge3A_5 {add = true} : memref<50000xf32, #tpu.memory_space<vmem>>[vector<16xi32>], vector<16xf32>, vector<16xi1>
    %add3A_1369 = arith.constant 0 : i32
    %add3A_1370 = vector.broadcast %add3A_1369 : i32 to vector<16xi32>
    %add3A_1371 = arith.addi %iota3A, %add3A_1370 : vector<16xi32>
    %mul3A_1372 = arith.constant 1000 : i32
    %mul3A_1373 = vector.broadcast %mul3A_1372 : i32 to vector<16xi32>
    %mul3A_1374 = arith.muli %add3A_1371, %mul3A_1373 : vector<16xi32>
    %get3A_1375 = arith.constant 31 : i32
    %get3A_1376 = arith.index_cast %get3A_1375 : i32 to index
    %get3A_1377 = arith.constant 0 : index
    %get3A_1378 = tpu.vector_load %arg5[%get3A_1376, %get3A_1377] {strides = array<i32>} : memref<32x50xi32, #tpu.memory_space<vmem>>, vector<16xi32>,
    %add3A_1379 = arith.addi %mul3A_1374, %get3A_1378 : vector<16xi32>
    tpu.vector_store_idx %arg6[%add3A_1379], %broadcast_in_dim3A_3 {add = true} : memref<50000xf32, #tpu.memory_space<vmem>>[vector<16xi32>], vector<16xf32>,
    %add3A_1380 = arith.constant 16 : i32
    %add3A_1381 = vector.broadcast %add3A_1380 : i32 to vector<16xi32>
    %add3A_1382 = arith.addi %iota3A, %add3A_1381 : vector<16xi32>
    %mul3A_1383 = arith.constant 1000 : i32
    %mul3A_1384 = vector.broadcast %mul3A_1383 : i32 to vector<16xi32>
    %mul3A_1385 = arith.muli %add3A_1382, %mul3A_1384 : vector<16xi32>
    %get3A_1386 = arith.constant 31 : i32
    %get3A_1387 = arith.index_cast %get3A_1386 : i32 to index
    %get3A_1388 = arith.constant 16 : index
    %get3A_1389 = tpu.vector_load %arg5[%get3A_1387, %get3A_1388] {strides = array<i32>} : memref<32x50xi32, #tpu.memory_space<vmem>>, vector<16xi32>,
    %add3A_1390 = arith.addi %mul3A_1385, %get3A_1389 : vector<16xi32>
    tpu.vector_store_idx %arg6[%add3A_1390], %broadcast_in_dim3A_3 {add = true} : memref<50000xf32, #tpu.memory_space<vmem>>[vector<16xi32>], vector<16xf32>,
    %add3A_1391 = arith.constant 32 : i32
    %add3A_1392 = vector.broadcast %add3A_1391 : i32 to vector<16xi32>
    %add3A_1393 = arith.addi %iota3A, %add3A_1392 : vector<16xi32>
    %mul3A_1394 = arith.constant 1000 : i32
    %mul3A_1395 = vector.broadcast %mul3A_1394 : i32 to vector<16xi32>
    %mul3A_1396 = arith.muli %add3A_1393, %mul3A_1395 : vector<16xi32>
    %get3A_1397 = arith.constant 31 : i32
    %get3A_1398 = arith.index_cast %get3A_1397 : i32 to index
    %get3A_1399 = arith.constant 32 : index
    %get3A_1400 = tpu.vector_load %arg5[%get3A_1398, %get3A_1399] {strides = array<i32>} : memref<32x50xi32, #tpu.memory_space<vmem>>, vector<16xi32>,
    %add3A_1401 = arith.addi %mul3A_1396, %get3A_1400 : vector<16xi32>
    tpu.vector_store_idx %arg6[%add3A_1401], %broadcast_in_dim3A_3 {add = true} : memref<50000xf32, #tpu.memory_space<vmem>>[vector<16xi32>], vector<16xf32>,
    %add3A_1402 = arith.constant 34 : i32
    %add3A_1403 = vector.broadcast %add3A_1402 : i32 to vector<16xi32>
    %add3A_1404 = arith.addi %iota3A, %add3A_1403 : vector<16xi32>
    %mul3A_1405 = arith.constant 1000 : i32
    %mul3A_1406 = vector.broadcast %mul3A_1405 : i32 to vector<16xi32>
    %mul3A_1407 = arith.muli %add3A_1404, %mul3A_1406 : vector<16xi32>
    %get3A_1408 = arith.constant 31 : i32
    %get3A_1409 = arith.index_cast %get3A_1408 : i32 to index
    %get3A_1410 = arith.constant 34 : index
    %get3A_1411 = tpu.vector_load %arg5[%get3A_1409, %get3A_1410] {strides = array<i32>} : memref<32x50xi32, #tpu.memory_space<vmem>>, vector<16xi32>,
    %add3A_1412 = arith.addi %mul3A_1407, %get3A_1411 : vector<16xi32>
    tpu.vector_store_idx %arg6[%add3A_1412], %broadcast_in_dim3A_3 masked %ge3A_5 {add = true} : memref<50000xf32, #tpu.memory_space<vmem>>[vector<16xi32>], vector<16xf32>, vector<16xi1>
    "tpu.region"() ({
      %run_scoped3A = tpu.sem_alloc : memref<!tpu.dma_semaphore, #tpu.memory_space<semaphore_mem>>
      %dma_start3A = arith.constant 0 : i32
      %dma_start3A_1413 = tpu.memref_slice %arg4[%add3A, %dma_start3A] : memref<32x50000xf32, #tpu.memory_space<hbm>> -> memref<1x50000xf32, #tpu.memory_space<hbm>>
      %dma_start3A_1414 = tpu.memref_squeeze %dma_start3A_1413 : memref<1x50000xf32, #tpu.memory_space<hbm>> -> memref<50000xf32, #tpu.memory_space<hbm>>
      %dma_start3A_1415 = arith.constant 0 : i32
      %dma_start3A_1416 = tpu.memref_slice %arg4[%add3A, %dma_start3A_1415] : memref<32x50000xf32, #tpu.memory_space<hbm>> -> memref<1x50000xf32, #tpu.memory_space<hbm>>
      %dma_start3A_1417 = tpu.memref_squeeze %dma_start3A_1416 : memref<1x50000xf32, #tpu.memory_space<hbm>> -> memref<50000xf32, #tpu.memory_space<hbm>>
      tpu.enqueue_dma source(%arg6 : memref<50000xf32, #tpu.memory_space<vmem>>) target(%dma_start3A_1417 : memref<50000xf32, #tpu.memory_space<hbm>>) target_semaphore(%run_scoped3A : memref<!tpu.dma_semaphore, #tpu.memory_space<semaphore_mem>>)
      %dma_wait3A = arith.constant 0 : i32
      %dma_wait3A_1418 = tpu.memref_slice %arg4[%add3A, %dma_wait3A] : memref<32x50000xf32, #tpu.memory_space<hbm>> -> memref<1x50000xf32, #tpu.memory_space<hbm>>
      %dma_wait3A_1419 = tpu.memref_squeeze %dma_wait3A_1418 : memref<1x50000xf32, #tpu.memory_space<hbm>> -> memref<50000xf32, #tpu.memory_space<hbm>>
      %dma_wait3A_1420 = arith.constant 0 : i32
      %dma_wait3A_1421 = tpu.memref_slice %arg4[%add3A, %dma_wait3A_1420] : memref<32x50000xf32, #tpu.memory_space<hbm>> -> memref<1x50000xf32, #tpu.memory_space<hbm>>
      %dma_wait3A_1422 = tpu.memref_squeeze %dma_wait3A_1421 : memref<1x50000xf32, #tpu.memory_space<hbm>> -> memref<50000xf32, #tpu.memory_space<hbm>>
      tpu.wait_dma2 semaphore(%run_scoped3A : memref<!tpu.dma_semaphore, #tpu.memory_space<semaphore_mem>>) src(%arg6 : memref<50000xf32, #tpu.memory_space<vmem>>) dst(%dma_wait3A_1422 : memref<50000xf32, #tpu.memory_space<hbm>>)
      tpu.yield
    }) : () -> ()
    return
  }
}

#map = affine_map<(d0, d1) -> (0)>
module attributes {stable_mosaic.version = 14 : i64} {
  func.func @_main_body(%arg0: i32, %arg1: i32, %arg2: memref<1000000xf32, #tpu.memory_space<hbm>>, %arg3: memref<50000xf32, #tpu.memory_space<hbm>>, %arg4: memref<51200xi32, #tpu.memory_space<hbm>>, %arg5: memref<51200000xf32, #tpu.memory_space<hbm>>, %arg6: memref<32000xf32, #tpu.memory_space<vmem>>, %arg7: memref<1600xf32, #tpu.memory_space<vmem>>, %arg8: memref<1024xi32, #tpu.memory_space<vmem>>, %arg9: memref<1024xi32, #tpu.memory_space<vmem>>, %arg10: memref<32768xf32, #tpu.memory_space<vmem>>, %arg11: memref<32768xf32, #tpu.memory_space<vmem>>, %arg12: memref<!tpu.dma_semaphore, #tpu.memory_space<semaphore_mem>>, %arg13: memref<!tpu.dma_semaphore, #tpu.memory_space<semaphore_mem>>, %arg14: memref<!tpu.dma_semaphore, #tpu.memory_space<semaphore_mem>>, %arg15: memref<!tpu.dma_semaphore, #tpu.memory_space<semaphore_mem>>) attributes {dimension_semantics = [#tpu.dimension_semantics<core_parallel>, #tpu.dimension_semantics<subcore_parallel>], iteration_bounds = array<i64: 2, 16>, scalar_prefetch = 0 : i64, scratch_operands = 10 : i64, tpu.core_type = #tpu.core_type<sc_vector_subcore>, window_params = [{transform_indices = #map}, {transform_indices = #map}, {transform_indices = #map}, {transform_indices = #map}]} {
    %mul3A = arith.constant 2 : i32
    %mul3A_0 = arith.muli %arg1, %mul3A : i32
    %add3A = arith.addi %mul3A_0, %arg0 : i32
    %mul3A_1 = arith.constant 32 : i32
    %mul3A_2 = arith.muli %add3A, %mul3A_1 : i32
    %min3A = arith.constant 968 : i32
    %min3A_3 = arith.minsi %mul3A_2, %min3A : i32
    %mul3A_4 = arith.constant 1000 : i32
    %mul3A_5 = arith.muli %min3A_3, %mul3A_4 : i32
    "tpu.region"() ({
      %run_scoped3A = tpu.sem_alloc : memref<!tpu.dma_semaphore, #tpu.memory_space<semaphore_mem>>
      %dma_start3A_23 = tpu.memref_slice %arg2[%mul3A_5] : memref<1000000xf32, #tpu.memory_space<hbm>> -> memref<32000xf32, #tpu.memory_space<hbm>>
      %dma_start3A_24 = tpu.memref_slice %arg2[%mul3A_5] : memref<1000000xf32, #tpu.memory_space<hbm>> -> memref<32000xf32, #tpu.memory_space<hbm>>
      tpu.enqueue_dma source(%dma_start3A_24 : memref<32000xf32, #tpu.memory_space<hbm>>) target(%arg6 : memref<32000xf32, #tpu.memory_space<vmem>>) target_semaphore(%run_scoped3A : memref<!tpu.dma_semaphore, #tpu.memory_space<semaphore_mem>>)
      %dma_wait3A_25 = tpu.memref_slice %arg2[%mul3A_5] : memref<1000000xf32, #tpu.memory_space<hbm>> -> memref<32000xf32, #tpu.memory_space<hbm>>
      %dma_wait3A_26 = tpu.memref_slice %arg2[%mul3A_5] : memref<1000000xf32, #tpu.memory_space<hbm>> -> memref<32000xf32, #tpu.memory_space<hbm>>
      tpu.wait_dma2 semaphore(%run_scoped3A : memref<!tpu.dma_semaphore, #tpu.memory_space<semaphore_mem>>) src(%dma_wait3A_26 : memref<32000xf32, #tpu.memory_space<hbm>>) dst(%arg6 : memref<32000xf32, #tpu.memory_space<vmem>>)
      tpu.yield
    }) : () -> ()
    %mul3A_6 = arith.constant 50 : i32
    %mul3A_7 = arith.muli %min3A_3, %mul3A_6 : i32
    "tpu.region"() ({
      %run_scoped3A = tpu.sem_alloc : memref<!tpu.dma_semaphore, #tpu.memory_space<semaphore_mem>>
      %dma_start3A_23 = tpu.memref_slice %arg3[%mul3A_7] : memref<50000xf32, #tpu.memory_space<hbm>> -> memref<1600xf32, #tpu.memory_space<hbm>>
      %dma_start3A_24 = tpu.memref_slice %arg3[%mul3A_7] : memref<50000xf32, #tpu.memory_space<hbm>> -> memref<1600xf32, #tpu.memory_space<hbm>>
      tpu.enqueue_dma source(%dma_start3A_24 : memref<1600xf32, #tpu.memory_space<hbm>>) target(%arg7 : memref<1600xf32, #tpu.memory_space<vmem>>) target_semaphore(%run_scoped3A : memref<!tpu.dma_semaphore, #tpu.memory_space<semaphore_mem>>)
      %dma_wait3A_25 = tpu.memref_slice %arg3[%mul3A_7] : memref<50000xf32, #tpu.memory_space<hbm>> -> memref<1600xf32, #tpu.memory_space<hbm>>
      %dma_wait3A_26 = tpu.memref_slice %arg3[%mul3A_7] : memref<50000xf32, #tpu.memory_space<hbm>> -> memref<1600xf32, #tpu.memory_space<hbm>>
      tpu.wait_dma2 semaphore(%run_scoped3A : memref<!tpu.dma_semaphore, #tpu.memory_space<semaphore_mem>>) src(%dma_wait3A_26 : memref<1600xf32, #tpu.memory_space<hbm>>) dst(%arg7 : memref<1600xf32, #tpu.memory_space<vmem>>)
      tpu.yield
    }) : () -> ()
    %iota3A = tpu.iota {dimensions = array<i32: 0>} : vector<16xi32>
    %dma_start3A = arith.constant 0 : i32
    %dma_start3A_8 = tpu.memref_slice %arg4[%dma_start3A] : memref<51200xi32, #tpu.memory_space<hbm>> -> memref<1024xi32, #tpu.memory_space<hbm>>
    %dma_start3A_9 = arith.constant 0 : i32
    %dma_start3A_10 = tpu.memref_slice %arg4[%dma_start3A_9] : memref<51200xi32, #tpu.memory_space<hbm>> -> memref<1024xi32, #tpu.memory_space<hbm>>
    tpu.enqueue_dma source(%dma_start3A_10 : memref<1024xi32, #tpu.memory_space<hbm>>) target(%arg8 : memref<1024xi32, #tpu.memory_space<vmem>>) target_semaphore(%arg12 : memref<!tpu.dma_semaphore, #tpu.memory_space<semaphore_mem>>)
    %scan3A = arith.constant 0 : i32
    %scan3A_11 = arith.constant 0 : i32
    %scan3A_12 = arith.constant 25 : i32
    %scan3A_13 = arith.addi %scan3A_11, %scan3A_12 : i32
    %scan3A_14 = arith.constant 1 : i32
    scf.for %scan3A_23 = %scan3A_11 to %scan3A_13 step %scan3A_14  : i32 {
      %mul3A_24 = arith.constant 2 : i32
      %mul3A_25 = arith.muli %mul3A_24, %scan3A_23 : i32
      %add3A_26 = arith.constant 1 : i32
      %add3A_27 = arith.addi %mul3A_25, %add3A_26 : i32
      %lt3A = arith.constant 50 : i32
      %lt3A_28 = arith.cmpi slt, %add3A_27, %lt3A : i32
      %convert_element_type3A = arith.extui %lt3A_28 : i1 to i32
      %cond3A = arith.constant 0 : i32
      %cond3A_29 = arith.cmpi ne, %convert_element_type3A, %cond3A : i32
      scf.if %cond3A_29 {
        %add3A_333 = arith.constant 1 : i32
        %add3A_334 = arith.addi %mul3A_25, %add3A_333 : i32
        %mul3A_335 = arith.constant 1024 : i32
        %mul3A_336 = arith.muli %add3A_334, %mul3A_335 : i32
        %dma_start3A_337 = tpu.memref_slice %arg4[%mul3A_336] : memref<51200xi32, #tpu.memory_space<hbm>> -> memref<1024xi32, #tpu.memory_space<hbm>>
        %dma_start3A_338 = tpu.memref_slice %arg4[%mul3A_336] : memref<51200xi32, #tpu.memory_space<hbm>> -> memref<1024xi32, #tpu.memory_space<hbm>>
        tpu.enqueue_dma source(%dma_start3A_338 : memref<1024xi32, #tpu.memory_space<hbm>>) target(%arg9 : memref<1024xi32, #tpu.memory_space<vmem>>) target_semaphore(%arg13 : memref<!tpu.dma_semaphore, #tpu.memory_space<semaphore_mem>>)
      } else {
      }
      %mul3A_30 = arith.constant 1024 : i32
      %mul3A_31 = arith.muli %mul3A_25, %mul3A_30 : i32
      %dma_wait3A_32 = tpu.memref_slice %arg4[%mul3A_31] : memref<51200xi32, #tpu.memory_space<hbm>> -> memref<1024xi32, #tpu.memory_space<hbm>>
      %dma_wait3A_33 = tpu.memref_slice %arg4[%mul3A_31] : memref<51200xi32, #tpu.memory_space<hbm>> -> memref<1024xi32, #tpu.memory_space<hbm>>
      tpu.wait_dma2 semaphore(%arg12 : memref<!tpu.dma_semaphore, #tpu.memory_space<semaphore_mem>>) src(%dma_wait3A_33 : memref<1024xi32, #tpu.memory_space<hbm>>) dst(%arg8 : memref<1024xi32, #tpu.memory_space<vmem>>)
      %ge3A = arith.constant 2 : i32
      %ge3A_34 = arith.cmpi sge, %mul3A_25, %ge3A : i32
      %convert_element_type3A_35 = arith.extui %ge3A_34 : i1 to i32
      %cond3A_36 = arith.constant 0 : i32
      %cond3A_37 = arith.cmpi ne, %convert_element_type3A_35, %cond3A_36 : i32
      scf.if %cond3A_37 {
        %dma_wait3A_333 = arith.constant 0 : i32
        %dma_wait3A_334 = tpu.memref_slice %arg5[%dma_wait3A_333] : memref<51200000xf32, #tpu.memory_space<hbm>> -> memref<32768xf32, #tpu.memory_space<hbm>>
        %dma_wait3A_335 = arith.constant 0 : i32
        %dma_wait3A_336 = tpu.memref_slice %arg5[%dma_wait3A_335] : memref<51200000xf32, #tpu.memory_space<hbm>> -> memref<32768xf32, #tpu.memory_space<hbm>>
        tpu.wait_dma2 semaphore(%arg14 : memref<!tpu.dma_semaphore, #tpu.memory_space<semaphore_mem>>) src(%arg10 : memref<32768xf32, #tpu.memory_space<vmem>>) dst(%dma_wait3A_336 : memref<32768xf32, #tpu.memory_space<hbm>>)
      } else {
      }
      %broadcast_in_dim3A = vector.broadcast %mul3A_25 : i32 to vector<16xi32>
      %add3A_38 = arith.constant 0 : i32
      %add3A_39 = vector.broadcast %add3A_38 : i32 to vector<16xi32>
      %add3A_40 = arith.addi %broadcast_in_dim3A, %add3A_39 : vector<16xi32>
      %gather3A = tpu.vector_load_idx %arg7[%add3A_40] : memref<1600xf32, #tpu.memory_space<vmem>>[vector<16xi32>], vector<16xf32>,
      %add3A_41 = arith.constant 50 : i32
      %add3A_42 = vector.broadcast %add3A_41 : i32 to vector<16xi32>
      %add3A_43 = arith.addi %broadcast_in_dim3A, %add3A_42 : vector<16xi32>
      %gather3A_44 = tpu.vector_load_idx %arg7[%add3A_43] : memref<1600xf32, #tpu.memory_space<vmem>>[vector<16xi32>], vector<16xf32>,
      %add3A_45 = arith.constant 100 : i32
      %add3A_46 = vector.broadcast %add3A_45 : i32 to vector<16xi32>
      %add3A_47 = arith.addi %broadcast_in_dim3A, %add3A_46 : vector<16xi32>
      %gather3A_48 = tpu.vector_load_idx %arg7[%add3A_47] : memref<1600xf32, #tpu.memory_space<vmem>>[vector<16xi32>], vector<16xf32>,
      %add3A_49 = arith.constant 150 : i32
      %add3A_50 = vector.broadcast %add3A_49 : i32 to vector<16xi32>
      %add3A_51 = arith.addi %broadcast_in_dim3A, %add3A_50 : vector<16xi32>
      %gather3A_52 = tpu.vector_load_idx %arg7[%add3A_51] : memref<1600xf32, #tpu.memory_space<vmem>>[vector<16xi32>], vector<16xf32>,
      %add3A_53 = arith.constant 200 : i32
      %add3A_54 = vector.broadcast %add3A_53 : i32 to vector<16xi32>
      %add3A_55 = arith.addi %broadcast_in_dim3A, %add3A_54 : vector<16xi32>
      %gather3A_56 = tpu.vector_load_idx %arg7[%add3A_55] : memref<1600xf32, #tpu.memory_space<vmem>>[vector<16xi32>], vector<16xf32>,
      %add3A_57 = arith.constant 250 : i32
      %add3A_58 = vector.broadcast %add3A_57 : i32 to vector<16xi32>
      %add3A_59 = arith.addi %broadcast_in_dim3A, %add3A_58 : vector<16xi32>
      %gather3A_60 = tpu.vector_load_idx %arg7[%add3A_59] : memref<1600xf32, #tpu.memory_space<vmem>>[vector<16xi32>], vector<16xf32>,
      %add3A_61 = arith.constant 300 : i32
      %add3A_62 = vector.broadcast %add3A_61 : i32 to vector<16xi32>
      %add3A_63 = arith.addi %broadcast_in_dim3A, %add3A_62 : vector<16xi32>
      %gather3A_64 = tpu.vector_load_idx %arg7[%add3A_63] : memref<1600xf32, #tpu.memory_space<vmem>>[vector<16xi32>], vector<16xf32>,
      %add3A_65 = arith.constant 350 : i32
      %add3A_66 = vector.broadcast %add3A_65 : i32 to vector<16xi32>
      %add3A_67 = arith.addi %broadcast_in_dim3A, %add3A_66 : vector<16xi32>
      %gather3A_68 = tpu.vector_load_idx %arg7[%add3A_67] : memref<1600xf32, #tpu.memory_space<vmem>>[vector<16xi32>], vector<16xf32>,
      %add3A_69 = arith.constant 400 : i32
      %add3A_70 = vector.broadcast %add3A_69 : i32 to vector<16xi32>
      %add3A_71 = arith.addi %broadcast_in_dim3A, %add3A_70 : vector<16xi32>
      %gather3A_72 = tpu.vector_load_idx %arg7[%add3A_71] : memref<1600xf32, #tpu.memory_space<vmem>>[vector<16xi32>], vector<16xf32>,
      %add3A_73 = arith.constant 450 : i32
      %add3A_74 = vector.broadcast %add3A_73 : i32 to vector<16xi32>
      %add3A_75 = arith.addi %broadcast_in_dim3A, %add3A_74 : vector<16xi32>
      %gather3A_76 = tpu.vector_load_idx %arg7[%add3A_75] : memref<1600xf32, #tpu.memory_space<vmem>>[vector<16xi32>], vector<16xf32>,
      %add3A_77 = arith.constant 500 : i32
      %add3A_78 = vector.broadcast %add3A_77 : i32 to vector<16xi32>
      %add3A_79 = arith.addi %broadcast_in_dim3A, %add3A_78 : vector<16xi32>
      %gather3A_80 = tpu.vector_load_idx %arg7[%add3A_79] : memref<1600xf32, #tpu.memory_space<vmem>>[vector<16xi32>], vector<16xf32>,
      %add3A_81 = arith.constant 550 : i32
      %add3A_82 = vector.broadcast %add3A_81 : i32 to vector<16xi32>
      %add3A_83 = arith.addi %broadcast_in_dim3A, %add3A_82 : vector<16xi32>
      %gather3A_84 = tpu.vector_load_idx %arg7[%add3A_83] : memref<1600xf32, #tpu.memory_space<vmem>>[vector<16xi32>], vector<16xf32>,
      %add3A_85 = arith.constant 600 : i32
      %add3A_86 = vector.broadcast %add3A_85 : i32 to vector<16xi32>
      %add3A_87 = arith.addi %broadcast_in_dim3A, %add3A_86 : vector<16xi32>
      %gather3A_88 = tpu.vector_load_idx %arg7[%add3A_87] : memref<1600xf32, #tpu.memory_space<vmem>>[vector<16xi32>], vector<16xf32>,
      %add3A_89 = arith.constant 650 : i32
      %add3A_90 = vector.broadcast %add3A_89 : i32 to vector<16xi32>
      %add3A_91 = arith.addi %broadcast_in_dim3A, %add3A_90 : vector<16xi32>
      %gather3A_92 = tpu.vector_load_idx %arg7[%add3A_91] : memref<1600xf32, #tpu.memory_space<vmem>>[vector<16xi32>], vector<16xf32>,
      %add3A_93 = arith.constant 700 : i32
      %add3A_94 = vector.broadcast %add3A_93 : i32 to vector<16xi32>
      %add3A_95 = arith.addi %broadcast_in_dim3A, %add3A_94 : vector<16xi32>
      %gather3A_96 = tpu.vector_load_idx %arg7[%add3A_95] : memref<1600xf32, #tpu.memory_space<vmem>>[vector<16xi32>], vector<16xf32>,
      %add3A_97 = arith.constant 750 : i32
      %add3A_98 = vector.broadcast %add3A_97 : i32 to vector<16xi32>
      %add3A_99 = arith.addi %broadcast_in_dim3A, %add3A_98 : vector<16xi32>
      %gather3A_100 = tpu.vector_load_idx %arg7[%add3A_99] : memref<1600xf32, #tpu.memory_space<vmem>>[vector<16xi32>], vector<16xf32>,
      %add3A_101 = arith.constant 800 : i32
      %add3A_102 = vector.broadcast %add3A_101 : i32 to vector<16xi32>
      %add3A_103 = arith.addi %broadcast_in_dim3A, %add3A_102 : vector<16xi32>
      %gather3A_104 = tpu.vector_load_idx %arg7[%add3A_103] : memref<1600xf32, #tpu.memory_space<vmem>>[vector<16xi32>], vector<16xf32>,
      %add3A_105 = arith.constant 850 : i32
      %add3A_106 = vector.broadcast %add3A_105 : i32 to vector<16xi32>
      %add3A_107 = arith.addi %broadcast_in_dim3A, %add3A_106 : vector<16xi32>
      %gather3A_108 = tpu.vector_load_idx %arg7[%add3A_107] : memref<1600xf32, #tpu.memory_space<vmem>>[vector<16xi32>], vector<16xf32>,
      %add3A_109 = arith.constant 900 : i32
      %add3A_110 = vector.broadcast %add3A_109 : i32 to vector<16xi32>
      %add3A_111 = arith.addi %broadcast_in_dim3A, %add3A_110 : vector<16xi32>
      %gather3A_112 = tpu.vector_load_idx %arg7[%add3A_111] : memref<1600xf32, #tpu.memory_space<vmem>>[vector<16xi32>], vector<16xf32>,
      %add3A_113 = arith.constant 950 : i32
      %add3A_114 = vector.broadcast %add3A_113 : i32 to vector<16xi32>
      %add3A_115 = arith.addi %broadcast_in_dim3A, %add3A_114 : vector<16xi32>
      %gather3A_116 = tpu.vector_load_idx %arg7[%add3A_115] : memref<1600xf32, #tpu.memory_space<vmem>>[vector<16xi32>], vector<16xf32>,
      %add3A_117 = arith.constant 1000 : i32
      %add3A_118 = vector.broadcast %add3A_117 : i32 to vector<16xi32>
      %add3A_119 = arith.addi %broadcast_in_dim3A, %add3A_118 : vector<16xi32>
      %gather3A_120 = tpu.vector_load_idx %arg7[%add3A_119] : memref<1600xf32, #tpu.memory_space<vmem>>[vector<16xi32>], vector<16xf32>,
      %add3A_121 = arith.constant 1050 : i32
      %add3A_122 = vector.broadcast %add3A_121 : i32 to vector<16xi32>
      %add3A_123 = arith.addi %broadcast_in_dim3A, %add3A_122 : vector<16xi32>
      %gather3A_124 = tpu.vector_load_idx %arg7[%add3A_123] : memref<1600xf32, #tpu.memory_space<vmem>>[vector<16xi32>], vector<16xf32>,
      %add3A_125 = arith.constant 1100 : i32
      %add3A_126 = vector.broadcast %add3A_125 : i32 to vector<16xi32>
      %add3A_127 = arith.addi %broadcast_in_dim3A, %add3A_126 : vector<16xi32>
      %gather3A_128 = tpu.vector_load_idx %arg7[%add3A_127] : memref<1600xf32, #tpu.memory_space<vmem>>[vector<16xi32>], vector<16xf32>,
      %add3A_129 = arith.constant 1150 : i32
      %add3A_130 = vector.broadcast %add3A_129 : i32 to vector<16xi32>
      %add3A_131 = arith.addi %broadcast_in_dim3A, %add3A_130 : vector<16xi32>
      %gather3A_132 = tpu.vector_load_idx %arg7[%add3A_131] : memref<1600xf32, #tpu.memory_space<vmem>>[vector<16xi32>], vector<16xf32>,
      %add3A_133 = arith.constant 1200 : i32
      %add3A_134 = vector.broadcast %add3A_133 : i32 to vector<16xi32>
      %add3A_135 = arith.addi %broadcast_in_dim3A, %add3A_134 : vector<16xi32>
      %gather3A_136 = tpu.vector_load_idx %arg7[%add3A_135] : memref<1600xf32, #tpu.memory_space<vmem>>[vector<16xi32>], vector<16xf32>,
      %add3A_137 = arith.constant 1250 : i32
      %add3A_138 = vector.broadcast %add3A_137 : i32 to vector<16xi32>
      %add3A_139 = arith.addi %broadcast_in_dim3A, %add3A_138 : vector<16xi32>
      %gather3A_140 = tpu.vector_load_idx %arg7[%add3A_139] : memref<1600xf32, #tpu.memory_space<vmem>>[vector<16xi32>], vector<16xf32>,
      %add3A_141 = arith.constant 1300 : i32
      %add3A_142 = vector.broadcast %add3A_141 : i32 to vector<16xi32>
      %add3A_143 = arith.addi %broadcast_in_dim3A, %add3A_142 : vector<16xi32>
      %gather3A_144 = tpu.vector_load_idx %arg7[%add3A_143] : memref<1600xf32, #tpu.memory_space<vmem>>[vector<16xi32>], vector<16xf32>,
      %add3A_145 = arith.constant 1350 : i32
      %add3A_146 = vector.broadcast %add3A_145 : i32 to vector<16xi32>
      %add3A_147 = arith.addi %broadcast_in_dim3A, %add3A_146 : vector<16xi32>
      %gather3A_148 = tpu.vector_load_idx %arg7[%add3A_147] : memref<1600xf32, #tpu.memory_space<vmem>>[vector<16xi32>], vector<16xf32>,
      %add3A_149 = arith.constant 1400 : i32
      %add3A_150 = vector.broadcast %add3A_149 : i32 to vector<16xi32>
      %add3A_151 = arith.addi %broadcast_in_dim3A, %add3A_150 : vector<16xi32>
      %gather3A_152 = tpu.vector_load_idx %arg7[%add3A_151] : memref<1600xf32, #tpu.memory_space<vmem>>[vector<16xi32>], vector<16xf32>,
      %add3A_153 = arith.constant 1450 : i32
      %add3A_154 = vector.broadcast %add3A_153 : i32 to vector<16xi32>
      %add3A_155 = arith.addi %broadcast_in_dim3A, %add3A_154 : vector<16xi32>
      %gather3A_156 = tpu.vector_load_idx %arg7[%add3A_155] : memref<1600xf32, #tpu.memory_space<vmem>>[vector<16xi32>], vector<16xf32>,
      %add3A_157 = arith.constant 1500 : i32
      %add3A_158 = vector.broadcast %add3A_157 : i32 to vector<16xi32>
      %add3A_159 = arith.addi %broadcast_in_dim3A, %add3A_158 : vector<16xi32>
      %gather3A_160 = tpu.vector_load_idx %arg7[%add3A_159] : memref<1600xf32, #tpu.memory_space<vmem>>[vector<16xi32>], vector<16xf32>,
      %add3A_161 = arith.constant 1550 : i32
      %add3A_162 = vector.broadcast %add3A_161 : i32 to vector<16xi32>
      %add3A_163 = arith.addi %broadcast_in_dim3A, %add3A_162 : vector<16xi32>
      %gather3A_164 = tpu.vector_load_idx %arg7[%add3A_163] : memref<1600xf32, #tpu.memory_space<vmem>>[vector<16xi32>], vector<16xf32>,
      %parallel_loop3A = arith.constant 0 : i32
      %parallel_loop3A_165 = arith.constant 64 : i32
      %parallel_loop3A_166 = arith.constant 1 : i32
      scf.for %parallel_loop3A_333 = %parallel_loop3A to %parallel_loop3A_165 step %parallel_loop3A_166  : i32 {
        %parallel_loop3A_334 = arith.constant 16 : i32
        %parallel_loop3A_335 = arith.muli %parallel_loop3A_333, %parallel_loop3A_334 : i32
        %parallel_loop3A_336 = vector.broadcast %parallel_loop3A_335 : i32 to vector<16xi32>
        %parallel_loop3A_337 = arith.addi %parallel_loop3A_336, %iota3A : vector<16xi32>
        %parallel_loop3A_338 = tpu.vector_load_idx %arg8[%parallel_loop3A_337] : memref<1024xi32, #tpu.memory_space<vmem>>[vector<16xi32>], vector<16xi32>,
        %parallel_loop3A_339 = arith.constant 8 : i32
        %parallel_loop3A_340 = arith.divsi %parallel_loop3A_333, %parallel_loop3A_339 : i32
        %parallel_loop3A_341 = arith.constant 0 : i32
        %parallel_loop3A_342 = arith.cmpi sgt, %parallel_loop3A_333, %parallel_loop3A_341 : i32
        %parallel_loop3A_343 = arith.extui %parallel_loop3A_342 : i1 to i32
        %parallel_loop3A_344 = arith.constant 0 : i32
        %parallel_loop3A_345 = arith.cmpi slt, %parallel_loop3A_333, %parallel_loop3A_344 : i32
        %parallel_loop3A_346 = arith.extui %parallel_loop3A_345 : i1 to i32
        %parallel_loop3A_347 = arith.subi %parallel_loop3A_343, %parallel_loop3A_346 : i32
        %parallel_loop3A_348 = arith.constant 0 : i32
        %parallel_loop3A_349 = arith.cmpi sgt, %parallel_loop3A_339, %parallel_loop3A_348 : i32
        %parallel_loop3A_350 = arith.extui %parallel_loop3A_349 : i1 to i32
        %parallel_loop3A_351 = arith.constant 0 : i32
        %parallel_loop3A_352 = arith.cmpi slt, %parallel_loop3A_339, %parallel_loop3A_351 : i32
        %parallel_loop3A_353 = arith.extui %parallel_loop3A_352 : i1 to i32
        %parallel_loop3A_354 = arith.subi %parallel_loop3A_350, %parallel_loop3A_353 : i32
        %parallel_loop3A_355 = arith.cmpi ne, %parallel_loop3A_347, %parallel_loop3A_354 : i32
        %parallel_loop3A_356 = arith.remsi %parallel_loop3A_333, %parallel_loop3A_339 : i32
        %parallel_loop3A_357 = arith.constant 0 : i32
        %parallel_loop3A_358 = arith.cmpi ne, %parallel_loop3A_356, %parallel_loop3A_357 : i32
        %parallel_loop3A_359 = arith.andi %parallel_loop3A_355, %parallel_loop3A_358 : i1
        %parallel_loop3A_360 = arith.constant 1 : i32
        %parallel_loop3A_361 = arith.subi %parallel_loop3A_340, %parallel_loop3A_360 : i32
        %parallel_loop3A_362 = arith.select %parallel_loop3A_359, %parallel_loop3A_361, %parallel_loop3A_340 : i32
        %parallel_loop3A_363 = arith.constant 1024 : i32
        %parallel_loop3A_364 = arith.muli %parallel_loop3A_362, %parallel_loop3A_363 : i32
        %parallel_loop3A_365 = arith.constant 16 : i32
        %parallel_loop3A_366 = arith.muli %parallel_loop3A_333, %parallel_loop3A_365 : i32
        %parallel_loop3A_367 = arith.constant 128 : i32
        %parallel_loop3A_368 = arith.muli %parallel_loop3A_362, %parallel_loop3A_367 : i32
        %parallel_loop3A_369 = arith.subi %parallel_loop3A_366, %parallel_loop3A_368 : i32
        %parallel_loop3A_370 = arith.addi %parallel_loop3A_364, %parallel_loop3A_369 : i32
        %parallel_loop3A_371 = vector.broadcast %parallel_loop3A_370 : i32 to vector<16xi32>
        %parallel_loop3A_372 = arith.addi %parallel_loop3A_371, %iota3A : vector<16xi32>
        %parallel_loop3A_373 = arith.constant 0 : i32
        %parallel_loop3A_374 = vector.broadcast %parallel_loop3A_373 : i32 to vector<16xi32>
        %parallel_loop3A_375 = arith.addi %parallel_loop3A_338, %parallel_loop3A_374 : vector<16xi32>
        %parallel_loop3A_376 = tpu.vector_load_idx %arg6[%parallel_loop3A_375] : memref<32000xf32, #tpu.memory_space<vmem>>[vector<16xi32>], vector<16xf32>,
        %parallel_loop3A_377 = arith.constant 0 : i32
        %parallel_loop3A_378 = vector.broadcast %parallel_loop3A_377 : i32 to vector<16xi32>
        %parallel_loop3A_379 = arith.addi %parallel_loop3A_372, %parallel_loop3A_378 : vector<16xi32>
        %parallel_loop3A_380 = arith.mulf %parallel_loop3A_376, %gather3A : vector<16xf32>
        tpu.vector_store_idx %arg10[%parallel_loop3A_379], %parallel_loop3A_380 : memref<32768xf32, #tpu.memory_space<vmem>>[vector<16xi32>], vector<16xf32>,
        %parallel_loop3A_381 = arith.constant 1000 : i32
        %parallel_loop3A_382 = vector.broadcast %parallel_loop3A_381 : i32 to vector<16xi32>
        %parallel_loop3A_383 = arith.addi %parallel_loop3A_338, %parallel_loop3A_382 : vector<16xi32>
        %parallel_loop3A_384 = tpu.vector_load_idx %arg6[%parallel_loop3A_383] : memref<32000xf32, #tpu.memory_space<vmem>>[vector<16xi32>], vector<16xf32>,
        %parallel_loop3A_385 = arith.constant 128 : i32
        %parallel_loop3A_386 = vector.broadcast %parallel_loop3A_385 : i32 to vector<16xi32>
        %parallel_loop3A_387 = arith.addi %parallel_loop3A_372, %parallel_loop3A_386 : vector<16xi32>
        %parallel_loop3A_388 = arith.mulf %parallel_loop3A_384, %gather3A_44 : vector<16xf32>
        tpu.vector_store_idx %arg10[%parallel_loop3A_387], %parallel_loop3A_388 : memref<32768xf32, #tpu.memory_space<vmem>>[vector<16xi32>], vector<16xf32>,
        %parallel_loop3A_389 = arith.constant 2000 : i32
        %parallel_loop3A_390 = vector.broadcast %parallel_loop3A_389 : i32 to vector<16xi32>
        %parallel_loop3A_391 = arith.addi %parallel_loop3A_338, %parallel_loop3A_390 : vector<16xi32>
        %parallel_loop3A_392 = tpu.vector_load_idx %arg6[%parallel_loop3A_391] : memref<32000xf32, #tpu.memory_space<vmem>>[vector<16xi32>], vector<16xf32>,
        %parallel_loop3A_393 = arith.constant 256 : i32
        %parallel_loop3A_394 = vector.broadcast %parallel_loop3A_393 : i32 to vector<16xi32>
        %parallel_loop3A_395 = arith.addi %parallel_loop3A_372, %parallel_loop3A_394 : vector<16xi32>
        %parallel_loop3A_396 = arith.mulf %parallel_loop3A_392, %gather3A_48 : vector<16xf32>
        tpu.vector_store_idx %arg10[%parallel_loop3A_395], %parallel_loop3A_396 : memref<32768xf32, #tpu.memory_space<vmem>>[vector<16xi32>], vector<16xf32>,
        %parallel_loop3A_397 = arith.constant 3000 : i32
        %parallel_loop3A_398 = vector.broadcast %parallel_loop3A_397 : i32 to vector<16xi32>
        %parallel_loop3A_399 = arith.addi %parallel_loop3A_338, %parallel_loop3A_398 : vector<16xi32>
        %parallel_loop3A_400 = tpu.vector_load_idx %arg6[%parallel_loop3A_399] : memref<32000xf32, #tpu.memory_space<vmem>>[vector<16xi32>], vector<16xf32>,
        %parallel_loop3A_401 = arith.constant 384 : i32
        %parallel_loop3A_402 = vector.broadcast %parallel_loop3A_401 : i32 to vector<16xi32>
        %parallel_loop3A_403 = arith.addi %parallel_loop3A_372, %parallel_loop3A_402 : vector<16xi32>
        %parallel_loop3A_404 = arith.mulf %parallel_loop3A_400, %gather3A_52 : vector<16xf32>
        tpu.vector_store_idx %arg10[%parallel_loop3A_403], %parallel_loop3A_404 : memref<32768xf32, #tpu.memory_space<vmem>>[vector<16xi32>], vector<16xf32>,
        %parallel_loop3A_405 = arith.constant 4000 : i32
        %parallel_loop3A_406 = vector.broadcast %parallel_loop3A_405 : i32 to vector<16xi32>
        %parallel_loop3A_407 = arith.addi %parallel_loop3A_338, %parallel_loop3A_406 : vector<16xi32>
        %parallel_loop3A_408 = tpu.vector_load_idx %arg6[%parallel_loop3A_407] : memref<32000xf32, #tpu.memory_space<vmem>>[vector<16xi32>], vector<16xf32>,
        %parallel_loop3A_409 = arith.constant 512 : i32
        %parallel_loop3A_410 = vector.broadcast %parallel_loop3A_409 : i32 to vector<16xi32>
        %parallel_loop3A_411 = arith.addi %parallel_loop3A_372, %parallel_loop3A_410 : vector<16xi32>
        %parallel_loop3A_412 = arith.mulf %parallel_loop3A_408, %gather3A_56 : vector<16xf32>
        tpu.vector_store_idx %arg10[%parallel_loop3A_411], %parallel_loop3A_412 : memref<32768xf32, #tpu.memory_space<vmem>>[vector<16xi32>], vector<16xf32>,
        %parallel_loop3A_413 = arith.constant 5000 : i32
        %parallel_loop3A_414 = vector.broadcast %parallel_loop3A_413 : i32 to vector<16xi32>
        %parallel_loop3A_415 = arith.addi %parallel_loop3A_338, %parallel_loop3A_414 : vector<16xi32>
        %parallel_loop3A_416 = tpu.vector_load_idx %arg6[%parallel_loop3A_415] : memref<32000xf32, #tpu.memory_space<vmem>>[vector<16xi32>], vector<16xf32>,
        %parallel_loop3A_417 = arith.constant 640 : i32
        %parallel_loop3A_418 = vector.broadcast %parallel_loop3A_417 : i32 to vector<16xi32>
        %parallel_loop3A_419 = arith.addi %parallel_loop3A_372, %parallel_loop3A_418 : vector<16xi32>
        %parallel_loop3A_420 = arith.mulf %parallel_loop3A_416, %gather3A_60 : vector<16xf32>
        tpu.vector_store_idx %arg10[%parallel_loop3A_419], %parallel_loop3A_420 : memref<32768xf32, #tpu.memory_space<vmem>>[vector<16xi32>], vector<16xf32>,
        %parallel_loop3A_421 = arith.constant 6000 : i32
        %parallel_loop3A_422 = vector.broadcast %parallel_loop3A_421 : i32 to vector<16xi32>
        %parallel_loop3A_423 = arith.addi %parallel_loop3A_338, %parallel_loop3A_422 : vector<16xi32>
        %parallel_loop3A_424 = tpu.vector_load_idx %arg6[%parallel_loop3A_423] : memref<32000xf32, #tpu.memory_space<vmem>>[vector<16xi32>], vector<16xf32>,
        %parallel_loop3A_425 = arith.constant 768 : i32
        %parallel_loop3A_426 = vector.broadcast %parallel_loop3A_425 : i32 to vector<16xi32>
        %parallel_loop3A_427 = arith.addi %parallel_loop3A_372, %parallel_loop3A_426 : vector<16xi32>
        %parallel_loop3A_428 = arith.mulf %parallel_loop3A_424, %gather3A_64 : vector<16xf32>
        tpu.vector_store_idx %arg10[%parallel_loop3A_427], %parallel_loop3A_428 : memref<32768xf32, #tpu.memory_space<vmem>>[vector<16xi32>], vector<16xf32>,
        %parallel_loop3A_429 = arith.constant 7000 : i32
        %parallel_loop3A_430 = vector.broadcast %parallel_loop3A_429 : i32 to vector<16xi32>
        %parallel_loop3A_431 = arith.addi %parallel_loop3A_338, %parallel_loop3A_430 : vector<16xi32>
        %parallel_loop3A_432 = tpu.vector_load_idx %arg6[%parallel_loop3A_431] : memref<32000xf32, #tpu.memory_space<vmem>>[vector<16xi32>], vector<16xf32>,
        %parallel_loop3A_433 = arith.constant 896 : i32
        %parallel_loop3A_434 = vector.broadcast %parallel_loop3A_433 : i32 to vector<16xi32>
        %parallel_loop3A_435 = arith.addi %parallel_loop3A_372, %parallel_loop3A_434 : vector<16xi32>
        %parallel_loop3A_436 = arith.mulf %parallel_loop3A_432, %gather3A_68 : vector<16xf32>
        tpu.vector_store_idx %arg10[%parallel_loop3A_435], %parallel_loop3A_436 : memref<32768xf32, #tpu.memory_space<vmem>>[vector<16xi32>], vector<16xf32>,
        %parallel_loop3A_437 = arith.constant 8000 : i32
        %parallel_loop3A_438 = vector.broadcast %parallel_loop3A_437 : i32 to vector<16xi32>
        %parallel_loop3A_439 = arith.addi %parallel_loop3A_338, %parallel_loop3A_438 : vector<16xi32>
        %parallel_loop3A_440 = tpu.vector_load_idx %arg6[%parallel_loop3A_439] : memref<32000xf32, #tpu.memory_space<vmem>>[vector<16xi32>], vector<16xf32>,
        %parallel_loop3A_441 = arith.constant 8192 : i32
        %parallel_loop3A_442 = vector.broadcast %parallel_loop3A_441 : i32 to vector<16xi32>
        %parallel_loop3A_443 = arith.addi %parallel_loop3A_372, %parallel_loop3A_442 : vector<16xi32>
        %parallel_loop3A_444 = arith.mulf %parallel_loop3A_440, %gather3A_72 : vector<16xf32>
        tpu.vector_store_idx %arg10[%parallel_loop3A_443], %parallel_loop3A_444 : memref<32768xf32, #tpu.memory_space<vmem>>[vector<16xi32>], vector<16xf32>,
        %parallel_loop3A_445 = arith.constant 9000 : i32
        %parallel_loop3A_446 = vector.broadcast %parallel_loop3A_445 : i32 to vector<16xi32>
        %parallel_loop3A_447 = arith.addi %parallel_loop3A_338, %parallel_loop3A_446 : vector<16xi32>
        %parallel_loop3A_448 = tpu.vector_load_idx %arg6[%parallel_loop3A_447] : memref<32000xf32, #tpu.memory_space<vmem>>[vector<16xi32>], vector<16xf32>,
        %parallel_loop3A_449 = arith.constant 8320 : i32
        %parallel_loop3A_450 = vector.broadcast %parallel_loop3A_449 : i32 to vector<16xi32>
        %parallel_loop3A_451 = arith.addi %parallel_loop3A_372, %parallel_loop3A_450 : vector<16xi32>
        %parallel_loop3A_452 = arith.mulf %parallel_loop3A_448, %gather3A_76 : vector<16xf32>
        tpu.vector_store_idx %arg10[%parallel_loop3A_451], %parallel_loop3A_452 : memref<32768xf32, #tpu.memory_space<vmem>>[vector<16xi32>], vector<16xf32>,
        %parallel_loop3A_453 = arith.constant 10000 : i32
        %parallel_loop3A_454 = vector.broadcast %parallel_loop3A_453 : i32 to vector<16xi32>
        %parallel_loop3A_455 = arith.addi %parallel_loop3A_338, %parallel_loop3A_454 : vector<16xi32>
        %parallel_loop3A_456 = tpu.vector_load_idx %arg6[%parallel_loop3A_455] : memref<32000xf32, #tpu.memory_space<vmem>>[vector<16xi32>], vector<16xf32>,
        %parallel_loop3A_457 = arith.constant 8448 : i32
        %parallel_loop3A_458 = vector.broadcast %parallel_loop3A_457 : i32 to vector<16xi32>
        %parallel_loop3A_459 = arith.addi %parallel_loop3A_372, %parallel_loop3A_458 : vector<16xi32>
        %parallel_loop3A_460 = arith.mulf %parallel_loop3A_456, %gather3A_80 : vector<16xf32>
        tpu.vector_store_idx %arg10[%parallel_loop3A_459], %parallel_loop3A_460 : memref<32768xf32, #tpu.memory_space<vmem>>[vector<16xi32>], vector<16xf32>,
        %parallel_loop3A_461 = arith.constant 11000 : i32
        %parallel_loop3A_462 = vector.broadcast %parallel_loop3A_461 : i32 to vector<16xi32>
        %parallel_loop3A_463 = arith.addi %parallel_loop3A_338, %parallel_loop3A_462 : vector<16xi32>
        %parallel_loop3A_464 = tpu.vector_load_idx %arg6[%parallel_loop3A_463] : memref<32000xf32, #tpu.memory_space<vmem>>[vector<16xi32>], vector<16xf32>,
        %parallel_loop3A_465 = arith.constant 8576 : i32
        %parallel_loop3A_466 = vector.broadcast %parallel_loop3A_465 : i32 to vector<16xi32>
        %parallel_loop3A_467 = arith.addi %parallel_loop3A_372, %parallel_loop3A_466 : vector<16xi32>
        %parallel_loop3A_468 = arith.mulf %parallel_loop3A_464, %gather3A_84 : vector<16xf32>
        tpu.vector_store_idx %arg10[%parallel_loop3A_467], %parallel_loop3A_468 : memref<32768xf32, #tpu.memory_space<vmem>>[vector<16xi32>], vector<16xf32>,
        %parallel_loop3A_469 = arith.constant 12000 : i32
        %parallel_loop3A_470 = vector.broadcast %parallel_loop3A_469 : i32 to vector<16xi32>
        %parallel_loop3A_471 = arith.addi %parallel_loop3A_338, %parallel_loop3A_470 : vector<16xi32>
        %parallel_loop3A_472 = tpu.vector_load_idx %arg6[%parallel_loop3A_471] : memref<32000xf32, #tpu.memory_space<vmem>>[vector<16xi32>], vector<16xf32>,
        %parallel_loop3A_473 = arith.constant 8704 : i32
        %parallel_loop3A_474 = vector.broadcast %parallel_loop3A_473 : i32 to vector<16xi32>
        %parallel_loop3A_475 = arith.addi %parallel_loop3A_372, %parallel_loop3A_474 : vector<16xi32>
        %parallel_loop3A_476 = arith.mulf %parallel_loop3A_472, %gather3A_88 : vector<16xf32>
        tpu.vector_store_idx %arg10[%parallel_loop3A_475], %parallel_loop3A_476 : memref<32768xf32, #tpu.memory_space<vmem>>[vector<16xi32>], vector<16xf32>,
        %parallel_loop3A_477 = arith.constant 13000 : i32
        %parallel_loop3A_478 = vector.broadcast %parallel_loop3A_477 : i32 to vector<16xi32>
        %parallel_loop3A_479 = arith.addi %parallel_loop3A_338, %parallel_loop3A_478 : vector<16xi32>
        %parallel_loop3A_480 = tpu.vector_load_idx %arg6[%parallel_loop3A_479] : memref<32000xf32, #tpu.memory_space<vmem>>[vector<16xi32>], vector<16xf32>,
        %parallel_loop3A_481 = arith.constant 8832 : i32
        %parallel_loop3A_482 = vector.broadcast %parallel_loop3A_481 : i32 to vector<16xi32>
        %parallel_loop3A_483 = arith.addi %parallel_loop3A_372, %parallel_loop3A_482 : vector<16xi32>
        %parallel_loop3A_484 = arith.mulf %parallel_loop3A_480, %gather3A_92 : vector<16xf32>
        tpu.vector_store_idx %arg10[%parallel_loop3A_483], %parallel_loop3A_484 : memref<32768xf32, #tpu.memory_space<vmem>>[vector<16xi32>], vector<16xf32>,
        %parallel_loop3A_485 = arith.constant 14000 : i32
        %parallel_loop3A_486 = vector.broadcast %parallel_loop3A_485 : i32 to vector<16xi32>
        %parallel_loop3A_487 = arith.addi %parallel_loop3A_338, %parallel_loop3A_486 : vector<16xi32>
        %parallel_loop3A_488 = tpu.vector_load_idx %arg6[%parallel_loop3A_487] : memref<32000xf32, #tpu.memory_space<vmem>>[vector<16xi32>], vector<16xf32>,
        %parallel_loop3A_489 = arith.constant 8960 : i32
        %parallel_loop3A_490 = vector.broadcast %parallel_loop3A_489 : i32 to vector<16xi32>
        %parallel_loop3A_491 = arith.addi %parallel_loop3A_372, %parallel_loop3A_490 : vector<16xi32>
        %parallel_loop3A_492 = arith.mulf %parallel_loop3A_488, %gather3A_96 : vector<16xf32>
        tpu.vector_store_idx %arg10[%parallel_loop3A_491], %parallel_loop3A_492 : memref<32768xf32, #tpu.memory_space<vmem>>[vector<16xi32>], vector<16xf32>,
        %parallel_loop3A_493 = arith.constant 15000 : i32
        %parallel_loop3A_494 = vector.broadcast %parallel_loop3A_493 : i32 to vector<16xi32>
        %parallel_loop3A_495 = arith.addi %parallel_loop3A_338, %parallel_loop3A_494 : vector<16xi32>
        %parallel_loop3A_496 = tpu.vector_load_idx %arg6[%parallel_loop3A_495] : memref<32000xf32, #tpu.memory_space<vmem>>[vector<16xi32>], vector<16xf32>,
        %parallel_loop3A_497 = arith.constant 9088 : i32
        %parallel_loop3A_498 = vector.broadcast %parallel_loop3A_497 : i32 to vector<16xi32>
        %parallel_loop3A_499 = arith.addi %parallel_loop3A_372, %parallel_loop3A_498 : vector<16xi32>
        %parallel_loop3A_500 = arith.mulf %parallel_loop3A_496, %gather3A_100 : vector<16xf32>
        tpu.vector_store_idx %arg10[%parallel_loop3A_499], %parallel_loop3A_500 : memref<32768xf32, #tpu.memory_space<vmem>>[vector<16xi32>], vector<16xf32>,
        %parallel_loop3A_501 = arith.constant 16000 : i32
        %parallel_loop3A_502 = vector.broadcast %parallel_loop3A_501 : i32 to vector<16xi32>
        %parallel_loop3A_503 = arith.addi %parallel_loop3A_338, %parallel_loop3A_502 : vector<16xi32>
        %parallel_loop3A_504 = tpu.vector_load_idx %arg6[%parallel_loop3A_503] : memref<32000xf32, #tpu.memory_space<vmem>>[vector<16xi32>], vector<16xf32>,
        %parallel_loop3A_505 = arith.constant 16384 : i32
        %parallel_loop3A_506 = vector.broadcast %parallel_loop3A_505 : i32 to vector<16xi32>
        %parallel_loop3A_507 = arith.addi %parallel_loop3A_372, %parallel_loop3A_506 : vector<16xi32>
        %parallel_loop3A_508 = arith.mulf %parallel_loop3A_504, %gather3A_104 : vector<16xf32>
        tpu.vector_store_idx %arg10[%parallel_loop3A_507], %parallel_loop3A_508 : memref<32768xf32, #tpu.memory_space<vmem>>[vector<16xi32>], vector<16xf32>,
        %parallel_loop3A_509 = arith.constant 17000 : i32
        %parallel_loop3A_510 = vector.broadcast %parallel_loop3A_509 : i32 to vector<16xi32>
        %parallel_loop3A_511 = arith.addi %parallel_loop3A_338, %parallel_loop3A_510 : vector<16xi32>
        %parallel_loop3A_512 = tpu.vector_load_idx %arg6[%parallel_loop3A_511] : memref<32000xf32, #tpu.memory_space<vmem>>[vector<16xi32>], vector<16xf32>,
        %parallel_loop3A_513 = arith.constant 16512 : i32
        %parallel_loop3A_514 = vector.broadcast %parallel_loop3A_513 : i32 to vector<16xi32>
        %parallel_loop3A_515 = arith.addi %parallel_loop3A_372, %parallel_loop3A_514 : vector<16xi32>
        %parallel_loop3A_516 = arith.mulf %parallel_loop3A_512, %gather3A_108 : vector<16xf32>
        tpu.vector_store_idx %arg10[%parallel_loop3A_515], %parallel_loop3A_516 : memref<32768xf32, #tpu.memory_space<vmem>>[vector<16xi32>], vector<16xf32>,
        %parallel_loop3A_517 = arith.constant 18000 : i32
        %parallel_loop3A_518 = vector.broadcast %parallel_loop3A_517 : i32 to vector<16xi32>
        %parallel_loop3A_519 = arith.addi %parallel_loop3A_338, %parallel_loop3A_518 : vector<16xi32>
        %parallel_loop3A_520 = tpu.vector_load_idx %arg6[%parallel_loop3A_519] : memref<32000xf32, #tpu.memory_space<vmem>>[vector<16xi32>], vector<16xf32>,
        %parallel_loop3A_521 = arith.constant 16640 : i32
        %parallel_loop3A_522 = vector.broadcast %parallel_loop3A_521 : i32 to vector<16xi32>
        %parallel_loop3A_523 = arith.addi %parallel_loop3A_372, %parallel_loop3A_522 : vector<16xi32>
        %parallel_loop3A_524 = arith.mulf %parallel_loop3A_520, %gather3A_112 : vector<16xf32>
        tpu.vector_store_idx %arg10[%parallel_loop3A_523], %parallel_loop3A_524 : memref<32768xf32, #tpu.memory_space<vmem>>[vector<16xi32>], vector<16xf32>,
        %parallel_loop3A_525 = arith.constant 19000 : i32
        %parallel_loop3A_526 = vector.broadcast %parallel_loop3A_525 : i32 to vector<16xi32>
        %parallel_loop3A_527 = arith.addi %parallel_loop3A_338, %parallel_loop3A_526 : vector<16xi32>
        %parallel_loop3A_528 = tpu.vector_load_idx %arg6[%parallel_loop3A_527] : memref<32000xf32, #tpu.memory_space<vmem>>[vector<16xi32>], vector<16xf32>,
        %parallel_loop3A_529 = arith.constant 16768 : i32
        %parallel_loop3A_530 = vector.broadcast %parallel_loop3A_529 : i32 to vector<16xi32>
        %parallel_loop3A_531 = arith.addi %parallel_loop3A_372, %parallel_loop3A_530 : vector<16xi32>
        %parallel_loop3A_532 = arith.mulf %parallel_loop3A_528, %gather3A_116 : vector<16xf32>
        tpu.vector_store_idx %arg10[%parallel_loop3A_531], %parallel_loop3A_532 : memref<32768xf32, #tpu.memory_space<vmem>>[vector<16xi32>], vector<16xf32>,
        %parallel_loop3A_533 = arith.constant 20000 : i32
        %parallel_loop3A_534 = vector.broadcast %parallel_loop3A_533 : i32 to vector<16xi32>
        %parallel_loop3A_535 = arith.addi %parallel_loop3A_338, %parallel_loop3A_534 : vector<16xi32>
        %parallel_loop3A_536 = tpu.vector_load_idx %arg6[%parallel_loop3A_535] : memref<32000xf32, #tpu.memory_space<vmem>>[vector<16xi32>], vector<16xf32>,
        %parallel_loop3A_537 = arith.constant 16896 : i32
        %parallel_loop3A_538 = vector.broadcast %parallel_loop3A_537 : i32 to vector<16xi32>
        %parallel_loop3A_539 = arith.addi %parallel_loop3A_372, %parallel_loop3A_538 : vector<16xi32>
        %parallel_loop3A_540 = arith.mulf %parallel_loop3A_536, %gather3A_120 : vector<16xf32>
        tpu.vector_store_idx %arg10[%parallel_loop3A_539], %parallel_loop3A_540 : memref<32768xf32, #tpu.memory_space<vmem>>[vector<16xi32>], vector<16xf32>,
        %parallel_loop3A_541 = arith.constant 21000 : i32
        %parallel_loop3A_542 = vector.broadcast %parallel_loop3A_541 : i32 to vector<16xi32>
        %parallel_loop3A_543 = arith.addi %parallel_loop3A_338, %parallel_loop3A_542 : vector<16xi32>
        %parallel_loop3A_544 = tpu.vector_load_idx %arg6[%parallel_loop3A_543] : memref<32000xf32, #tpu.memory_space<vmem>>[vector<16xi32>], vector<16xf32>,
        %parallel_loop3A_545 = arith.constant 17024 : i32
        %parallel_loop3A_546 = vector.broadcast %parallel_loop3A_545 : i32 to vector<16xi32>
        %parallel_loop3A_547 = arith.addi %parallel_loop3A_372, %parallel_loop3A_546 : vector<16xi32>
        %parallel_loop3A_548 = arith.mulf %parallel_loop3A_544, %gather3A_124 : vector<16xf32>
        tpu.vector_store_idx %arg10[%parallel_loop3A_547], %parallel_loop3A_548 : memref<32768xf32, #tpu.memory_space<vmem>>[vector<16xi32>], vector<16xf32>,
        %parallel_loop3A_549 = arith.constant 22000 : i32
        %parallel_loop3A_550 = vector.broadcast %parallel_loop3A_549 : i32 to vector<16xi32>
        %parallel_loop3A_551 = arith.addi %parallel_loop3A_338, %parallel_loop3A_550 : vector<16xi32>
        %parallel_loop3A_552 = tpu.vector_load_idx %arg6[%parallel_loop3A_551] : memref<32000xf32, #tpu.memory_space<vmem>>[vector<16xi32>], vector<16xf32>,
        %parallel_loop3A_553 = arith.constant 17152 : i32
        %parallel_loop3A_554 = vector.broadcast %parallel_loop3A_553 : i32 to vector<16xi32>
        %parallel_loop3A_555 = arith.addi %parallel_loop3A_372, %parallel_loop3A_554 : vector<16xi32>
        %parallel_loop3A_556 = arith.mulf %parallel_loop3A_552, %gather3A_128 : vector<16xf32>
        tpu.vector_store_idx %arg10[%parallel_loop3A_555], %parallel_loop3A_556 : memref<32768xf32, #tpu.memory_space<vmem>>[vector<16xi32>], vector<16xf32>,
        %parallel_loop3A_557 = arith.constant 23000 : i32
        %parallel_loop3A_558 = vector.broadcast %parallel_loop3A_557 : i32 to vector<16xi32>
        %parallel_loop3A_559 = arith.addi %parallel_loop3A_338, %parallel_loop3A_558 : vector<16xi32>
        %parallel_loop3A_560 = tpu.vector_load_idx %arg6[%parallel_loop3A_559] : memref<32000xf32, #tpu.memory_space<vmem>>[vector<16xi32>], vector<16xf32>,
        %parallel_loop3A_561 = arith.constant 17280 : i32
        %parallel_loop3A_562 = vector.broadcast %parallel_loop3A_561 : i32 to vector<16xi32>
        %parallel_loop3A_563 = arith.addi %parallel_loop3A_372, %parallel_loop3A_562 : vector<16xi32>
        %parallel_loop3A_564 = arith.mulf %parallel_loop3A_560, %gather3A_132 : vector<16xf32>
        tpu.vector_store_idx %arg10[%parallel_loop3A_563], %parallel_loop3A_564 : memref<32768xf32, #tpu.memory_space<vmem>>[vector<16xi32>], vector<16xf32>,
        %parallel_loop3A_565 = arith.constant 24000 : i32
        %parallel_loop3A_566 = vector.broadcast %parallel_loop3A_565 : i32 to vector<16xi32>
        %parallel_loop3A_567 = arith.addi %parallel_loop3A_338, %parallel_loop3A_566 : vector<16xi32>
        %parallel_loop3A_568 = tpu.vector_load_idx %arg6[%parallel_loop3A_567] : memref<32000xf32, #tpu.memory_space<vmem>>[vector<16xi32>], vector<16xf32>,
        %parallel_loop3A_569 = arith.constant 24576 : i32
        %parallel_loop3A_570 = vector.broadcast %parallel_loop3A_569 : i32 to vector<16xi32>
        %parallel_loop3A_571 = arith.addi %parallel_loop3A_372, %parallel_loop3A_570 : vector<16xi32>
        %parallel_loop3A_572 = arith.mulf %parallel_loop3A_568, %gather3A_136 : vector<16xf32>
        tpu.vector_store_idx %arg10[%parallel_loop3A_571], %parallel_loop3A_572 : memref<32768xf32, #tpu.memory_space<vmem>>[vector<16xi32>], vector<16xf32>,
        %parallel_loop3A_573 = arith.constant 25000 : i32
        %parallel_loop3A_574 = vector.broadcast %parallel_loop3A_573 : i32 to vector<16xi32>
        %parallel_loop3A_575 = arith.addi %parallel_loop3A_338, %parallel_loop3A_574 : vector<16xi32>
        %parallel_loop3A_576 = tpu.vector_load_idx %arg6[%parallel_loop3A_575] : memref<32000xf32, #tpu.memory_space<vmem>>[vector<16xi32>], vector<16xf32>,
        %parallel_loop3A_577 = arith.constant 24704 : i32
        %parallel_loop3A_578 = vector.broadcast %parallel_loop3A_577 : i32 to vector<16xi32>
        %parallel_loop3A_579 = arith.addi %parallel_loop3A_372, %parallel_loop3A_578 : vector<16xi32>
        %parallel_loop3A_580 = arith.mulf %parallel_loop3A_576, %gather3A_140 : vector<16xf32>
        tpu.vector_store_idx %arg10[%parallel_loop3A_579], %parallel_loop3A_580 : memref<32768xf32, #tpu.memory_space<vmem>>[vector<16xi32>], vector<16xf32>,
        %parallel_loop3A_581 = arith.constant 26000 : i32
        %parallel_loop3A_582 = vector.broadcast %parallel_loop3A_581 : i32 to vector<16xi32>
        %parallel_loop3A_583 = arith.addi %parallel_loop3A_338, %parallel_loop3A_582 : vector<16xi32>
        %parallel_loop3A_584 = tpu.vector_load_idx %arg6[%parallel_loop3A_583] : memref<32000xf32, #tpu.memory_space<vmem>>[vector<16xi32>], vector<16xf32>,
        %parallel_loop3A_585 = arith.constant 24832 : i32
        %parallel_loop3A_586 = vector.broadcast %parallel_loop3A_585 : i32 to vector<16xi32>
        %parallel_loop3A_587 = arith.addi %parallel_loop3A_372, %parallel_loop3A_586 : vector<16xi32>
        %parallel_loop3A_588 = arith.mulf %parallel_loop3A_584, %gather3A_144 : vector<16xf32>
        tpu.vector_store_idx %arg10[%parallel_loop3A_587], %parallel_loop3A_588 : memref<32768xf32, #tpu.memory_space<vmem>>[vector<16xi32>], vector<16xf32>,
        %parallel_loop3A_589 = arith.constant 27000 : i32
        %parallel_loop3A_590 = vector.broadcast %parallel_loop3A_589 : i32 to vector<16xi32>
        %parallel_loop3A_591 = arith.addi %parallel_loop3A_338, %parallel_loop3A_590 : vector<16xi32>
        %parallel_loop3A_592 = tpu.vector_load_idx %arg6[%parallel_loop3A_591] : memref<32000xf32, #tpu.memory_space<vmem>>[vector<16xi32>], vector<16xf32>,
        %parallel_loop3A_593 = arith.constant 24960 : i32
        %parallel_loop3A_594 = vector.broadcast %parallel_loop3A_593 : i32 to vector<16xi32>
        %parallel_loop3A_595 = arith.addi %parallel_loop3A_372, %parallel_loop3A_594 : vector<16xi32>
        %parallel_loop3A_596 = arith.mulf %parallel_loop3A_592, %gather3A_148 : vector<16xf32>
        tpu.vector_store_idx %arg10[%parallel_loop3A_595], %parallel_loop3A_596 : memref<32768xf32, #tpu.memory_space<vmem>>[vector<16xi32>], vector<16xf32>,
        %parallel_loop3A_597 = arith.constant 28000 : i32
        %parallel_loop3A_598 = vector.broadcast %parallel_loop3A_597 : i32 to vector<16xi32>
        %parallel_loop3A_599 = arith.addi %parallel_loop3A_338, %parallel_loop3A_598 : vector<16xi32>
        %parallel_loop3A_600 = tpu.vector_load_idx %arg6[%parallel_loop3A_599] : memref<32000xf32, #tpu.memory_space<vmem>>[vector<16xi32>], vector<16xf32>,
        %parallel_loop3A_601 = arith.constant 25088 : i32
        %parallel_loop3A_602 = vector.broadcast %parallel_loop3A_601 : i32 to vector<16xi32>
        %parallel_loop3A_603 = arith.addi %parallel_loop3A_372, %parallel_loop3A_602 : vector<16xi32>
        %parallel_loop3A_604 = arith.mulf %parallel_loop3A_600, %gather3A_152 : vector<16xf32>
        tpu.vector_store_idx %arg10[%parallel_loop3A_603], %parallel_loop3A_604 : memref<32768xf32, #tpu.memory_space<vmem>>[vector<16xi32>], vector<16xf32>,
        %parallel_loop3A_605 = arith.constant 29000 : i32
        %parallel_loop3A_606 = vector.broadcast %parallel_loop3A_605 : i32 to vector<16xi32>
        %parallel_loop3A_607 = arith.addi %parallel_loop3A_338, %parallel_loop3A_606 : vector<16xi32>
        %parallel_loop3A_608 = tpu.vector_load_idx %arg6[%parallel_loop3A_607] : memref<32000xf32, #tpu.memory_space<vmem>>[vector<16xi32>], vector<16xf32>,
        %parallel_loop3A_609 = arith.constant 25216 : i32
        %parallel_loop3A_610 = vector.broadcast %parallel_loop3A_609 : i32 to vector<16xi32>
        %parallel_loop3A_611 = arith.addi %parallel_loop3A_372, %parallel_loop3A_610 : vector<16xi32>
        %parallel_loop3A_612 = arith.mulf %parallel_loop3A_608, %gather3A_156 : vector<16xf32>
        tpu.vector_store_idx %arg10[%parallel_loop3A_611], %parallel_loop3A_612 : memref<32768xf32, #tpu.memory_space<vmem>>[vector<16xi32>], vector<16xf32>,
        %parallel_loop3A_613 = arith.constant 30000 : i32
        %parallel_loop3A_614 = vector.broadcast %parallel_loop3A_613 : i32 to vector<16xi32>
        %parallel_loop3A_615 = arith.addi %parallel_loop3A_338, %parallel_loop3A_614 : vector<16xi32>
        %parallel_loop3A_616 = tpu.vector_load_idx %arg6[%parallel_loop3A_615] : memref<32000xf32, #tpu.memory_space<vmem>>[vector<16xi32>], vector<16xf32>,
        %parallel_loop3A_617 = arith.constant 25344 : i32
        %parallel_loop3A_618 = vector.broadcast %parallel_loop3A_617 : i32 to vector<16xi32>
        %parallel_loop3A_619 = arith.addi %parallel_loop3A_372, %parallel_loop3A_618 : vector<16xi32>
        %parallel_loop3A_620 = arith.mulf %parallel_loop3A_616, %gather3A_160 : vector<16xf32>
        tpu.vector_store_idx %arg10[%parallel_loop3A_619], %parallel_loop3A_620 : memref<32768xf32, #tpu.memory_space<vmem>>[vector<16xi32>], vector<16xf32>,
        %parallel_loop3A_621 = arith.constant 31000 : i32
        %parallel_loop3A_622 = vector.broadcast %parallel_loop3A_621 : i32 to vector<16xi32>
        %parallel_loop3A_623 = arith.addi %parallel_loop3A_338, %parallel_loop3A_622 : vector<16xi32>
        %parallel_loop3A_624 = tpu.vector_load_idx %arg6[%parallel_loop3A_623] : memref<32000xf32, #tpu.memory_space<vmem>>[vector<16xi32>], vector<16xf32>,
        %parallel_loop3A_625 = arith.constant 25472 : i32
        %parallel_loop3A_626 = vector.broadcast %parallel_loop3A_625 : i32 to vector<16xi32>
        %parallel_loop3A_627 = arith.addi %parallel_loop3A_372, %parallel_loop3A_626 : vector<16xi32>
        %parallel_loop3A_628 = arith.mulf %parallel_loop3A_624, %gather3A_164 : vector<16xf32>
        tpu.vector_store_idx %arg10[%parallel_loop3A_627], %parallel_loop3A_628 : memref<32768xf32, #tpu.memory_space<vmem>>[vector<16xi32>], vector<16xf32>,
      } {sc.loop_unroll_factor = 8 : i64, sc.parallel_access}
      %mul3A_167 = arith.constant 1024000 : i32
      %mul3A_168 = arith.muli %mul3A_25, %mul3A_167 : i32
      %mul3A_169 = arith.constant 1024 : i32
      %mul3A_170 = arith.muli %min3A_3, %mul3A_169 : i32
      %add3A_171 = arith.addi %mul3A_168, %mul3A_170 : i32
      %dma_start3A_172 = tpu.memref_slice %arg5[%add3A_171] : memref<51200000xf32, #tpu.memory_space<hbm>> -> memref<32768xf32, #tpu.memory_space<hbm>>
      %dma_start3A_173 = tpu.memref_slice %arg5[%add3A_171] : memref<51200000xf32, #tpu.memory_space<hbm>> -> memref<32768xf32, #tpu.memory_space<hbm>>
      tpu.enqueue_dma source(%arg10 : memref<32768xf32, #tpu.memory_space<vmem>>) target(%dma_start3A_173 : memref<32768xf32, #tpu.memory_space<hbm>>) target_semaphore(%arg14 : memref<!tpu.dma_semaphore, #tpu.memory_space<semaphore_mem>>)
      %mul3A_174 = arith.constant 2 : i32
      %mul3A_175 = arith.muli %mul3A_174, %scan3A_23 : i32
      %add3A_176 = arith.constant 1 : i32
      %add3A_177 = arith.addi %mul3A_175, %add3A_176 : i32
      %add3A_178 = arith.constant 1 : i32
      %add3A_179 = arith.addi %add3A_177, %add3A_178 : i32
      %lt3A_180 = arith.constant 50 : i32
      %lt3A_181 = arith.cmpi slt, %add3A_179, %lt3A_180 : i32
      %convert_element_type3A_182 = arith.extui %lt3A_181 : i1 to i32
      %cond3A_183 = arith.constant 0 : i32
      %cond3A_184 = arith.cmpi ne, %convert_element_type3A_182, %cond3A_183 : i32
      scf.if %cond3A_184 {
        %add3A_333 = arith.constant 1 : i32
        %add3A_334 = arith.addi %add3A_177, %add3A_333 : i32
        %mul3A_335 = arith.constant 1024 : i32
        %mul3A_336 = arith.muli %add3A_334, %mul3A_335 : i32
        %dma_start3A_337 = tpu.memref_slice %arg4[%mul3A_336] : memref<51200xi32, #tpu.memory_space<hbm>> -> memref<1024xi32, #tpu.memory_space<hbm>>
        %dma_start3A_338 = tpu.memref_slice %arg4[%mul3A_336] : memref<51200xi32, #tpu.memory_space<hbm>> -> memref<1024xi32, #tpu.memory_space<hbm>>
        tpu.enqueue_dma source(%dma_start3A_338 : memref<1024xi32, #tpu.memory_space<hbm>>) target(%arg8 : memref<1024xi32, #tpu.memory_space<vmem>>) target_semaphore(%arg12 : memref<!tpu.dma_semaphore, #tpu.memory_space<semaphore_mem>>)
      } else {
      }
      %mul3A_185 = arith.constant 1024 : i32
      %mul3A_186 = arith.muli %add3A_177, %mul3A_185 : i32
      %dma_wait3A_187 = tpu.memref_slice %arg4[%mul3A_186] : memref<51200xi32, #tpu.memory_space<hbm>> -> memref<1024xi32, #tpu.memory_space<hbm>>
      %dma_wait3A_188 = tpu.memref_slice %arg4[%mul3A_186] : memref<51200xi32, #tpu.memory_space<hbm>> -> memref<1024xi32, #tpu.memory_space<hbm>>
      tpu.wait_dma2 semaphore(%arg13 : memref<!tpu.dma_semaphore, #tpu.memory_space<semaphore_mem>>) src(%dma_wait3A_188 : memref<1024xi32, #tpu.memory_space<hbm>>) dst(%arg9 : memref<1024xi32, #tpu.memory_space<vmem>>)
      %ge3A_189 = arith.constant 2 : i32
      %ge3A_190 = arith.cmpi sge, %add3A_177, %ge3A_189 : i32
      %convert_element_type3A_191 = arith.extui %ge3A_190 : i1 to i32
      %cond3A_192 = arith.constant 0 : i32
      %cond3A_193 = arith.cmpi ne, %convert_element_type3A_191, %cond3A_192 : i32
      scf.if %cond3A_193 {
        %dma_wait3A_333 = arith.constant 0 : i32
        %dma_wait3A_334 = tpu.memref_slice %arg5[%dma_wait3A_333] : memref<51200000xf32, #tpu.memory_space<hbm>> -> memref<32768xf32, #tpu.memory_space<hbm>>
        %dma_wait3A_335 = arith.constant 0 : i32
        %dma_wait3A_336 = tpu.memref_slice %arg5[%dma_wait3A_335] : memref<51200000xf32, #tpu.memory_space<hbm>> -> memref<32768xf32, #tpu.memory_space<hbm>>
        tpu.wait_dma2 semaphore(%arg15 : memref<!tpu.dma_semaphore, #tpu.memory_space<semaphore_mem>>) src(%arg11 : memref<32768xf32, #tpu.memory_space<vmem>>) dst(%dma_wait3A_336 : memref<32768xf32, #tpu.memory_space<hbm>>)
      } else {
      }
      %broadcast_in_dim3A_194 = vector.broadcast %add3A_177 : i32 to vector<16xi32>
      %add3A_195 = arith.constant 0 : i32
      %add3A_196 = vector.broadcast %add3A_195 : i32 to vector<16xi32>
      %add3A_197 = arith.addi %broadcast_in_dim3A_194, %add3A_196 : vector<16xi32>
      %gather3A_198 = tpu.vector_load_idx %arg7[%add3A_197] : memref<1600xf32, #tpu.memory_space<vmem>>[vector<16xi32>], vector<16xf32>,
      %add3A_199 = arith.constant 50 : i32
      %add3A_200 = vector.broadcast %add3A_199 : i32 to vector<16xi32>
      %add3A_201 = arith.addi %broadcast_in_dim3A_194, %add3A_200 : vector<16xi32>
      %gather3A_202 = tpu.vector_load_idx %arg7[%add3A_201] : memref<1600xf32, #tpu.memory_space<vmem>>[vector<16xi32>], vector<16xf32>,
      %add3A_203 = arith.constant 100 : i32
      %add3A_204 = vector.broadcast %add3A_203 : i32 to vector<16xi32>
      %add3A_205 = arith.addi %broadcast_in_dim3A_194, %add3A_204 : vector<16xi32>
      %gather3A_206 = tpu.vector_load_idx %arg7[%add3A_205] : memref<1600xf32, #tpu.memory_space<vmem>>[vector<16xi32>], vector<16xf32>,
      %add3A_207 = arith.constant 150 : i32
      %add3A_208 = vector.broadcast %add3A_207 : i32 to vector<16xi32>
      %add3A_209 = arith.addi %broadcast_in_dim3A_194, %add3A_208 : vector<16xi32>
      %gather3A_210 = tpu.vector_load_idx %arg7[%add3A_209] : memref<1600xf32, #tpu.memory_space<vmem>>[vector<16xi32>], vector<16xf32>,
      %add3A_211 = arith.constant 200 : i32
      %add3A_212 = vector.broadcast %add3A_211 : i32 to vector<16xi32>
      %add3A_213 = arith.addi %broadcast_in_dim3A_194, %add3A_212 : vector<16xi32>
      %gather3A_214 = tpu.vector_load_idx %arg7[%add3A_213] : memref<1600xf32, #tpu.memory_space<vmem>>[vector<16xi32>], vector<16xf32>,
      %add3A_215 = arith.constant 250 : i32
      %add3A_216 = vector.broadcast %add3A_215 : i32 to vector<16xi32>
      %add3A_217 = arith.addi %broadcast_in_dim3A_194, %add3A_216 : vector<16xi32>
      %gather3A_218 = tpu.vector_load_idx %arg7[%add3A_217] : memref<1600xf32, #tpu.memory_space<vmem>>[vector<16xi32>], vector<16xf32>,
      %add3A_219 = arith.constant 300 : i32
      %add3A_220 = vector.broadcast %add3A_219 : i32 to vector<16xi32>
      %add3A_221 = arith.addi %broadcast_in_dim3A_194, %add3A_220 : vector<16xi32>
      %gather3A_222 = tpu.vector_load_idx %arg7[%add3A_221] : memref<1600xf32, #tpu.memory_space<vmem>>[vector<16xi32>], vector<16xf32>,
      %add3A_223 = arith.constant 350 : i32
      %add3A_224 = vector.broadcast %add3A_223 : i32 to vector<16xi32>
      %add3A_225 = arith.addi %broadcast_in_dim3A_194, %add3A_224 : vector<16xi32>
      %gather3A_226 = tpu.vector_load_idx %arg7[%add3A_225] : memref<1600xf32, #tpu.memory_space<vmem>>[vector<16xi32>], vector<16xf32>,
      %add3A_227 = arith.constant 400 : i32
      %add3A_228 = vector.broadcast %add3A_227 : i32 to vector<16xi32>
      %add3A_229 = arith.addi %broadcast_in_dim3A_194, %add3A_228 : vector<16xi32>
      %gather3A_230 = tpu.vector_load_idx %arg7[%add3A_229] : memref<1600xf32, #tpu.memory_space<vmem>>[vector<16xi32>], vector<16xf32>,
      %add3A_231 = arith.constant 450 : i32
      %add3A_232 = vector.broadcast %add3A_231 : i32 to vector<16xi32>
      %add3A_233 = arith.addi %broadcast_in_dim3A_194, %add3A_232 : vector<16xi32>
      %gather3A_234 = tpu.vector_load_idx %arg7[%add3A_233] : memref<1600xf32, #tpu.memory_space<vmem>>[vector<16xi32>], vector<16xf32>,
      %add3A_235 = arith.constant 500 : i32
      %add3A_236 = vector.broadcast %add3A_235 : i32 to vector<16xi32>
      %add3A_237 = arith.addi %broadcast_in_dim3A_194, %add3A_236 : vector<16xi32>
      %gather3A_238 = tpu.vector_load_idx %arg7[%add3A_237] : memref<1600xf32, #tpu.memory_space<vmem>>[vector<16xi32>], vector<16xf32>,
      %add3A_239 = arith.constant 550 : i32
      %add3A_240 = vector.broadcast %add3A_239 : i32 to vector<16xi32>
      %add3A_241 = arith.addi %broadcast_in_dim3A_194, %add3A_240 : vector<16xi32>
      %gather3A_242 = tpu.vector_load_idx %arg7[%add3A_241] : memref<1600xf32, #tpu.memory_space<vmem>>[vector<16xi32>], vector<16xf32>,
      %add3A_243 = arith.constant 600 : i32
      %add3A_244 = vector.broadcast %add3A_243 : i32 to vector<16xi32>
      %add3A_245 = arith.addi %broadcast_in_dim3A_194, %add3A_244 : vector<16xi32>
      %gather3A_246 = tpu.vector_load_idx %arg7[%add3A_245] : memref<1600xf32, #tpu.memory_space<vmem>>[vector<16xi32>], vector<16xf32>,
      %add3A_247 = arith.constant 650 : i32
      %add3A_248 = vector.broadcast %add3A_247 : i32 to vector<16xi32>
      %add3A_249 = arith.addi %broadcast_in_dim3A_194, %add3A_248 : vector<16xi32>
      %gather3A_250 = tpu.vector_load_idx %arg7[%add3A_249] : memref<1600xf32, #tpu.memory_space<vmem>>[vector<16xi32>], vector<16xf32>,
      %add3A_251 = arith.constant 700 : i32
      %add3A_252 = vector.broadcast %add3A_251 : i32 to vector<16xi32>
      %add3A_253 = arith.addi %broadcast_in_dim3A_194, %add3A_252 : vector<16xi32>
      %gather3A_254 = tpu.vector_load_idx %arg7[%add3A_253] : memref<1600xf32, #tpu.memory_space<vmem>>[vector<16xi32>], vector<16xf32>,
      %add3A_255 = arith.constant 750 : i32
      %add3A_256 = vector.broadcast %add3A_255 : i32 to vector<16xi32>
      %add3A_257 = arith.addi %broadcast_in_dim3A_194, %add3A_256 : vector<16xi32>
      %gather3A_258 = tpu.vector_load_idx %arg7[%add3A_257] : memref<1600xf32, #tpu.memory_space<vmem>>[vector<16xi32>], vector<16xf32>,
      %add3A_259 = arith.constant 800 : i32
      %add3A_260 = vector.broadcast %add3A_259 : i32 to vector<16xi32>
      %add3A_261 = arith.addi %broadcast_in_dim3A_194, %add3A_260 : vector<16xi32>
      %gather3A_262 = tpu.vector_load_idx %arg7[%add3A_261] : memref<1600xf32, #tpu.memory_space<vmem>>[vector<16xi32>], vector<16xf32>,
      %add3A_263 = arith.constant 850 : i32
      %add3A_264 = vector.broadcast %add3A_263 : i32 to vector<16xi32>
      %add3A_265 = arith.addi %broadcast_in_dim3A_194, %add3A_264 : vector<16xi32>
      %gather3A_266 = tpu.vector_load_idx %arg7[%add3A_265] : memref<1600xf32, #tpu.memory_space<vmem>>[vector<16xi32>], vector<16xf32>,
      %add3A_267 = arith.constant 900 : i32
      %add3A_268 = vector.broadcast %add3A_267 : i32 to vector<16xi32>
      %add3A_269 = arith.addi %broadcast_in_dim3A_194, %add3A_268 : vector<16xi32>
      %gather3A_270 = tpu.vector_load_idx %arg7[%add3A_269] : memref<1600xf32, #tpu.memory_space<vmem>>[vector<16xi32>], vector<16xf32>,
      %add3A_271 = arith.constant 950 : i32
      %add3A_272 = vector.broadcast %add3A_271 : i32 to vector<16xi32>
      %add3A_273 = arith.addi %broadcast_in_dim3A_194, %add3A_272 : vector<16xi32>
      %gather3A_274 = tpu.vector_load_idx %arg7[%add3A_273] : memref<1600xf32, #tpu.memory_space<vmem>>[vector<16xi32>], vector<16xf32>,
      %add3A_275 = arith.constant 1000 : i32
      %add3A_276 = vector.broadcast %add3A_275 : i32 to vector<16xi32>
      %add3A_277 = arith.addi %broadcast_in_dim3A_194, %add3A_276 : vector<16xi32>
      %gather3A_278 = tpu.vector_load_idx %arg7[%add3A_277] : memref<1600xf32, #tpu.memory_space<vmem>>[vector<16xi32>], vector<16xf32>,
      %add3A_279 = arith.constant 1050 : i32
      %add3A_280 = vector.broadcast %add3A_279 : i32 to vector<16xi32>
      %add3A_281 = arith.addi %broadcast_in_dim3A_194, %add3A_280 : vector<16xi32>
      %gather3A_282 = tpu.vector_load_idx %arg7[%add3A_281] : memref<1600xf32, #tpu.memory_space<vmem>>[vector<16xi32>], vector<16xf32>,
      %add3A_283 = arith.constant 1100 : i32
      %add3A_284 = vector.broadcast %add3A_283 : i32 to vector<16xi32>
      %add3A_285 = arith.addi %broadcast_in_dim3A_194, %add3A_284 : vector<16xi32>
      %gather3A_286 = tpu.vector_load_idx %arg7[%add3A_285] : memref<1600xf32, #tpu.memory_space<vmem>>[vector<16xi32>], vector<16xf32>,
      %add3A_287 = arith.constant 1150 : i32
      %add3A_288 = vector.broadcast %add3A_287 : i32 to vector<16xi32>
      %add3A_289 = arith.addi %broadcast_in_dim3A_194, %add3A_288 : vector<16xi32>
      %gather3A_290 = tpu.vector_load_idx %arg7[%add3A_289] : memref<1600xf32, #tpu.memory_space<vmem>>[vector<16xi32>], vector<16xf32>,
      %add3A_291 = arith.constant 1200 : i32
      %add3A_292 = vector.broadcast %add3A_291 : i32 to vector<16xi32>
      %add3A_293 = arith.addi %broadcast_in_dim3A_194, %add3A_292 : vector<16xi32>
      %gather3A_294 = tpu.vector_load_idx %arg7[%add3A_293] : memref<1600xf32, #tpu.memory_space<vmem>>[vector<16xi32>], vector<16xf32>,
      %add3A_295 = arith.constant 1250 : i32
      %add3A_296 = vector.broadcast %add3A_295 : i32 to vector<16xi32>
      %add3A_297 = arith.addi %broadcast_in_dim3A_194, %add3A_296 : vector<16xi32>
      %gather3A_298 = tpu.vector_load_idx %arg7[%add3A_297] : memref<1600xf32, #tpu.memory_space<vmem>>[vector<16xi32>], vector<16xf32>,
      %add3A_299 = arith.constant 1300 : i32
      %add3A_300 = vector.broadcast %add3A_299 : i32 to vector<16xi32>
      %add3A_301 = arith.addi %broadcast_in_dim3A_194, %add3A_300 : vector<16xi32>
      %gather3A_302 = tpu.vector_load_idx %arg7[%add3A_301] : memref<1600xf32, #tpu.memory_space<vmem>>[vector<16xi32>], vector<16xf32>,
      %add3A_303 = arith.constant 1350 : i32
      %add3A_304 = vector.broadcast %add3A_303 : i32 to vector<16xi32>
      %add3A_305 = arith.addi %broadcast_in_dim3A_194, %add3A_304 : vector<16xi32>
      %gather3A_306 = tpu.vector_load_idx %arg7[%add3A_305] : memref<1600xf32, #tpu.memory_space<vmem>>[vector<16xi32>], vector<16xf32>,
      %add3A_307 = arith.constant 1400 : i32
      %add3A_308 = vector.broadcast %add3A_307 : i32 to vector<16xi32>
      %add3A_309 = arith.addi %broadcast_in_dim3A_194, %add3A_308 : vector<16xi32>
      %gather3A_310 = tpu.vector_load_idx %arg7[%add3A_309] : memref<1600xf32, #tpu.memory_space<vmem>>[vector<16xi32>], vector<16xf32>,
      %add3A_311 = arith.constant 1450 : i32
      %add3A_312 = vector.broadcast %add3A_311 : i32 to vector<16xi32>
      %add3A_313 = arith.addi %broadcast_in_dim3A_194, %add3A_312 : vector<16xi32>
      %gather3A_314 = tpu.vector_load_idx %arg7[%add3A_313] : memref<1600xf32, #tpu.memory_space<vmem>>[vector<16xi32>], vector<16xf32>,
      %add3A_315 = arith.constant 1500 : i32
      %add3A_316 = vector.broadcast %add3A_315 : i32 to vector<16xi32>
      %add3A_317 = arith.addi %broadcast_in_dim3A_194, %add3A_316 : vector<16xi32>
      %gather3A_318 = tpu.vector_load_idx %arg7[%add3A_317] : memref<1600xf32, #tpu.memory_space<vmem>>[vector<16xi32>], vector<16xf32>,
      %add3A_319 = arith.constant 1550 : i32
      %add3A_320 = vector.broadcast %add3A_319 : i32 to vector<16xi32>
      %add3A_321 = arith.addi %broadcast_in_dim3A_194, %add3A_320 : vector<16xi32>
      %gather3A_322 = tpu.vector_load_idx %arg7[%add3A_321] : memref<1600xf32, #tpu.memory_space<vmem>>[vector<16xi32>], vector<16xf32>,
      %parallel_loop3A_323 = arith.constant 0 : i32
      %parallel_loop3A_324 = arith.constant 64 : i32
      %parallel_loop3A_325 = arith.constant 1 : i32
      scf.for %parallel_loop3A_333 = %parallel_loop3A_323 to %parallel_loop3A_324 step %parallel_loop3A_325  : i32 {
        %parallel_loop3A_334 = arith.constant 16 : i32
        %parallel_loop3A_335 = arith.muli %parallel_loop3A_333, %parallel_loop3A_334 : i32
        %parallel_loop3A_336 = vector.broadcast %parallel_loop3A_335 : i32 to vector<16xi32>
        %parallel_loop3A_337 = arith.addi %parallel_loop3A_336, %iota3A : vector<16xi32>
        %parallel_loop3A_338 = tpu.vector_load_idx %arg9[%parallel_loop3A_337] : memref<1024xi32, #tpu.memory_space<vmem>>[vector<16xi32>], vector<16xi32>,
        %parallel_loop3A_339 = arith.constant 8 : i32
        %parallel_loop3A_340 = arith.divsi %parallel_loop3A_333, %parallel_loop3A_339 : i32
        %parallel_loop3A_341 = arith.constant 0 : i32
        %parallel_loop3A_342 = arith.cmpi sgt, %parallel_loop3A_333, %parallel_loop3A_341 : i32
        %parallel_loop3A_343 = arith.extui %parallel_loop3A_342 : i1 to i32
        %parallel_loop3A_344 = arith.constant 0 : i32
        %parallel_loop3A_345 = arith.cmpi slt, %parallel_loop3A_333, %parallel_loop3A_344 : i32
        %parallel_loop3A_346 = arith.extui %parallel_loop3A_345 : i1 to i32
        %parallel_loop3A_347 = arith.subi %parallel_loop3A_343, %parallel_loop3A_346 : i32
        %parallel_loop3A_348 = arith.constant 0 : i32
        %parallel_loop3A_349 = arith.cmpi sgt, %parallel_loop3A_339, %parallel_loop3A_348 : i32
        %parallel_loop3A_350 = arith.extui %parallel_loop3A_349 : i1 to i32
        %parallel_loop3A_351 = arith.constant 0 : i32
        %parallel_loop3A_352 = arith.cmpi slt, %parallel_loop3A_339, %parallel_loop3A_351 : i32
        %parallel_loop3A_353 = arith.extui %parallel_loop3A_352 : i1 to i32
        %parallel_loop3A_354 = arith.subi %parallel_loop3A_350, %parallel_loop3A_353 : i32
        %parallel_loop3A_355 = arith.cmpi ne, %parallel_loop3A_347, %parallel_loop3A_354 : i32
        %parallel_loop3A_356 = arith.remsi %parallel_loop3A_333, %parallel_loop3A_339 : i32
        %parallel_loop3A_357 = arith.constant 0 : i32
        %parallel_loop3A_358 = arith.cmpi ne, %parallel_loop3A_356, %parallel_loop3A_357 : i32
        %parallel_loop3A_359 = arith.andi %parallel_loop3A_355, %parallel_loop3A_358 : i1
        %parallel_loop3A_360 = arith.constant 1 : i32
        %parallel_loop3A_361 = arith.subi %parallel_loop3A_340, %parallel_loop3A_360 : i32
        %parallel_loop3A_362 = arith.select %parallel_loop3A_359, %parallel_loop3A_361, %parallel_loop3A_340 : i32
        %parallel_loop3A_363 = arith.constant 1024 : i32
        %parallel_loop3A_364 = arith.muli %parallel_loop3A_362, %parallel_loop3A_363 : i32
        %parallel_loop3A_365 = arith.constant 16 : i32
        %parallel_loop3A_366 = arith.muli %parallel_loop3A_333, %parallel_loop3A_365 : i32
        %parallel_loop3A_367 = arith.constant 128 : i32
        %parallel_loop3A_368 = arith.muli %parallel_loop3A_362, %parallel_loop3A_367 : i32
        %parallel_loop3A_369 = arith.subi %parallel_loop3A_366, %parallel_loop3A_368 : i32
        %parallel_loop3A_370 = arith.addi %parallel_loop3A_364, %parallel_loop3A_369 : i32
        %parallel_loop3A_371 = vector.broadcast %parallel_loop3A_370 : i32 to vector<16xi32>
        %parallel_loop3A_372 = arith.addi %parallel_loop3A_371, %iota3A : vector<16xi32>
        %parallel_loop3A_373 = arith.constant 0 : i32
        %parallel_loop3A_374 = vector.broadcast %parallel_loop3A_373 : i32 to vector<16xi32>
        %parallel_loop3A_375 = arith.addi %parallel_loop3A_338, %parallel_loop3A_374 : vector<16xi32>
        %parallel_loop3A_376 = tpu.vector_load_idx %arg6[%parallel_loop3A_375] : memref<32000xf32, #tpu.memory_space<vmem>>[vector<16xi32>], vector<16xf32>,
        %parallel_loop3A_377 = arith.constant 0 : i32
        %parallel_loop3A_378 = vector.broadcast %parallel_loop3A_377 : i32 to vector<16xi32>
        %parallel_loop3A_379 = arith.addi %parallel_loop3A_372, %parallel_loop3A_378 : vector<16xi32>
        %parallel_loop3A_380 = arith.mulf %parallel_loop3A_376, %gather3A_198 : vector<16xf32>
        tpu.vector_store_idx %arg11[%parallel_loop3A_379], %parallel_loop3A_380 : memref<32768xf32, #tpu.memory_space<vmem>>[vector<16xi32>], vector<16xf32>,
        %parallel_loop3A_381 = arith.constant 1000 : i32
        %parallel_loop3A_382 = vector.broadcast %parallel_loop3A_381 : i32 to vector<16xi32>
        %parallel_loop3A_383 = arith.addi %parallel_loop3A_338, %parallel_loop3A_382 : vector<16xi32>
        %parallel_loop3A_384 = tpu.vector_load_idx %arg6[%parallel_loop3A_383] : memref<32000xf32, #tpu.memory_space<vmem>>[vector<16xi32>], vector<16xf32>,
        %parallel_loop3A_385 = arith.constant 128 : i32
        %parallel_loop3A_386 = vector.broadcast %parallel_loop3A_385 : i32 to vector<16xi32>
        %parallel_loop3A_387 = arith.addi %parallel_loop3A_372, %parallel_loop3A_386 : vector<16xi32>
        %parallel_loop3A_388 = arith.mulf %parallel_loop3A_384, %gather3A_202 : vector<16xf32>
        tpu.vector_store_idx %arg11[%parallel_loop3A_387], %parallel_loop3A_388 : memref<32768xf32, #tpu.memory_space<vmem>>[vector<16xi32>], vector<16xf32>,
        %parallel_loop3A_389 = arith.constant 2000 : i32
        %parallel_loop3A_390 = vector.broadcast %parallel_loop3A_389 : i32 to vector<16xi32>
        %parallel_loop3A_391 = arith.addi %parallel_loop3A_338, %parallel_loop3A_390 : vector<16xi32>
        %parallel_loop3A_392 = tpu.vector_load_idx %arg6[%parallel_loop3A_391] : memref<32000xf32, #tpu.memory_space<vmem>>[vector<16xi32>], vector<16xf32>,
        %parallel_loop3A_393 = arith.constant 256 : i32
        %parallel_loop3A_394 = vector.broadcast %parallel_loop3A_393 : i32 to vector<16xi32>
        %parallel_loop3A_395 = arith.addi %parallel_loop3A_372, %parallel_loop3A_394 : vector<16xi32>
        %parallel_loop3A_396 = arith.mulf %parallel_loop3A_392, %gather3A_206 : vector<16xf32>
        tpu.vector_store_idx %arg11[%parallel_loop3A_395], %parallel_loop3A_396 : memref<32768xf32, #tpu.memory_space<vmem>>[vector<16xi32>], vector<16xf32>,
        %parallel_loop3A_397 = arith.constant 3000 : i32
        %parallel_loop3A_398 = vector.broadcast %parallel_loop3A_397 : i32 to vector<16xi32>
        %parallel_loop3A_399 = arith.addi %parallel_loop3A_338, %parallel_loop3A_398 : vector<16xi32>
        %parallel_loop3A_400 = tpu.vector_load_idx %arg6[%parallel_loop3A_399] : memref<32000xf32, #tpu.memory_space<vmem>>[vector<16xi32>], vector<16xf32>,
        %parallel_loop3A_401 = arith.constant 384 : i32
        %parallel_loop3A_402 = vector.broadcast %parallel_loop3A_401 : i32 to vector<16xi32>
        %parallel_loop3A_403 = arith.addi %parallel_loop3A_372, %parallel_loop3A_402 : vector<16xi32>
        %parallel_loop3A_404 = arith.mulf %parallel_loop3A_400, %gather3A_210 : vector<16xf32>
        tpu.vector_store_idx %arg11[%parallel_loop3A_403], %parallel_loop3A_404 : memref<32768xf32, #tpu.memory_space<vmem>>[vector<16xi32>], vector<16xf32>,
        %parallel_loop3A_405 = arith.constant 4000 : i32
        %parallel_loop3A_406 = vector.broadcast %parallel_loop3A_405 : i32 to vector<16xi32>
        %parallel_loop3A_407 = arith.addi %parallel_loop3A_338, %parallel_loop3A_406 : vector<16xi32>
        %parallel_loop3A_408 = tpu.vector_load_idx %arg6[%parallel_loop3A_407] : memref<32000xf32, #tpu.memory_space<vmem>>[vector<16xi32>], vector<16xf32>,
        %parallel_loop3A_409 = arith.constant 512 : i32
        %parallel_loop3A_410 = vector.broadcast %parallel_loop3A_409 : i32 to vector<16xi32>
        %parallel_loop3A_411 = arith.addi %parallel_loop3A_372, %parallel_loop3A_410 : vector<16xi32>
        %parallel_loop3A_412 = arith.mulf %parallel_loop3A_408, %gather3A_214 : vector<16xf32>
        tpu.vector_store_idx %arg11[%parallel_loop3A_411], %parallel_loop3A_412 : memref<32768xf32, #tpu.memory_space<vmem>>[vector<16xi32>], vector<16xf32>,
        %parallel_loop3A_413 = arith.constant 5000 : i32
        %parallel_loop3A_414 = vector.broadcast %parallel_loop3A_413 : i32 to vector<16xi32>
        %parallel_loop3A_415 = arith.addi %parallel_loop3A_338, %parallel_loop3A_414 : vector<16xi32>
        %parallel_loop3A_416 = tpu.vector_load_idx %arg6[%parallel_loop3A_415] : memref<32000xf32, #tpu.memory_space<vmem>>[vector<16xi32>], vector<16xf32>,
        %parallel_loop3A_417 = arith.constant 640 : i32
        %parallel_loop3A_418 = vector.broadcast %parallel_loop3A_417 : i32 to vector<16xi32>
        %parallel_loop3A_419 = arith.addi %parallel_loop3A_372, %parallel_loop3A_418 : vector<16xi32>
        %parallel_loop3A_420 = arith.mulf %parallel_loop3A_416, %gather3A_218 : vector<16xf32>
        tpu.vector_store_idx %arg11[%parallel_loop3A_419], %parallel_loop3A_420 : memref<32768xf32, #tpu.memory_space<vmem>>[vector<16xi32>], vector<16xf32>,
        %parallel_loop3A_421 = arith.constant 6000 : i32
        %parallel_loop3A_422 = vector.broadcast %parallel_loop3A_421 : i32 to vector<16xi32>
        %parallel_loop3A_423 = arith.addi %parallel_loop3A_338, %parallel_loop3A_422 : vector<16xi32>
        %parallel_loop3A_424 = tpu.vector_load_idx %arg6[%parallel_loop3A_423] : memref<32000xf32, #tpu.memory_space<vmem>>[vector<16xi32>], vector<16xf32>,
        %parallel_loop3A_425 = arith.constant 768 : i32
        %parallel_loop3A_426 = vector.broadcast %parallel_loop3A_425 : i32 to vector<16xi32>
        %parallel_loop3A_427 = arith.addi %parallel_loop3A_372, %parallel_loop3A_426 : vector<16xi32>
        %parallel_loop3A_428 = arith.mulf %parallel_loop3A_424, %gather3A_222 : vector<16xf32>
        tpu.vector_store_idx %arg11[%parallel_loop3A_427], %parallel_loop3A_428 : memref<32768xf32, #tpu.memory_space<vmem>>[vector<16xi32>], vector<16xf32>,
        %parallel_loop3A_429 = arith.constant 7000 : i32
        %parallel_loop3A_430 = vector.broadcast %parallel_loop3A_429 : i32 to vector<16xi32>
        %parallel_loop3A_431 = arith.addi %parallel_loop3A_338, %parallel_loop3A_430 : vector<16xi32>
        %parallel_loop3A_432 = tpu.vector_load_idx %arg6[%parallel_loop3A_431] : memref<32000xf32, #tpu.memory_space<vmem>>[vector<16xi32>], vector<16xf32>,
        %parallel_loop3A_433 = arith.constant 896 : i32
        %parallel_loop3A_434 = vector.broadcast %parallel_loop3A_433 : i32 to vector<16xi32>
        %parallel_loop3A_435 = arith.addi %parallel_loop3A_372, %parallel_loop3A_434 : vector<16xi32>
        %parallel_loop3A_436 = arith.mulf %parallel_loop3A_432, %gather3A_226 : vector<16xf32>
        tpu.vector_store_idx %arg11[%parallel_loop3A_435], %parallel_loop3A_436 : memref<32768xf32, #tpu.memory_space<vmem>>[vector<16xi32>], vector<16xf32>,
        %parallel_loop3A_437 = arith.constant 8000 : i32
        %parallel_loop3A_438 = vector.broadcast %parallel_loop3A_437 : i32 to vector<16xi32>
        %parallel_loop3A_439 = arith.addi %parallel_loop3A_338, %parallel_loop3A_438 : vector<16xi32>
        %parallel_loop3A_440 = tpu.vector_load_idx %arg6[%parallel_loop3A_439] : memref<32000xf32, #tpu.memory_space<vmem>>[vector<16xi32>], vector<16xf32>,
        %parallel_loop3A_441 = arith.constant 8192 : i32
        %parallel_loop3A_442 = vector.broadcast %parallel_loop3A_441 : i32 to vector<16xi32>
        %parallel_loop3A_443 = arith.addi %parallel_loop3A_372, %parallel_loop3A_442 : vector<16xi32>
        %parallel_loop3A_444 = arith.mulf %parallel_loop3A_440, %gather3A_230 : vector<16xf32>
        tpu.vector_store_idx %arg11[%parallel_loop3A_443], %parallel_loop3A_444 : memref<32768xf32, #tpu.memory_space<vmem>>[vector<16xi32>], vector<16xf32>,
        %parallel_loop3A_445 = arith.constant 9000 : i32
        %parallel_loop3A_446 = vector.broadcast %parallel_loop3A_445 : i32 to vector<16xi32>
        %parallel_loop3A_447 = arith.addi %parallel_loop3A_338, %parallel_loop3A_446 : vector<16xi32>
        %parallel_loop3A_448 = tpu.vector_load_idx %arg6[%parallel_loop3A_447] : memref<32000xf32, #tpu.memory_space<vmem>>[vector<16xi32>], vector<16xf32>,
        %parallel_loop3A_449 = arith.constant 8320 : i32
        %parallel_loop3A_450 = vector.broadcast %parallel_loop3A_449 : i32 to vector<16xi32>
        %parallel_loop3A_451 = arith.addi %parallel_loop3A_372, %parallel_loop3A_450 : vector<16xi32>
        %parallel_loop3A_452 = arith.mulf %parallel_loop3A_448, %gather3A_234 : vector<16xf32>
        tpu.vector_store_idx %arg11[%parallel_loop3A_451], %parallel_loop3A_452 : memref<32768xf32, #tpu.memory_space<vmem>>[vector<16xi32>], vector<16xf32>,
        %parallel_loop3A_453 = arith.constant 10000 : i32
        %parallel_loop3A_454 = vector.broadcast %parallel_loop3A_453 : i32 to vector<16xi32>
        %parallel_loop3A_455 = arith.addi %parallel_loop3A_338, %parallel_loop3A_454 : vector<16xi32>
        %parallel_loop3A_456 = tpu.vector_load_idx %arg6[%parallel_loop3A_455] : memref<32000xf32, #tpu.memory_space<vmem>>[vector<16xi32>], vector<16xf32>,
        %parallel_loop3A_457 = arith.constant 8448 : i32
        %parallel_loop3A_458 = vector.broadcast %parallel_loop3A_457 : i32 to vector<16xi32>
        %parallel_loop3A_459 = arith.addi %parallel_loop3A_372, %parallel_loop3A_458 : vector<16xi32>
        %parallel_loop3A_460 = arith.mulf %parallel_loop3A_456, %gather3A_238 : vector<16xf32>
        tpu.vector_store_idx %arg11[%parallel_loop3A_459], %parallel_loop3A_460 : memref<32768xf32, #tpu.memory_space<vmem>>[vector<16xi32>], vector<16xf32>,
        %parallel_loop3A_461 = arith.constant 11000 : i32
        %parallel_loop3A_462 = vector.broadcast %parallel_loop3A_461 : i32 to vector<16xi32>
        %parallel_loop3A_463 = arith.addi %parallel_loop3A_338, %parallel_loop3A_462 : vector<16xi32>
        %parallel_loop3A_464 = tpu.vector_load_idx %arg6[%parallel_loop3A_463] : memref<32000xf32, #tpu.memory_space<vmem>>[vector<16xi32>], vector<16xf32>,
        %parallel_loop3A_465 = arith.constant 8576 : i32
        %parallel_loop3A_466 = vector.broadcast %parallel_loop3A_465 : i32 to vector<16xi32>
        %parallel_loop3A_467 = arith.addi %parallel_loop3A_372, %parallel_loop3A_466 : vector<16xi32>
        %parallel_loop3A_468 = arith.mulf %parallel_loop3A_464, %gather3A_242 : vector<16xf32>
        tpu.vector_store_idx %arg11[%parallel_loop3A_467], %parallel_loop3A_468 : memref<32768xf32, #tpu.memory_space<vmem>>[vector<16xi32>], vector<16xf32>,
        %parallel_loop3A_469 = arith.constant 12000 : i32
        %parallel_loop3A_470 = vector.broadcast %parallel_loop3A_469 : i32 to vector<16xi32>
        %parallel_loop3A_471 = arith.addi %parallel_loop3A_338, %parallel_loop3A_470 : vector<16xi32>
        %parallel_loop3A_472 = tpu.vector_load_idx %arg6[%parallel_loop3A_471] : memref<32000xf32, #tpu.memory_space<vmem>>[vector<16xi32>], vector<16xf32>,
        %parallel_loop3A_473 = arith.constant 8704 : i32
        %parallel_loop3A_474 = vector.broadcast %parallel_loop3A_473 : i32 to vector<16xi32>
        %parallel_loop3A_475 = arith.addi %parallel_loop3A_372, %parallel_loop3A_474 : vector<16xi32>
        %parallel_loop3A_476 = arith.mulf %parallel_loop3A_472, %gather3A_246 : vector<16xf32>
        tpu.vector_store_idx %arg11[%parallel_loop3A_475], %parallel_loop3A_476 : memref<32768xf32, #tpu.memory_space<vmem>>[vector<16xi32>], vector<16xf32>,
        %parallel_loop3A_477 = arith.constant 13000 : i32
        %parallel_loop3A_478 = vector.broadcast %parallel_loop3A_477 : i32 to vector<16xi32>
        %parallel_loop3A_479 = arith.addi %parallel_loop3A_338, %parallel_loop3A_478 : vector<16xi32>
        %parallel_loop3A_480 = tpu.vector_load_idx %arg6[%parallel_loop3A_479] : memref<32000xf32, #tpu.memory_space<vmem>>[vector<16xi32>], vector<16xf32>,
        %parallel_loop3A_481 = arith.constant 8832 : i32
        %parallel_loop3A_482 = vector.broadcast %parallel_loop3A_481 : i32 to vector<16xi32>
        %parallel_loop3A_483 = arith.addi %parallel_loop3A_372, %parallel_loop3A_482 : vector<16xi32>
        %parallel_loop3A_484 = arith.mulf %parallel_loop3A_480, %gather3A_250 : vector<16xf32>
        tpu.vector_store_idx %arg11[%parallel_loop3A_483], %parallel_loop3A_484 : memref<32768xf32, #tpu.memory_space<vmem>>[vector<16xi32>], vector<16xf32>,
        %parallel_loop3A_485 = arith.constant 14000 : i32
        %parallel_loop3A_486 = vector.broadcast %parallel_loop3A_485 : i32 to vector<16xi32>
        %parallel_loop3A_487 = arith.addi %parallel_loop3A_338, %parallel_loop3A_486 : vector<16xi32>
        %parallel_loop3A_488 = tpu.vector_load_idx %arg6[%parallel_loop3A_487] : memref<32000xf32, #tpu.memory_space<vmem>>[vector<16xi32>], vector<16xf32>,
        %parallel_loop3A_489 = arith.constant 8960 : i32
        %parallel_loop3A_490 = vector.broadcast %parallel_loop3A_489 : i32 to vector<16xi32>
        %parallel_loop3A_491 = arith.addi %parallel_loop3A_372, %parallel_loop3A_490 : vector<16xi32>
        %parallel_loop3A_492 = arith.mulf %parallel_loop3A_488, %gather3A_254 : vector<16xf32>
        tpu.vector_store_idx %arg11[%parallel_loop3A_491], %parallel_loop3A_492 : memref<32768xf32, #tpu.memory_space<vmem>>[vector<16xi32>], vector<16xf32>,
        %parallel_loop3A_493 = arith.constant 15000 : i32
        %parallel_loop3A_494 = vector.broadcast %parallel_loop3A_493 : i32 to vector<16xi32>
        %parallel_loop3A_495 = arith.addi %parallel_loop3A_338, %parallel_loop3A_494 : vector<16xi32>
        %parallel_loop3A_496 = tpu.vector_load_idx %arg6[%parallel_loop3A_495] : memref<32000xf32, #tpu.memory_space<vmem>>[vector<16xi32>], vector<16xf32>,
        %parallel_loop3A_497 = arith.constant 9088 : i32
        %parallel_loop3A_498 = vector.broadcast %parallel_loop3A_497 : i32 to vector<16xi32>
        %parallel_loop3A_499 = arith.addi %parallel_loop3A_372, %parallel_loop3A_498 : vector<16xi32>
        %parallel_loop3A_500 = arith.mulf %parallel_loop3A_496, %gather3A_258 : vector<16xf32>
        tpu.vector_store_idx %arg11[%parallel_loop3A_499], %parallel_loop3A_500 : memref<32768xf32, #tpu.memory_space<vmem>>[vector<16xi32>], vector<16xf32>,
        %parallel_loop3A_501 = arith.constant 16000 : i32
        %parallel_loop3A_502 = vector.broadcast %parallel_loop3A_501 : i32 to vector<16xi32>
        %parallel_loop3A_503 = arith.addi %parallel_loop3A_338, %parallel_loop3A_502 : vector<16xi32>
        %parallel_loop3A_504 = tpu.vector_load_idx %arg6[%parallel_loop3A_503] : memref<32000xf32, #tpu.memory_space<vmem>>[vector<16xi32>], vector<16xf32>,
        %parallel_loop3A_505 = arith.constant 16384 : i32
        %parallel_loop3A_506 = vector.broadcast %parallel_loop3A_505 : i32 to vector<16xi32>
        %parallel_loop3A_507 = arith.addi %parallel_loop3A_372, %parallel_loop3A_506 : vector<16xi32>
        %parallel_loop3A_508 = arith.mulf %parallel_loop3A_504, %gather3A_262 : vector<16xf32>
        tpu.vector_store_idx %arg11[%parallel_loop3A_507], %parallel_loop3A_508 : memref<32768xf32, #tpu.memory_space<vmem>>[vector<16xi32>], vector<16xf32>,
        %parallel_loop3A_509 = arith.constant 17000 : i32
        %parallel_loop3A_510 = vector.broadcast %parallel_loop3A_509 : i32 to vector<16xi32>
        %parallel_loop3A_511 = arith.addi %parallel_loop3A_338, %parallel_loop3A_510 : vector<16xi32>
        %parallel_loop3A_512 = tpu.vector_load_idx %arg6[%parallel_loop3A_511] : memref<32000xf32, #tpu.memory_space<vmem>>[vector<16xi32>], vector<16xf32>,
        %parallel_loop3A_513 = arith.constant 16512 : i32
        %parallel_loop3A_514 = vector.broadcast %parallel_loop3A_513 : i32 to vector<16xi32>
        %parallel_loop3A_515 = arith.addi %parallel_loop3A_372, %parallel_loop3A_514 : vector<16xi32>
        %parallel_loop3A_516 = arith.mulf %parallel_loop3A_512, %gather3A_266 : vector<16xf32>
        tpu.vector_store_idx %arg11[%parallel_loop3A_515], %parallel_loop3A_516 : memref<32768xf32, #tpu.memory_space<vmem>>[vector<16xi32>], vector<16xf32>,
        %parallel_loop3A_517 = arith.constant 18000 : i32
        %parallel_loop3A_518 = vector.broadcast %parallel_loop3A_517 : i32 to vector<16xi32>
        %parallel_loop3A_519 = arith.addi %parallel_loop3A_338, %parallel_loop3A_518 : vector<16xi32>
        %parallel_loop3A_520 = tpu.vector_load_idx %arg6[%parallel_loop3A_519] : memref<32000xf32, #tpu.memory_space<vmem>>[vector<16xi32>], vector<16xf32>,
        %parallel_loop3A_521 = arith.constant 16640 : i32
        %parallel_loop3A_522 = vector.broadcast %parallel_loop3A_521 : i32 to vector<16xi32>
        %parallel_loop3A_523 = arith.addi %parallel_loop3A_372, %parallel_loop3A_522 : vector<16xi32>
        %parallel_loop3A_524 = arith.mulf %parallel_loop3A_520, %gather3A_270 : vector<16xf32>
        tpu.vector_store_idx %arg11[%parallel_loop3A_523], %parallel_loop3A_524 : memref<32768xf32, #tpu.memory_space<vmem>>[vector<16xi32>], vector<16xf32>,
        %parallel_loop3A_525 = arith.constant 19000 : i32
        %parallel_loop3A_526 = vector.broadcast %parallel_loop3A_525 : i32 to vector<16xi32>
        %parallel_loop3A_527 = arith.addi %parallel_loop3A_338, %parallel_loop3A_526 : vector<16xi32>
        %parallel_loop3A_528 = tpu.vector_load_idx %arg6[%parallel_loop3A_527] : memref<32000xf32, #tpu.memory_space<vmem>>[vector<16xi32>], vector<16xf32>,
        %parallel_loop3A_529 = arith.constant 16768 : i32
        %parallel_loop3A_530 = vector.broadcast %parallel_loop3A_529 : i32 to vector<16xi32>
        %parallel_loop3A_531 = arith.addi %parallel_loop3A_372, %parallel_loop3A_530 : vector<16xi32>
        %parallel_loop3A_532 = arith.mulf %parallel_loop3A_528, %gather3A_274 : vector<16xf32>
        tpu.vector_store_idx %arg11[%parallel_loop3A_531], %parallel_loop3A_532 : memref<32768xf32, #tpu.memory_space<vmem>>[vector<16xi32>], vector<16xf32>,
        %parallel_loop3A_533 = arith.constant 20000 : i32
        %parallel_loop3A_534 = vector.broadcast %parallel_loop3A_533 : i32 to vector<16xi32>
        %parallel_loop3A_535 = arith.addi %parallel_loop3A_338, %parallel_loop3A_534 : vector<16xi32>
        %parallel_loop3A_536 = tpu.vector_load_idx %arg6[%parallel_loop3A_535] : memref<32000xf32, #tpu.memory_space<vmem>>[vector<16xi32>], vector<16xf32>,
        %parallel_loop3A_537 = arith.constant 16896 : i32
        %parallel_loop3A_538 = vector.broadcast %parallel_loop3A_537 : i32 to vector<16xi32>
        %parallel_loop3A_539 = arith.addi %parallel_loop3A_372, %parallel_loop3A_538 : vector<16xi32>
        %parallel_loop3A_540 = arith.mulf %parallel_loop3A_536, %gather3A_278 : vector<16xf32>
        tpu.vector_store_idx %arg11[%parallel_loop3A_539], %parallel_loop3A_540 : memref<32768xf32, #tpu.memory_space<vmem>>[vector<16xi32>], vector<16xf32>,
        %parallel_loop3A_541 = arith.constant 21000 : i32
        %parallel_loop3A_542 = vector.broadcast %parallel_loop3A_541 : i32 to vector<16xi32>
        %parallel_loop3A_543 = arith.addi %parallel_loop3A_338, %parallel_loop3A_542 : vector<16xi32>
        %parallel_loop3A_544 = tpu.vector_load_idx %arg6[%parallel_loop3A_543] : memref<32000xf32, #tpu.memory_space<vmem>>[vector<16xi32>], vector<16xf32>,
        %parallel_loop3A_545 = arith.constant 17024 : i32
        %parallel_loop3A_546 = vector.broadcast %parallel_loop3A_545 : i32 to vector<16xi32>
        %parallel_loop3A_547 = arith.addi %parallel_loop3A_372, %parallel_loop3A_546 : vector<16xi32>
        %parallel_loop3A_548 = arith.mulf %parallel_loop3A_544, %gather3A_282 : vector<16xf32>
        tpu.vector_store_idx %arg11[%parallel_loop3A_547], %parallel_loop3A_548 : memref<32768xf32, #tpu.memory_space<vmem>>[vector<16xi32>], vector<16xf32>,
        %parallel_loop3A_549 = arith.constant 22000 : i32
        %parallel_loop3A_550 = vector.broadcast %parallel_loop3A_549 : i32 to vector<16xi32>
        %parallel_loop3A_551 = arith.addi %parallel_loop3A_338, %parallel_loop3A_550 : vector<16xi32>
        %parallel_loop3A_552 = tpu.vector_load_idx %arg6[%parallel_loop3A_551] : memref<32000xf32, #tpu.memory_space<vmem>>[vector<16xi32>], vector<16xf32>,
        %parallel_loop3A_553 = arith.constant 17152 : i32
        %parallel_loop3A_554 = vector.broadcast %parallel_loop3A_553 : i32 to vector<16xi32>
        %parallel_loop3A_555 = arith.addi %parallel_loop3A_372, %parallel_loop3A_554 : vector<16xi32>
        %parallel_loop3A_556 = arith.mulf %parallel_loop3A_552, %gather3A_286 : vector<16xf32>
        tpu.vector_store_idx %arg11[%parallel_loop3A_555], %parallel_loop3A_556 : memref<32768xf32, #tpu.memory_space<vmem>>[vector<16xi32>], vector<16xf32>,
        %parallel_loop3A_557 = arith.constant 23000 : i32
        %parallel_loop3A_558 = vector.broadcast %parallel_loop3A_557 : i32 to vector<16xi32>
        %parallel_loop3A_559 = arith.addi %parallel_loop3A_338, %parallel_loop3A_558 : vector<16xi32>
        %parallel_loop3A_560 = tpu.vector_load_idx %arg6[%parallel_loop3A_559] : memref<32000xf32, #tpu.memory_space<vmem>>[vector<16xi32>], vector<16xf32>,
        %parallel_loop3A_561 = arith.constant 17280 : i32
        %parallel_loop3A_562 = vector.broadcast %parallel_loop3A_561 : i32 to vector<16xi32>
        %parallel_loop3A_563 = arith.addi %parallel_loop3A_372, %parallel_loop3A_562 : vector<16xi32>
        %parallel_loop3A_564 = arith.mulf %parallel_loop3A_560, %gather3A_290 : vector<16xf32>
        tpu.vector_store_idx %arg11[%parallel_loop3A_563], %parallel_loop3A_564 : memref<32768xf32, #tpu.memory_space<vmem>>[vector<16xi32>], vector<16xf32>,
        %parallel_loop3A_565 = arith.constant 24000 : i32
        %parallel_loop3A_566 = vector.broadcast %parallel_loop3A_565 : i32 to vector<16xi32>
        %parallel_loop3A_567 = arith.addi %parallel_loop3A_338, %parallel_loop3A_566 : vector<16xi32>
        %parallel_loop3A_568 = tpu.vector_load_idx %arg6[%parallel_loop3A_567] : memref<32000xf32, #tpu.memory_space<vmem>>[vector<16xi32>], vector<16xf32>,
        %parallel_loop3A_569 = arith.constant 24576 : i32
        %parallel_loop3A_570 = vector.broadcast %parallel_loop3A_569 : i32 to vector<16xi32>
        %parallel_loop3A_571 = arith.addi %parallel_loop3A_372, %parallel_loop3A_570 : vector<16xi32>
        %parallel_loop3A_572 = arith.mulf %parallel_loop3A_568, %gather3A_294 : vector<16xf32>
        tpu.vector_store_idx %arg11[%parallel_loop3A_571], %parallel_loop3A_572 : memref<32768xf32, #tpu.memory_space<vmem>>[vector<16xi32>], vector<16xf32>,
        %parallel_loop3A_573 = arith.constant 25000 : i32
        %parallel_loop3A_574 = vector.broadcast %parallel_loop3A_573 : i32 to vector<16xi32>
        %parallel_loop3A_575 = arith.addi %parallel_loop3A_338, %parallel_loop3A_574 : vector<16xi32>
        %parallel_loop3A_576 = tpu.vector_load_idx %arg6[%parallel_loop3A_575] : memref<32000xf32, #tpu.memory_space<vmem>>[vector<16xi32>], vector<16xf32>,
        %parallel_loop3A_577 = arith.constant 24704 : i32
        %parallel_loop3A_578 = vector.broadcast %parallel_loop3A_577 : i32 to vector<16xi32>
        %parallel_loop3A_579 = arith.addi %parallel_loop3A_372, %parallel_loop3A_578 : vector<16xi32>
        %parallel_loop3A_580 = arith.mulf %parallel_loop3A_576, %gather3A_298 : vector<16xf32>
        tpu.vector_store_idx %arg11[%parallel_loop3A_579], %parallel_loop3A_580 : memref<32768xf32, #tpu.memory_space<vmem>>[vector<16xi32>], vector<16xf32>,
        %parallel_loop3A_581 = arith.constant 26000 : i32
        %parallel_loop3A_582 = vector.broadcast %parallel_loop3A_581 : i32 to vector<16xi32>
        %parallel_loop3A_583 = arith.addi %parallel_loop3A_338, %parallel_loop3A_582 : vector<16xi32>
        %parallel_loop3A_584 = tpu.vector_load_idx %arg6[%parallel_loop3A_583] : memref<32000xf32, #tpu.memory_space<vmem>>[vector<16xi32>], vector<16xf32>,
        %parallel_loop3A_585 = arith.constant 24832 : i32
        %parallel_loop3A_586 = vector.broadcast %parallel_loop3A_585 : i32 to vector<16xi32>
        %parallel_loop3A_587 = arith.addi %parallel_loop3A_372, %parallel_loop3A_586 : vector<16xi32>
        %parallel_loop3A_588 = arith.mulf %parallel_loop3A_584, %gather3A_302 : vector<16xf32>
        tpu.vector_store_idx %arg11[%parallel_loop3A_587], %parallel_loop3A_588 : memref<32768xf32, #tpu.memory_space<vmem>>[vector<16xi32>], vector<16xf32>,
        %parallel_loop3A_589 = arith.constant 27000 : i32
        %parallel_loop3A_590 = vector.broadcast %parallel_loop3A_589 : i32 to vector<16xi32>
        %parallel_loop3A_591 = arith.addi %parallel_loop3A_338, %parallel_loop3A_590 : vector<16xi32>
        %parallel_loop3A_592 = tpu.vector_load_idx %arg6[%parallel_loop3A_591] : memref<32000xf32, #tpu.memory_space<vmem>>[vector<16xi32>], vector<16xf32>,
        %parallel_loop3A_593 = arith.constant 24960 : i32
        %parallel_loop3A_594 = vector.broadcast %parallel_loop3A_593 : i32 to vector<16xi32>
        %parallel_loop3A_595 = arith.addi %parallel_loop3A_372, %parallel_loop3A_594 : vector<16xi32>
        %parallel_loop3A_596 = arith.mulf %parallel_loop3A_592, %gather3A_306 : vector<16xf32>
        tpu.vector_store_idx %arg11[%parallel_loop3A_595], %parallel_loop3A_596 : memref<32768xf32, #tpu.memory_space<vmem>>[vector<16xi32>], vector<16xf32>,
        %parallel_loop3A_597 = arith.constant 28000 : i32
        %parallel_loop3A_598 = vector.broadcast %parallel_loop3A_597 : i32 to vector<16xi32>
        %parallel_loop3A_599 = arith.addi %parallel_loop3A_338, %parallel_loop3A_598 : vector<16xi32>
        %parallel_loop3A_600 = tpu.vector_load_idx %arg6[%parallel_loop3A_599] : memref<32000xf32, #tpu.memory_space<vmem>>[vector<16xi32>], vector<16xf32>,
        %parallel_loop3A_601 = arith.constant 25088 : i32
        %parallel_loop3A_602 = vector.broadcast %parallel_loop3A_601 : i32 to vector<16xi32>
        %parallel_loop3A_603 = arith.addi %parallel_loop3A_372, %parallel_loop3A_602 : vector<16xi32>
        %parallel_loop3A_604 = arith.mulf %parallel_loop3A_600, %gather3A_310 : vector<16xf32>
        tpu.vector_store_idx %arg11[%parallel_loop3A_603], %parallel_loop3A_604 : memref<32768xf32, #tpu.memory_space<vmem>>[vector<16xi32>], vector<16xf32>,
        %parallel_loop3A_605 = arith.constant 29000 : i32
        %parallel_loop3A_606 = vector.broadcast %parallel_loop3A_605 : i32 to vector<16xi32>
        %parallel_loop3A_607 = arith.addi %parallel_loop3A_338, %parallel_loop3A_606 : vector<16xi32>
        %parallel_loop3A_608 = tpu.vector_load_idx %arg6[%parallel_loop3A_607] : memref<32000xf32, #tpu.memory_space<vmem>>[vector<16xi32>], vector<16xf32>,
        %parallel_loop3A_609 = arith.constant 25216 : i32
        %parallel_loop3A_610 = vector.broadcast %parallel_loop3A_609 : i32 to vector<16xi32>
        %parallel_loop3A_611 = arith.addi %parallel_loop3A_372, %parallel_loop3A_610 : vector<16xi32>
        %parallel_loop3A_612 = arith.mulf %parallel_loop3A_608, %gather3A_314 : vector<16xf32>
        tpu.vector_store_idx %arg11[%parallel_loop3A_611], %parallel_loop3A_612 : memref<32768xf32, #tpu.memory_space<vmem>>[vector<16xi32>], vector<16xf32>,
        %parallel_loop3A_613 = arith.constant 30000 : i32
        %parallel_loop3A_614 = vector.broadcast %parallel_loop3A_613 : i32 to vector<16xi32>
        %parallel_loop3A_615 = arith.addi %parallel_loop3A_338, %parallel_loop3A_614 : vector<16xi32>
        %parallel_loop3A_616 = tpu.vector_load_idx %arg6[%parallel_loop3A_615] : memref<32000xf32, #tpu.memory_space<vmem>>[vector<16xi32>], vector<16xf32>,
        %parallel_loop3A_617 = arith.constant 25344 : i32
        %parallel_loop3A_618 = vector.broadcast %parallel_loop3A_617 : i32 to vector<16xi32>
        %parallel_loop3A_619 = arith.addi %parallel_loop3A_372, %parallel_loop3A_618 : vector<16xi32>
        %parallel_loop3A_620 = arith.mulf %parallel_loop3A_616, %gather3A_318 : vector<16xf32>
        tpu.vector_store_idx %arg11[%parallel_loop3A_619], %parallel_loop3A_620 : memref<32768xf32, #tpu.memory_space<vmem>>[vector<16xi32>], vector<16xf32>,
        %parallel_loop3A_621 = arith.constant 31000 : i32
        %parallel_loop3A_622 = vector.broadcast %parallel_loop3A_621 : i32 to vector<16xi32>
        %parallel_loop3A_623 = arith.addi %parallel_loop3A_338, %parallel_loop3A_622 : vector<16xi32>
        %parallel_loop3A_624 = tpu.vector_load_idx %arg6[%parallel_loop3A_623] : memref<32000xf32, #tpu.memory_space<vmem>>[vector<16xi32>], vector<16xf32>,
        %parallel_loop3A_625 = arith.constant 25472 : i32
        %parallel_loop3A_626 = vector.broadcast %parallel_loop3A_625 : i32 to vector<16xi32>
        %parallel_loop3A_627 = arith.addi %parallel_loop3A_372, %parallel_loop3A_626 : vector<16xi32>
        %parallel_loop3A_628 = arith.mulf %parallel_loop3A_624, %gather3A_322 : vector<16xf32>
        tpu.vector_store_idx %arg11[%parallel_loop3A_627], %parallel_loop3A_628 : memref<32768xf32, #tpu.memory_space<vmem>>[vector<16xi32>], vector<16xf32>,
      } {sc.loop_unroll_factor = 8 : i64, sc.parallel_access}
      %mul3A_326 = arith.constant 1024000 : i32
      %mul3A_327 = arith.muli %add3A_177, %mul3A_326 : i32
      %mul3A_328 = arith.constant 1024 : i32
      %mul3A_329 = arith.muli %min3A_3, %mul3A_328 : i32
      %add3A_330 = arith.addi %mul3A_327, %mul3A_329 : i32
      %dma_start3A_331 = tpu.memref_slice %arg5[%add3A_330] : memref<51200000xf32, #tpu.memory_space<hbm>> -> memref<32768xf32, #tpu.memory_space<hbm>>
      %dma_start3A_332 = tpu.memref_slice %arg5[%add3A_330] : memref<51200000xf32, #tpu.memory_space<hbm>> -> memref<32768xf32, #tpu.memory_space<hbm>>
      tpu.enqueue_dma source(%arg11 : memref<32768xf32, #tpu.memory_space<vmem>>) target(%dma_start3A_332 : memref<32768xf32, #tpu.memory_space<hbm>>) target_semaphore(%arg15 : memref<!tpu.dma_semaphore, #tpu.memory_space<semaphore_mem>>)
    }
    %scan3A_15 = arith.constant 25 : i32
    %dma_wait3A = arith.constant 0 : i32
    %dma_wait3A_16 = tpu.memref_slice %arg5[%dma_wait3A] : memref<51200000xf32, #tpu.memory_space<hbm>> -> memref<32768xf32, #tpu.memory_space<hbm>>
    %dma_wait3A_17 = arith.constant 0 : i32
    %dma_wait3A_18 = tpu.memref_slice %arg5[%dma_wait3A_17] : memref<51200000xf32, #tpu.memory_space<hbm>> -> memref<32768xf32, #tpu.memory_space<hbm>>
    tpu.wait_dma2 semaphore(%arg14 : memref<!tpu.dma_semaphore, #tpu.memory_space<semaphore_mem>>) src(%arg10 : memref<32768xf32, #tpu.memory_space<vmem>>) dst(%dma_wait3A_18 : memref<32768xf32, #tpu.memory_space<hbm>>)
    %dma_wait3A_19 = arith.constant 0 : i32
    %dma_wait3A_20 = tpu.memref_slice %arg5[%dma_wait3A_19] : memref<51200000xf32, #tpu.memory_space<hbm>> -> memref<32768xf32, #tpu.memory_space<hbm>>
    %dma_wait3A_21 = arith.constant 0 : i32
    %dma_wait3A_22 = tpu.memref_slice %arg5[%dma_wait3A_21] : memref<51200000xf32, #tpu.memory_space<hbm>> -> memref<32768xf32, #tpu.memory_space<hbm>>
    tpu.wait_dma2 semaphore(%arg15 : memref<!tpu.dma_semaphore, #tpu.memory_space<semaphore_mem>>) src(%arg11 : memref<32768xf32, #tpu.memory_space<vmem>>) dst(%dma_wait3A_22 : memref<32768xf32, #tpu.memory_space<hbm>>)
    return
  }
}

module attributes {stable_mosaic.version = 14 : i64} {
  func.func @_tables_body(%arg0: memref<1000x16xf32, #tpu.memory_space<vmem>>, %arg1: memref<1000x16xf32, #tpu.memory_space<vmem>>, %arg2: memref<32x50x1000xf32, #tpu.memory_space<vmem>>, %arg3: memref<1024x50xi32, #tpu.memory_space<vmem>>, %arg4: memref<1000x1000xf32, #tpu.memory_space<vmem>>, %arg5: memref<1000x50xf32, #tpu.memory_space<vmem>>, %arg6: memref<50x1024xi32, #tpu.memory_space<vmem>>) attributes {dimension_semantics = [], scalar_prefetch = 0 : i64, scratch_operands = 0 : i64, tpu.core_type = #tpu.core_type<tc>} {
    %get3A = arith.constant 0 : index
    %get3A_0 = arith.constant 0 : index
    %get3A_1 = vector.load %arg0[%get3A, %get3A_0] : memref<1000x16xf32, #tpu.memory_space<vmem>>, vector<1000x16xf32>
    %get3A_2 = arith.constant 0 : index
    %get3A_3 = arith.constant 0 : index
    %get3A_4 = vector.load %arg1[%get3A_2, %get3A_3] : memref<1000x16xf32, #tpu.memory_space<vmem>>, vector<1000x16xf32>
    %dot_general3A = arith.constant dense<0.000000e+00> : vector<1000x1000xf32>
    %dot_general3A_5 = tpu.matmul %get3A_1, %get3A_4, %dot_general3A {dimension_numbers = #tpu.dot_dimension_numbers<[1], [1], [0], [0], [0, 0, 1, 0], [], []>, precision = #tpu.contract_precision<fp32>, transpose_lhs_hint = false} : vector<1000x16xf32>, vector<1000x16xf32>, vector<1000x1000xf32> -> vector<1000x1000xf32>
    %reduce_max3A = arith.constant dense<0xFF800000> : vector<1000xf32>
    %reduce_max3A_6 = vector.multi_reduction <maximumf>, %dot_general3A_5, %reduce_max3A [1] : vector<1000x1000xf32> to vector<1000xf32>
    %broadcast_in_dim3A = vector.shape_cast %reduce_max3A_6 : vector<1000xf32> to vector<1000x1xf32>
    %sub3A = vector.broadcast %broadcast_in_dim3A : vector<1000x1xf32> to vector<1000x1000xf32>
    %sub3A_7 = arith.subf %dot_general3A_5, %sub3A : vector<1000x1000xf32>
    %exp3A = math.exp %sub3A_7 : vector<1000x1000xf32>
    %swap3A = arith.constant 0 : index
    %swap3A_8 = arith.constant 0 : index
    %swap3A_9 = vector.load %arg4[%swap3A, %swap3A_8] : memref<1000x1000xf32, #tpu.memory_space<vmem>>, vector<1000x1000xf32>
    tpu.vector_store %arg4[%swap3A, %swap3A_8], %exp3A {strides = array<i32>} : memref<1000x1000xf32, #tpu.memory_space<vmem>>, vector<1000x1000xf32>,
    %get3A_10 = arith.constant 0 : index
    %get3A_11 = arith.constant 0 : index
    %get3A_12 = arith.constant 0 : index
    %get3A_13 = vector.load %arg2[%get3A_10, %get3A_11, %get3A_12] : memref<32x50x1000xf32, #tpu.memory_space<vmem>>, vector<32x50x1000xf32>
    %reduce_sum3A = arith.constant dense<0.000000e+00> : vector<50x1000xf32>
    %reduce_sum3A_14 = vector.multi_reduction <add>, %get3A_13, %reduce_sum3A [0] : vector<32x50x1000xf32> to vector<50x1000xf32>
    %dot_general3A_15 = arith.constant dense<0.000000e+00> : vector<1000x50xf32>
    %dot_general3A_16 = tpu.matmul %exp3A, %reduce_sum3A_14, %dot_general3A_15 {dimension_numbers = #tpu.dot_dimension_numbers<[1], [1], [0], [0], [0, 0, 1, 0], [], []>, precision = #tpu.contract_precision<fp32>, transpose_lhs_hint = false} : vector<1000x1000xf32>, vector<50x1000xf32>, vector<1000x50xf32> -> vector<1000x50xf32>
    %div3A = arith.constant 1.000000e+00 : f32
    %div3A_17 = vector.broadcast %div3A : f32 to vector<1000x50xf32>
    %div3A_18 = arith.divf %div3A_17, %dot_general3A_16 : vector<1000x50xf32>
    %swap3A_19 = arith.constant 0 : index
    %swap3A_20 = arith.constant 0 : index
    %swap3A_21 = vector.load %arg5[%swap3A_19, %swap3A_20] : memref<1000x50xf32, #tpu.memory_space<vmem>>, vector<1000x50xf32>
    tpu.vector_store %arg5[%swap3A_19, %swap3A_20], %div3A_18 {strides = array<i32>} : memref<1000x50xf32, #tpu.memory_space<vmem>>, vector<1000x50xf32>,
    %get3A_22 = arith.constant 0 : index
    %get3A_23 = arith.constant 0 : index
    %get3A_24 = vector.load %arg3[%get3A_22, %get3A_23] : memref<1024x50xi32, #tpu.memory_space<vmem>>, vector<1024x50xi32>
    %transpose3A = tpu.transpose %get3A_24, [1, 0] : vector<1024x50xi32> -> vector<50x1024xi32>
    %swap3A_25 = arith.constant 0 : index
    %swap3A_26 = arith.constant 0 : index
    %swap3A_27 = vector.load %arg6[%swap3A_25, %swap3A_26] : memref<50x1024xi32, #tpu.memory_space<vmem>>, vector<50x1024xi32>
    tpu.vector_store %arg6[%swap3A_25, %swap3A_26], %transpose3A {strides = array<i32>} : memref<50x1024xi32, #tpu.memory_space<vmem>>, vector<50x1024xi32>,
    return
  }
}

</mosaic_0001>

<sc_bundles>
// kernel: kernel.5.cloned.1.call-start
scs
__scs_entry_jumppad:
0x0: {  	(pc) =	sbr.rel $0x88, $3  }
0x1: {  	(tag) =	ssettag $0x0;
	lr =	simm.s32 $0x1  }
0x2: {  	[smem:$0x3F9E] =	sst lr;
	_ =	strace $0xD0000000  }
0x3: {  	_ = 	snop  }
0x4: {  	_ = 	snop  }
0x5: {  	_ = 	snop  }
0x6: {  	_ = 	snop  }
0x7: {  	_ = 	snop  }
__scs_overlays_trampoline_lowered:
0x8: {  	[smem:$0x3FAD] =	sst s0  }
0x9: {  	[smem:$0x3FAE] =	sst s1  }
0xa: {  	[smem:$0x3FAF] =	sst s2  }
0xb: {  	[smem:$0x3FB0] =	sst s3  }
0xc: {  	[smem:$0x3FB1] =	sst s4  }
0xd: {  	[smem:$0x3FB2] =	sst s5  }
0xe: {  	[smem:$0x3FB3] =	sst s6  }
0xf: {  	[smem:$0x3FB4] =	sst s7  }
0x10: {  	[smem:$0x3FB5] =	sst s8  }
0x11: {  	[smem:$0x3FB6] =	sst s9;
	s0 =	simm.s32 @!p0 $0x0  }
0x12: {  	s1 =	sld [smem:$0x3F9C];
	s0 =	simm.s32 @p0 $0x1  }
0x13: {  	[smem:$0x3FB7] =	sst s0;
	s0 =	simm.s32 @!p1 $0x0  }
0x14: {  	s2 =	sld [smem:$0x3F9B];
	s0 =	simm.s32 @p1 $0x1  }
0x15: {  	[smem:$0x3FB8] =	sst s0;
	s0 =	simm.s32 @!p2 $0x0  }
0x16: {  	s3 =	sld [smem:$0x3FDB];
	s0 =	simm.s32 @p2 $0x1  }
0x17: {  	s4 =	simm.s32 $0x1BF5;
	[smem:$0x3FBA] =	sst s0  }
0x18: {  	s0 =	sld [smem:$0x3F9D];
	_ =	swait.ge [sflag:s4], $0x0  }
0x19: {  	s7 =	sld [smem:$0x3F9E]  }
0x1a: {  	s8 =	sadd.s32 $0xFFFFE003, lr  }
0x1b: {  	s9 =	sadd.s32 $0xFFFFFEF7, lr;
	s5 =	simm.s32 $0xFFFFFFFF;
	p2 =	slt.u32 s8, $0xFFFFF086  }
0x1c: {  	p1 =	slt.u32 s9, $0xF7A;
	s5 =	simm.s32 @!p2 $0x0  }
0x1d: {  	s5 =	simm.s32 @p1 $0x1;
	p0 =	seq.s32 s7, s2  }
0x1e: {  	s7 =	smul.u32 @!p0 $0xF7A, s2;
	p2 =	seq.s32 @!p0 s5, $0x0  }
0x1f: {  	s9 =	smul.u32 $0xF7A, s1;
	s8 =	simm.s32 @!p0 $0x1BF5;
	p2 =	por !p2, p0  }
0x20: {  	[sflag:s8] =	ssyncset.s32 @!p0 $0xFFFFF086;
	s6 =	sadd.s32 @!p0 s3, s7;
	s7 =	simm.s32 @!p0 $0x108  }
0x21: {  	s3 =	sadd.s32 s3, s9;
	s6 =	sadd.s32 @!p0 $0x88, s6;
	s7 =	simm.s32 @p2 $0x1082  }
0x22: {  	[simem:s7], [sflag:s8] =	dma.local @!p0 [hbm:s6], $0xF7A  }
0x23: {  	s9 =	sor.u32 $0xD0000000, s2;
	s6 =	simm.s32 $0x108;
	_ =	swait.ge @!p0 [sflag:s8], $0x0  }
0x24: {  	s3 =	sadd.s32 $0x88, s3;
	s6 =	simm.s32 @!p1 $0x1082;
	[sflag:s4] =	ssyncset.s32 $0xFFFFF086  }
0x25: {  	[simem:s6], [sflag:s4] =	dma.local [hbm:s3], $0xF7A  }
0x26: {  	[smem:$0x3F9E] =	sst s1;
	(tag) =	ssettag s2;
	_ =	strace s9  }
0x27: {  	s1 =	sld [smem:$0x3FAE]  }
0x28: {  	s2 =	sld [smem:$0x3FAF]  }
0x29: {  	s4 =	sld [smem:$0x3FB1]  }
0x2a: {  	p0 =	seq.s32 s5, $0x0;
	s5 =	sld [smem:$0x3FB2]  }
0x2b: {  	s6 =	sld [smem:$0x3FB3]  }
0x2c: {  	s7 =	sld [smem:$0x3FB4]  }
0x2d: {  	s3 =	simm.s32 $0x108;
	s8 =	sld [smem:$0x3FB5]  }
0x2e: {  	s3 =	simm.s32 @!p0 $0x1082;
	s9 =	sld [smem:$0x3FB6]  }
0x2f: {  	lr =	sadd.s32 s0, s3;
	s0 =	sld [smem:$0x3FAD]  }
0x30: {  	s3 =	sld [smem:$0x3FB0]  }
0x31: {  	[smem:$0x3FB9] =	sst s10  }
0x32: {  	s10 =	sld [smem:$0x3FB7];
	_ =	sdelay $0x3  }
0x33: {  	p0 =	seq.s32 s10, $0x1;
	s10 =	sld [smem:$0x3FB9];
	_ =	sdelay $0x3  }
0x34: {  	[smem:$0x3FB9] =	sst s10  }
0x35: {  	s10 =	sld [smem:$0x3FB8];
	_ =	sdelay $0x3  }
0x36: {  	p1 =	seq.s32 s10, $0x1;
	s10 =	sld [smem:$0x3FB9];
	_ =	sdelay $0x3  }
0x37: {  	[smem:$0x3FB9] =	sst s10  }
0x38: {  	s10 =	sld [smem:$0x3FBA]  }
0x39: {  	_ = 	snop;
	(pc) =	sbr.ind lr, $3  }
0x3a: {  	_ = 	snop  }
0x3b: {  	_ = 	snop  }
0x3c: {  	p2 =	seq.s32 s10, $0x1;
	s10 =	sld [smem:$0x3FB9]  }
0x3d: {  	_ =	shalt  }
0x3e: {  	_ =	shalt  }
0x3f: {  	_ =	shalt  }
0x40: {  	_ =	shalt  }
0x41: {  	_ =	shalt  }
0x42: {  	_ =	shalt  }
0x43: {  	_ =	shalt  }
0x44: {  	_ =	shalt  }
0x45: {  	_ =	shalt  }
0x46: {  	_ =	shalt  }
0x47: {  	_ =	shalt  }
0x48: {  	_ =	shalt  }
0x49: {  	_ =	shalt  }
0x4a: {  	_ =	shalt  }
0x4b: {  	_ =	shalt  }
0x4c: {  	_ =	shalt  }
0x4d: {  	_ =	shalt  }
0x4e: {  	_ =	shalt  }
0x4f: {  	_ =	shalt  }
0x50: {  	_ =	shalt  }
0x51: {  	_ =	shalt  }
0x52: {  	_ =	shalt  }
0x53: {  	_ =	shalt  }
0x54: {  	_ =	shalt  }
0x55: {  	_ =	shalt  }
0x56: {  	_ =	shalt  }
0x57: {  	_ =	shalt  }
0x58: {  	_ =	shalt  }
0x59: {  	_ =	shalt  }
0x5a: {  	_ =	shalt  }
0x5b: {  	_ =	shalt  }
0x5c: {  	_ =	shalt  }
0x5d: {  	_ =	shalt  }
0x5e: {  	_ =	shalt  }
0x5f: {  	_ =	shalt  }
0x60: {  	_ =	shalt  }
0x61: {  	_ =	shalt  }
0x62: {  	_ =	shalt  }
0x63: {  	_ =	shalt  }
0x64: {  	_ =	shalt  }
0x65: {  	_ =	shalt  }
0x66: {  	_ =	shalt  }
0x67: {  	_ =	shalt  }
0x68: {  	_ =	shalt  }
0x69: {  	_ =	shalt  }
0x6a: {  	_ =	shalt  }
0x6b: {  	_ =	shalt  }
0x6c: {  	_ =	shalt  }
0x6d: {  	_ =	shalt  }
0x6e: {  	_ =	shalt  }
0x6f: {  	_ =	shalt  }
0x70: {  	_ =	shalt  }
0x71: {  	_ =	shalt  }
0x72: {  	_ =	shalt  }
0x73: {  	_ =	shalt  }
0x74: {  	_ =	shalt  }
0x75: {  	_ =	shalt  }
0x76: {  	_ =	shalt  }
0x77: {  	_ =	shalt  }
0x78: {  	_ =	shalt  }
0x79: {  	_ =	shalt  }
0x7a: {  	_ =	shalt  }
0x7b: {  	_ =	shalt  }
0x7c: {  	_ =	shalt  }
0x7d: {  	_ =	shalt  }
0x7e: {  	_ =	shalt  }
0x7f: {  	_ =	shalt  }
0x80: {  	_ =	shalt  }
0x81: {  	_ =	shalt  }
0x82: {  	_ =	shalt  }
0x83: {  	_ =	shalt  }
0x84: {  	_ =	shalt  }
0x85: {  	_ =	shalt  }
0x86: {  	_ =	shalt  }
0x87: {  	_ =	shalt  }
.Lfunc_end0:
.L_simem_size_0:
called_computation_lowered:
.L_overlay_start_0:
0x88: {  	s2 =	sld [smem:$0x3FD9]  }
0x89: {  	s3 =	sld [smem:$0x3FFE];
	_ =	sdelay $0x1  }
0x8a: {  	s1 =	srdreg.scid  }
0x8b: {  	s0 =	sand.u32 $0x1, s1  }
0x8c: {  	s17 =	sshll.u32 s0, $0xA;
	s2 =	sadd.s32 s3, s2  }
0x8d: {  	s2 =	sadd.s32 s2, s17  }
0x8e: {  	[smem:$0x3FC5] =	sst s2  }
0x8f: {  	_ = 	snop  }
0x90: {  	s2 =	sld [smem:$0x3FD0];
	(tm) =	ssettm $0x1  }
0x91: {  	s18 =	sld [smem:$0x3FFB];
	_ =	sdelay $0x3  }
0x92: {  	_ =	strace s18  }
0x93: {  	s3 =	sld [smem:$0x3FFC];
	_ =	sdelay $0x3  }
0x94: {  	_ =	strace s3  }
0x95: {  	s3 =	sld [smem:$0x3FFD];
	_ =	sdelay $0x3  }
0x96: {  	_ =	strace s3  }
0x97: {  	_ =	strace $0x8FFFFFFF  }
0x98: {  	s19 =	sld [smem:$0x3FDB];
	_ =	sdelay $0x1  }
0x99: {  	s4 =	simm.s32 $_scs_section_size  }
0x9a: {  	s5 =	simm.s32 $_size__tile_overlayer_lowered;
	s6 =	simm.s32 $_tile_overlayer_lowered  }
0x9b: {  	s22 =	simm.s32 $0x1BFF;
	s21 =	sshll.u32 s6, $0x1;
	s3 =	sadd.s32 s4, s19  }
0x9c: {  	s7 =	simm.s32 $0x0;
	s20 =	sshll.u32 s5, $0x1;
	s5 =	sadd.s32 s21, s3  }
0x9d: {  	[timem:s7], [sflag:s22] =	dma.local [hbm:s5], s20  }
0x9e: {  	_ =	swait.ge [sflag:s22], s20  }
0x9f: {  	s4 =	ssub.s32 $0x0, s20;
	[sflag:s22] =	ssyncset.done $0x0  }
0xa0: {  	[sflag:s22] =	ssyncadd.s32 s4;
	_ =	sdelay $0x1  }
0xa1: {  	s23 =	simm.s32 $0x1B8B  }
0xa2: {  	_ =	swait.ge [sflag:s23], $0x1  }
0xa3: {  	[sflag:s23] =	ssyncset.done $0x0  }
0xa4: {  	s25 =	simm.s32 $0x1B8E;
	s24 =	sld [smem:$0x3FFE];
	[sflag:s23] =	ssyncadd.s32 $0xFFFFFFFF  }
0xa5: {  	s26 =	simm.s32 $execute0_lowered;
	[smem:$0x3FD2] =	sst s25  }
0xa6: {  	s5 =	sshll.u32 s26, $0x1;
	_ =	strace $0x80000046;
	[dreg:$0x1] =	wrdreg $0xFFFFFFFF  }
0xa7: {  	s28 =	simm.s32 $_size_execute0_lowered;
	s3 =	sadd.s32 s3, s5;
	[dreg:$0x0] =	wrdreg $0x0  }
0xa8: {  	s5 =	sshll.u32 s28, $0x1;
	[dreg:$0x2] =	wrdreg s3  }
0xa9: {  	[dreg:$0x3] =	wrdreg s5  }
0xaa: {  	[dreg:$0x4] =	wrdreg $0xC0  }
0xab: {  	_ =	task [dreg:s7], $0x5FFFF  }
0xac: {  	[dreg:$0x1] =	wrdreg $0xFFFFFFFF  }
0xad: {  	[dreg:$0x0] =	wrdreg $0x60  }
0xae: {  	[dreg:$0x2] =	wrdreg s24  }
0xaf: {  	[dreg:$0x3] =	wrdreg s2  }
0xb0: {  	[dreg:$0x4] =	wrdreg $0x9  }
0xb1: {  	_ =	task.clear_ibuf [dreg:s7], $0x5FFFF;
	_ =	strace $0x90000046  }
0xb2: {  	s29 =	simm.s32 $0x9;
	_ =	strace $0x80000048  }
0xb3: {  	_ =	swait.ge [sflag:s29], $0x1  }
0xb4: {  	[sflag:s29] =	ssyncadd.s32 $0xFFFFFFFF  }
0xb5: {  	_ =	strace $0x90000048  }
0xb6: {  	_ =	sfence  }
0xb7: {  	s30 =	sld [smem:$0x0];
	_ =	sdelay $0x2  }
0xb8: {  	s31 =	sshll.u32 s1, $0xD;
	s1 =	sshrl.u32 s1, $0x2  }
0xb9: {  	s3 =	sand.u32 $0x4000, s31;
	s1 =	sadd.s32 s1, s30  }
0xba: {  	s0 =	sor.u32 s3, s0;
	s1 =	sshll.u32 s1, $0x11  }
0xbb: {  	s0 =	sor.u32 s1, s0  }
0xbc: {  	s0 =	sadd.s32 $0x8F2B, s0  }
0xbd: {  	[sflag:s0] =	ssyncadd.remote.s32 $0x1  }
0xbe: {  	_ =	sfence.sel $0xFFFF  }
0xbf: {  	[dreg:$0x0] =	wrdreg $0xFFFFFFFF;
	(pc) =	sbr.abs _section_cstart, $3  }
0xc0: {  	[dreg:$0x1] =	wrdreg $0xFFFFFFFF  }
0xc1: {  	_ =	task.clear_ibuf [dreg:s7], $0x2FFFF;
	_ =	strace $0x9FFFFFFF  }
0xc2: {  	(tm) =	ssettm $0x7FFFFFFF  }
0xc3: {  	_ =	shalt  }
tec
execute0_lowered:
.L_overlay_start_1:
0x0: {  	(tag) =	ssettag $0x1  }
0x1: {  	s3 =	rddreg [dreg:$0x0]  }
0x2: {  	s5 =	rddreg [dreg:$0x1]  }
0x3: {  	s0 =	rddreg [dreg:$0x2]  }
0x4: {  	s2 =	simm.s32 $0x0;
	s4 =	srdreg.scid;
	s1 =	stileid.u32  }
0x5: {  	s10 =	simm.s32 $0x400;
	[smem:$0x7FF] =	sst s2;
	s4 =	sand.u32 $0x1, s4  }
0x6: {  	s6 =	sshll.u32 s1, $0x1;
	s7 =	sshrl.u32 s1, $0x2;
	_ =	strace $0x80000047  }
0x7: {  	s6 =	sor.u32 s4, s6;
	s7 =	smul.u32 $0x61C00, s7;
	s4 =	ssub.s32 $0x2, s4  }
0x8: {  	s8 =	sshll.u32 s6, $0x9;
	s6 =	sshll.u32 s6, $0x7;
	s9 =	sshrl.u32 s4, $0x1  }
0x9: {  	v0 =	vlaneseq.u32;
	s8 =	sadd.s32 s8, s3;
	s6 =	sand.u32 $0x380, s6;
	s3 =	sadd.s32 $0x5000, s3  }
0xa: {  	v0 =	vmul.u32 $0x3E8, v0;
	s31 =	ssub.s32 s4, s9;
	s9 =	simm.s32 $0x80;
	s6 =	sor.u32 s7, s6  }
0xb: {  	v1 =	vimm.f32 $1.000000000e+00;
	vm0 =	vcmask $0x3F38;
	s4 =	sadd.s32 $0x1000, s8;
	s7 =	simm.s32 $0x1000;
	s6 =	sshrl.u32 s6, $0x3  }
0xc: {  	v2 =	vadd.s32 $0x3E80, v0;
	v3 =	vadd.s32 $0x7D00, v0;
	v4 =	vadd.s32 $0x84D0, v0;
	s8 =	simm.s32 $0x1;
	s5 =	sadd.s32 s5, s6;
	s6 =	smax.u32 s31, $0x1  }
.LBB2_1:
0xd: {  	[tilespmem:s7], [sflag:$0x1] =	stream.linear.gather [hbm4b:s3+s2], $0xC380, $0x38;
	[tilespmem:$0xD380] =	vst v63  }
0xe: {  	_ =	swait.ge [sflag:s8], $0xC380  }
0xf: {  	[sflag:s8] =	ssyncset.done $0x0  }
0x10: {  	[sflag:s8] =	ssyncadd.s32 $0xFFFF3C80  }
0x11: {  	[tilespmem:s2], [sflag:$0x1] =	stream.linear.gather [hbm4b:s4+s2], $0x1000, $0x38;
	[tilespmem:$0xD380] =	vst v63  }
0x12: {  	_ =	swait.ge [sflag:s8], $0x1000  }
0x13: {  	[sflag:s8] =	ssyncset.done $0x0  }
0x14: {  	[sflag:s8] =	ssyncadd.s32 $0xFFFFF000  }
0x15: {  	v5 =	vld [tilespmem:$0x0];
	_ =	sdelay $0x4  }
0x16: {  	v5 =	vadd.s32 v0, v5;
	_ =	sdelay $0x4  }
0x17: {  	[tilespmem:v5+s7+$0x0] =	vst.idx.add.f32.msk $0xffff, v1  }
0x18: {  	v5 =	vld [tilespmem:$0x10];
	_ =	sdelay $0x4  }
0x19: {  	v5 =	vadd.s32 v2, v5;
	_ =	sdelay $0x4  }
0x1a: {  	[tilespmem:v5+s7+$0x0] =	vst.idx.add.f32.msk $0xffff, v1  }
0x1b: {  	v5 =	vld [tilespmem:$0x20];
	_ =	sdelay $0x4  }
0x1c: {  	v5 =	vadd.s32 v3, v5;
	_ =	sdelay $0x4  }
0x1d: {  	[tilespmem:v5+s7+$0x0] =	vst.idx.add.f32.msk $0xffff, v1  }
0x1e: {  	v5 =	vld [tilespmem:$0x22];
	_ =	sdelay $0x4  }
0x1f: {  	v5 =	vadd.s32 v4, v5;
	_ =	sdelay $0x4  }
0x20: {  	[tilespmem:v5+s7+$0x0] =	vst.idx.add.f32.msk vm0, v1  }
0x21: {  	v5 =	vld [tilespmem:$0x80];
	_ =	sdelay $0x4  }
0x22: {  	v5 =	vadd.s32 v0, v5;
	_ =	sdelay $0x4  }
0x23: {  	[tilespmem:v5+s7+$0x0] =	vst.idx.add.f32.msk $0xffff, v1  }
0x24: {  	v5 =	vld [tilespmem:$0x90];
	_ =	sdelay $0x4  }
0x25: {  	v5 =	vadd.s32 v2, v5;
	_ =	sdelay $0x4  }
0x26: {  	[tilespmem:v5+s7+$0x0] =	vst.idx.add.f32.msk $0xffff, v1  }
0x27: {  	v5 =	vld [tilespmem:$0xA0];
	_ =	sdelay $0x4  }
0x28: {  	v5 =	vadd.s32 v3, v5;
	_ =	sdelay $0x4  }
0x29: {  	[tilespmem:v5+s7+$0x0] =	vst.idx.add.f32.msk $0xffff, v1  }
0x2a: {  	v5 =	vld [tilespmem:$0xA2];
	_ =	sdelay $0x4  }
0x2b: {  	v5 =	vadd.s32 v4, v5;
	_ =	sdelay $0x4  }
0x2c: {  	[tilespmem:v5+s7+$0x0] =	vst.idx.add.f32.msk vm0, v1  }
0x2d: {  	v5 =	vld [tilespmem:$0x100];
	_ =	sdelay $0x4  }
0x2e: {  	v5 =	vadd.s32 v0, v5;
	_ =	sdelay $0x4  }
0x2f: {  	[tilespmem:v5+s7+$0x0] =	vst.idx.add.f32.msk $0xffff, v1  }
0x30: {  	v5 =	vld [tilespmem:$0x110];
	_ =	sdelay $0x4  }
0x31: {  	v5 =	vadd.s32 v2, v5;
	_ =	sdelay $0x4  }
0x32: {  	[tilespmem:v5+s7+$0x0] =	vst.idx.add.f32.msk $0xffff, v1  }
0x33: {  	v5 =	vld [tilespmem:$0x120];
	_ =	sdelay $0x4  }
0x34: {  	v5 =	vadd.s32 v3, v5;
	_ =	sdelay $0x4  }
0x35: {  	[tilespmem:v5+s7+$0x0] =	vst.idx.add.f32.msk $0xffff, v1  }
0x36: {  	v5 =	vld [tilespmem:$0x122];
	_ =	sdelay $0x4  }
0x37: {  	v5 =	vadd.s32 v4, v5;
	_ =	sdelay $0x4  }
0x38: {  	[tilespmem:v5+s7+$0x0] =	vst.idx.add.f32.msk vm0, v1  }
0x39: {  	v5 =	vld [tilespmem:$0x180];
	_ =	sdelay $0x4  }
0x3a: {  	v5 =	vadd.s32 v0, v5;
	_ =	sdelay $0x4  }
0x3b: {  	[tilespmem:v5+s7+$0x0] =	vst.idx.add.f32.msk $0xffff, v1  }
0x3c: {  	v5 =	vld [tilespmem:$0x190];
	_ =	sdelay $0x4  }
0x3d: {  	v5 =	vadd.s32 v2, v5;
	_ =	sdelay $0x4  }
0x3e: {  	[tilespmem:v5+s7+$0x0] =	vst.idx.add.f32.msk $0xffff, v1  }
0x3f: {  	v5 =	vld [tilespmem:$0x1A0];
	_ =	sdelay $0x4  }
0x40: {  	v5 =	vadd.s32 v3, v5;
	_ =	sdelay $0x4  }
0x41: {  	[tilespmem:v5+s7+$0x0] =	vst.idx.add.f32.msk $0xffff, v1  }
0x42: {  	v5 =	vld [tilespmem:$0x1A2];
	_ =	sdelay $0x4  }
0x43: {  	v5 =	vadd.s32 v4, v5;
	_ =	sdelay $0x4  }
0x44: {  	[tilespmem:v5+s7+$0x0] =	vst.idx.add.f32.msk vm0, v1  }
0x45: {  	v5 =	vld [tilespmem:$0x200];
	_ =	sdelay $0x4  }
0x46: {  	v5 =	vadd.s32 v0, v5;
	_ =	sdelay $0x4  }
0x47: {  	[tilespmem:v5+s7+$0x0] =	vst.idx.add.f32.msk $0xffff, v1  }
0x48: {  	v5 =	vld [tilespmem:$0x210];
	_ =	sdelay $0x4  }
0x49: {  	v5 =	vadd.s32 v2, v5;
	_ =	sdelay $0x4  }
0x4a: {  	[tilespmem:v5+s7+$0x0] =	vst.idx.add.f32.msk $0xffff, v1  }
0x4b: {  	v5 =	vld [tilespmem:$0x220];
	_ =	sdelay $0x4  }
0x4c: {  	v5 =	vadd.s32 v3, v5;
	_ =	sdelay $0x4  }
0x4d: {  	[tilespmem:v5+s7+$0x0] =	vst.idx.add.f32.msk $0xffff, v1  }
0x4e: {  	v5 =	vld [tilespmem:$0x222];
	_ =	sdelay $0x4  }
0x4f: {  	v5 =	vadd.s32 v4, v5;
	_ =	sdelay $0x4  }
0x50: {  	[tilespmem:v5+s7+$0x0] =	vst.idx.add.f32.msk vm0, v1  }
0x51: {  	v5 =	vld [tilespmem:$0x280];
	_ =	sdelay $0x4  }
0x52: {  	v5 =	vadd.s32 v0, v5;
	_ =	sdelay $0x4  }
0x53: {  	[tilespmem:v5+s7+$0x0] =	vst.idx.add.f32.msk $0xffff, v1  }
0x54: {  	v5 =	vld [tilespmem:$0x290];
	_ =	sdelay $0x4  }
0x55: {  	v5 =	vadd.s32 v2, v5;
	_ =	sdelay $0x4  }
0x56: {  	[tilespmem:v5+s7+$0x0] =	vst.idx.add.f32.msk $0xffff, v1  }
0x57: {  	v5 =	vld [tilespmem:$0x2A0];
	_ =	sdelay $0x4  }
0x58: {  	v5 =	vadd.s32 v3, v5;
	_ =	sdelay $0x4  }
0x59: {  	[tilespmem:v5+s7+$0x0] =	vst.idx.add.f32.msk $0xffff, v1  }
0x5a: {  	v5 =	vld [tilespmem:$0x2A2];
	_ =	sdelay $0x4  }
0x5b: {  	v5 =	vadd.s32 v4, v5;
	_ =	sdelay $0x4  }
0x5c: {  	[tilespmem:v5+s7+$0x0] =	vst.idx.add.f32.msk vm0, v1  }
0x5d: {  	v5 =	vld [tilespmem:$0x300];
	_ =	sdelay $0x4  }
0x5e: {  	v5 =	vadd.s32 v0, v5;
	_ =	sdelay $0x4  }
0x5f: {  	[tilespmem:v5+s7+$0x0] =	vst.idx.add.f32.msk $0xffff, v1  }
0x60: {  	v5 =	vld [tilespmem:$0x310];
	_ =	sdelay $0x4  }
0x61: {  	v5 =	vadd.s32 v2, v5;
	_ =	sdelay $0x4  }
0x62: {  	[tilespmem:v5+s7+$0x0] =	vst.idx.add.f32.msk $0xffff, v1  }
0x63: {  	v5 =	vld [tilespmem:$0x320];
	_ =	sdelay $0x4  }
0x64: {  	v5 =	vadd.s32 v3, v5;
	_ =	sdelay $0x4  }
0x65: {  	[tilespmem:v5+s7+$0x0] =	vst.idx.add.f32.msk $0xffff, v1  }
0x66: {  	v5 =	vld [tilespmem:$0x322];
	_ =	sdelay $0x4  }
0x67: {  	v5 =	vadd.s32 v4, v5;
	_ =	sdelay $0x4  }
0x68: {  	[tilespmem:v5+s7+$0x0] =	vst.idx.add.f32.msk vm0, v1  }
0x69: {  	v5 =	vld [tilespmem:$0x380];
	_ =	sdelay $0x4  }
0x6a: {  	v5 =	vadd.s32 v0, v5;
	_ =	sdelay $0x4  }
0x6b: {  	[tilespmem:v5+s7+$0x0] =	vst.idx.add.f32.msk $0xffff, v1  }
0x6c: {  	v5 =	vld [tilespmem:$0x390];
	_ =	sdelay $0x4  }
0x6d: {  	v5 =	vadd.s32 v2, v5;
	_ =	sdelay $0x4  }
0x6e: {  	[tilespmem:v5+s7+$0x0] =	vst.idx.add.f32.msk $0xffff, v1  }
0x6f: {  	v5 =	vld [tilespmem:$0x3A0];
	_ =	sdelay $0x4  }
0x70: {  	v5 =	vadd.s32 v3, v5;
	_ =	sdelay $0x4  }
0x71: {  	[tilespmem:v5+s7+$0x0] =	vst.idx.add.f32.msk $0xffff, v1  }
0x72: {  	v5 =	vld [tilespmem:$0x3A2];
	_ =	sdelay $0x4  }
0x73: {  	v5 =	vadd.s32 v4, v5;
	_ =	sdelay $0x4  }
0x74: {  	[tilespmem:v5+s7+$0x0] =	vst.idx.add.f32.msk vm0, v1  }
0x75: {  	v5 =	vld [tilespmem:$0x400];
	_ =	sdelay $0x4  }
0x76: {  	v5 =	vadd.s32 v0, v5;
	_ =	sdelay $0x4  }
0x77: {  	[tilespmem:v5+s7+$0x0] =	vst.idx.add.f32.msk $0xffff, v1  }
0x78: {  	v5 =	vld [tilespmem:$0x410];
	_ =	sdelay $0x4  }
0x79: {  	v5 =	vadd.s32 v2, v5;
	_ =	sdelay $0x4  }
0x7a: {  	[tilespmem:v5+s7+$0x0] =	vst.idx.add.f32.msk $0xffff, v1  }
0x7b: {  	v5 =	vld [tilespmem:$0x420];
	_ =	sdelay $0x4  }
0x7c: {  	v5 =	vadd.s32 v3, v5;
	_ =	sdelay $0x4  }
0x7d: {  	[tilespmem:v5+s7+$0x0] =	vst.idx.add.f32.msk $0xffff, v1  }
0x7e: {  	v5 =	vld [tilespmem:$0x422];
	_ =	sdelay $0x4  }
0x7f: {  	v5 =	vadd.s32 v4, v5;
	_ =	sdelay $0x4  }
0x80: {  	[tilespmem:v5+s7+$0x0] =	vst.idx.add.f32.msk vm0, v1  }
0x81: {  	v5 =	vld [tilespmem:$0x480];
	_ =	sdelay $0x4  }
0x82: {  	v5 =	vadd.s32 v0, v5;
	_ =	sdelay $0x4  }
0x83: {  	[tilespmem:v5+s7+$0x0] =	vst.idx.add.f32.msk $0xffff, v1  }
0x84: {  	v5 =	vld [tilespmem:$0x490];
	_ =	sdelay $0x4  }
0x85: {  	v5 =	vadd.s32 v2, v5;
	_ =	sdelay $0x4  }
0x86: {  	[tilespmem:v5+s7+$0x0] =	vst.idx.add.f32.msk $0xffff, v1  }
0x87: {  	v5 =	vld [tilespmem:$0x4A0];
	_ =	sdelay $0x4  }
0x88: {  	v5 =	vadd.s32 v3, v5;
	_ =	sdelay $0x4  }
0x89: {  	[tilespmem:v5+s7+$0x0] =	vst.idx.add.f32.msk $0xffff, v1  }
0x8a: {  	v5 =	vld [tilespmem:$0x4A2];
	_ =	sdelay $0x4  }
0x8b: {  	v5 =	vadd.s32 v4, v5;
	_ =	sdelay $0x4  }
0x8c: {  	[tilespmem:v5+s7+$0x0] =	vst.idx.add.f32.msk vm0, v1  }
0x8d: {  	v5 =	vld [tilespmem:$0x500];
	_ =	sdelay $0x4  }
0x8e: {  	v5 =	vadd.s32 v0, v5;
	_ =	sdelay $0x4  }
0x8f: {  	[tilespmem:v5+s7+$0x0] =	vst.idx.add.f32.msk $0xffff, v1  }
0x90: {  	v5 =	vld [tilespmem:$0x510];
	_ =	sdelay $0x4  }
0x91: {  	v5 =	vadd.s32 v2, v5;
	_ =	sdelay $0x4  }
0x92: {  	[tilespmem:v5+s7+$0x0] =	vst.idx.add.f32.msk $0xffff, v1  }
0x93: {  	v5 =	vld [tilespmem:$0x520];
	_ =	sdelay $0x4  }
0x94: {  	v5 =	vadd.s32 v3, v5;
	_ =	sdelay $0x4  }
0x95: {  	[tilespmem:v5+s7+$0x0] =	vst.idx.add.f32.msk $0xffff, v1  }
0x96: {  	v5 =	vld [tilespmem:$0x522];
	_ =	sdelay $0x4  }
0x97: {  	v5 =	vadd.s32 v4, v5;
	_ =	sdelay $0x4  }
0x98: {  	[tilespmem:v5+s7+$0x0] =	vst.idx.add.f32.msk vm0, v1  }
0x99: {  	v5 =	vld [tilespmem:$0x580];
	_ =	sdelay $0x4  }
0x9a: {  	v5 =	vadd.s32 v0, v5;
	_ =	sdelay $0x4  }
0x9b: {  	[tilespmem:v5+s7+$0x0] =	vst.idx.add.f32.msk $0xffff, v1  }
0x9c: {  	v5 =	vld [tilespmem:$0x590];
	_ =	sdelay $0x4  }
0x9d: {  	v5 =	vadd.s32 v2, v5;
	_ =	sdelay $0x4  }
0x9e: {  	[tilespmem:v5+s7+$0x0] =	vst.idx.add.f32.msk $0xffff, v1  }
0x9f: {  	v5 =	vld [tilespmem:$0x5A0];
	_ =	sdelay $0x4  }
0xa0: {  	v5 =	vadd.s32 v3, v5;
	_ =	sdelay $0x4  }
0xa1: {  	[tilespmem:v5+s7+$0x0] =	vst.idx.add.f32.msk $0xffff, v1  }
0xa2: {  	v5 =	vld [tilespmem:$0x5A2];
	_ =	sdelay $0x4  }
0xa3: {  	v5 =	vadd.s32 v4, v5;
	_ =	sdelay $0x4  }
0xa4: {  	[tilespmem:v5+s7+$0x0] =	vst.idx.add.f32.msk vm0, v1  }
0xa5: {  	v5 =	vld [tilespmem:$0x600];
	_ =	sdelay $0x4  }
0xa6: {  	v5 =	vadd.s32 v0, v5;
	_ =	sdelay $0x4  }
0xa7: {  	[tilespmem:v5+s7+$0x0] =	vst.idx.add.f32.msk $0xffff, v1  }
0xa8: {  	v5 =	vld [tilespmem:$0x610];
	_ =	sdelay $0x4  }
0xa9: {  	v5 =	vadd.s32 v2, v5;
	_ =	sdelay $0x4  }
0xaa: {  	[tilespmem:v5+s7+$0x0] =	vst.idx.add.f32.msk $0xffff, v1  }
0xab: {  	v5 =	vld [tilespmem:$0x620];
	_ =	sdelay $0x4  }
0xac: {  	v5 =	vadd.s32 v3, v5;
	_ =	sdelay $0x4  }
0xad: {  	[tilespmem:v5+s7+$0x0] =	vst.idx.add.f32.msk $0xffff, v1  }
0xae: {  	v5 =	vld [tilespmem:$0x622];
	_ =	sdelay $0x4  }
0xaf: {  	v5 =	vadd.s32 v4, v5;
	_ =	sdelay $0x4  }
0xb0: {  	[tilespmem:v5+s7+$0x0] =	vst.idx.add.f32.msk vm0, v1  }
0xb1: {  	v5 =	vld [tilespmem:$0x680];
	_ =	sdelay $0x4  }
0xb2: {  	v5 =	vadd.s32 v0, v5;
	_ =	sdelay $0x4  }
0xb3: {  	[tilespmem:v5+s7+$0x0] =	vst.idx.add.f32.msk $0xffff, v1  }
0xb4: {  	v5 =	vld [tilespmem:$0x690];
	_ =	sdelay $0x4  }
0xb5: {  	v5 =	vadd.s32 v2, v5;
	_ =	sdelay $0x4  }
0xb6: {  	[tilespmem:v5+s7+$0x0] =	vst.idx.add.f32.msk $0xffff, v1  }
0xb7: {  	v5 =	vld [tilespmem:$0x6A0];
	_ =	sdelay $0x4  }
0xb8: {  	v5 =	vadd.s32 v3, v5;
	_ =	sdelay $0x4  }
0xb9: {  	[tilespmem:v5+s7+$0x0] =	vst.idx.add.f32.msk $0xffff, v1  }
0xba: {  	v5 =	vld [tilespmem:$0x6A2];
	_ =	sdelay $0x4  }
0xbb: {  	v5 =	vadd.s32 v4, v5;
	_ =	sdelay $0x4  }
0xbc: {  	[tilespmem:v5+s7+$0x0] =	vst.idx.add.f32.msk vm0, v1  }
0xbd: {  	v5 =	vld [tilespmem:$0x700];
	_ =	sdelay $0x4  }
0xbe: {  	v5 =	vadd.s32 v0, v5;
	_ =	sdelay $0x4  }
0xbf: {  	[tilespmem:v5+s7+$0x0] =	vst.idx.add.f32.msk $0xffff, v1  }
0xc0: {  	v5 =	vld [tilespmem:$0x710];
	_ =	sdelay $0x4  }
0xc1: {  	v5 =	vadd.s32 v2, v5;
	_ =	sdelay $0x4  }
0xc2: {  	[tilespmem:v5+s7+$0x0] =	vst.idx.add.f32.msk $0xffff, v1  }
0xc3: {  	v5 =	vld [tilespmem:$0x720];
	_ =	sdelay $0x4  }
0xc4: {  	v5 =	vadd.s32 v3, v5;
	_ =	sdelay $0x4  }
0xc5: {  	[tilespmem:v5+s7+$0x0] =	vst.idx.add.f32.msk $0xffff, v1  }
0xc6: {  	v5 =	vld [tilespmem:$0x722];
	_ =	sdelay $0x4  }
0xc7: {  	v5 =	vadd.s32 v4, v5;
	_ =	sdelay $0x4  }
0xc8: {  	[tilespmem:v5+s7+$0x0] =	vst.idx.add.f32.msk vm0, v1  }
0xc9: {  	v5 =	vld [tilespmem:$0x780];
	_ =	sdelay $0x4  }
0xca: {  	v5 =	vadd.s32 v0, v5;
	_ =	sdelay $0x4  }
0xcb: {  	[tilespmem:v5+s7+$0x0] =	vst.idx.add.f32.msk $0xffff, v1  }
0xcc: {  	v5 =	vld [tilespmem:$0x790];
	_ =	sdelay $0x4  }
0xcd: {  	v5 =	vadd.s32 v2, v5;
	_ =	sdelay $0x4  }
0xce: {  	[tilespmem:v5+s7+$0x0] =	vst.idx.add.f32.msk $0xffff, v1  }
0xcf: {  	v5 =	vld [tilespmem:$0x7A0];
	_ =	sdelay $0x4  }
0xd0: {  	v5 =	vadd.s32 v3, v5;
	_ =	sdelay $0x4  }
0xd1: {  	[tilespmem:v5+s7+$0x0] =	vst.idx.add.f32.msk $0xffff, v1  }
0xd2: {  	v5 =	vld [tilespmem:$0x7A2];
	_ =	sdelay $0x4  }
0xd3: {  	v5 =	vadd.s32 v4, v5;
	_ =	sdelay $0x4  }
0xd4: {  	[tilespmem:v5+s7+$0x0] =	vst.idx.add.f32.msk vm0, v1  }
0xd5: {  	v5 =	vld [tilespmem:$0x800];
	_ =	sdelay $0x4  }
0xd6: {  	v5 =	vadd.s32 v0, v5;
	_ =	sdelay $0x4  }
0xd7: {  	[tilespmem:v5+s7+$0x0] =	vst.idx.add.f32.msk $0xffff, v1  }
0xd8: {  	v5 =	vld [tilespmem:$0x810];
	_ =	sdelay $0x4  }
0xd9: {  	v5 =	vadd.s32 v2, v5;
	_ =	sdelay $0x4  }
0xda: {  	[tilespmem:v5+s7+$0x0] =	vst.idx.add.f32.msk $0xffff, v1  }
0xdb: {  	v5 =	vld [tilespmem:$0x820];
	_ =	sdelay $0x4  }
0xdc: {  	v5 =	vadd.s32 v3, v5;
	_ =	sdelay $0x4  }
0xdd: {  	[tilespmem:v5+s7+$0x0] =	vst.idx.add.f32.msk $0xffff, v1  }
0xde: {  	v5 =	vld [tilespmem:$0x822];
	_ =	sdelay $0x4  }
0xdf: {  	v5 =	vadd.s32 v4, v5;
	_ =	sdelay $0x4  }
0xe0: {  	[tilespmem:v5+s7+$0x0] =	vst.idx.add.f32.msk vm0, v1  }
0xe1: {  	v5 =	vld [tilespmem:$0x880];
	_ =	sdelay $0x4  }
0xe2: {  	v5 =	vadd.s32 v0, v5;
	_ =	sdelay $0x4  }
0xe3: {  	[tilespmem:v5+s7+$0x0] =	vst.idx.add.f32.msk $0xffff, v1  }
0xe4: {  	v5 =	vld [tilespmem:$0x890];
	_ =	sdelay $0x4  }
0xe5: {  	v5 =	vadd.s32 v2, v5;
	_ =	sdelay $0x4  }
0xe6: {  	[tilespmem:v5+s7+$0x0] =	vst.idx.add.f32.msk $0xffff, v1  }
0xe7: {  	v5 =	vld [tilespmem:$0x8A0];
	_ =	sdelay $0x4  }
0xe8: {  	v5 =	vadd.s32 v3, v5;
	_ =	sdelay $0x4  }
0xe9: {  	[tilespmem:v5+s7+$0x0] =	vst.idx.add.f32.msk $0xffff, v1  }
0xea: {  	v5 =	vld [tilespmem:$0x8A2];
	_ =	sdelay $0x4  }
0xeb: {  	v5 =	vadd.s32 v4, v5;
	_ =	sdelay $0x4  }
0xec: {  	[tilespmem:v5+s7+$0x0] =	vst.idx.add.f32.msk vm0, v1  }
0xed: {  	v5 =	vld [tilespmem:$0x900];
	_ =	sdelay $0x4  }
0xee: {  	v5 =	vadd.s32 v0, v5;
	_ =	sdelay $0x4  }
0xef: {  	[tilespmem:v5+s7+$0x0] =	vst.idx.add.f32.msk $0xffff, v1  }
0xf0: {  	v5 =	vld [tilespmem:$0x910];
	_ =	sdelay $0x4  }
0xf1: {  	v5 =	vadd.s32 v2, v5;
	_ =	sdelay $0x4  }
0xf2: {  	[tilespmem:v5+s7+$0x0] =	vst.idx.add.f32.msk $0xffff, v1  }
0xf3: {  	v5 =	vld [tilespmem:$0x920];
	_ =	sdelay $0x4  }
0xf4: {  	v5 =	vadd.s32 v3, v5;
	_ =	sdelay $0x4  }
0xf5: {  	[tilespmem:v5+s7+$0x0] =	vst.idx.add.f32.msk $0xffff, v1  }
0xf6: {  	v5 =	vld [tilespmem:$0x922];
	_ =	sdelay $0x4  }
0xf7: {  	v5 =	vadd.s32 v4, v5;
	_ =	sdelay $0x4  }
0xf8: {  	[tilespmem:v5+s7+$0x0] =	vst.idx.add.f32.msk vm0, v1  }
0xf9: {  	v5 =	vld [tilespmem:$0x980];
	_ =	sdelay $0x4  }
0xfa: {  	v5 =	vadd.s32 v0, v5;
	_ =	sdelay $0x4  }
0xfb: {  	[tilespmem:v5+s7+$0x0] =	vst.idx.add.f32.msk $0xffff, v1  }
0xfc: {  	v5 =	vld [tilespmem:$0x990];
	_ =	sdelay $0x4  }
0xfd: {  	v5 =	vadd.s32 v2, v5;
	_ =	sdelay $0x4  }
0xfe: {  	[tilespmem:v5+s7+$0x0] =	vst.idx.add.f32.msk $0xffff, v1  }
0xff: {  	v5 =	vld [tilespmem:$0x9A0];
	_ =	sdelay $0x4  }
0x100: {  	v5 =	vadd.s32 v3, v5;
	_ =	sdelay $0x4  }
0x101: {  	[tilespmem:v5+s7+$0x0] =	vst.idx.add.f32.msk $0xffff, v1  }
0x102: {  	v5 =	vld [tilespmem:$0x9A2];
	_ =	sdelay $0x4  }
0x103: {  	v5 =	vadd.s32 v4, v5;
	_ =	sdelay $0x4  }
0x104: {  	[tilespmem:v5+s7+$0x0] =	vst.idx.add.f32.msk vm0, v1  }
0x105: {  	v5 =	vld [tilespmem:$0xA00];
	_ =	sdelay $0x4  }
0x106: {  	v5 =	vadd.s32 v0, v5;
	_ =	sdelay $0x4  }
0x107: {  	[tilespmem:v5+s7+$0x0] =	vst.idx.add.f32.msk $0xffff, v1  }
0x108: {  	v5 =	vld [tilespmem:$0xA10];
	_ =	sdelay $0x4  }
0x109: {  	v5 =	vadd.s32 v2, v5;
	_ =	sdelay $0x4  }
0x10a: {  	[tilespmem:v5+s7+$0x0] =	vst.idx.add.f32.msk $0xffff, v1  }
0x10b: {  	v5 =	vld [tilespmem:$0xA20];
	_ =	sdelay $0x4  }
0x10c: {  	v5 =	vadd.s32 v3, v5;
	_ =	sdelay $0x4  }
0x10d: {  	[tilespmem:v5+s7+$0x0] =	vst.idx.add.f32.msk $0xffff, v1  }
0x10e: {  	v5 =	vld [tilespmem:$0xA22];
	_ =	sdelay $0x4  }
0x10f: {  	v5 =	vadd.s32 v4, v5;
	_ =	sdelay $0x4  }
0x110: {  	[tilespmem:v5+s7+$0x0] =	vst.idx.add.f32.msk vm0, v1  }
0x111: {  	v5 =	vld [tilespmem:$0xA80];
	_ =	sdelay $0x4  }
0x112: {  	v5 =	vadd.s32 v0, v5;
	_ =	sdelay $0x4  }
0x113: {  	[tilespmem:v5+s7+$0x0] =	vst.idx.add.f32.msk $0xffff, v1  }
0x114: {  	v5 =	vld [tilespmem:$0xA90];
	_ =	sdelay $0x4  }
0x115: {  	v5 =	vadd.s32 v2, v5;
	_ =	sdelay $0x4  }
0x116: {  	[tilespmem:v5+s7+$0x0] =	vst.idx.add.f32.msk $0xffff, v1  }
0x117: {  	v5 =	vld [tilespmem:$0xAA0];
	_ =	sdelay $0x4  }
0x118: {  	v5 =	vadd.s32 v3, v5;
	_ =	sdelay $0x4  }
0x119: {  	[tilespmem:v5+s7+$0x0] =	vst.idx.add.f32.msk $0xffff, v1  }
0x11a: {  	v5 =	vld [tilespmem:$0xAA2];
	_ =	sdelay $0x4  }
0x11b: {  	v5 =	vadd.s32 v4, v5;
	_ =	sdelay $0x4  }
0x11c: {  	[tilespmem:v5+s7+$0x0] =	vst.idx.add.f32.msk vm0, v1  }
0x11d: {  	v5 =	vld [tilespmem:$0xB00];
	_ =	sdelay $0x4  }
0x11e: {  	v5 =	vadd.s32 v0, v5;
	_ =	sdelay $0x4  }
0x11f: {  	[tilespmem:v5+s7+$0x0] =	vst.idx.add.f32.msk $0xffff, v1  }
0x120: {  	v5 =	vld [tilespmem:$0xB10];
	_ =	sdelay $0x4  }
0x121: {  	v5 =	vadd.s32 v2, v5;
	_ =	sdelay $0x4  }
0x122: {  	[tilespmem:v5+s7+$0x0] =	vst.idx.add.f32.msk $0xffff, v1  }
0x123: {  	v5 =	vld [tilespmem:$0xB20];
	_ =	sdelay $0x4  }
0x124: {  	v5 =	vadd.s32 v3, v5;
	_ =	sdelay $0x4  }
0x125: {  	[tilespmem:v5+s7+$0x0] =	vst.idx.add.f32.msk $0xffff, v1  }
0x126: {  	v5 =	vld [tilespmem:$0xB22];
	_ =	sdelay $0x4  }
0x127: {  	v5 =	vadd.s32 v4, v5;
	_ =	sdelay $0x4  }
0x128: {  	[tilespmem:v5+s7+$0x0] =	vst.idx.add.f32.msk vm0, v1  }
0x129: {  	v5 =	vld [tilespmem:$0xB80];
	_ =	sdelay $0x4  }
0x12a: {  	v5 =	vadd.s32 v0, v5;
	_ =	sdelay $0x4  }
0x12b: {  	[tilespmem:v5+s7+$0x0] =	vst.idx.add.f32.msk $0xffff, v1  }
0x12c: {  	v5 =	vld [tilespmem:$0xB90];
	_ =	sdelay $0x4  }
0x12d: {  	v5 =	vadd.s32 v2, v5;
	_ =	sdelay $0x4  }
0x12e: {  	[tilespmem:v5+s7+$0x0] =	vst.idx.add.f32.msk $0xffff, v1  }
0x12f: {  	v5 =	vld [tilespmem:$0xBA0];
	_ =	sdelay $0x4  }
0x130: {  	v5 =	vadd.s32 v3, v5;
	_ =	sdelay $0x4  }
0x131: {  	[tilespmem:v5+s7+$0x0] =	vst.idx.add.f32.msk $0xffff, v1  }
0x132: {  	v5 =	vld [tilespmem:$0xBA2];
	_ =	sdelay $0x4  }
0x133: {  	v5 =	vadd.s32 v4, v5;
	_ =	sdelay $0x4  }
0x134: {  	[tilespmem:v5+s7+$0x0] =	vst.idx.add.f32.msk vm0, v1  }
0x135: {  	v5 =	vld [tilespmem:$0xC00];
	_ =	sdelay $0x4  }
0x136: {  	v5 =	vadd.s32 v0, v5;
	_ =	sdelay $0x4  }
0x137: {  	[tilespmem:v5+s7+$0x0] =	vst.idx.add.f32.msk $0xffff, v1  }
0x138: {  	v5 =	vld [tilespmem:$0xC10];
	_ =	sdelay $0x4  }
0x139: {  	v5 =	vadd.s32 v2, v5;
	_ =	sdelay $0x4  }
0x13a: {  	[tilespmem:v5+s7+$0x0] =	vst.idx.add.f32.msk $0xffff, v1  }
0x13b: {  	v5 =	vld [tilespmem:$0xC20];
	_ =	sdelay $0x4  }
0x13c: {  	v5 =	vadd.s32 v3, v5;
	_ =	sdelay $0x4  }
0x13d: {  	[tilespmem:v5+s7+$0x0] =	vst.idx.add.f32.msk $0xffff, v1  }
0x13e: {  	v5 =	vld [tilespmem:$0xC22];
	_ =	sdelay $0x4  }
0x13f: {  	v5 =	vadd.s32 v4, v5;
	_ =	sdelay $0x4  }
0x140: {  	[tilespmem:v5+s7+$0x0] =	vst.idx.add.f32.msk vm0, v1  }
0x141: {  	v5 =	vld [tilespmem:$0xC80];
	_ =	sdelay $0x4  }
0x142: {  	v5 =	vadd.s32 v0, v5;
	_ =	sdelay $0x4  }
0x143: {  	[tilespmem:v5+s7+$0x0] =	vst.idx.add.f32.msk $0xffff, v1  }
0x144: {  	v5 =	vld [tilespmem:$0xC90];
	_ =	sdelay $0x4  }
0x145: {  	v5 =	vadd.s32 v2, v5;
	_ =	sdelay $0x4  }
0x146: {  	[tilespmem:v5+s7+$0x0] =	vst.idx.add.f32.msk $0xffff, v1  }
0x147: {  	v5 =	vld [tilespmem:$0xCA0];
	_ =	sdelay $0x4  }
0x148: {  	v5 =	vadd.s32 v3, v5;
	_ =	sdelay $0x4  }
0x149: {  	[tilespmem:v5+s7+$0x0] =	vst.idx.add.f32.msk $0xffff, v1  }
0x14a: {  	v5 =	vld [tilespmem:$0xCA2];
	_ =	sdelay $0x4  }
0x14b: {  	v5 =	vadd.s32 v4, v5;
	_ =	sdelay $0x4  }
0x14c: {  	[tilespmem:v5+s7+$0x0] =	vst.idx.add.f32.msk vm0, v1  }
0x14d: {  	v5 =	vld [tilespmem:$0xD00];
	_ =	sdelay $0x4  }
0x14e: {  	v5 =	vadd.s32 v0, v5;
	_ =	sdelay $0x4  }
0x14f: {  	[tilespmem:v5+s7+$0x0] =	vst.idx.add.f32.msk $0xffff, v1  }
0x150: {  	v5 =	vld [tilespmem:$0xD10];
	_ =	sdelay $0x4  }
0x151: {  	v5 =	vadd.s32 v2, v5;
	_ =	sdelay $0x4  }
0x152: {  	[tilespmem:v5+s7+$0x0] =	vst.idx.add.f32.msk $0xffff, v1  }
0x153: {  	v5 =	vld [tilespmem:$0xD20];
	_ =	sdelay $0x4  }
0x154: {  	v5 =	vadd.s32 v3, v5;
	_ =	sdelay $0x4  }
0x155: {  	[tilespmem:v5+s7+$0x0] =	vst.idx.add.f32.msk $0xffff, v1  }
0x156: {  	v5 =	vld [tilespmem:$0xD22];
	_ =	sdelay $0x4  }
0x157: {  	v5 =	vadd.s32 v4, v5;
	_ =	sdelay $0x4  }
0x158: {  	[tilespmem:v5+s7+$0x0] =	vst.idx.add.f32.msk vm0, v1  }
0x159: {  	v5 =	vld [tilespmem:$0xD80];
	_ =	sdelay $0x4  }
0x15a: {  	v5 =	vadd.s32 v0, v5;
	_ =	sdelay $0x4  }
0x15b: {  	[tilespmem:v5+s7+$0x0] =	vst.idx.add.f32.msk $0xffff, v1  }
0x15c: {  	v5 =	vld [tilespmem:$0xD90];
	_ =	sdelay $0x4  }
0x15d: {  	v5 =	vadd.s32 v2, v5;
	_ =	sdelay $0x4  }
0x15e: {  	[tilespmem:v5+s7+$0x0] =	vst.idx.add.f32.msk $0xffff, v1  }
0x15f: {  	v5 =	vld [tilespmem:$0xDA0];
	_ =	sdelay $0x4  }
0x160: {  	v5 =	vadd.s32 v3, v5;
	_ =	sdelay $0x4  }
0x161: {  	[tilespmem:v5+s7+$0x0] =	vst.idx.add.f32.msk $0xffff, v1  }
0x162: {  	v5 =	vld [tilespmem:$0xDA2];
	_ =	sdelay $0x4  }
0x163: {  	v5 =	vadd.s32 v4, v5;
	_ =	sdelay $0x4  }
0x164: {  	[tilespmem:v5+s7+$0x0] =	vst.idx.add.f32.msk vm0, v1  }
0x165: {  	v5 =	vld [tilespmem:$0xE00];
	_ =	sdelay $0x4  }
0x166: {  	v5 =	vadd.s32 v0, v5;
	_ =	sdelay $0x4  }
0x167: {  	[tilespmem:v5+s7+$0x0] =	vst.idx.add.f32.msk $0xffff, v1  }
0x168: {  	v5 =	vld [tilespmem:$0xE10];
	_ =	sdelay $0x4  }
0x169: {  	v5 =	vadd.s32 v2, v5;
	_ =	sdelay $0x4  }
0x16a: {  	[tilespmem:v5+s7+$0x0] =	vst.idx.add.f32.msk $0xffff, v1  }
0x16b: {  	v5 =	vld [tilespmem:$0xE20];
	_ =	sdelay $0x4  }
0x16c: {  	v5 =	vadd.s32 v3, v5;
	_ =	sdelay $0x4  }
0x16d: {  	[tilespmem:v5+s7+$0x0] =	vst.idx.add.f32.msk $0xffff, v1  }
0x16e: {  	v5 =	vld [tilespmem:$0xE22];
	_ =	sdelay $0x4  }
0x16f: {  	v5 =	vadd.s32 v4, v5;
	_ =	sdelay $0x4  }
0x170: {  	[tilespmem:v5+s7+$0x0] =	vst.idx.add.f32.msk vm0, v1  }
0x171: {  	v5 =	vld [tilespmem:$0xE80];
	_ =	sdelay $0x4  }
0x172: {  	v5 =	vadd.s32 v0, v5;
	_ =	sdelay $0x4  }
0x173: {  	[tilespmem:v5+s7+$0x0] =	vst.idx.add.f32.msk $0xffff, v1  }
0x174: {  	v5 =	vld [tilespmem:$0xE90];
	_ =	sdelay $0x4  }
0x175: {  	v5 =	vadd.s32 v2, v5;
	_ =	sdelay $0x4  }
0x176: {  	[tilespmem:v5+s7+$0x0] =	vst.idx.add.f32.msk $0xffff, v1  }
0x177: {  	v5 =	vld [tilespmem:$0xEA0];
	_ =	sdelay $0x4  }
0x178: {  	v5 =	vadd.s32 v3, v5;
	_ =	sdelay $0x4  }
0x179: {  	[tilespmem:v5+s7+$0x0] =	vst.idx.add.f32.msk $0xffff, v1  }
0x17a: {  	v5 =	vld [tilespmem:$0xEA2];
	_ =	sdelay $0x4  }
0x17b: {  	v5 =	vadd.s32 v4, v5;
	_ =	sdelay $0x4  }
0x17c: {  	[tilespmem:v5+s7+$0x0] =	vst.idx.add.f32.msk vm0, v1  }
0x17d: {  	v5 =	vld [tilespmem:$0xF00];
	_ =	sdelay $0x4  }
0x17e: {  	v5 =	vadd.s32 v0, v5;
	_ =	sdelay $0x4  }
0x17f: {  	[tilespmem:v5+s7+$0x0] =	vst.idx.add.f32.msk $0xffff, v1  }
0x180: {  	v5 =	vld [tilespmem:$0xF10];
	_ =	sdelay $0x4  }
0x181: {  	v5 =	vadd.s32 v2, v5;
	_ =	sdelay $0x4  }
0x182: {  	[tilespmem:v5+s7+$0x0] =	vst.idx.add.f32.msk $0xffff, v1  }
0x183: {  	v5 =	vld [tilespmem:$0xF20];
	_ =	sdelay $0x4  }
0x184: {  	v5 =	vadd.s32 v3, v5;
	_ =	sdelay $0x4  }
0x185: {  	[tilespmem:v5+s7+$0x0] =	vst.idx.add.f32.msk $0xffff, v1  }
0x186: {  	v5 =	vld [tilespmem:$0xF22];
	_ =	sdelay $0x4  }
0x187: {  	v5 =	vadd.s32 v4, v5;
	_ =	sdelay $0x4  }
0x188: {  	[tilespmem:v5+s7+$0x0] =	vst.idx.add.f32.msk vm0, v1  }
0x189: {  	v5 =	vld [tilespmem:$0xF80];
	_ =	sdelay $0x4  }
0x18a: {  	v5 =	vadd.s32 v0, v5;
	_ =	sdelay $0x4  }
0x18b: {  	[tilespmem:v5+s7+$0x0] =	vst.idx.add.f32.msk $0xffff, v1  }
0x18c: {  	v5 =	vld [tilespmem:$0xF90];
	_ =	sdelay $0x4  }
0x18d: {  	v5 =	vadd.s32 v2, v5;
	_ =	sdelay $0x4  }
0x18e: {  	[tilespmem:v5+s7+$0x0] =	vst.idx.add.f32.msk $0xffff, v1  }
0x18f: {  	v5 =	vld [tilespmem:$0xFA0];
	_ =	sdelay $0x4  }
0x190: {  	v5 =	vadd.s32 v3, v5;
	_ =	sdelay $0x4  }
0x191: {  	[tilespmem:v5+s7+$0x0] =	vst.idx.add.f32.msk $0xffff, v1  }
0x192: {  	v5 =	vld [tilespmem:$0xFA2];
	_ =	sdelay $0x4  }
0x193: {  	v5 =	vadd.s32 v4, v5;
	_ =	sdelay $0x3  }
0x194: {  	p0 =	sne.s32 s6, $0x1  }
.Ltmp0:
0x195: {  	[tilespmem:v5+s7+$0x0] =	vst.idx.add.f32.msk vm0, v1;
	(pc) =	sbr.rel @p0 .LBB2_1-.Ltmp0, $4  }
0x196: {  	[hbm4b:s5+s9] =	stream.strided.scatter [tilespmem:s7], [sflag:$0x1], $0xC380, s10, s9, $0x38;
	[tilespmem:$0xD380] =	vst v63  }
0x197: {  	_ =	swait.ge [sflag:s8], $0xC380  }
0x198: {  	[sflag:s8] =	ssyncset.done $0x0  }
0x199: {  	s6 =	sadd.s32 $0xFFFFFFFF, s6;
	[sflag:s8] =	ssyncadd.s32 $0xFFFF3C80  }
0x19a: {  	_ =	sfence.sel $0x180000  }
0x19b: {  	[bflag:$0x0] =	sbarrier.arrive $0xFFFF  }
0x19c: {  	p0 =	sne.s32 s1, $0x0;
	_ =	strace $0x90000047  }
0x19d: {  	s0 =	sadd.s32 @!p0 $0x100000, s0;
	[bflag:$0x2] =	sbarrier.arrive $0xFFFF  }
0x19e: {  	[sflag:s0] =	ssyncadd.tile.s32 @!p0 $0x1;
	_ =	shalt  }
.Lfunc_end2:
_tile_overlayer_lowered:
.L_overlay_start_2:
0x19f: {  	(tag) =	ssettag $0x2  }
0x1a0: {  	s0 =	rddreg [dreg:$0x0];
	s2 =	stileid.u32  }
0x1a1: {  	s1 =	rddreg [dreg:$0x1];
	p0 =	sne.s32 s2, $0x0  }
0x1a2: {  	s3 =	rddreg [dreg:$0x2];
	[bflag:$0x3] =	sbarrier.arrive $0xFFFF;
	s2 =	simm.s32 @!p0 $0x1C01  }
0x1a3: {  	[timem:s3], [sflag:s2] =	dma.local @!p0 [hbm:s0], s1  }
0x1a4: {  	s0 =	simm.s32 @!p0 $0x1  }
0x1a5: {  	_ =	swait.ge @!p0 [sflag:s0], s1  }
0x1a6: {  	s1 =	ssub.s32 @!p0 $0x0, s1;
	[sflag:s0] =	ssyncset.done @!p0 $0x0  }
0x1a7: {  	[sflag:s0] =	ssyncadd.s32 @!p0 s1  }
0x1a8: {  	[bflag:$0x3] =	sbarrier.arrive $0xFFFF  }
0x1a9: {  	_ =	shalt  }

// kernel: kernel.8.cloned.1.call-start
scs
__scs_entry_jumppad:
0x0: {  	(pc) =	sbr.rel $0x88, $3  }
0x1: {  	(tag) =	ssettag $0x0;
	lr =	simm.s32 $0x1  }
0x2: {  	[smem:$0x3F9E] =	sst lr;
	_ =	strace $0xD0000000  }
0x3: {  	_ = 	snop  }
0x4: {  	_ = 	snop  }
0x5: {  	_ = 	snop  }
0x6: {  	_ = 	snop  }
0x7: {  	_ = 	snop  }
__scs_overlays_trampoline_lowered:
0x8: {  	[smem:$0x3FAD] =	sst s0  }
0x9: {  	[smem:$0x3FAE] =	sst s1  }
0xa: {  	[smem:$0x3FAF] =	sst s2  }
0xb: {  	[smem:$0x3FB0] =	sst s3  }
0xc: {  	[smem:$0x3FB1] =	sst s4  }
0xd: {  	[smem:$0x3FB2] =	sst s5  }
0xe: {  	[smem:$0x3FB3] =	sst s6  }
0xf: {  	[smem:$0x3FB4] =	sst s7  }
0x10: {  	[smem:$0x3FB5] =	sst s8  }
0x11: {  	[smem:$0x3FB6] =	sst s9;
	s0 =	simm.s32 @!p0 $0x0  }
0x12: {  	s1 =	sld [smem:$0x3F9C];
	s0 =	simm.s32 @p0 $0x1  }
0x13: {  	[smem:$0x3FB7] =	sst s0;
	s0 =	simm.s32 @!p1 $0x0  }
0x14: {  	s2 =	sld [smem:$0x3F9B];
	s0 =	simm.s32 @p1 $0x1  }
0x15: {  	[smem:$0x3FB8] =	sst s0;
	s0 =	simm.s32 @!p2 $0x0  }
0x16: {  	s3 =	sld [smem:$0x3FDB];
	s0 =	simm.s32 @p2 $0x1  }
0x17: {  	s4 =	simm.s32 $0x1BF5;
	[smem:$0x3FBA] =	sst s0  }
0x18: {  	s0 =	sld [smem:$0x3F9D];
	_ =	swait.ge [sflag:s4], $0x0  }
0x19: {  	s7 =	sld [smem:$0x3F9E]  }
0x1a: {  	s8 =	sadd.s32 $0xFFFFE003, lr  }
0x1b: {  	s9 =	sadd.s32 $0xFFFFFEF7, lr;
	s5 =	simm.s32 $0xFFFFFFFF;
	p2 =	slt.u32 s8, $0xFFFFF086  }
0x1c: {  	p1 =	slt.u32 s9, $0xF7A;
	s5 =	simm.s32 @!p2 $0x0  }
0x1d: {  	s5 =	simm.s32 @p1 $0x1;
	p0 =	seq.s32 s7, s2  }
0x1e: {  	s7 =	smul.u32 @!p0 $0xF7A, s2;
	p2 =	seq.s32 @!p0 s5, $0x0  }
0x1f: {  	s9 =	smul.u32 $0xF7A, s1;
	s8 =	simm.s32 @!p0 $0x1BF5;
	p2 =	por !p2, p0  }
0x20: {  	[sflag:s8] =	ssyncset.s32 @!p0 $0xFFFFF086;
	s6 =	sadd.s32 @!p0 s3, s7;
	s7 =	simm.s32 @!p0 $0x108  }
0x21: {  	s3 =	sadd.s32 s3, s9;
	s6 =	sadd.s32 @!p0 $0x88, s6;
	s7 =	simm.s32 @p2 $0x1082  }
0x22: {  	[simem:s7], [sflag:s8] =	dma.local @!p0 [hbm:s6], $0xF7A  }
0x23: {  	s9 =	sor.u32 $0xD0000000, s2;
	s6 =	simm.s32 $0x108;
	_ =	swait.ge @!p0 [sflag:s8], $0x0  }
0x24: {  	s3 =	sadd.s32 $0x88, s3;
	s6 =	simm.s32 @!p1 $0x1082;
	[sflag:s4] =	ssyncset.s32 $0xFFFFF086  }
0x25: {  	[simem:s6], [sflag:s4] =	dma.local [hbm:s3], $0xF7A  }
0x26: {  	[smem:$0x3F9E] =	sst s1;
	(tag) =	ssettag s2;
	_ =	strace s9  }
0x27: {  	s1 =	sld [smem:$0x3FAE]  }
0x28: {  	s2 =	sld [smem:$0x3FAF]  }
0x29: {  	s4 =	sld [smem:$0x3FB1]  }
0x2a: {  	p0 =	seq.s32 s5, $0x0;
	s5 =	sld [smem:$0x3FB2]  }
0x2b: {  	s6 =	sld [smem:$0x3FB3]  }
0x2c: {  	s7 =	sld [smem:$0x3FB4]  }
0x2d: {  	s3 =	simm.s32 $0x108;
	s8 =	sld [smem:$0x3FB5]  }
0x2e: {  	s3 =	simm.s32 @!p0 $0x1082;
	s9 =	sld [smem:$0x3FB6]  }
0x2f: {  	lr =	sadd.s32 s0, s3;
	s0 =	sld [smem:$0x3FAD]  }
0x30: {  	s3 =	sld [smem:$0x3FB0]  }
0x31: {  	[smem:$0x3FB9] =	sst s10  }
0x32: {  	s10 =	sld [smem:$0x3FB7];
	_ =	sdelay $0x3  }
0x33: {  	p0 =	seq.s32 s10, $0x1;
	s10 =	sld [smem:$0x3FB9];
	_ =	sdelay $0x3  }
0x34: {  	[smem:$0x3FB9] =	sst s10  }
0x35: {  	s10 =	sld [smem:$0x3FB8];
	_ =	sdelay $0x3  }
0x36: {  	p1 =	seq.s32 s10, $0x1;
	s10 =	sld [smem:$0x3FB9];
	_ =	sdelay $0x3  }
0x37: {  	[smem:$0x3FB9] =	sst s10  }
0x38: {  	s10 =	sld [smem:$0x3FBA]  }
0x39: {  	_ = 	snop;
	(pc) =	sbr.ind lr, $3  }
0x3a: {  	_ = 	snop  }
0x3b: {  	_ = 	snop  }
0x3c: {  	p2 =	seq.s32 s10, $0x1;
	s10 =	sld [smem:$0x3FB9]  }
0x3d: {  	_ =	shalt  }
0x3e: {  	_ =	shalt  }
0x3f: {  	_ =	shalt  }
0x40: {  	_ =	shalt  }
0x41: {  	_ =	shalt  }
0x42: {  	_ =	shalt  }
0x43: {  	_ =	shalt  }
0x44: {  	_ =	shalt  }
0x45: {  	_ =	shalt  }
0x46: {  	_ =	shalt  }
0x47: {  	_ =	shalt  }
0x48: {  	_ =	shalt  }
0x49: {  	_ =	shalt  }
0x4a: {  	_ =	shalt  }
0x4b: {  	_ =	shalt  }
0x4c: {  	_ =	shalt  }
0x4d: {  	_ =	shalt  }
0x4e: {  	_ =	shalt  }
0x4f: {  	_ =	shalt  }
0x50: {  	_ =	shalt  }
0x51: {  	_ =	shalt  }
0x52: {  	_ =	shalt  }
0x53: {  	_ =	shalt  }
0x54: {  	_ =	shalt  }
0x55: {  	_ =	shalt  }
0x56: {  	_ =	shalt  }
0x57: {  	_ =	shalt  }
0x58: {  	_ =	shalt  }
0x59: {  	_ =	shalt  }
0x5a: {  	_ =	shalt  }
0x5b: {  	_ =	shalt  }
0x5c: {  	_ =	shalt  }
0x5d: {  	_ =	shalt  }
0x5e: {  	_ =	shalt  }
0x5f: {  	_ =	shalt  }
0x60: {  	_ =	shalt  }
0x61: {  	_ =	shalt  }
0x62: {  	_ =	shalt  }
0x63: {  	_ =	shalt  }
0x64: {  	_ =	shalt  }
0x65: {  	_ =	shalt  }
0x66: {  	_ =	shalt  }
0x67: {  	_ =	shalt  }
0x68: {  	_ =	shalt  }
0x69: {  	_ =	shalt  }
0x6a: {  	_ =	shalt  }
0x6b: {  	_ =	shalt  }
0x6c: {  	_ =	shalt  }
0x6d: {  	_ =	shalt  }
0x6e: {  	_ =	shalt  }
0x6f: {  	_ =	shalt  }
0x70: {  	_ =	shalt  }
0x71: {  	_ =	shalt  }
0x72: {  	_ =	shalt  }
0x73: {  	_ =	shalt  }
0x74: {  	_ =	shalt  }
0x75: {  	_ =	shalt  }
0x76: {  	_ =	shalt  }
0x77: {  	_ =	shalt  }
0x78: {  	_ =	shalt  }
0x79: {  	_ =	shalt  }
0x7a: {  	_ =	shalt  }
0x7b: {  	_ =	shalt  }
0x7c: {  	_ =	shalt  }
0x7d: {  	_ =	shalt  }
0x7e: {  	_ =	shalt  }
0x7f: {  	_ =	shalt  }
0x80: {  	_ =	shalt  }
0x81: {  	_ =	shalt  }
0x82: {  	_ =	shalt  }
0x83: {  	_ =	shalt  }
0x84: {  	_ =	shalt  }
0x85: {  	_ =	shalt  }
0x86: {  	_ =	shalt  }
0x87: {  	_ =	shalt  }
.Lfunc_end0:
.L_simem_size_0:
called_computation.1_lowered:
.L_overlay_start_0:
0x88: {  	s2 =	sld [smem:$0x3FD9]  }
0x89: {  	s3 =	sld [smem:$0x3FFE];
	_ =	sdelay $0x1  }
0x8a: {  	s1 =	srdreg.scid  }
0x8b: {  	s0 =	sand.u32 $0x1, s1  }
0x8c: {  	s17 =	sshll.u32 s0, $0xA;
	s2 =	sadd.s32 s3, s2  }
0x8d: {  	s2 =	sadd.s32 s2, s17  }
0x8e: {  	[smem:$0x3FC5] =	sst s2  }
0x8f: {  	_ = 	snop  }
0x90: {  	s2 =	sld [smem:$0x3FD0];
	(tm) =	ssettm $0x1  }
0x91: {  	s18 =	sld [smem:$0x3FFB];
	_ =	sdelay $0x3  }
0x92: {  	_ =	strace s18  }
0x93: {  	s3 =	sld [smem:$0x3FFC];
	_ =	sdelay $0x3  }
0x94: {  	_ =	strace s3  }
0x95: {  	s3 =	sld [smem:$0x3FFD];
	_ =	sdelay $0x3  }
0x96: {  	_ =	strace s3  }
0x97: {  	_ =	strace $0x8FFFFFFF  }
0x98: {  	s19 =	sld [smem:$0x3FDB];
	_ =	sdelay $0x1  }
0x99: {  	s4 =	simm.s32 $_scs_section_size  }
0x9a: {  	s5 =	simm.s32 $_size__tile_overlayer_lowered;
	s6 =	simm.s32 $_tile_overlayer_lowered  }
0x9b: {  	s22 =	simm.s32 $0x1BFF;
	s21 =	sshll.u32 s6, $0x1;
	s3 =	sadd.s32 s4, s19  }
0x9c: {  	s7 =	simm.s32 $0x0;
	s20 =	sshll.u32 s5, $0x1;
	s5 =	sadd.s32 s21, s3  }
0x9d: {  	[timem:s7], [sflag:s22] =	dma.local [hbm:s5], s20  }
0x9e: {  	_ =	swait.ge [sflag:s22], s20  }
0x9f: {  	s4 =	ssub.s32 $0x0, s20;
	[sflag:s22] =	ssyncset.done $0x0  }
0xa0: {  	[sflag:s22] =	ssyncadd.s32 s4;
	_ =	sdelay $0x1  }
0xa1: {  	s23 =	simm.s32 $0x1B8B  }
0xa2: {  	_ =	swait.ge [sflag:s23], $0x1  }
0xa3: {  	[sflag:s23] =	ssyncset.done $0x0  }
0xa4: {  	s25 =	simm.s32 $0x1B8E;
	s24 =	sld [smem:$0x3FFE];
	[sflag:s23] =	ssyncadd.s32 $0xFFFFFFFF  }
0xa5: {  	s26 =	simm.s32 $execute0_lowered;
	[smem:$0x3FD2] =	sst s25  }
0xa6: {  	s5 =	sshll.u32 s26, $0x1;
	_ =	strace $0x80000049;
	[dreg:$0x1] =	wrdreg $0xFFFFFFFF  }
0xa7: {  	s28 =	simm.s32 $_size_execute0_lowered;
	s3 =	sadd.s32 s3, s5;
	[dreg:$0x0] =	wrdreg $0x0  }
0xa8: {  	s5 =	sshll.u32 s28, $0x1;
	[dreg:$0x2] =	wrdreg s3  }
0xa9: {  	[dreg:$0x3] =	wrdreg s5  }
0xaa: {  	[dreg:$0x4] =	wrdreg $0xC0  }
0xab: {  	_ =	task [dreg:s7], $0x5FFFF  }
0xac: {  	[dreg:$0x1] =	wrdreg $0xFFFFFFFF  }
0xad: {  	[dreg:$0x0] =	wrdreg $0x60  }
0xae: {  	[dreg:$0x2] =	wrdreg s24  }
0xaf: {  	[dreg:$0x3] =	wrdreg s2  }
0xb0: {  	[dreg:$0x4] =	wrdreg $0x9  }
0xb1: {  	_ =	task.clear_ibuf [dreg:s7], $0x5FFFF;
	_ =	strace $0x90000049  }
0xb2: {  	s29 =	simm.s32 $0x9;
	_ =	strace $0x8000004B  }
0xb3: {  	_ =	swait.ge [sflag:s29], $0x1  }
0xb4: {  	[sflag:s29] =	ssyncadd.s32 $0xFFFFFFFF  }
0xb5: {  	_ =	strace $0x9000004B  }
0xb6: {  	_ =	sfence  }
0xb7: {  	s30 =	sld [smem:$0x0];
	_ =	sdelay $0x2  }
0xb8: {  	s31 =	sshll.u32 s1, $0xD;
	s1 =	sshrl.u32 s1, $0x2  }
0xb9: {  	s3 =	sand.u32 $0x4000, s31;
	s1 =	sadd.s32 s1, s30  }
0xba: {  	s0 =	sor.u32 s3, s0;
	s1 =	sshll.u32 s1, $0x11  }
0xbb: {  	s0 =	sor.u32 s1, s0  }
0xbc: {  	s0 =	sadd.s32 $0x8F2B, s0  }
0xbd: {  	[sflag:s0] =	ssyncadd.remote.s32 $0x1  }
0xbe: {  	_ =	sfence.sel $0xFFFF  }
0xbf: {  	[dreg:$0x0] =	wrdreg $0xFFFFFFFF;
	(pc) =	sbr.abs _section_cstart, $3  }
0xc0: {  	[dreg:$0x1] =	wrdreg $0xFFFFFFFF  }
0xc1: {  	_ =	task.clear_ibuf [dreg:s7], $0x2FFFF;
	_ =	strace $0x9FFFFFFF  }
0xc2: {  	(tm) =	ssettm $0x7FFFFFFF  }
0xc3: {  	_ =	shalt  }
tec
execute0_lowered:
.L_overlay_start_1:
0x0: {  	(tag) =	ssettag $0x1  }
0x1: {  	s0 =	srdreg.scid;
	s1 =	stileid.u32  }
0x2: {  	s8 =	rddreg [dreg:$0x0];
	v25 =	vlaneseq.u32;
	s3 =	simm.s32 $0x0;
	s0 =	sand.u32 $0x1, s0  }
0x3: {  	s1 =	sshll.u32 s1, $0x6;
	[smem:$0x7FF] =	sst s3;
	v44 =	vor.u32 $0x2100, v25;
	s2 =	sshll.u32 s0, $0x5  }
0x4: {  	v45 =	vor.u32 $0x2180, v25;
	s1 =	sor.u32 s2, s1;
	s2 =	rddreg [dreg:$0x1];
	_ =	strace $0x8000004A;
	[tilespmem:$0x1FE90] =	vst v44  }
0x5: {  	v46 =	vor.u32 $0x2200, v25;
	[tilespmem:$0x1FEA0] =	vst v45  }
0x6: {  	v47 =	vor.u32 $0x2280, v25;
	[tilespmem:$0x1FEB0] =	vst v46  }
0x7: {  	v48 =	vor.u32 $0x2300, v25;
	[tilespmem:$0x1FEC0] =	vst v47  }
0x8: {  	v49 =	vor.u32 $0x2380, v25;
	[tilespmem:$0x1FED0] =	vst v48  }
0x9: {  	v50 =	vor.u32 $0x4000, v25;
	[tilespmem:$0x1FEE0] =	vst v49  }
0xa: {  	v51 =	vor.u32 $0x4080, v25;
	[tilespmem:$0x1FEF0] =	vst v50  }
0xb: {  	v52 =	vor.u32 $0x4100, v25;
	[tilespmem:$0x1FF00] =	vst v51  }
0xc: {  	v53 =	vor.u32 $0x4180, v25;
	[tilespmem:$0x1FF10] =	vst v52  }
0xd: {  	v54 =	vor.u32 $0x4200, v25;
	[tilespmem:$0x1FF20] =	vst v53  }
0xe: {  	v55 =	vor.u32 $0x4280, v25;
	[tilespmem:$0x1FF30] =	vst v54  }
0xf: {  	v56 =	vor.u32 $0x4300, v25;
	[tilespmem:$0x1FF40] =	vst v55  }
0x10: {  	v57 =	vor.u32 $0x4380, v25;
	[tilespmem:$0x1FF50] =	vst v56  }
0x11: {  	v58 =	vor.u32 $0x6000, v25;
	[tilespmem:$0x1FF60] =	vst v57  }
0x12: {  	s10 =	simm.s32 $0x5;
	s11 =	simm.s32 $0x7D00;
	v59 =	vor.u32 $0x6080, v25;
	[tilespmem:$0x1FF70] =	vst v58  }
0x13: {  	s12 =	simm.s32 $0x8380;
	s13 =	simm.s32 $0x8780;
	s14 =	simm.s32 $0x1;
	v60 =	vor.u32 $0x6100, v25;
	[tilespmem:$0x1FF80] =	vst v59  }
0x14: {  	s15 =	simm.s32 $0x8B80;
	s16 =	simm.s32 $0x2;
	s17 =	simm.s32 $0x4;
	v61 =	vor.u32 $0x6180, v25;
	[tilespmem:$0x1FF90] =	vst v60  }
0x15: {  	s18 =	simm.s32 $0x10B80;
	v62 =	vor.u32 $0x6200, v25;
	s0 =	ssub.s32 $0x2, s0;
	[tilespmem:$0x1FFA0] =	vst v61;
	s1 =	smin.u32 s1, $0x3C8  }
0x16: {  	v0 =	vimm.s32 $0x0;
	vm0 =	vcmask $0x300;
	s19 =	simm.s32 $0x3;
	v63 =	vor.u32 $0x6280, v25;
	s7 =	sshrl.u32 s0, $0x1;
	[tilespmem:$0x1FFB0] =	vst v62;
	s4 =	smul.u32 $0x32, s1  }
0x17: {  	s20 =	simm.s32 $0x0;
	v12 =	vsel vm0, $0x7, v0;
	v23 =	vor.u32 $0x80, v25;
	[tilespmem:$0x1FFC0] =	vst v63;
	s0 =	ssub.s32 s0, s7;
	s5 =	smul.u32 $0x7D, s1  }
0x18: {  	v24 =	vor.u32 $0x100, v25;
	v7 =	vor.u32 $0x180, v25;
	v8 =	vor.u32 $0x200, v25;
	[tilespmem:$0x1FFD0] =	vst v12;
	s7 =	sshll.u32 s1, $0xA;
	s9 =	smax.u32 s0, $0x1;
	s4 =	sshrl.u32 s4, $0x3  }
0x19: {  	v9 =	vor.u32 $0x280, v25;
	v10 =	vor.u32 $0x300, v25;
	v11 =	vor.u32 $0x380, v25;
	[tilespmem:$0x1FFE0] =	vst v23;
	s5 =	sadd.s32 s5, s8;
	s6 =	sadd.s32 s4, s8;
	s4 =	sadd.s32 $0x21400, s8  }
0x1a: {  	v13 =	vor.u32 $0x2000, v25;
	v14 =	vor.u32 $0x2080, v25;
	[tilespmem:$0x1FFF0] =	vst v24;
	s5 =	sadd.s32 $0x1000, s5;
	s8 =	sadd.s32 $0x21500, s8;
	s6 =	sadd.s32 $0x1FA00, s6  }
.LBB2_1:
0x1b: {  	[tilespmem:s3], [sflag:$0x5] =	stream.linear.gather [hbm4b:s5+s3], $0x7D00, $0x38;
	[tilespmem:$0x18B80] =	vst v63  }
0x1c: {  	_ =	swait.ge [sflag:s10], $0x7D00  }
0x1d: {  	[sflag:s10] =	ssyncset.done $0x0  }
0x1e: {  	[sflag:s10] =	ssyncadd.s32 $0xFFFF8300  }
0x1f: {  	[tilespmem:s11], [sflag:$0x5] =	stream.linear.gather [hbm4b:s6+s3], $0x640, $0x38;
	[tilespmem:$0x18B80] =	vst v63  }
0x20: {  	_ =	swait.ge [sflag:s10], $0x640  }
0x21: {  	[sflag:s10] =	ssyncset.done $0x0  }
0x22: {  	s21 =	simm.s32 $0x0;
	[sflag:s10] =	ssyncadd.s32 $0xFFFFF9C0  }
0x23: {  	[tilespmem:s12], [sflag:$0x1] =	stream.linear.gather [hbm4b:s4+s3], $0x400, $0x38;
	[tilespmem:$0x18B80] =	vst v63  }
.LBB2_2:
0x24: {  	s22 =	sshllo.u32 s21, $0x1  }
0x25: {  	s0 =	sshll.u32 s22, $0x7  }
0x26: {  	s0 =	sadd.s32 s4, s0  }
0x27: {  	[tilespmem:s13], [sflag:$0x2] =	stream.linear.gather [hbm4b:s0+s3], $0x400, $0x38;
	[tilespmem:$0x18B80] =	vst v63  }
0x28: {  	s31 =	sshll.u32 s21, $0x1;
	_ =	swait.ge [sflag:s14], $0x400  }
0x29: {  	p0 =	seq.s32 s21, $0x0;
	v0 =	vmov s31;
	[sflag:s14] =	ssyncset.done $0x0  }
0x2a: {  	s0 =	simm.s32 @!p0 $0x3;
	[sflag:s14] =	ssyncadd.s32 $0xFFFFFC00  }
0x2b: {  	_ =	swait.ge @!p0 [sflag:s0], $0x8000  }
0x2c: {  	[sflag:s0] =	ssyncset.done @!p0 $0x0  }
0x2d: {  	[sflag:s0] =	ssyncadd.s32 @!p0 $0xFFFF8000  }
0x2e: {  	v5 =	vld.idx.msk [tilespmem:v0+s11+$0x0], $0xffff;
	_ =	sdelay $0x3  }
0x2f: {  	v4 =	vadd.s32 $0xC8, v0  }
0x30: {  	[tilespmem:$0x1FC90] =	vst v5;
	v5 =	vadd.s32 $0xFA, v0;
	_ =	sdelay $0x3  }
0x31: {  	v4 =	vld.idx.msk [tilespmem:v4+s11+$0x0], $0xffff  }
0x32: {  	v5 =	vld.idx.msk [tilespmem:v5+s11+$0x0], $0xffff;
	_ =	sdelay $0x3  }
0x33: {  	[tilespmem:$0x1FCD0] =	vst v4;
	v4 =	vadd.s32 $0x1C2, v0  }
0x34: {  	[tilespmem:$0x1FCE0] =	vst v5;
	v5 =	vadd.s32 $0x1F4, v0;
	_ =	sdelay $0x2  }
0x35: {  	v1 =	vadd.s32 $0x32, v0;
	v42 =	vld [tilespmem:$0x1FE90]  }
0x36: {  	v2 =	vadd.s32 $0x64, v0;
	v4 =	vld.idx.msk [tilespmem:v4+s11+$0x0], $0xffff  }
0x37: {  	v3 =	vadd.s32 $0x96, v0;
	v5 =	vld.idx.msk [tilespmem:v5+s11+$0x0], $0xffff  }
0x38: {  	v58 =	vadd.s32 $0x546, v0;
	v43 =	vld [tilespmem:$0x1FEA0]  }
0x39: {  	v59 =	vadd.s32 $0x578, v0;
	v44 =	vld [tilespmem:$0x1FEB0]  }
0x3a: {  	v1 =	vld.idx.msk [tilespmem:v1+s11+$0x0], $0xffff  }
0x3b: {  	v2 =	vld.idx.msk [tilespmem:v2+s11+$0x0], $0xffff;
	[tilespmem:$0x1FD20] =	vst v4;
	v4 =	vadd.s32 $0x2BC, v0  }
0x3c: {  	v3 =	vld.idx.msk [tilespmem:v3+s11+$0x0], $0xffff;
	[tilespmem:$0x1FD30] =	vst v5;
	v5 =	vadd.s32 $0x2EE, v0  }
0x3d: {  	v60 =	vld.idx.msk [tilespmem:v58+s11+$0x0], $0xffff  }
0x3e: {  	v45 =	vadd.s32 $0x12C, v0;
	v61 =	vld.idx.msk [tilespmem:v59+s11+$0x0], $0xffff  }
0x3f: {  	v46 =	vadd.s32 $0x15E, v0;
	v58 =	vld [tilespmem:$0x1FF90]  }
0x40: {  	v47 =	vadd.s32 $0x190, v0;
	v4 =	vld.idx.msk [tilespmem:v4+s11+$0x0], $0xffff  }
0x41: {  	v5 =	vld.idx.msk [tilespmem:v5+s11+$0x0], $0xffff  }
0x42: {  	v59 =	vld [tilespmem:$0x1FFA0];
	[tilespmem:$0x1FCA0] =	vst v1  }
0x43: {  	[tilespmem:$0x1FCB0] =	vst v2;
	v1 =	vld.idx.msk [tilespmem:v45+s11+$0x0], $0xffff  }
0x44: {  	[tilespmem:$0x1FCC0] =	vst v3;
	v2 =	vld.idx.msk [tilespmem:v46+s11+$0x0], $0xffff  }
0x45: {  	v3 =	vld.idx.msk [tilespmem:v47+s11+$0x0], $0xffff;
	[tilespmem:$0x1FD70] =	vst v4;
	v4 =	vadd.s32 $0x3B6, v0  }
0x46: {  	v45 =	vld [tilespmem:$0x1FEC0];
	[tilespmem:$0x1FD80] =	vst v5;
	v5 =	vadd.s32 $0x3E8, v0  }
0x47: {  	v46 =	vld [tilespmem:$0x1FED0]  }
0x48: {  	v48 =	vadd.s32 $0x226, v0;
	v47 =	vld [tilespmem:$0x1FEE0]  }
0x49: {  	v49 =	vadd.s32 $0x258, v0;
	[tilespmem:$0x1FE40] =	vst v60;
	v60 =	vld [tilespmem:$0x1FFB0]  }
0x4a: {  	v50 =	vadd.s32 $0x28A, v0;
	v4 =	vld.idx.msk [tilespmem:v4+s11+$0x0], $0xffff  }
0x4b: {  	[tilespmem:$0x1FE50] =	vst v61;
	v5 =	vld.idx.msk [tilespmem:v5+s11+$0x0], $0xffff  }
0x4c: {  	v61 =	vld [tilespmem:$0x1FFC0];
	[tilespmem:$0x1FCF0] =	vst v1  }
0x4d: {  	[tilespmem:$0x1FD00] =	vst v2;
	v1 =	vld.idx.msk [tilespmem:v48+s11+$0x0], $0xffff  }
0x4e: {  	v51 =	vadd.s32 $0x320, v0;
	[tilespmem:$0x1FD10] =	vst v3;
	v2 =	vld.idx.msk [tilespmem:v49+s11+$0x0], $0xffff  }
0x4f: {  	v3 =	vld.idx.msk [tilespmem:v50+s11+$0x0], $0xffff;
	[tilespmem:$0x1FDC0] =	vst v4;
	v4 =	vadd.s32 $0x4B0, v0  }
0x50: {  	v48 =	vld [tilespmem:$0x1FEF0];
	[tilespmem:$0x1FDD0] =	vst v5;
	v5 =	vadd.s32 $0x4E2, v0  }
0x51: {  	v52 =	vadd.s32 $0x352, v0;
	v49 =	vld [tilespmem:$0x1FF00]  }
0x52: {  	v53 =	vadd.s32 $0x384, v0;
	v50 =	vld [tilespmem:$0x1FF10]  }
0x53: {  	v54 =	vadd.s32 $0x41A, v0;
	[tilespmem:$0x1FD40] =	vst v1;
	v1 =	vld.idx.msk [tilespmem:v51+s11+$0x0], $0xffff  }
0x54: {  	v4 =	vld.idx.msk [tilespmem:v4+s11+$0x0], $0xffff  }
0x55: {  	v5 =	vld.idx.msk [tilespmem:v5+s11+$0x0], $0xffff  }
0x56: {  	v55 =	vadd.s32 $0x44C, v0;
	[tilespmem:$0x1FD50] =	vst v2;
	v2 =	vld.idx.msk [tilespmem:v52+s11+$0x0], $0xffff  }
0x57: {  	v56 =	vadd.s32 $0x47E, v0;
	[tilespmem:$0x1FD60] =	vst v3;
	v3 =	vld.idx.msk [tilespmem:v53+s11+$0x0], $0xffff  }
0x58: {  	v57 =	vadd.s32 $0x514, v0;
	[tilespmem:$0x1FD90] =	vst v1;
	v1 =	vld.idx.msk [tilespmem:v54+s11+$0x0], $0xffff  }
0x59: {  	v51 =	vld [tilespmem:$0x1FF20];
	[tilespmem:$0x1FE10] =	vst v4;
	v4 =	vadd.s32 $0x5AA, v0  }
0x5a: {  	v52 =	vld [tilespmem:$0x1FF30];
	[tilespmem:$0x1FE20] =	vst v5;
	v5 =	vadd.s32 $0x5DC, v0  }
0x5b: {  	[tilespmem:$0x1FDA0] =	vst v2;
	v2 =	vld.idx.msk [tilespmem:v55+s11+$0x0], $0xffff;
	v0 =	vadd.s32 $0x60E, v0  }
0x5c: {  	[tilespmem:$0x1FDB0] =	vst v3;
	v3 =	vld.idx.msk [tilespmem:v56+s11+$0x0], $0xffff  }
0x5d: {  	[tilespmem:$0x1FDE0] =	vst v1;
	v1 =	vld.idx.msk [tilespmem:v57+s11+$0x0], $0xffff  }
0x5e: {  	v62 =	vld.idx.msk [tilespmem:v4+s11+$0x0], $0xffff  }
0x5f: {  	v63 =	vld.idx.msk [tilespmem:v5+s11+$0x0], $0xffff  }
0x60: {  	[tilespmem:$0x1FDF0] =	vst v2;
	v0 =	vld.idx.msk [tilespmem:v0+s11+$0x0], $0xffff  }
0x61: {  	v53 =	vld [tilespmem:$0x1FF40];
	[tilespmem:$0x1FE00] =	vst v3  }
0x62: {  	v54 =	vld [tilespmem:$0x1FF50];
	[tilespmem:$0x1FE30] =	vst v1  }
0x63: {  	v55 =	vld [tilespmem:$0x1FF60];
	[tilespmem:$0x1FE60] =	vst v62  }
0x64: {  	v56 =	vld [tilespmem:$0x1FF70];
	[tilespmem:$0x1FE70] =	vst v63  }
0x65: {  	s23 =	simm.s32 $0xFFFFFFF8;
	s24 =	simm.s32 $0x70;
	s25 =	simm.s32 $0x70;
	v57 =	vld [tilespmem:$0x1FF80];
	[tilespmem:$0x1FE80] =	vst v0  }
.LBB2_3:
0x66: {  	_ = 	snop  }
0x67: {  	s0 =	sadd.s32 $0xFFFFFF90, s24  }
0x68: {  	v1 =	vmov s0  }
0x69: {  	v1 =	vshrl.u32 v1, $0x7  }
0x6a: {  	v1 =	vshll.u32 v1, v12  }
0x6b: {  	v1 =	vbroadcast v1, $0x0;
	_ =	sdelay $0x1  }
0x6c: {  	v1 =	vor.u32 v25, v1;
	_ =	sdelay $0x4  }
0x6d: {  	v39 =	vld.idx.msk [tilespmem:v1+s12+$0x0], $0xffff;
	_ =	sdelay $0x6  }
0x6e: {  	v62 =	vld [tilespmem:$0x1FC90]  }
0x6f: {  	v1 =	vld.idx.msk [tilespmem:v39+s3+$0x0], $0xffff  }
0x70: {  	s26 =	sadd.s32 $0xFFFFFF90, s25  }
0x71: {  	v2 =	vor.u32 s26, v25  }
0x72: {  	v3 =	vadd.s32 $0x3E8, v39;
	_ =	sdelay $0x1  }
0x73: {  	v1 =	vmul.f32 v1, v62;
	_ =	sdelay $0x1  }
0x74: {  	v63 =	vld [tilespmem:$0x1FCA0];
	[tilespmem:v2+s15+$0x0] =	vst.idx.msk $0xffff, v1  }
0x75: {  	v1 =	vld.idx.msk [tilespmem:v3+s3+$0x0], $0xffff;
	_ =	sdelay $0x1  }
0x76: {  	v36 =	vor.u32 s26, v23  }
0x77: {  	v37 =	vadd.s32 $0x7D0, v39;
	_ =	sdelay $0x1  }
0x78: {  	v1 =	vmul.f32 v1, v63;
	_ =	sdelay $0x1  }
0x79: {  	v31 =	vld [tilespmem:$0x1FCB0];
	[tilespmem:v36+s15+$0x0] =	vst.idx.msk $0xffff, v1  }
0x7a: {  	v1 =	vld.idx.msk [tilespmem:v37+s3+$0x0], $0xffff;
	_ =	sdelay $0x1  }
0x7b: {  	v38 =	vor.u32 s26, v24  }
0x7c: {  	v40 =	vadd.s32 $0xBB8, v39;
	_ =	sdelay $0x1  }
0x7d: {  	v1 =	vmul.f32 v1, v31;
	_ =	sdelay $0x1  }
0x7e: {  	v32 =	vld [tilespmem:$0x1FCC0];
	[tilespmem:v38+s15+$0x0] =	vst.idx.msk $0xffff, v1  }
0x7f: {  	v1 =	vld.idx.msk [tilespmem:v40+s3+$0x0], $0xffff;
	_ =	sdelay $0x1  }
0x80: {  	v41 =	vor.u32 s26, v7  }
0x81: {  	v16 =	vadd.s32 $0xFA0, v39;
	_ =	sdelay $0x1  }
0x82: {  	v1 =	vmul.f32 v1, v32;
	_ =	sdelay $0x1  }
0x83: {  	v33 =	vld [tilespmem:$0x1FCD0];
	[tilespmem:v41+s15+$0x0] =	vst.idx.msk $0xffff, v1  }
0x84: {  	v1 =	vld.idx.msk [tilespmem:v16+s3+$0x0], $0xffff;
	_ =	sdelay $0x1  }
0x85: {  	v17 =	vor.u32 s26, v8  }
0x86: {  	v18 =	vadd.s32 $0x1388, v39;
	_ =	sdelay $0x1  }
0x87: {  	v1 =	vmul.f32 v1, v33;
	_ =	sdelay $0x1  }
0x88: {  	v34 =	vld [tilespmem:$0x1FCE0];
	[tilespmem:v17+s15+$0x0] =	vst.idx.msk $0xffff, v1  }
0x89: {  	v1 =	vld.idx.msk [tilespmem:v18+s3+$0x0], $0xffff;
	_ =	sdelay $0x1  }
0x8a: {  	v19 =	vor.u32 s26, v9  }
0x8b: {  	v36 =	vadd.s32 $0x1770, v39;
	_ =	sdelay $0x1  }
0x8c: {  	v1 =	vmul.f32 v1, v34;
	_ =	sdelay $0x1  }
0x8d: {  	v35 =	vld [tilespmem:$0x1FCF0];
	[tilespmem:v19+s15+$0x0] =	vst.idx.msk $0xffff, v1  }
0x8e: {  	v1 =	vld.idx.msk [tilespmem:v36+s3+$0x0], $0xffff;
	_ =	sdelay $0x1  }
0x8f: {  	v37 =	vor.u32 s26, v10  }
0x90: {  	v38 =	vadd.s32 $0x1B58, v39;
	_ =	sdelay $0x1  }
0x91: {  	v1 =	vmul.f32 v1, v35;
	_ =	sdelay $0x1  }
0x92: {  	s31 =	sadd.s32 $0xFFFFFFA0, s24;
	v36 =	vld [tilespmem:$0x1FD00];
	[tilespmem:v37+s15+$0x0] =	vst.idx.msk $0xffff, v1  }
0x93: {  	v18 =	vmov s31;
	v1 =	vld.idx.msk [tilespmem:v38+s3+$0x0], $0xffff  }
0x94: {  	v2 =	vshrl.u32 v18, $0x7  }
0x95: {  	s1 =	sadd.s32 $0xFFFFFFB0, s24;
	v5 =	vor.u32 $0x10, v25;
	v40 =	vor.u32 s26, v11;
	v2 =	vshll.u32 v2, v12  }
0x96: {  	s29 =	sadd.s32 $0xFFFFFFD0, s24;
	v4 =	vmov s1;
	v41 =	vadd.s32 $0x1F40, v39;
	v2 =	vbroadcast v2, $0x0  }
0x97: {  	s28 =	sadd.s32 $0xFFFFFFC0, s24;
	v15 =	vor.u32 $0x20, v25;
	v6 =	vmov s29;
	v4 =	vshrl.u32 v4, $0x7  }
0x98: {  	[tilespmem:$0x1FC20] =	vst v5;
	v2 =	vor.u32 v5, v2;
	v5 =	vmov s28;
	v1 =	vmul.f32 v1, v36  }
0x99: {  	v6 =	vshrl.u32 v6, $0x7;
	v4 =	vshll.u32 v4, v12;
	v5 =	vshrl.u32 v5, $0x7  }
0x9a: {  	s30 =	sadd.s32 $0xFFFFFFE0, s24;
	v6 =	vshll.u32 v6, v12;
	v4 =	vbroadcast v4, $0x0;
	v5 =	vshll.u32 v5, v12;
	v37 =	vld [tilespmem:$0x1FD10];
	[tilespmem:v40+s15+$0x0] =	vst.idx.msk $0xffff, v1  }
0x9b: {  	v26 =	vmovc v7;
	v7 =	vmov s30;
	v6 =	vbroadcast v6, $0x0;
	v5 =	vbroadcast v5, $0x0;
	v1 =	vld.idx.msk [tilespmem:v41+s3+$0x0], $0xffff  }
0x9c: {  	[tilespmem:$0x1FC30] =	vst v15;
	v4 =	vor.u32 v15, v4;
	v15 =	vor.u32 $0x30, v25;
	v16 =	vor.u32 s26, v13  }
0x9d: {  	[tilespmem:$0x1FC40] =	vst v15;
	v17 =	vadd.s32 $0x2328, v39;
	s31 =	sadd.s32 $0xFFFFFFF0, s24;
	v5 =	vor.u32 v15, v5;
	v15 =	vor.u32 $0x40, v25  }
0x9e: {  	v27 =	vmovc v8;
	v8 =	vor.u32 v15, v6;
	v6 =	vshrl.u32 v7, $0x7;
	v7 =	vmov s31  }
0x9f: {  	v6 =	vshll.u32 v6, v12;
	v7 =	vshrl.u32 v7, $0x7;
	v38 =	vmov s24  }
0xa0: {  	v7 =	vshll.u32 v7, v12;
	v38 =	vshrl.u32 v38, $0x7;
	v1 =	vmul.f32 v1, v37  }
0xa1: {  	v0 =	vld [tilespmem:$0x1FD20];
	v28 =	vmovc v9;
	[tilespmem:$0x1FC50] =	vst v15;
	v6 =	vbroadcast v6, $0x0;
	v9 =	vbroadcast v7, $0x0;
	v7 =	vshll.u32 v38, v12  }
0xa2: {  	v15 =	vor.u32 $0x50, v25;
	v40 =	vbroadcast v7, $0x0;
	v7 =	vld.idx.msk [tilespmem:v2+s12+$0x0], $0xffff;
	[tilespmem:v16+s15+$0x0] =	vst.idx.msk $0xffff, v1  }
0xa3: {  	v38 =	vor.u32 v15, v6;
	v6 =	vor.u32 $0x60, v25;
	v1 =	vld.idx.msk [tilespmem:v17+s3+$0x0], $0xffff  }
0xa4: {  	[tilespmem:$0x1FC70] =	vst v6;
	v41 =	vor.u32 v6, v9;
	v9 =	vor.u32 $0x70, v25;
	v6 =	vld.idx.msk [tilespmem:v4+s12+$0x0], $0xffff  }
0xa5: {  	v19 =	vor.u32 s26, v14;
	v5 =	vld.idx.msk [tilespmem:v5+s12+$0x0], $0xffff;
	[tilespmem:$0x1FC80] =	vst v9;
	v9 =	vor.u32 v9, v40  }
0xa6: {  	v4 =	vld.idx.msk [tilespmem:v8+s12+$0x0], $0xffff;
	_ =	sdelay $0x1  }
0xa7: {  	v3 =	vld.idx.msk [tilespmem:v38+s12+$0x0], $0xffff;
	v1 =	vmul.f32 v1, v0  }
0xa8: {  	v2 =	vld.idx.msk [tilespmem:v41+s12+$0x0], $0xffff  }
0xa9: {  	[tilespmem:v19+s15+$0x0] =	vst.idx.msk $0xffff, v1;
	v1 =	vld.idx.msk [tilespmem:v9+s12+$0x0], $0xffff  }
0xaa: {  	v8 =	vld.idx.msk [tilespmem:v7+s3+$0x0], $0xffff  }
0xab: {  	s31 =	sadd.s32 $0xFFFFFFA0, s25;
	v9 =	vld.idx.msk [tilespmem:v6+s3+$0x0], $0xffff  }
0xac: {  	v29 =	vmov v10;
	s28 =	sadd.s32 $0xFFFFFFB0, s25;
	v38 =	vor.u32 s31, v25;
	v10 =	vld.idx.msk [tilespmem:v5+s3+$0x0], $0xffff  }
0xad: {  	v30 =	vmovc v11;
	s29 =	sadd.s32 $0xFFFFFFC0, s25;
	v12 =	vor.u32 s28, v25;
	v40 =	vmov v13;
	v11 =	vadd.s32 $0x3E8, v7;
	v13 =	vld.idx.msk [tilespmem:v4+s3+$0x0], $0xffff  }
0xae: {  	s30 =	sadd.s32 $0xFFFFFFD0, s25;
	[tilespmem:$0x1FC60] =	vst v15;
	v15 =	vor.u32 s29, v25;
	v41 =	vmov v14;
	v14 =	vadd.s32 $0x3E8, v6  }
0xaf: {  	v18 =	vor.u32 s30, v25;
	v16 =	vld.idx.msk [tilespmem:v3+s3+$0x0], $0xffff;
	v17 =	vadd.s32 $0x3E8, v5;
	v8 =	vmul.f32 v8, v62  }
0xb0: {  	s1 =	sadd.s32 $0xFFFFFFE0, s25;
	v20 =	vadd.s32 $0x3E8, v4;
	v19 =	vld.idx.msk [tilespmem:v2+s3+$0x0], $0xffff;
	v9 =	vmul.f32 v9, v62  }
0xb1: {  	s0 =	sadd.s32 $0xFFFFFFF0, s25;
	v21 =	vor.u32 s1, v25;
	[tilespmem:v38+s15+$0x0] =	vst.idx.msk $0xffff, v8;
	v8 =	vmul.f32 v10, v62;
	v22 =	vld.idx.msk [tilespmem:v1+s3+$0x0], $0xffff  }
0xb2: {  	v10 =	vadd.s32 $0x3E8, v3;
	v38 =	vor.u32 s0, v25;
	v11 =	vld.idx.msk [tilespmem:v11+s3+$0x0], $0xffff;
	[tilespmem:v12+s15+$0x0] =	vst.idx.msk $0xffff, v9;
	v9 =	vmul.f32 v13, v62  }
0xb3: {  	[tilespmem:v15+s15+$0x0] =	vst.idx.msk $0xffff, v8;
	v12 =	vadd.s32 $0x3E8, v2;
	v13 =	vor.u32 s25, v25;
	v14 =	vld.idx.msk [tilespmem:v14+s3+$0x0], $0xffff  }
0xb4: {  	v8 =	vmul.f32 v16, v62;
	v16 =	vadd.s32 s31, v23;
	v17 =	vld.idx.msk [tilespmem:v17+s3+$0x0], $0xffff;
	v15 =	vadd.s32 $0x3E8, v1;
	[tilespmem:v18+s15+$0x0] =	vst.idx.msk $0xffff, v9  }
0xb5: {  	v9 =	vmul.f32 v19, v62;
	v18 =	vadd.s32 $0x7D0, v7;
	v19 =	vadd.s32 s28, v23;
	v20 =	vld.idx.msk [tilespmem:v20+s3+$0x0], $0xffff  }
0xb6: {  	[tilespmem:v21+s15+$0x0] =	vst.idx.msk $0xffff, v8;
	v21 =	vadd.s32 $0x7D0, v6;
	v8 =	vmul.f32 v22, v62;
	v22 =	vadd.s32 s29, v23  }
0xb7: {  	v10 =	vld.idx.msk [tilespmem:v10+s3+$0x0], $0xffff;
	[tilespmem:v38+s15+$0x0] =	vst.idx.msk $0xffff, v9;
	v9 =	vmul.f32 v11, v63;
	v11 =	vadd.s32 $0x7D0, v5;
	v62 =	vadd.s32 s30, v23  }
0xb8: {  	v12 =	vld.idx.msk [tilespmem:v12+s3+$0x0], $0xffff;
	[tilespmem:v13+s15+$0x0] =	vst.idx.msk $0xffff, v8;
	v8 =	vmul.f32 v14, v63;
	v13 =	vadd.s32 $0x7D0, v4  }
0xb9: {  	[tilespmem:v16+s15+$0x0] =	vst.idx.msk $0xffff, v9;
	v9 =	vmul.f32 v17, v63;
	v14 =	vadd.s32 s1, v23;
	v15 =	vld.idx.msk [tilespmem:v15+s3+$0x0], $0xffff  }
0xba: {  	v16 =	vadd.s32 $0x7D0, v3;
	v17 =	vadd.s32 s0, v23;
	v18 =	vld.idx.msk [tilespmem:v18+s3+$0x0], $0xffff;
	[tilespmem:v19+s15+$0x0] =	vst.idx.msk $0xffff, v8;
	v8 =	vmul.f32 v20, v63  }
0xbb: {  	v19 =	vadd.s32 $0x7D0, v2;
	v20 =	vadd.s32 s25, v23;
	v21 =	vld.idx.msk [tilespmem:v21+s3+$0x0], $0xffff;
	[tilespmem:v22+s15+$0x0] =	vst.idx.msk $0xffff, v9  }
0xbc: {  	v9 =	vmul.f32 v10, v63;
	v10 =	vadd.s32 $0x7D0, v1;
	v22 =	vadd.s32 s31, v24;
	v11 =	vld.idx.msk [tilespmem:v11+s3+$0x0], $0xffff;
	[tilespmem:v62+s15+$0x0] =	vst.idx.msk $0xffff, v8  }
0xbd: {  	v8 =	vmul.f32 v12, v63;
	v12 =	vadd.s32 $0xBB8, v7;
	v62 =	vadd.s32 s28, v24;
	v13 =	vld.idx.msk [tilespmem:v13+s3+$0x0], $0xffff  }
0xbe: {  	[tilespmem:v14+s15+$0x0] =	vst.idx.msk $0xffff, v9;
	v14 =	vadd.s32 $0xBB8, v6;
	v9 =	vmul.f32 v15, v63;
	v15 =	vadd.s32 s29, v24  }
0xbf: {  	v16 =	vld.idx.msk [tilespmem:v16+s3+$0x0], $0xffff;
	[tilespmem:v17+s15+$0x0] =	vst.idx.msk $0xffff, v8;
	v8 =	vmul.f32 v18, v31;
	v17 =	vadd.s32 $0xBB8, v5;
	v63 =	vadd.s32 s30, v24  }
0xc0: {  	v19 =	vld.idx.msk [tilespmem:v19+s3+$0x0], $0xffff;
	[tilespmem:v20+s15+$0x0] =	vst.idx.msk $0xffff, v9;
	v9 =	vmul.f32 v21, v31;
	v20 =	vadd.s32 $0xBB8, v4  }
0xc1: {  	v21 =	vadd.s32 s1, v24;
	[tilespmem:v22+s15+$0x0] =	vst.idx.msk $0xffff, v8;
	v10 =	vld.idx.msk [tilespmem:v10+s3+$0x0], $0xffff;
	v8 =	vmul.f32 v11, v31  }
0xc2: {  	v22 =	vadd.s32 s0, v24;
	v11 =	vadd.s32 $0xBB8, v3;
	v12 =	vld.idx.msk [tilespmem:v12+s3+$0x0], $0xffff;
	[tilespmem:v62+s15+$0x0] =	vst.idx.msk $0xffff, v9;
	v9 =	vmul.f32 v13, v31  }
0xc3: {  	v38 =	vadd.s32 s25, v24;
	v13 =	vadd.s32 $0xBB8, v2;
	v14 =	vld.idx.msk [tilespmem:v14+s3+$0x0], $0xffff;
	[tilespmem:v15+s15+$0x0] =	vst.idx.msk $0xffff, v8  }
0xc4: {  	v62 =	vadd.s32 s31, v26;
	v8 =	vmul.f32 v16, v31;
	v15 =	vadd.s32 $0xBB8, v1;
	v17 =	vld.idx.msk [tilespmem:v17+s3+$0x0], $0xffff;
	[tilespmem:v63+s15+$0x0] =	vst.idx.msk $0xffff, v9  }
0xc5: {  	v18 =	vadd.s32 $0xFA0, v7;
	v9 =	vmul.f32 v19, v31;
	v63 =	vadd.s32 s28, v26;
	v20 =	vld.idx.msk [tilespmem:v20+s3+$0x0], $0xffff  }
0xc6: {  	[tilespmem:v21+s15+$0x0] =	vst.idx.msk $0xffff, v8;
	v21 =	vadd.s32 s29, v26;
	v8 =	vmul.f32 v10, v31;
	v10 =	vadd.s32 $0xFA0, v6  }
0xc7: {  	v11 =	vld.idx.msk [tilespmem:v11+s3+$0x0], $0xffff;
	[tilespmem:v22+s15+$0x0] =	vst.idx.msk $0xffff, v9;
	v9 =	vmul.f32 v12, v32;
	v12 =	vadd.s32 $0xFA0, v5;
	v22 =	vadd.s32 s30, v26  }
0xc8: {  	v13 =	vld.idx.msk [tilespmem:v13+s3+$0x0], $0xffff;
	[tilespmem:v38+s15+$0x0] =	vst.idx.msk $0xffff, v8;
	v8 =	vmul.f32 v14, v32;
	v14 =	vadd.s32 $0xFA0, v4  }
0xc9: {  	v38 =	vadd.s32 s1, v26;
	[tilespmem:v62+s15+$0x0] =	vst.idx.msk $0xffff, v9;
	v15 =	vld.idx.msk [tilespmem:v15+s3+$0x0], $0xffff;
	v9 =	vmul.f32 v17, v32  }
0xca: {  	v16 =	vadd.s32 $0xFA0, v3;
	v62 =	vadd.s32 s0, v26;
	v18 =	vld.idx.msk [tilespmem:v18+s3+$0x0], $0xffff;
	[tilespmem:v63+s15+$0x0] =	vst.idx.msk $0xffff, v8;
	v8 =	vmul.f32 v20, v32  }
0xcb: {  	v63 =	vadd.s32 $0xFA0, v2;
	v20 =	vadd.s32 s25, v26;
	v10 =	vld.idx.msk [tilespmem:v10+s3+$0x0], $0xffff;
	[tilespmem:v21+s15+$0x0] =	vst.idx.msk $0xffff, v9  }
0xcc: {  	v9 =	vmul.f32 v11, v32;
	v11 =	vadd.s32 $0xFA0, v1;
	v21 =	vadd.s32 s31, v27;
	v12 =	vld.idx.msk [tilespmem:v12+s3+$0x0], $0xffff;
	[tilespmem:v22+s15+$0x0] =	vst.idx.msk $0xffff, v8  }
0xcd: {  	v8 =	vmul.f32 v13, v32;
	v13 =	vadd.s32 $0x1388, v7;
	v22 =	vadd.s32 s28, v27;
	v14 =	vld.idx.msk [tilespmem:v14+s3+$0x0], $0xffff  }
0xce: {  	[tilespmem:v38+s15+$0x0] =	vst.idx.msk $0xffff, v9;
	v9 =	vmul.f32 v15, v32;
	v15 =	vadd.s32 $0x1388, v6;
	v32 =	vadd.s32 s29, v27  }
0xcf: {  	v17 =	vadd.s32 $0x1388, v5;
	v16 =	vld.idx.msk [tilespmem:v16+s3+$0x0], $0xffff;
	[tilespmem:v62+s15+$0x0] =	vst.idx.msk $0xffff, v8;
	v8 =	vmul.f32 v18, v33;
	v62 =	vadd.s32 s30, v27  }
0xd0: {  	v19 =	vld.idx.msk [tilespmem:v63+s3+$0x0], $0xffff;
	[tilespmem:v20+s15+$0x0] =	vst.idx.msk $0xffff, v9;
	v9 =	vmul.f32 v10, v33;
	v10 =	vadd.s32 $0x1388, v4  }
0xd1: {  	v20 =	vadd.s32 s1, v27;
	[tilespmem:v21+s15+$0x0] =	vst.idx.msk $0xffff, v8;
	v11 =	vld.idx.msk [tilespmem:v11+s3+$0x0], $0xffff;
	v8 =	vmul.f32 v12, v33  }
0xd2: {  	v21 =	vadd.s32 s0, v27;
	v12 =	vadd.s32 $0x1388, v3;
	v13 =	vld.idx.msk [tilespmem:v13+s3+$0x0], $0xffff;
	[tilespmem:v22+s15+$0x0] =	vst.idx.msk $0xffff, v9;
	v9 =	vmul.f32 v14, v33  }
0xd3: {  	v14 =	vadd.s32 $0x1388, v2;
	v22 =	vadd.s32 s25, v27;
	v15 =	vld.idx.msk [tilespmem:v15+s3+$0x0], $0xffff;
	[tilespmem:v32+s15+$0x0] =	vst.idx.msk $0xffff, v8  }
0xd4: {  	v63 =	vadd.s32 $0x1388, v1;
	v8 =	vmul.f32 v16, v33;
	v32 =	vadd.s32 s31, v28;
	v17 =	vld.idx.msk [tilespmem:v17+s3+$0x0], $0xffff;
	[tilespmem:v62+s15+$0x0] =	vst.idx.msk $0xffff, v9  }
0xd5: {  	v18 =	vadd.s32 $0x1770, v7;
	v9 =	vmul.f32 v19, v33;
	v62 =	vadd.s32 s28, v28;
	v10 =	vld.idx.msk [tilespmem:v10+s3+$0x0], $0xffff  }
0xd6: {  	[tilespmem:v20+s15+$0x0] =	vst.idx.msk $0xffff, v8;
	v20 =	vadd.s32 s29, v28;
	v8 =	vmul.f32 v11, v33;
	v11 =	vadd.s32 $0x1770, v6  }
0xd7: {  	v12 =	vld.idx.msk [tilespmem:v12+s3+$0x0], $0xffff;
	[tilespmem:v21+s15+$0x0] =	vst.idx.msk $0xffff, v9;
	v9 =	vmul.f32 v13, v34;
	v13 =	vadd.s32 $0x1770, v5;
	v21 =	vadd.s32 s30, v28  }
0xd8: {  	v14 =	vld.idx.msk [tilespmem:v14+s3+$0x0], $0xffff;
	[tilespmem:v22+s15+$0x0] =	vst.idx.msk $0xffff, v8;
	v8 =	vmul.f32 v15, v34;
	v15 =	vadd.s32 $0x1770, v4  }
0xd9: {  	v22 =	vadd.s32 s1, v28;
	[tilespmem:v32+s15+$0x0] =	vst.idx.msk $0xffff, v9;
	v16 =	vld.idx.msk [tilespmem:v63+s3+$0x0], $0xffff;
	v9 =	vmul.f32 v17, v34  }
0xda: {  	v32 =	vadd.s32 s0, v28;
	v63 =	vadd.s32 $0x1770, v3;
	v18 =	vld.idx.msk [tilespmem:v18+s3+$0x0], $0xffff;
	[tilespmem:v62+s15+$0x0] =	vst.idx.msk $0xffff, v8;
	v8 =	vmul.f32 v10, v34  }
0xdb: {  	v33 =	vadd.s32 s25, v28;
	v10 =	vadd.s32 $0x1770, v2;
	v11 =	vld.idx.msk [tilespmem:v11+s3+$0x0], $0xffff;
	[tilespmem:v20+s15+$0x0] =	vst.idx.msk $0xffff, v9  }
0xdc: {  	v9 =	vmul.f32 v12, v34;
	v12 =	vadd.s32 $0x1770, v1;
	v20 =	vadd.s32 s31, v29;
	v13 =	vld.idx.msk [tilespmem:v13+s3+$0x0], $0xffff;
	[tilespmem:v21+s15+$0x0] =	vst.idx.msk $0xffff, v8  }
0xdd: {  	v8 =	vmul.f32 v14, v34;
	v14 =	vadd.s32 $0x1B58, v7;
	v21 =	vadd.s32 s28, v29;
	v15 =	vld.idx.msk [tilespmem:v15+s3+$0x0], $0xffff  }
0xde: {  	v31 =	vld [tilespmem:$0x1FD30];
	[tilespmem:v22+s15+$0x0] =	vst.idx.msk $0xffff, v9;
	v22 =	vadd.s32 s29, v29;
	v9 =	vmul.f32 v16, v34;
	v34 =	vadd.s32 $0x1B58, v6  }
0xdf: {  	v62 =	vadd.s32 $0x1B58, v5;
	v17 =	vld.idx.msk [tilespmem:v63+s3+$0x0], $0xffff;
	[tilespmem:v32+s15+$0x0] =	vst.idx.msk $0xffff, v8;
	v8 =	vmul.f32 v18, v35;
	v63 =	vadd.s32 s30, v29  }
0xe0: {  	v10 =	vld.idx.msk [tilespmem:v10+s3+$0x0], $0xffff;
	[tilespmem:v33+s15+$0x0] =	vst.idx.msk $0xffff, v9;
	v9 =	vmul.f32 v11, v35;
	v11 =	vadd.s32 $0x1B58, v4  }
0xe1: {  	v32 =	vadd.s32 s1, v29;
	[tilespmem:v20+s15+$0x0] =	vst.idx.msk $0xffff, v8;
	v12 =	vld.idx.msk [tilespmem:v12+s3+$0x0], $0xffff;
	v8 =	vmul.f32 v13, v35  }
0xe2: {  	v20 =	vadd.s32 s0, v29;
	v13 =	vadd.s32 $0x1B58, v3;
	v14 =	vld.idx.msk [tilespmem:v14+s3+$0x0], $0xffff;
	[tilespmem:v21+s15+$0x0] =	vst.idx.msk $0xffff, v9;
	v9 =	vmul.f32 v15, v35  }
0xe3: {  	v15 =	vadd.s32 $0x1B58, v2;
	v21 =	vadd.s32 s25, v29;
	v16 =	vld.idx.msk [tilespmem:v34+s3+$0x0], $0xffff;
	[tilespmem:v22+s15+$0x0] =	vst.idx.msk $0xffff, v8  }
0xe4: {  	v33 =	vadd.s32 $0x1B58, v1;
	v8 =	vmul.f32 v17, v35;
	v18 =	vld.idx.msk [tilespmem:v62+s3+$0x0], $0xffff;
	[tilespmem:v63+s15+$0x0] =	vst.idx.msk $0xffff, v9  }
0xe5: {  	v23 =	vadd.s32 s31, v30;
	v22 =	vadd.s32 $0x2710, v39;
	v9 =	vmul.f32 v10, v35;
	v11 =	vld.idx.msk [tilespmem:v11+s3+$0x0], $0xffff  }
0xe6: {  	v34 =	vadd.s32 s28, v30;
	v10 =	vadd.s32 $0x1F40, v7;
	[tilespmem:v32+s15+$0x0] =	vst.idx.msk $0xffff, v8;
	v32 =	vld [tilespmem:$0x1FD40];
	v8 =	vmul.f32 v12, v35  }
0xe7: {  	v12 =	vadd.s32 $0x1F40, v6;
	v35 =	vadd.s32 s29, v30;
	v13 =	vld.idx.msk [tilespmem:v13+s3+$0x0], $0xffff;
	[tilespmem:v20+s15+$0x0] =	vst.idx.msk $0xffff, v9  }
0xe8: {  	v9 =	vmul.f32 v14, v36;
	v14 =	vadd.s32 $0x1F40, v5;
	v20 =	vadd.s32 s30, v30;
	v15 =	vld.idx.msk [tilespmem:v15+s3+$0x0], $0xffff;
	[tilespmem:v21+s15+$0x0] =	vst.idx.msk $0xffff, v8  }
0xe9: {  	v62 =	vadd.s32 $0x1F40, v4;
	v8 =	vmul.f32 v16, v36;
	v21 =	vadd.s32 s1, v30;
	v17 =	vld.idx.msk [tilespmem:v33+s3+$0x0], $0xffff  }
0xea: {  	v63 =	vadd.s32 $0x1F40, v3;
	v22 =	vld.idx.msk [tilespmem:v22+s3+$0x0], $0xffff;
	[tilespmem:v23+s15+$0x0] =	vst.idx.msk $0xffff, v9;
	v23 =	vadd.s32 s0, v30;
	v9 =	vmul.f32 v18, v36  }
0xeb: {  	v10 =	vld.idx.msk [tilespmem:v10+s3+$0x0], $0xffff;
	v33 =	vadd.s32 s25, v30;
	[tilespmem:v34+s15+$0x0] =	vst.idx.msk $0xffff, v8;
	v8 =	vmul.f32 v11, v36;
	v11 =	vadd.s32 $0x1F40, v2  }
0xec: {  	v24 =	vor.u32 s26, v42;
	v12 =	vld.idx.msk [tilespmem:v12+s3+$0x0], $0xffff;
	[tilespmem:v35+s15+$0x0] =	vst.idx.msk $0xffff, v9;
	v9 =	vmul.f32 v13, v36;
	v13 =	vadd.s32 $0x1F40, v1  }
0xed: {  	v34 =	vadd.s32 $0x2AF8, v39;
	[tilespmem:v20+s15+$0x0] =	vst.idx.msk $0xffff, v8;
	v8 =	vadd.s32 s31, v40;
	v14 =	vld.idx.msk [tilespmem:v14+s3+$0x0], $0xffff;
	v15 =	vmul.f32 v15, v36  }
0xee: {  	v20 =	vadd.s32 $0x2328, v7;
	[tilespmem:v21+s15+$0x0] =	vst.idx.msk $0xffff, v9;
	v9 =	vadd.s32 s28, v40;
	v16 =	vld.idx.msk [tilespmem:v62+s3+$0x0], $0xffff;
	v17 =	vmul.f32 v17, v36  }
0xef: {  	v21 =	vmul.f32 v22, v31;
	v22 =	vadd.s32 $0x2328, v6;
	[tilespmem:v23+s15+$0x0] =	vst.idx.msk $0xffff, v15;
	v15 =	vadd.s32 s29, v40;
	v18 =	vld.idx.msk [tilespmem:v63+s3+$0x0], $0xffff  }
0xf0: {  	v35 =	vadd.s32 s30, v40;
	v10 =	vmul.f32 v10, v37;
	v23 =	vadd.s32 $0x2328, v5;
	v11 =	vld.idx.msk [tilespmem:v11+s3+$0x0], $0xffff;
	[tilespmem:v33+s15+$0x0] =	vst.idx.msk $0xffff, v17  }
0xf1: {  	[tilespmem:v24+s15+$0x0] =	vst.idx.msk $0xffff, v21;
	v21 =	vadd.s32 $0x2328, v4;
	v24 =	vadd.s32 s1, v40;
	v12 =	vmul.f32 v12, v37;
	v13 =	vld.idx.msk [tilespmem:v13+s3+$0x0], $0xffff  }
0xf2: {  	v19 =	vld.idx.msk [tilespmem:v34+s3+$0x0], $0xffff;
	[tilespmem:v8+s15+$0x0] =	vst.idx.msk $0xffff, v10;
	v8 =	vmul.f32 v14, v37;
	v10 =	vadd.s32 $0x2328, v3;
	v14 =	vadd.s32 s0, v40  }
0xf3: {  	v62 =	vadd.s32 s25, v40;
	v20 =	vld.idx.msk [tilespmem:v20+s3+$0x0], $0xffff;
	[tilespmem:v9+s15+$0x0] =	vst.idx.msk $0xffff, v12;
	v9 =	vmul.f32 v16, v37;
	v12 =	vadd.s32 $0x2328, v2  }
0xf4: {  	v63 =	vor.u32 s26, v43;
	v22 =	vld.idx.msk [tilespmem:v22+s3+$0x0], $0xffff;
	[tilespmem:v15+s15+$0x0] =	vst.idx.msk $0xffff, v8;
	v8 =	vmul.f32 v18, v37;
	v15 =	vadd.s32 $0x2328, v1  }
0xf5: {  	v18 =	vadd.s32 $0x2EE0, v39;
	[tilespmem:v35+s15+$0x0] =	vst.idx.msk $0xffff, v9;
	v9 =	vadd.s32 s31, v41;
	v36 =	vld.idx.msk [tilespmem:v23+s3+$0x0], $0xffff;
	v11 =	vmul.f32 v11, v37  }
0xf6: {  	v23 =	vadd.s32 $0x2710, v7;
	[tilespmem:v24+s15+$0x0] =	vst.idx.msk $0xffff, v8;
	v8 =	vadd.s32 s28, v41;
	v21 =	vld.idx.msk [tilespmem:v21+s3+$0x0], $0xffff;
	v13 =	vmul.f32 v13, v37  }
0xf7: {  	v19 =	vmul.f32 v19, v32;
	v24 =	vadd.s32 $0x2710, v6;
	[tilespmem:v14+s15+$0x0] =	vst.idx.msk $0xffff, v11;
	v11 =	vadd.s32 s29, v41;
	v10 =	vld.idx.msk [tilespmem:v10+s3+$0x0], $0xffff  }
0xf8: {  	v14 =	vmul.f32 v20, v0;
	v20 =	vadd.s32 $0x2710, v5;
	v12 =	vld.idx.msk [tilespmem:v12+s3+$0x0], $0xffff;
	[tilespmem:v62+s15+$0x0] =	vst.idx.msk $0xffff, v13;
	v13 =	vadd.s32 s30, v41  }
0xf9: {  	[tilespmem:v63+s15+$0x0] =	vst.idx.msk $0xffff, v19;
	v62 =	vmul.f32 v22, v0;
	v22 =	vadd.s32 s1, v41;
	v15 =	vld.idx.msk [tilespmem:v15+s3+$0x0], $0xffff  }
0xfa: {  	v33 =	vadd.s32 s0, v41;
	v63 =	vadd.s32 $0x2710, v4;
	v18 =	vld.idx.msk [tilespmem:v18+s3+$0x0], $0xffff;
	[tilespmem:v9+s15+$0x0] =	vst.idx.msk $0xffff, v14;
	v9 =	vmul.f32 v36, v0  }
0xfb: {  	v23 =	vld.idx.msk [tilespmem:v23+s3+$0x0], $0xffff;
	[tilespmem:v8+s15+$0x0] =	vst.idx.msk $0xffff, v62;
	v8 =	vmul.f32 v21, v0  }
0xfc: {  	v14 =	vadd.s32 $0x2710, v3;
	v21 =	vadd.s32 s25, v41;
	v24 =	vld.idx.msk [tilespmem:v24+s3+$0x0], $0xffff;
	[tilespmem:v11+s15+$0x0] =	vst.idx.msk $0xffff, v9;
	v9 =	vmul.f32 v10, v0  }
0xfd: {  	v34 =	vadd.s32 $0x2710, v2;
	v12 =	vmul.f32 v12, v0;
	[tilespmem:v13+s15+$0x0] =	vst.idx.msk $0xffff, v8;
	v8 =	vadd.s32 s31, v42;
	v13 =	vld.idx.msk [tilespmem:v20+s3+$0x0], $0xffff  }
0xfe: {  	v10 =	vadd.s32 $0x2710, v1;
	[tilespmem:v22+s15+$0x0] =	vst.idx.msk $0xffff, v9;
	v9 =	vadd.s32 s28, v42;
	v15 =	vmul.f32 v15, v0;
	v0 =	vld [tilespmem:$0x1FD50]  }
0xff: {  	v20 =	vadd.s32 $0x2AF8, v7;
	v19 =	vld.idx.msk [tilespmem:v63+s3+$0x0], $0xffff;
	[tilespmem:v33+s15+$0x0] =	vst.idx.msk $0xffff, v12;
	v12 =	vadd.s32 s29, v42  }
0x100: {  	v35 =	vor.u32 s26, v44;
	v22 =	vadd.s32 $0x2AF8, v6;
	v37 =	vmul.f32 v23, v31  }
0x101: {  	v14 =	vld.idx.msk [tilespmem:v14+s3+$0x0], $0xffff;
	v23 =	vadd.s32 $0x2AF8, v5;
	[tilespmem:v21+s15+$0x0] =	vst.idx.msk $0xffff, v15;
	v15 =	vadd.s32 s30, v42;
	v38 =	vmul.f32 v24, v31  }
0x102: {  	v11 =	vadd.s32 $0x32C8, v39;
	v16 =	vld.idx.msk [tilespmem:v34+s3+$0x0], $0xffff;
	[tilespmem:v8+s15+$0x0] =	vst.idx.msk $0xffff, v37;
	v8 =	vmul.f32 v13, v31  }
0x103: {  	v10 =	vld.idx.msk [tilespmem:v10+s3+$0x0], $0xffff;
	[tilespmem:v9+s15+$0x0] =	vst.idx.msk $0xffff, v38;
	v18 =	vmul.f32 v18, v0  }
0x104: {  	v21 =	vadd.s32 $0x2AF8, v4;
	v24 =	vadd.s32 s1, v42;
	v20 =	vld.idx.msk [tilespmem:v20+s3+$0x0], $0xffff;
	v9 =	vmul.f32 v19, v31;
	[tilespmem:v12+s15+$0x0] =	vst.idx.msk $0xffff, v8  }
0x105: {  	v62 =	vadd.s32 s0, v42;
	v13 =	vadd.s32 $0x2AF8, v3;
	v22 =	vld.idx.msk [tilespmem:v22+s3+$0x0], $0xffff;
	[tilespmem:v35+s15+$0x0] =	vst.idx.msk $0xffff, v18  }
0x106: {  	v63 =	vadd.s32 $0x2AF8, v2;
	v33 =	vadd.s32 s25, v42;
	[tilespmem:v15+s15+$0x0] =	vst.idx.msk $0xffff, v9;
	v15 =	vld.idx.msk [tilespmem:v23+s3+$0x0], $0xffff  }
0x107: {  	v8 =	vmul.f32 v14, v31;
	v12 =	vadd.s32 $0x2AF8, v1;
	v9 =	vadd.s32 s31, v43;
	v11 =	vld.idx.msk [tilespmem:v11+s3+$0x0], $0xffff  }
0x108: {  	v16 =	vmul.f32 v16, v31;
	v10 =	vmul.f32 v10, v31;
	v31 =	vld [tilespmem:$0x1FD60]  }
0x109: {  	v35 =	vadd.s32 s29, v43;
	[tilespmem:v24+s15+$0x0] =	vst.idx.msk $0xffff, v8;
	v21 =	vld.idx.msk [tilespmem:v21+s3+$0x0], $0xffff  }
0x10a: {  	v34 =	vor.u32 s26, v45;
	[tilespmem:v62+s15+$0x0] =	vst.idx.msk $0xffff, v16;
	v13 =	vld.idx.msk [tilespmem:v13+s3+$0x0], $0xffff;
	v37 =	vmul.f32 v20, v32  }
0x10b: {  	v14 =	vadd.s32 $0x36B0, v39;
	v18 =	vld.idx.msk [tilespmem:v63+s3+$0x0], $0xffff;
	[tilespmem:v33+s15+$0x0] =	vst.idx.msk $0xffff, v10  }
0x10c: {  	v8 =	vadd.s32 s28, v43;
	v12 =	vld.idx.msk [tilespmem:v12+s3+$0x0], $0xffff;
	[tilespmem:v9+s15+$0x0] =	vst.idx.msk $0xffff, v37;
	v9 =	vmul.f32 v15, v32  }
0x10d: {  	v23 =	vadd.s32 $0x2EE0, v7;
	v11 =	vmul.f32 v11, v31  }
0x10e: {  	v24 =	vadd.s32 $0x2EE0, v6;
	v62 =	vadd.s32 $0x2EE0, v4;
	v63 =	vadd.s32 s0, v43;
	[tilespmem:v35+s15+$0x0] =	vst.idx.msk $0xffff, v9  }
0x10f: {  	v20 =	vadd.s32 $0x2EE0, v5;
	v10 =	vadd.s32 s30, v43;
	[tilespmem:v34+s15+$0x0] =	vst.idx.msk $0xffff, v11;
	v11 =	vmul.f32 v22, v32  }
0x110: {  	v9 =	vmul.f32 v13, v32;
	v18 =	vmul.f32 v18, v32;
	v22 =	vadd.s32 s1, v43;
	v14 =	vld.idx.msk [tilespmem:v14+s3+$0x0], $0xffff  }
0x111: {  	v15 =	vadd.s32 $0x2EE0, v3;
	v12 =	vmul.f32 v12, v32;
	[tilespmem:v8+s15+$0x0] =	vst.idx.msk $0xffff, v11;
	v8 =	vmul.f32 v21, v32;
	v32 =	vld [tilespmem:$0x1FD70]  }
0x112: {  	v23 =	vld.idx.msk [tilespmem:v23+s3+$0x0], $0xffff;
	v11 =	vadd.s32 $0x2EE0, v2;
	v21 =	vadd.s32 s25, v43  }
0x113: {  	v38 =	vor.u32 s26, v46;
	v13 =	vadd.s32 $0x2EE0, v1;
	v24 =	vld.idx.msk [tilespmem:v24+s3+$0x0], $0xffff  }
0x114: {  	v37 =	vadd.s32 $0x3A98, v39;
	[tilespmem:v10+s15+$0x0] =	vst.idx.msk $0xffff, v8;
	v8 =	vadd.s32 s31, v44;
	v10 =	vld.idx.msk [tilespmem:v20+s3+$0x0], $0xffff  }
0x115: {  	v20 =	vadd.s32 $0x32C8, v7;
	[tilespmem:v22+s15+$0x0] =	vst.idx.msk $0xffff, v9;
	v9 =	vadd.s32 s28, v44;
	v19 =	vld.idx.msk [tilespmem:v62+s3+$0x0], $0xffff  }
0x116: {  	[tilespmem:v63+s15+$0x0] =	vst.idx.msk $0xffff, v18;
	v22 =	vadd.s32 $0x32C8, v6;
	v62 =	vadd.s32 s29, v44;
	v15 =	vld.idx.msk [tilespmem:v15+s3+$0x0], $0xffff;
	v14 =	vmul.f32 v14, v32  }
0x117: {  	v63 =	vmul.f32 v23, v0;
	v23 =	vadd.s32 $0x32C8, v5;
	[tilespmem:v21+s15+$0x0] =	vst.idx.msk $0xffff, v12;
	v12 =	vadd.s32 s30, v44;
	v11 =	vld.idx.msk [tilespmem:v11+s3+$0x0], $0xffff  }
0x118: {  	v13 =	vld.idx.msk [tilespmem:v13+s3+$0x0], $0xffff;
	[tilespmem:v38+s15+$0x0] =	vst.idx.msk $0xffff, v14;
	v14 =	vmul.f32 v24, v0  }
0x119: {  	v21 =	vadd.s32 $0x32C8, v4;
	v24 =	vadd.s32 s1, v44;
	[tilespmem:v8+s15+$0x0] =	vst.idx.msk $0xffff, v63;
	v8 =	vmul.f32 v10, v0;
	v16 =	vld.idx.msk [tilespmem:v37+s3+$0x0], $0xffff  }
0x11a: {  	v33 =	vadd.s32 s0, v44;
	v10 =	vadd.s32 $0x32C8, v3;
	v20 =	vld.idx.msk [tilespmem:v20+s3+$0x0], $0xffff;
	[tilespmem:v9+s15+$0x0] =	vst.idx.msk $0xffff, v14;
	v9 =	vmul.f32 v19, v0  }
0x11b: {  	v34 =	vadd.s32 s25, v44;
	v14 =	vadd.s32 $0x32C8, v2;
	[tilespmem:v62+s15+$0x0] =	vst.idx.msk $0xffff, v8;
	v22 =	vld.idx.msk [tilespmem:v22+s3+$0x0], $0xffff  }
0x11c: {  	v8 =	vmul.f32 v15, v0;
	v15 =	vadd.s32 $0x32C8, v1;
	[tilespmem:v12+s15+$0x0] =	vst.idx.msk $0xffff, v9;
	v12 =	vld.idx.msk [tilespmem:v23+s3+$0x0], $0xffff  }
0x11d: {  	v11 =	vmul.f32 v11, v0;
	v9 =	vadd.s32 s31, v45;
	v13 =	vmul.f32 v13, v0;
	v0 =	vld [tilespmem:$0x1FD80]  }
0x11e: {  	v23 =	vadd.s32 $0x36B0, v7;
	[tilespmem:v24+s15+$0x0] =	vst.idx.msk $0xffff, v8;
	v8 =	vadd.s32 s28, v45;
	v21 =	vld.idx.msk [tilespmem:v21+s3+$0x0], $0xffff  }
0x11f: {  	v35 =	vor.u32 s26, v47;
	v24 =	vadd.s32 $0x36B0, v6;
	[tilespmem:v33+s15+$0x0] =	vst.idx.msk $0xffff, v11;
	v10 =	vld.idx.msk [tilespmem:v10+s3+$0x0], $0xffff  }
0x120: {  	v36 =	vadd.s32 $0x3E80, v39;
	v11 =	vadd.s32 s29, v45;
	v37 =	vmul.f32 v20, v31;
	[tilespmem:v34+s15+$0x0] =	vst.idx.msk $0xffff, v13;
	v14 =	vld.idx.msk [tilespmem:v14+s3+$0x0], $0xffff  }
0x121: {  	v13 =	vadd.s32 s30, v45;
	v15 =	vld.idx.msk [tilespmem:v15+s3+$0x0], $0xffff;
	v62 =	vmul.f32 v22, v31  }
0x122: {  	v20 =	vadd.s32 $0x36B0, v5;
	v22 =	vadd.s32 s1, v45;
	v16 =	vmul.f32 v16, v0;
	[tilespmem:v9+s15+$0x0] =	vst.idx.msk $0xffff, v37  }
0x123: {  	v63 =	vadd.s32 $0x36B0, v4;
	v33 =	vadd.s32 s0, v45;
	v9 =	vmul.f32 v12, v31;
	v23 =	vld.idx.msk [tilespmem:v23+s3+$0x0], $0xffff;
	[tilespmem:v8+s15+$0x0] =	vst.idx.msk $0xffff, v62  }
0x124: {  	v34 =	vadd.s32 $0x36B0, v2;
	v12 =	vadd.s32 $0x36B0, v3;
	v8 =	vmul.f32 v21, v31;
	[tilespmem:v35+s15+$0x0] =	vst.idx.msk $0xffff, v16;
	v24 =	vld.idx.msk [tilespmem:v24+s3+$0x0], $0xffff  }
0x125: {  	v21 =	vadd.s32 s25, v45;
	[tilespmem:v11+s15+$0x0] =	vst.idx.msk $0xffff, v9;
	v9 =	vmul.f32 v10, v31;
	v10 =	vadd.s32 $0x36B0, v1;
	v17 =	vld.idx.msk [tilespmem:v36+s3+$0x0], $0xffff  }
0x126: {  	[tilespmem:v13+s15+$0x0] =	vst.idx.msk $0xffff, v8;
	v8 =	vadd.s32 s31, v46;
	v14 =	vmul.f32 v14, v31;
	v15 =	vmul.f32 v15, v31;
	v31 =	vld [tilespmem:$0x1FD90]  }
0x127: {  	v13 =	vld.idx.msk [tilespmem:v20+s3+$0x0], $0xffff;
	v20 =	vadd.s32 $0x3A98, v7;
	[tilespmem:v22+s15+$0x0] =	vst.idx.msk $0xffff, v9;
	v9 =	vadd.s32 s28, v46  }
0x128: {  	v35 =	vor.u32 s26, v48;
	v19 =	vld.idx.msk [tilespmem:v63+s3+$0x0], $0xffff;
	v22 =	vadd.s32 $0x3A98, v6  }
0x129: {  	v11 =	vadd.s32 $0x4268, v39;
	[tilespmem:v33+s15+$0x0] =	vst.idx.msk $0xffff, v14;
	v14 =	vadd.s32 s29, v46;
	v12 =	vld.idx.msk [tilespmem:v12+s3+$0x0], $0xffff;
	v37 =	vmul.f32 v23, v32  }
0x12a: {  	v23 =	vadd.s32 $0x3A98, v5;
	[tilespmem:v21+s15+$0x0] =	vst.idx.msk $0xffff, v15;
	v15 =	vadd.s32 s30, v46;
	v16 =	vld.idx.msk [tilespmem:v34+s3+$0x0], $0xffff;
	v62 =	vmul.f32 v24, v32  }
0x12b: {  	v10 =	vld.idx.msk [tilespmem:v10+s3+$0x0], $0xffff;
	v17 =	vmul.f32 v17, v31;
	[tilespmem:v8+s15+$0x0] =	vst.idx.msk $0xffff, v37  }
0x12c: {  	v21 =	vadd.s32 $0x3A98, v4;
	v24 =	vadd.s32 s1, v46;
	v8 =	vmul.f32 v13, v32;
	v20 =	vld.idx.msk [tilespmem:v20+s3+$0x0], $0xffff;
	[tilespmem:v9+s15+$0x0] =	vst.idx.msk $0xffff, v62  }
0x12d: {  	v63 =	vadd.s32 s0, v46;
	v13 =	vadd.s32 $0x3A98, v3;
	v9 =	vmul.f32 v19, v32;
	[tilespmem:v35+s15+$0x0] =	vst.idx.msk $0xffff, v17;
	v22 =	vld.idx.msk [tilespmem:v22+s3+$0x0], $0xffff  }
0x12e: {  	v19 =	vadd.s32 s25, v46;
	v17 =	vadd.s32 $0x3A98, v2;
	[tilespmem:v14+s15+$0x0] =	vst.idx.msk $0xffff, v8;
	v11 =	vld.idx.msk [tilespmem:v11+s3+$0x0], $0xffff  }
0x12f: {  	v8 =	vmul.f32 v12, v32;
	v12 =	vadd.s32 $0x3A98, v1;
	[tilespmem:v15+s15+$0x0] =	vst.idx.msk $0xffff, v9;
	v9 =	vadd.s32 s31, v47;
	v15 =	vld.idx.msk [tilespmem:v23+s3+$0x0], $0xffff  }
0x130: {  	v16 =	vmul.f32 v16, v32;
	v10 =	vmul.f32 v10, v32;
	v32 =	vld [tilespmem:$0x1FDA0]  }
0x131: {  	v62 =	vadd.s32 s29, v47;
	[tilespmem:v24+s15+$0x0] =	vst.idx.msk $0xffff, v8;
	v21 =	vld.idx.msk [tilespmem:v21+s3+$0x0], $0xffff  }
0x132: {  	v38 =	vor.u32 s26, v49;
	[tilespmem:v63+s15+$0x0] =	vst.idx.msk $0xffff, v16;
	v13 =	vld.idx.msk [tilespmem:v13+s3+$0x0], $0xffff;
	v63 =	vmul.f32 v20, v0  }
0x133: {  	v14 =	vadd.s32 $0x4650, v39;
	[tilespmem:v19+s15+$0x0] =	vst.idx.msk $0xffff, v10;
	v17 =	vld.idx.msk [tilespmem:v17+s3+$0x0], $0xffff  }
0x134: {  	v8 =	vadd.s32 s28, v47;
	v12 =	vld.idx.msk [tilespmem:v12+s3+$0x0], $0xffff;
	[tilespmem:v9+s15+$0x0] =	vst.idx.msk $0xffff, v63;
	v9 =	vmul.f32 v15, v0  }
0x135: {  	v23 =	vadd.s32 $0x3E80, v7;
	v11 =	vmul.f32 v11, v32  }
0x136: {  	v33 =	vadd.s32 $0x3E80, v4;
	v34 =	vadd.s32 s0, v47;
	v24 =	vadd.s32 $0x3E80, v6;
	[tilespmem:v62+s15+$0x0] =	vst.idx.msk $0xffff, v9  }
0x137: {  	v20 =	vadd.s32 $0x3E80, v5;
	v10 =	vadd.s32 s30, v47;
	[tilespmem:v38+s15+$0x0] =	vst.idx.msk $0xffff, v11;
	v11 =	vmul.f32 v22, v0  }
0x138: {  	v9 =	vmul.f32 v13, v0;
	v22 =	vadd.s32 s1, v47;
	v14 =	vld.idx.msk [tilespmem:v14+s3+$0x0], $0xffff;
	v17 =	vmul.f32 v17, v0  }
0x139: {  	v15 =	vadd.s32 $0x3E80, v3;
	v12 =	vmul.f32 v12, v0;
	[tilespmem:v8+s15+$0x0] =	vst.idx.msk $0xffff, v11;
	v8 =	vmul.f32 v21, v0;
	v0 =	vld [tilespmem:$0x1FDB0]  }
0x13a: {  	v23 =	vld.idx.msk [tilespmem:v23+s3+$0x0], $0xffff;
	v11 =	vadd.s32 $0x3E80, v2;
	v21 =	vadd.s32 s25, v47  }
0x13b: {  	v35 =	vor.u32 s26, v50;
	v13 =	vadd.s32 $0x3E80, v1;
	v24 =	vld.idx.msk [tilespmem:v24+s3+$0x0], $0xffff  }
0x13c: {  	v62 =	vadd.s32 $0x4A38, v39;
	[tilespmem:v10+s15+$0x0] =	vst.idx.msk $0xffff, v8;
	v8 =	vadd.s32 s31, v48;
	v10 =	vld.idx.msk [tilespmem:v20+s3+$0x0], $0xffff  }
0x13d: {  	v20 =	vadd.s32 $0x4268, v7;
	[tilespmem:v22+s15+$0x0] =	vst.idx.msk $0xffff, v9;
	v9 =	vadd.s32 s28, v48;
	v19 =	vld.idx.msk [tilespmem:v33+s3+$0x0], $0xffff  }
0x13e: {  	v63 =	vadd.s32 s29, v48;
	[tilespmem:v34+s15+$0x0] =	vst.idx.msk $0xffff, v17;
	v22 =	vadd.s32 $0x4268, v6;
	v15 =	vld.idx.msk [tilespmem:v15+s3+$0x0], $0xffff;
	v14 =	vmul.f32 v14, v0  }
0x13f: {  	v33 =	vmul.f32 v23, v31;
	v23 =	vadd.s32 $0x4268, v5;
	[tilespmem:v21+s15+$0x0] =	vst.idx.msk $0xffff, v12;
	v12 =	vadd.s32 s30, v48;
	v11 =	vld.idx.msk [tilespmem:v11+s3+$0x0], $0xffff  }
0x140: {  	v13 =	vld.idx.msk [tilespmem:v13+s3+$0x0], $0xffff;
	[tilespmem:v35+s15+$0x0] =	vst.idx.msk $0xffff, v14;
	v14 =	vmul.f32 v24, v31  }
0x141: {  	v21 =	vadd.s32 $0x4268, v4;
	v24 =	vadd.s32 s1, v48;
	[tilespmem:v8+s15+$0x0] =	vst.idx.msk $0xffff, v33;
	v8 =	vmul.f32 v10, v31;
	v16 =	vld.idx.msk [tilespmem:v62+s3+$0x0], $0xffff  }
0x142: {  	v34 =	vadd.s32 s0, v48;
	v10 =	vadd.s32 $0x4268, v3;
	v20 =	vld.idx.msk [tilespmem:v20+s3+$0x0], $0xffff;
	[tilespmem:v9+s15+$0x0] =	vst.idx.msk $0xffff, v14;
	v9 =	vmul.f32 v19, v31  }
0x143: {  	v35 =	vadd.s32 s25, v48;
	v14 =	vadd.s32 $0x4268, v2;
	[tilespmem:v63+s15+$0x0] =	vst.idx.msk $0xffff, v8;
	v22 =	vld.idx.msk [tilespmem:v22+s3+$0x0], $0xffff  }
0x144: {  	v8 =	vmul.f32 v15, v31;
	v15 =	vadd.s32 $0x4268, v1;
	[tilespmem:v12+s15+$0x0] =	vst.idx.msk $0xffff, v9;
	v12 =	vld.idx.msk [tilespmem:v23+s3+$0x0], $0xffff  }
0x145: {  	v11 =	vmul.f32 v11, v31;
	v9 =	vadd.s32 s31, v49;
	v13 =	vmul.f32 v13, v31;
	v31 =	vld [tilespmem:$0x1FDC0]  }
0x146: {  	v23 =	vadd.s32 $0x4650, v7;
	[tilespmem:v24+s15+$0x0] =	vst.idx.msk $0xffff, v8;
	v8 =	vadd.s32 s28, v49;
	v21 =	vld.idx.msk [tilespmem:v21+s3+$0x0], $0xffff  }
0x147: {  	v62 =	vor.u32 s26, v51;
	v24 =	vadd.s32 $0x4650, v6;
	[tilespmem:v34+s15+$0x0] =	vst.idx.msk $0xffff, v11;
	v10 =	vld.idx.msk [tilespmem:v10+s3+$0x0], $0xffff  }
0x148: {  	v63 =	vadd.s32 $0x4E20, v39;
	v11 =	vadd.s32 s29, v49;
	v33 =	vmul.f32 v20, v32;
	[tilespmem:v35+s15+$0x0] =	vst.idx.msk $0xffff, v13;
	v14 =	vld.idx.msk [tilespmem:v14+s3+$0x0], $0xffff  }
0x149: {  	v13 =	vadd.s32 s30, v49;
	v15 =	vld.idx.msk [tilespmem:v15+s3+$0x0], $0xffff;
	v34 =	vmul.f32 v22, v32  }
0x14a: {  	v20 =	vadd.s32 $0x4650, v5;
	v22 =	vadd.s32 s1, v49;
	v16 =	vmul.f32 v16, v31;
	[tilespmem:v9+s15+$0x0] =	vst.idx.msk $0xffff, v33  }
0x14b: {  	v18 =	vadd.s32 s0, v49;
	v35 =	vadd.s32 $0x4650, v4;
	v9 =	vmul.f32 v12, v32;
	v23 =	vld.idx.msk [tilespmem:v23+s3+$0x0], $0xffff;
	[tilespmem:v8+s15+$0x0] =	vst.idx.msk $0xffff, v34  }
0x14c: {  	v12 =	vadd.s32 $0x4650, v3;
	v8 =	vmul.f32 v21, v32;
	v21 =	vadd.s32 s25, v49;
	[tilespmem:v62+s15+$0x0] =	vst.idx.msk $0xffff, v16;
	v24 =	vld.idx.msk [tilespmem:v24+s3+$0x0], $0xffff  }
0x14d: {  	v62 =	vadd.s32 $0x4650, v2;
	[tilespmem:v11+s15+$0x0] =	vst.idx.msk $0xffff, v9;
	v9 =	vmul.f32 v10, v32;
	v10 =	vadd.s32 $0x4650, v1;
	v17 =	vld.idx.msk [tilespmem:v63+s3+$0x0], $0xffff  }
0x14e: {  	[tilespmem:v13+s15+$0x0] =	vst.idx.msk $0xffff, v8;
	v8 =	vadd.s32 s31, v50;
	v14 =	vmul.f32 v14, v32;
	v15 =	vmul.f32 v15, v32;
	v32 =	vld [tilespmem:$0x1FDD0]  }
0x14f: {  	v13 =	vld.idx.msk [tilespmem:v20+s3+$0x0], $0xffff;
	v20 =	vadd.s32 $0x4A38, v7;
	[tilespmem:v22+s15+$0x0] =	vst.idx.msk $0xffff, v9;
	v9 =	vadd.s32 s28, v50  }
0x150: {  	v63 =	vor.u32 s26, v52;
	v19 =	vld.idx.msk [tilespmem:v35+s3+$0x0], $0xffff;
	v22 =	vadd.s32 $0x4A38, v6  }
0x151: {  	v11 =	vadd.s32 $0x5208, v39;
	[tilespmem:v18+s15+$0x0] =	vst.idx.msk $0xffff, v14;
	v14 =	vadd.s32 s29, v50;
	v12 =	vld.idx.msk [tilespmem:v12+s3+$0x0], $0xffff;
	v37 =	vmul.f32 v23, v0  }
0x152: {  	v23 =	vadd.s32 $0x4A38, v5;
	[tilespmem:v21+s15+$0x0] =	vst.idx.msk $0xffff, v15;
	v15 =	vadd.s32 s30, v50;
	v16 =	vld.idx.msk [tilespmem:v62+s3+$0x0], $0xffff;
	v38 =	vmul.f32 v24, v0  }
0x153: {  	v24 =	vadd.s32 s1, v50;
	v10 =	vld.idx.msk [tilespmem:v10+s3+$0x0], $0xffff;
	v17 =	vmul.f32 v17, v32;
	[tilespmem:v8+s15+$0x0] =	vst.idx.msk $0xffff, v37  }
0x154: {  	v62 =	vadd.s32 s0, v50;
	v8 =	vmul.f32 v13, v0;
	v13 =	vadd.s32 $0x4A38, v3;
	v20 =	vld.idx.msk [tilespmem:v20+s3+$0x0], $0xffff;
	[tilespmem:v9+s15+$0x0] =	vst.idx.msk $0xffff, v38  }
0x155: {  	v33 =	vadd.s32 s25, v50;
	v9 =	vmul.f32 v19, v0;
	[tilespmem:v63+s15+$0x0] =	vst.idx.msk $0xffff, v17;
	v63 =	vadd.s32 $0x4A38, v2;
	v22 =	vld.idx.msk [tilespmem:v22+s3+$0x0], $0xffff  }
0x156: {  	[tilespmem:v14+s15+$0x0] =	vst.idx.msk $0xffff, v8;
	v8 =	vmul.f32 v12, v0;
	v12 =	vadd.s32 $0x4A38, v1;
	v11 =	vld.idx.msk [tilespmem:v11+s3+$0x0], $0xffff  }
0x157: {  	v21 =	vadd.s32 $0x4A38, v4;
	[tilespmem:v15+s15+$0x0] =	vst.idx.msk $0xffff, v9;
	v9 =	vadd.s32 s31, v51;
	v15 =	vld.idx.msk [tilespmem:v23+s3+$0x0], $0xffff;
	v16 =	vmul.f32 v16, v0  }
0x158: {  	[tilespmem:v24+s15+$0x0] =	vst.idx.msk $0xffff, v8;
	v10 =	vmul.f32 v10, v0;
	v0 =	vld [tilespmem:$0x1FDE0]  }
0x159: {  	v35 =	vadd.s32 s29, v51;
	v23 =	vadd.s32 $0x4E20, v7;
	v13 =	vld.idx.msk [tilespmem:v13+s3+$0x0], $0xffff;
	[tilespmem:v62+s15+$0x0] =	vst.idx.msk $0xffff, v16  }
0x15a: {  	v34 =	vor.u32 s26, v53;
	v37 =	vmul.f32 v20, v31;
	[tilespmem:v33+s15+$0x0] =	vst.idx.msk $0xffff, v10;
	v17 =	vld.idx.msk [tilespmem:v63+s3+$0x0], $0xffff  }
0x15b: {  	v14 =	vadd.s32 $0x55F0, v39;
	v12 =	vld.idx.msk [tilespmem:v12+s3+$0x0], $0xffff  }
0x15c: {  	v8 =	vadd.s32 s28, v51;
	v21 =	vld.idx.msk [tilespmem:v21+s3+$0x0], $0xffff;
	[tilespmem:v9+s15+$0x0] =	vst.idx.msk $0xffff, v37;
	v9 =	vmul.f32 v15, v31  }
0x15d: {  	v24 =	vadd.s32 $0x4E20, v6;
	v20 =	vadd.s32 $0x4E20, v5;
	v11 =	vmul.f32 v11, v0  }
0x15e: {  	v10 =	vadd.s32 s30, v51;
	v62 =	vadd.s32 $0x4E20, v4;
	v63 =	vadd.s32 s0, v51;
	v23 =	vld.idx.msk [tilespmem:v23+s3+$0x0], $0xffff;
	[tilespmem:v35+s15+$0x0] =	vst.idx.msk $0xffff, v9  }
0x15f: {  	v9 =	vmul.f32 v13, v31;
	[tilespmem:v34+s15+$0x0] =	vst.idx.msk $0xffff, v11;
	v11 =	vmul.f32 v22, v31;
	v22 =	vadd.s32 s1, v51  }
0x160: {  	v15 =	vadd.s32 $0x4E20, v3;
	v14 =	vld.idx.msk [tilespmem:v14+s3+$0x0], $0xffff;
	v17 =	vmul.f32 v17, v31;
	v12 =	vmul.f32 v12, v31  }
0x161: {  	[tilespmem:v8+s15+$0x0] =	vst.idx.msk $0xffff, v11;
	v8 =	vmul.f32 v21, v31;
	v11 =	vadd.s32 $0x4E20, v2;
	v21 =	vadd.s32 s25, v51;
	v31 =	vld [tilespmem:$0x1FDF0]  }
0x162: {  	v13 =	vadd.s32 $0x4E20, v1;
	v24 =	vld.idx.msk [tilespmem:v24+s3+$0x0], $0xffff  }
0x163: {  	v33 =	vor.u32 s26, v54;
	[tilespmem:v10+s15+$0x0] =	vst.idx.msk $0xffff, v8;
	v10 =	vld.idx.msk [tilespmem:v20+s3+$0x0], $0xffff  }
0x164: {  	v34 =	vadd.s32 $0x59D8, v39;
	v8 =	vadd.s32 s31, v52;
	[tilespmem:v22+s15+$0x0] =	vst.idx.msk $0xffff, v9;
	v19 =	vld.idx.msk [tilespmem:v62+s3+$0x0], $0xffff  }
0x165: {  	[tilespmem:v63+s15+$0x0] =	vst.idx.msk $0xffff, v17;
	v20 =	vadd.s32 $0x5208, v7;
	v9 =	vadd.s32 s28, v52;
	v15 =	vld.idx.msk [tilespmem:v15+s3+$0x0], $0xffff  }
0x166: {  	v35 =	vadd.s32 s29, v52;
	v22 =	vadd.s32 $0x5208, v6;
	v14 =	vmul.f32 v14, v31;
	[tilespmem:v21+s15+$0x0] =	vst.idx.msk $0xffff, v12;
	v11 =	vld.idx.msk [tilespmem:v11+s3+$0x0], $0xffff  }
0x167: {  	v37 =	vmul.f32 v23, v32;
	v12 =	vadd.s32 s30, v52;
	v13 =	vld.idx.msk [tilespmem:v13+s3+$0x0], $0xffff  }
0x168: {  	v23 =	vadd.s32 $0x5208, v5;
	[tilespmem:v33+s15+$0x0] =	vst.idx.msk $0xffff, v14;
	v14 =	vmul.f32 v24, v32;
	v24 =	vadd.s32 s1, v52  }
0x169: {  	v18 =	vadd.s32 s0, v52;
	v21 =	vadd.s32 $0x5208, v4;
	[tilespmem:v8+s15+$0x0] =	vst.idx.msk $0xffff, v37;
	v8 =	vmul.f32 v10, v32;
	v16 =	vld.idx.msk [tilespmem:v34+s3+$0x0], $0xffff  }
0x16a: {  	v62 =	vadd.s32 s25, v52;
	v10 =	vadd.s32 $0x5208, v3;
	v20 =	vld.idx.msk [tilespmem:v20+s3+$0x0], $0xffff;
	[tilespmem:v9+s15+$0x0] =	vst.idx.msk $0xffff, v14;
	v9 =	vmul.f32 v19, v32  }
0x16b: {  	v14 =	vadd.s32 $0x5208, v2;
	[tilespmem:v35+s15+$0x0] =	vst.idx.msk $0xffff, v8;
	v8 =	vmul.f32 v15, v32;
	v15 =	vadd.s32 $0x5208, v1;
	v22 =	vld.idx.msk [tilespmem:v22+s3+$0x0], $0xffff  }
0x16c: {  	v11 =	vmul.f32 v11, v32;
	[tilespmem:v12+s15+$0x0] =	vst.idx.msk $0xffff, v9;
	v9 =	vadd.s32 s31, v53;
	v13 =	vmul.f32 v13, v32;
	v32 =	vld [tilespmem:$0x1FE00]  }
0x16d: {  	v12 =	vld.idx.msk [tilespmem:v23+s3+$0x0], $0xffff;
	v23 =	vadd.s32 $0x55F0, v7;
	[tilespmem:v24+s15+$0x0] =	vst.idx.msk $0xffff, v8;
	v8 =	vadd.s32 s28, v53  }
0x16e: {  	v63 =	vor.u32 s26, v55;
	v21 =	vld.idx.msk [tilespmem:v21+s3+$0x0], $0xffff;
	v24 =	vadd.s32 $0x55F0, v6  }
0x16f: {  	v36 =	vadd.s32 $0x5DC0, v39;
	[tilespmem:v18+s15+$0x0] =	vst.idx.msk $0xffff, v11;
	v11 =	vadd.s32 s29, v53;
	v10 =	vld.idx.msk [tilespmem:v10+s3+$0x0], $0xffff;
	v37 =	vmul.f32 v20, v0  }
0x170: {  	v20 =	vadd.s32 $0x55F0, v5;
	[tilespmem:v62+s15+$0x0] =	vst.idx.msk $0xffff, v13;
	v13 =	vadd.s32 s30, v53;
	v14 =	vld.idx.msk [tilespmem:v14+s3+$0x0], $0xffff;
	v62 =	vmul.f32 v22, v0  }
0x171: {  	v15 =	vld.idx.msk [tilespmem:v15+s3+$0x0], $0xffff;
	v22 =	vadd.s32 s1, v53;
	v16 =	vmul.f32 v16, v32;
	[tilespmem:v9+s15+$0x0] =	vst.idx.msk $0xffff, v37  }
0x172: {  	v33 =	vadd.s32 s0, v53;
	v9 =	vmul.f32 v12, v0;
	v12 =	vadd.s32 $0x55F0, v3;
	v23 =	vld.idx.msk [tilespmem:v23+s3+$0x0], $0xffff;
	[tilespmem:v8+s15+$0x0] =	vst.idx.msk $0xffff, v62  }
0x173: {  	v34 =	vadd.s32 $0x55F0, v2;
	v8 =	vmul.f32 v21, v0;
	[tilespmem:v63+s15+$0x0] =	vst.idx.msk $0xffff, v16;
	v24 =	vld.idx.msk [tilespmem:v24+s3+$0x0], $0xffff  }
0x174: {  	v21 =	vadd.s32 s25, v53;
	v63 =	vadd.s32 $0x55F0, v4;
	[tilespmem:v11+s15+$0x0] =	vst.idx.msk $0xffff, v9;
	v9 =	vmul.f32 v10, v0;
	v17 =	vld.idx.msk [tilespmem:v36+s3+$0x0], $0xffff  }
0x175: {  	v10 =	vadd.s32 $0x55F0, v1;
	[tilespmem:v13+s15+$0x0] =	vst.idx.msk $0xffff, v8;
	v13 =	vld.idx.msk [tilespmem:v20+s3+$0x0], $0xffff;
	v14 =	vmul.f32 v14, v0  }
0x176: {  	v15 =	vmul.f32 v15, v0;
	v0 =	vld [tilespmem:$0x1FE10];
	[tilespmem:v22+s15+$0x0] =	vst.idx.msk $0xffff, v9  }
0x177: {  	v8 =	vadd.s32 s31, v54;
	[tilespmem:v33+s15+$0x0] =	vst.idx.msk $0xffff, v14;
	v12 =	vld.idx.msk [tilespmem:v12+s3+$0x0], $0xffff  }
0x178: {  	v35 =	vor.u32 s26, v56;
	v20 =	vadd.s32 $0x59D8, v7;
	v16 =	vld.idx.msk [tilespmem:v34+s3+$0x0], $0xffff  }
0x179: {  	v62 =	vadd.s32 s0, v54;
	v11 =	vadd.s32 $0x61A8, v39;
	v14 =	vadd.s32 s29, v54;
	[tilespmem:v21+s15+$0x0] =	vst.idx.msk $0xffff, v15;
	v19 =	vld.idx.msk [tilespmem:v63+s3+$0x0], $0xffff  }
0x17a: {  	v9 =	vadd.s32 s28, v54;
	v22 =	vadd.s32 $0x59D8, v6;
	v37 =	vmul.f32 v23, v31;
	v10 =	vld.idx.msk [tilespmem:v10+s3+$0x0], $0xffff  }
0x17b: {  	v33 =	vadd.s32 s25, v54;
	v23 =	vadd.s32 $0x59D8, v5;
	v17 =	vmul.f32 v17, v0  }
0x17c: {  	v15 =	vadd.s32 s30, v54;
	v21 =	vadd.s32 $0x59D8, v4;
	[tilespmem:v8+s15+$0x0] =	vst.idx.msk $0xffff, v37;
	v8 =	vmul.f32 v13, v31  }
0x17d: {  	v38 =	vmul.f32 v24, v31;
	v24 =	vadd.s32 s1, v54;
	v63 =	vadd.s32 $0x59D8, v2;
	v20 =	vld.idx.msk [tilespmem:v20+s3+$0x0], $0xffff;
	[tilespmem:v35+s15+$0x0] =	vst.idx.msk $0xffff, v17  }
0x17e: {  	[tilespmem:v14+s15+$0x0] =	vst.idx.msk $0xffff, v8;
	v8 =	vmul.f32 v12, v31;
	v11 =	vld.idx.msk [tilespmem:v11+s3+$0x0], $0xffff;
	v16 =	vmul.f32 v16, v31  }
0x17f: {  	[tilespmem:v9+s15+$0x0] =	vst.idx.msk $0xffff, v38;
	v12 =	vadd.s32 $0x59D8, v1;
	v9 =	vmul.f32 v19, v31;
	v10 =	vmul.f32 v10, v31;
	v31 =	vld [tilespmem:$0x1FE20]  }
0x180: {  	v13 =	vadd.s32 $0x59D8, v3;
	v22 =	vld.idx.msk [tilespmem:v22+s3+$0x0], $0xffff;
	[tilespmem:v62+s15+$0x0] =	vst.idx.msk $0xffff, v16  }
0x181: {  	v34 =	vor.u32 s26, v57;
	[tilespmem:v15+s15+$0x0] =	vst.idx.msk $0xffff, v9;
	v15 =	vld.idx.msk [tilespmem:v23+s3+$0x0], $0xffff  }
0x182: {  	v9 =	vadd.s32 s31, v55;
	v17 =	vld.idx.msk [tilespmem:v63+s3+$0x0], $0xffff  }
0x183: {  	v14 =	vadd.s32 $0x6590, v39;
	[tilespmem:v33+s15+$0x0] =	vst.idx.msk $0xffff, v10;
	v21 =	vld.idx.msk [tilespmem:v21+s3+$0x0], $0xffff  }
0x184: {  	[tilespmem:v24+s15+$0x0] =	vst.idx.msk $0xffff, v8;
	v8 =	vadd.s32 s28, v55;
	v23 =	vadd.s32 $0x5DC0, v7;
	v12 =	vld.idx.msk [tilespmem:v12+s3+$0x0], $0xffff;
	v11 =	vmul.f32 v11, v31  }
0x185: {  	v35 =	vadd.s32 s29, v55;
	v24 =	vadd.s32 $0x5DC0, v6;
	v13 =	vld.idx.msk [tilespmem:v13+s3+$0x0], $0xffff;
	v37 =	vmul.f32 v20, v32  }
0x186: {  	v62 =	vadd.s32 $0x5DC0, v4;
	v20 =	vadd.s32 $0x5DC0, v5;
	v10 =	vadd.s32 s30, v55;
	[tilespmem:v34+s15+$0x0] =	vst.idx.msk $0xffff, v11  }
0x187: {  	v63 =	vadd.s32 s0, v55;
	v11 =	vmul.f32 v22, v32;
	v22 =	vadd.s32 s1, v55;
	[tilespmem:v9+s15+$0x0] =	vst.idx.msk $0xffff, v37  }
0x188: {  	v9 =	vmul.f32 v15, v32;
	v15 =	vadd.s32 $0x5DC0, v3;
	v17 =	vmul.f32 v17, v32;
	v14 =	vld.idx.msk [tilespmem:v14+s3+$0x0], $0xffff  }
0x189: {  	v23 =	vld.idx.msk [tilespmem:v23+s3+$0x0], $0xffff;
	v12 =	vmul.f32 v12, v32;
	[tilespmem:v8+s15+$0x0] =	vst.idx.msk $0xffff, v11;
	v8 =	vmul.f32 v21, v32  }
0x18a: {  	v11 =	vadd.s32 $0x5DC0, v2;
	v21 =	vadd.s32 s25, v55;
	[tilespmem:v35+s15+$0x0] =	vst.idx.msk $0xffff, v9;
	v9 =	vmul.f32 v13, v32;
	v32 =	vld [tilespmem:$0x1FE30]  }
0x18b: {  	v13 =	vadd.s32 $0x5DC0, v1;
	v24 =	vld.idx.msk [tilespmem:v24+s3+$0x0], $0xffff  }
0x18c: {  	v38 =	vor.u32 s26, v58;
	[tilespmem:v10+s15+$0x0] =	vst.idx.msk $0xffff, v8;
	v10 =	vld.idx.msk [tilespmem:v20+s3+$0x0], $0xffff  }
0x18d: {  	v37 =	vadd.s32 $0x6978, v39;
	v8 =	vadd.s32 s31, v56;
	[tilespmem:v22+s15+$0x0] =	vst.idx.msk $0xffff, v9;
	v19 =	vld.idx.msk [tilespmem:v62+s3+$0x0], $0xffff  }
0x18e: {  	[tilespmem:v63+s15+$0x0] =	vst.idx.msk $0xffff, v17;
	v20 =	vadd.s32 $0x61A8, v7;
	v9 =	vadd.s32 s28, v56;
	v15 =	vld.idx.msk [tilespmem:v15+s3+$0x0], $0xffff  }
0x18f: {  	v22 =	vadd.s32 $0x61A8, v6;
	v62 =	vadd.s32 s29, v56;
	v14 =	vmul.f32 v14, v32;
	[tilespmem:v21+s15+$0x0] =	vst.idx.msk $0xffff, v12;
	v11 =	vld.idx.msk [tilespmem:v11+s3+$0x0], $0xffff  }
0x190: {  	v63 =	vmul.f32 v23, v0;
	v12 =	vadd.s32 s30, v56;
	v13 =	vld.idx.msk [tilespmem:v13+s3+$0x0], $0xffff  }
0x191: {  	v23 =	vadd.s32 $0x61A8, v5;
	[tilespmem:v38+s15+$0x0] =	vst.idx.msk $0xffff, v14;
	v14 =	vmul.f32 v24, v0;
	v24 =	vadd.s32 s1, v56  }
0x192: {  	v33 =	vadd.s32 s0, v56;
	v21 =	vadd.s32 $0x61A8, v4;
	[tilespmem:v8+s15+$0x0] =	vst.idx.msk $0xffff, v63;
	v8 =	vmul.f32 v10, v0;
	v16 =	vld.idx.msk [tilespmem:v37+s3+$0x0], $0xffff  }
0x193: {  	v34 =	vadd.s32 s25, v56;
	v10 =	vadd.s32 $0x61A8, v3;
	v20 =	vld.idx.msk [tilespmem:v20+s3+$0x0], $0xffff;
	[tilespmem:v9+s15+$0x0] =	vst.idx.msk $0xffff, v14;
	v9 =	vmul.f32 v19, v0  }
0x194: {  	v14 =	vadd.s32 $0x61A8, v2;
	[tilespmem:v62+s15+$0x0] =	vst.idx.msk $0xffff, v8;
	v8 =	vmul.f32 v15, v0;
	v15 =	vadd.s32 $0x61A8, v1;
	v22 =	vld.idx.msk [tilespmem:v22+s3+$0x0], $0xffff  }
0x195: {  	v11 =	vmul.f32 v11, v0;
	[tilespmem:v12+s15+$0x0] =	vst.idx.msk $0xffff, v9;
	v9 =	vadd.s32 s31, v57;
	v13 =	vmul.f32 v13, v0;
	v0 =	vld [tilespmem:$0x1FE40]  }
0x196: {  	v12 =	vld.idx.msk [tilespmem:v23+s3+$0x0], $0xffff;
	v23 =	vadd.s32 $0x6590, v7;
	[tilespmem:v24+s15+$0x0] =	vst.idx.msk $0xffff, v8;
	v8 =	vadd.s32 s28, v57  }
0x197: {  	v35 =	vor.u32 s26, v59;
	v21 =	vld.idx.msk [tilespmem:v21+s3+$0x0], $0xffff;
	v24 =	vadd.s32 $0x6590, v6  }
0x198: {  	v36 =	vadd.s32 $0x6D60, v39;
	[tilespmem:v33+s15+$0x0] =	vst.idx.msk $0xffff, v11;
	v11 =	vadd.s32 s29, v57;
	v10 =	vld.idx.msk [tilespmem:v10+s3+$0x0], $0xffff;
	v37 =	vmul.f32 v20, v31  }
0x199: {  	v20 =	vadd.s32 $0x6590, v5;
	[tilespmem:v34+s15+$0x0] =	vst.idx.msk $0xffff, v13;
	v13 =	vadd.s32 s30, v57;
	v14 =	vld.idx.msk [tilespmem:v14+s3+$0x0], $0xffff;
	v62 =	vmul.f32 v22, v31  }
0x19a: {  	v15 =	vld.idx.msk [tilespmem:v15+s3+$0x0], $0xffff;
	v16 =	vmul.f32 v16, v0;
	[tilespmem:v9+s15+$0x0] =	vst.idx.msk $0xffff, v37  }
0x19b: {  	v63 =	vadd.s32 $0x6590, v4;
	v22 =	vadd.s32 s1, v57;
	v9 =	vmul.f32 v12, v31;
	v23 =	vld.idx.msk [tilespmem:v23+s3+$0x0], $0xffff;
	[tilespmem:v8+s15+$0x0] =	vst.idx.msk $0xffff, v62  }
0x19c: {  	v33 =	vadd.s32 s0, v57;
	v12 =	vadd.s32 $0x6590, v3;
	v8 =	vmul.f32 v21, v31;
	[tilespmem:v35+s15+$0x0] =	vst.idx.msk $0xffff, v16;
	v24 =	vld.idx.msk [tilespmem:v24+s3+$0x0], $0xffff  }
0x19d: {  	v34 =	vadd.s32 $0x6590, v2;
	v21 =	vadd.s32 s25, v57;
	[tilespmem:v11+s15+$0x0] =	vst.idx.msk $0xffff, v9;
	v17 =	vld.idx.msk [tilespmem:v36+s3+$0x0], $0xffff  }
0x19e: {  	v9 =	vmul.f32 v10, v31;
	v10 =	vadd.s32 $0x6590, v1;
	[tilespmem:v13+s15+$0x0] =	vst.idx.msk $0xffff, v8;
	v13 =	vld.idx.msk [tilespmem:v20+s3+$0x0], $0xffff  }
0x19f: {  	v8 =	vadd.s32 s31, v58;
	v14 =	vmul.f32 v14, v31;
	v15 =	vmul.f32 v15, v31;
	v31 =	vld [tilespmem:$0x1FE50]  }
0x1a0: {  	[tilespmem:v22+s15+$0x0] =	vst.idx.msk $0xffff, v9;
	v9 =	vadd.s32 s28, v58;
	v19 =	vld.idx.msk [tilespmem:v63+s3+$0x0], $0xffff  }
0x1a1: {  	v35 =	vor.u32 s26, v60;
	[tilespmem:v33+s15+$0x0] =	vst.idx.msk $0xffff, v14;
	v12 =	vld.idx.msk [tilespmem:v12+s3+$0x0], $0xffff  }
0x1a2: {  	v11 =	vadd.s32 $0x7148, v39;
	v14 =	vadd.s32 s29, v58;
	v37 =	vmul.f32 v23, v32;
	[tilespmem:v21+s15+$0x0] =	vst.idx.msk $0xffff, v15;
	v16 =	vld.idx.msk [tilespmem:v34+s3+$0x0], $0xffff  }
0x1a3: {  	v38 =	vmul.f32 v24, v32;
	v10 =	vld.idx.msk [tilespmem:v10+s3+$0x0], $0xffff  }
0x1a4: {  	v18 =	vadd.s32 s0, v58;
	v20 =	vadd.s32 $0x6978, v7;
	v17 =	vmul.f32 v17, v31;
	[tilespmem:v8+s15+$0x0] =	vst.idx.msk $0xffff, v37  }
0x1a5: {  	v22 =	vadd.s32 $0x6978, v6;
	v23 =	vadd.s32 $0x6978, v5;
	v8 =	vmul.f32 v13, v32;
	[tilespmem:v9+s15+$0x0] =	vst.idx.msk $0xffff, v38  }
0x1a6: {  	v15 =	vadd.s32 s30, v58;
	v21 =	vadd.s32 $0x6978, v4;
	v24 =	vadd.s32 s1, v58;
	[tilespmem:v35+s15+$0x0] =	vst.idx.msk $0xffff, v17  }
0x1a7: {  	v9 =	vmul.f32 v19, v32;
	[tilespmem:v14+s15+$0x0] =	vst.idx.msk $0xffff, v8;
	v8 =	vmul.f32 v12, v32;
	v11 =	vld.idx.msk [tilespmem:v11+s3+$0x0], $0xffff  }
0x1a8: {  	v13 =	vadd.s32 $0x6978, v3;
	v16 =	vmul.f32 v16, v32;
	v10 =	vmul.f32 v10, v32;
	v32 =	vld [tilespmem:$0x1FE60]  }
0x1a9: {  	v62 =	vadd.s32 s25, v58;
	v20 =	vld.idx.msk [tilespmem:v20+s3+$0x0], $0xffff;
	v17 =	vadd.s32 $0x6978, v2  }
0x1aa: {  	v63 =	vor.u32 s26, v61;
	v22 =	vld.idx.msk [tilespmem:v22+s3+$0x0], $0xffff;
	v12 =	vadd.s32 $0x6978, v1  }
0x1ab: {  	[tilespmem:v15+s15+$0x0] =	vst.idx.msk $0xffff, v9;
	v9 =	vadd.s32 s31, v59;
	v15 =	vld.idx.msk [tilespmem:v23+s3+$0x0], $0xffff  }
0x1ac: {  	[tilespmem:v24+s15+$0x0] =	vst.idx.msk $0xffff, v8;
	v8 =	vadd.s32 s28, v59;
	v21 =	vld.idx.msk [tilespmem:v21+s3+$0x0], $0xffff  }
0x1ad: {  	v36 =	vadd.s32 s29, v59;
	[tilespmem:v18+s15+$0x0] =	vst.idx.msk $0xffff, v16;
	v13 =	vld.idx.msk [tilespmem:v13+s3+$0x0], $0xffff;
	v11 =	vmul.f32 v11, v32  }
0x1ae: {  	v14 =	vadd.s32 $0x7530, v39;
	v37 =	vmul.f32 v20, v0;
	[tilespmem:v62+s15+$0x0] =	vst.idx.msk $0xffff, v10;
	v10 =	vadd.s32 s30, v59;
	v17 =	vld.idx.msk [tilespmem:v17+s3+$0x0], $0xffff  }
0x1af: {  	v12 =	vld.idx.msk [tilespmem:v12+s3+$0x0], $0xffff;
	[tilespmem:v63+s15+$0x0] =	vst.idx.msk $0xffff, v11;
	v11 =	vmul.f32 v22, v0;
	v22 =	vadd.s32 s1, v59  }
0x1b0: {  	v23 =	vadd.s32 $0x6D60, v7;
	[tilespmem:v9+s15+$0x0] =	vst.idx.msk $0xffff, v37;
	v9 =	vmul.f32 v15, v0  }
0x1b1: {  	v24 =	vadd.s32 $0x6D60, v6;
	[tilespmem:v8+s15+$0x0] =	vst.idx.msk $0xffff, v11;
	v8 =	vmul.f32 v21, v0  }
0x1b2: {  	v20 =	vadd.s32 $0x6D60, v5;
	[tilespmem:v36+s15+$0x0] =	vst.idx.msk $0xffff, v9;
	v9 =	vmul.f32 v13, v0  }
0x1b3: {  	v38 =	vadd.s32 $0x6D60, v4;
	v62 =	vadd.s32 s0, v59;
	v14 =	vld.idx.msk [tilespmem:v14+s3+$0x0], $0xffff;
	[tilespmem:v10+s15+$0x0] =	vst.idx.msk $0xffff, v8  }
0x1b4: {  	v15 =	vadd.s32 $0x6D60, v3;
	v8 =	vmul.f32 v17, v0;
	[tilespmem:v22+s15+$0x0] =	vst.idx.msk $0xffff, v9;
	v9 =	vmul.f32 v12, v0;
	v0 =	vld [tilespmem:$0x1FE70]  }
0x1b5: {  	v23 =	vld.idx.msk [tilespmem:v23+s3+$0x0], $0xffff;
	v11 =	vadd.s32 $0x6D60, v2;
	v21 =	vadd.s32 s25, v59  }
0x1b6: {  	v13 =	vadd.s32 $0x6D60, v1;
	v24 =	vld.idx.msk [tilespmem:v24+s3+$0x0], $0xffff  }
0x1b7: {  	v63 =	vadd.s32 s31, v60;
	v20 =	vld.idx.msk [tilespmem:v20+s3+$0x0], $0xffff  }
0x1b8: {  	v33 =	vadd.s32 s28, v60;
	v10 =	vadd.s32 $0x7148, v7;
	v19 =	vld.idx.msk [tilespmem:v38+s3+$0x0], $0xffff  }
0x1b9: {  	v22 =	vadd.s32 s29, v60;
	v15 =	vld.idx.msk [tilespmem:v15+s3+$0x0], $0xffff;
	[tilespmem:v62+s15+$0x0] =	vst.idx.msk $0xffff, v8;
	v12 =	vmul.f32 v14, v0;
	v14 =	vadd.s32 $0x7148, v6  }
0x1ba: {  	v34 =	vadd.s32 $0x7148, v5;
	v8 =	vmul.f32 v23, v31;
	v23 =	vadd.s32 s30, v60;
	v11 =	vld.idx.msk [tilespmem:v11+s3+$0x0], $0xffff;
	[tilespmem:v21+s15+$0x0] =	vst.idx.msk $0xffff, v9  }
0x1bb: {  	v21 =	vadd.s32 $0x7148, v4;
	v9 =	vmul.f32 v24, v31;
	v24 =	vadd.s32 s1, v60;
	v13 =	vld.idx.msk [tilespmem:v13+s3+$0x0], $0xffff  }
0x1bc: {  	v35 =	vadd.s32 $0x7148, v3;
	[tilespmem:v63+s15+$0x0] =	vst.idx.msk $0xffff, v8;
	v8 =	vmul.f32 v20, v31;
	v20 =	vadd.s32 s0, v60  }
0x1bd: {  	v62 =	vadd.s32 $0x7148, v2;
	v63 =	vadd.s32 s25, v60;
	v10 =	vld.idx.msk [tilespmem:v10+s3+$0x0], $0xffff;
	[tilespmem:v33+s15+$0x0] =	vst.idx.msk $0xffff, v9;
	v9 =	vmul.f32 v19, v31  }
0x1be: {  	[tilespmem:v22+s15+$0x0] =	vst.idx.msk $0xffff, v8;
	v8 =	vmul.f32 v15, v31;
	v15 =	vadd.s32 $0x7148, v1;
	v14 =	vld.idx.msk [tilespmem:v14+s3+$0x0], $0xffff  }
0x1bf: {  	v22 =	vadd.s32 s31, v61;
	v18 =	vld.idx.msk [tilespmem:v34+s3+$0x0], $0xffff;
	[tilespmem:v23+s15+$0x0] =	vst.idx.msk $0xffff, v9;
	v9 =	vmul.f32 v11, v31  }
0x1c0: {  	v11 =	vadd.s32 $0x7530, v7;
	v23 =	vadd.s32 s28, v61;
	v21 =	vld.idx.msk [tilespmem:v21+s3+$0x0], $0xffff;
	[tilespmem:v24+s15+$0x0] =	vst.idx.msk $0xffff, v8;
	v8 =	vmul.f32 v13, v31  }
0x1c1: {  	v38 =	vor.u32 $0x6300, v25;
	v13 =	vadd.s32 $0x7530, v6;
	v24 =	vadd.s32 s29, v61;
	v16 =	vld.idx.msk [tilespmem:v35+s3+$0x0], $0xffff;
	[tilespmem:v20+s15+$0x0] =	vst.idx.msk $0xffff, v9  }
0x1c2: {  	v9 =	vmul.f32 v10, v32;
	v10 =	vadd.s32 $0x7530, v5;
	v20 =	vadd.s32 s30, v61;
	v17 =	vld.idx.msk [tilespmem:v62+s3+$0x0], $0xffff;
	[tilespmem:v63+s15+$0x0] =	vst.idx.msk $0xffff, v8  }
0x1c3: {  	v33 =	vadd.s32 s1, v61;
	v15 =	vld.idx.msk [tilespmem:v15+s3+$0x0], $0xffff;
	v8 =	vmul.f32 v14, v32;
	v14 =	vadd.s32 $0x7530, v4  }
0x1c4: {  	v34 =	vadd.s32 $0x7530, v3;
	v63 =	vld [tilespmem:$0x1FE80];
	[tilespmem:v22+s15+$0x0] =	vst.idx.msk $0xffff, v9;
	v9 =	vmul.f32 v18, v32;
	v22 =	vadd.s32 s0, v61  }
0x1c5: {  	v11 =	vld.idx.msk [tilespmem:v11+s3+$0x0], $0xffff;
	[tilespmem:v23+s15+$0x0] =	vst.idx.msk $0xffff, v8;
	v8 =	vmul.f32 v21, v32;
	v21 =	vadd.s32 $0x7530, v2;
	v23 =	vadd.s32 s25, v61  }
0x1c6: {  	[tilespmem:v24+s15+$0x0] =	vst.idx.msk $0xffff, v9;
	v9 =	vor.u32 s26, v38;
	v24 =	vadd.s32 $0x7530, v1;
	v16 =	vmul.f32 v16, v32;
	v13 =	vld.idx.msk [tilespmem:v13+s3+$0x0], $0xffff  }
0x1c7: {  	v10 =	vld.idx.msk [tilespmem:v10+s3+$0x0], $0xffff;
	v17 =	vmul.f32 v17, v32;
	[tilespmem:v20+s15+$0x0] =	vst.idx.msk $0xffff, v8;
	v8 =	vadd.s32 $0x7918, v39;
	v20 =	vadd.s32 s31, v38  }
0x1c8: {  	v7 =	vadd.s32 $0x7918, v7;
	v35 =	vadd.s32 s28, v38;
	[tilespmem:v33+s15+$0x0] =	vst.idx.msk $0xffff, v16;
	v15 =	vmul.f32 v15, v32;
	v14 =	vld.idx.msk [tilespmem:v14+s3+$0x0], $0xffff  }
0x1c9: {  	v36 =	vadd.s32 s29, v38;
	v3 =	vadd.s32 $0x7918, v3;
	v6 =	vadd.s32 $0x7918, v6;
	[tilespmem:v22+s15+$0x0] =	vst.idx.msk $0xffff, v17;
	v18 =	vld.idx.msk [tilespmem:v34+s3+$0x0], $0xffff  }
0x1ca: {  	v5 =	vadd.s32 $0x7918, v5;
	v11 =	vmul.f32 v11, v0;
	[tilespmem:v23+s15+$0x0] =	vst.idx.msk $0xffff, v15;
	v15 =	vadd.s32 s30, v38;
	v37 =	vld.idx.msk [tilespmem:v21+s3+$0x0], $0xffff  }
0x1cb: {  	v4 =	vadd.s32 $0x7918, v4;
	[tilespmem:v9+s15+$0x0] =	vst.idx.msk $0xffff, v12;
	v12 =	vadd.s32 s1, v38;
	v9 =	vmul.f32 v13, v0;
	v13 =	vld.idx.msk [tilespmem:v24+s3+$0x0], $0xffff  }
0x1cc: {  	v2 =	vadd.s32 $0x7918, v2;
	v10 =	vmul.f32 v10, v0;
	[tilespmem:v20+s15+$0x0] =	vst.idx.msk $0xffff, v11;
	v8 =	vld.idx.msk [tilespmem:v8+s3+$0x0], $0xffff;
	v11 =	vadd.s32 s0, v38  }
0x1cd: {  	v39 =	vor.u32 $0x6380, v25;
	[tilespmem:v35+s15+$0x0] =	vst.idx.msk $0xffff, v9;
	v7 =	vld.idx.msk [tilespmem:v7+s3+$0x0], $0xffff;
	v9 =	vmul.f32 v14, v0;
	v14 =	vadd.s32 s25, v38  }
0x1ce: {  	v1 =	vadd.s32 $0x7918, v1;
	[tilespmem:v36+s15+$0x0] =	vst.idx.msk $0xffff, v10;
	v10 =	vor.u32 s26, v39;
	v62 =	vmul.f32 v18, v0;
	v6 =	vld.idx.msk [tilespmem:v6+s3+$0x0], $0xffff  }
0x1cf: {  	v5 =	vld.idx.msk [tilespmem:v5+s3+$0x0], $0xffff;
	[tilespmem:v15+s15+$0x0] =	vst.idx.msk $0xffff, v9;
	v9 =	vadd.s32 s31, v39;
	v15 =	vmul.f32 v37, v0  }
0x1d0: {  	[tilespmem:v12+s15+$0x0] =	vst.idx.msk $0xffff, v62;
	v12 =	vadd.s32 s28, v39;
	v4 =	vld.idx.msk [tilespmem:v4+s3+$0x0], $0xffff;
	v13 =	vmul.f32 v13, v0  }
0x1d1: {  	v3 =	vld.idx.msk [tilespmem:v3+s3+$0x0], $0xffff;
	[tilespmem:v11+s15+$0x0] =	vst.idx.msk $0xffff, v15;
	v11 =	vadd.s32 s29, v39;
	v8 =	vmul.f32 v8, v63  }
0x1d2: {  	[tilespmem:v14+s15+$0x0] =	vst.idx.msk $0xffff, v13;
	v13 =	vadd.s32 s30, v39;
	v7 =	vmul.f32 v7, v63;
	v2 =	vld.idx.msk [tilespmem:v2+s3+$0x0], $0xffff  }
0x1d3: {  	[tilespmem:v10+s15+$0x0] =	vst.idx.msk $0xffff, v8;
	v8 =	vadd.s32 s1, v39;
	v6 =	vmul.f32 v6, v63;
	v1 =	vld.idx.msk [tilespmem:v1+s3+$0x0], $0xffff  }
0x1d4: {  	s23 =	sadd.s32 $0x8, s23;
	v5 =	vmul.f32 v5, v63;
	[tilespmem:v9+s15+$0x0] =	vst.idx.msk $0xffff, v7;
	v7 =	vadd.s32 s0, v39  }
0x1d5: {  	p1 =	slt.u32 s23, $0x38;
	[tilespmem:v12+s15+$0x0] =	vst.idx.msk $0xffff, v6;
	v4 =	vmul.f32 v4, v63;
	v6 =	vadd.s32 s25, v39  }
.Ltmp0:
0x1d6: {  	v3 =	vmul.f32 v3, v63;
	[tilespmem:v11+s15+$0x0] =	vst.idx.msk $0xffff, v5;
	(pc) =	sbr.rel @p1 .LBB2_3-.Ltmp0, $4  }
0x1d7: {  	[tilespmem:v13+s15+$0x0] =	vst.idx.msk $0xffff, v4;
	v2 =	vmul.f32 v2, v63  }
0x1d8: {  	v23 =	vld [tilespmem:$0x1FFE0];
	[tilespmem:v8+s15+$0x0] =	vst.idx.msk $0xffff, v3;
	v1 =	vmul.f32 v1, v63  }
0x1d9: {  	v24 =	vld [tilespmem:$0x1FFF0];
	v14 =	vmov v41;
	v10 =	vmov v29;
	[tilespmem:v7+s15+$0x0] =	vst.idx.msk $0xffff, v2  }
0x1da: {  	s24 =	sadd.s32 $0x80, s24;
	v9 =	vmovc v28;
	v12 =	vld [tilespmem:$0x1FFD0];
	s25 =	sadd.s32 $0x400, s25;
	v11 =	vmovc v30;
	v13 =	vmov v40;
	v8 =	vmov v27;
	v7 =	vmov v26;
	[tilespmem:v6+s15+$0x0] =	vst.idx.msk $0xffff, v1  }
0x1db: {  	s0 =	smul.u32 $0x1F4000, s21;
	p1 =	sne.s32 s21, $0x18  }
.Ltmp1:
0x1dc: {  	_ = 	snop;
	(pc) =	sbr.rel @p1 .LBB2_6-.Ltmp1, $4  }
0x1dd: {  	s0 =	sadd.s32 s7, s0  }
0x1de: {  	s0 =	sshrl.u32 s0, $0x3  }
0x1df: {  	s0 =	sadd.s32 s2, s0  }
0x1e0: {  	[hbm4b:s0+s3] =	stream.linear.scatter [tilespmem:s15], [sflag:$0x3], $0x8000, $0x38;
	[tilespmem:$0x18B80] =	vst v63  }
.Ltmp2:
0x1e1: {  	(pc) =	sbr.rel .LBB2_7-.Ltmp2, $4  }
0x1e2: {  	_ = 	snop  }
0x1e3: {  	_ =	swait.ge [sflag:s16], $0x400  }
0x1e4: {  	[sflag:s16] =	ssyncset.done $0x0  }
0x1e5: {  	[sflag:s16] =	ssyncadd.s32 $0xFFFFFC00  }
.LBB2_6:
0x1e6: {  	s0 =	sshll.u32 s21, $0x8  }
.Ltmp3:
0x1e7: {  	s0 =	sadd.s32 s0, s8;
	(pc) =	sbr.rel @p0 .LBB2_8-.Ltmp3, $4  }
0x1e8: {  	[tilespmem:s12], [sflag:$0x1] =	stream.linear.gather [hbm4b:s0+s3], $0x400, $0x38;
	[tilespmem:$0x18B80] =	vst v63  }
0x1e9: {  	_ =	swait.ge [sflag:s16], $0x400  }
0x1ea: {  	[sflag:s16] =	ssyncset.done $0x0  }
0x1eb: {  	[sflag:s16] =	ssyncadd.s32 $0xFFFFFC00  }
.LBB2_7:
0x1ec: {  	_ =	swait.ge [sflag:s17], $0x8000  }
0x1ed: {  	[sflag:s17] =	ssyncset.done $0x0  }
0x1ee: {  	[sflag:s17] =	ssyncadd.s32 $0xFFFF8000  }
.LBB2_8:
0x1ef: {  	v1 =	vmov s22;
	_ =	sdelay $0x4  }
0x1f0: {  	v5 =	vld.idx.msk [tilespmem:v1+s11+$0x0], $0xffff;
	_ =	sdelay $0x2  }
0x1f1: {  	v4 =	vadd.s32 $0xC8, v1;
	_ =	sdelay $0x1  }
0x1f2: {  	[tilespmem:$0x1FA20] =	vst v5;
	v5 =	vadd.s32 $0xFA, v1;
	_ =	sdelay $0x2  }
0x1f3: {  	v4 =	vld.idx.msk [tilespmem:v4+s11+$0x0], $0xffff;
	_ =	sdelay $0x1  }
0x1f4: {  	v0 =	vadd.s32 $0x32, v1;
	v5 =	vld.idx.msk [tilespmem:v5+s11+$0x0], $0xffff  }
0x1f5: {  	v2 =	vadd.s32 $0x64, v1  }
0x1f6: {  	v3 =	vadd.s32 $0x96, v1  }
0x1f7: {  	v31 =	vld [tilespmem:$0x1FFB0];
	[tilespmem:$0x1FA60] =	vst v4;
	v4 =	vadd.s32 $0x1C2, v1  }
0x1f8: {  	v32 =	vld [tilespmem:$0x1FFC0];
	v50 =	vadd.s32 $0x44C, v1  }
0x1f9: {  	v0 =	vld.idx.msk [tilespmem:v0+s11+$0x0], $0xffff;
	[tilespmem:$0x1FA70] =	vst v5;
	v5 =	vadd.s32 $0x1F4, v1  }
0x1fa: {  	v51 =	vadd.s32 $0x47E, v1;
	v2 =	vld.idx.msk [tilespmem:v2+s11+$0x0], $0xffff  }
0x1fb: {  	v6 =	vadd.s32 $0x514, v1;
	v3 =	vld.idx.msk [tilespmem:v3+s11+$0x0], $0xffff  }
0x1fc: {  	v53 =	vadd.s32 $0x546, v1;
	v4 =	vld.idx.msk [tilespmem:v4+s11+$0x0], $0xffff  }
0x1fd: {  	v55 =	vadd.s32 $0x578, v1;
	v52 =	vld.idx.msk [tilespmem:v50+s11+$0x0], $0xffff  }
0x1fe: {  	v5 =	vld.idx.msk [tilespmem:v5+s11+$0x0], $0xffff  }
0x1ff: {  	v54 =	vld.idx.msk [tilespmem:v51+s11+$0x0], $0xffff  }
0x200: {  	v58 =	vld.idx.msk [tilespmem:v6+s11+$0x0], $0xffff  }
0x201: {  	v59 =	vld.idx.msk [tilespmem:v53+s11+$0x0], $0xffff;
	[tilespmem:$0x1FAB0] =	vst v4;
	v4 =	vadd.s32 $0x2BC, v1  }
0x202: {  	v60 =	vld.idx.msk [tilespmem:v55+s11+$0x0], $0xffff  }
0x203: {  	v50 =	vld [tilespmem:$0x1FF10];
	[tilespmem:$0x1FAC0] =	vst v5;
	v5 =	vadd.s32 $0x2EE, v1  }
0x204: {  	v36 =	vadd.s32 $0x12C, v1;
	v51 =	vld [tilespmem:$0x1FF20]  }
0x205: {  	v37 =	vadd.s32 $0x15E, v1;
	v53 =	vld [tilespmem:$0x1FF40]  }
0x206: {  	v42 =	vadd.s32 $0x190, v1;
	v4 =	vld.idx.msk [tilespmem:v4+s11+$0x0], $0xffff  }
0x207: {  	v55 =	vld [tilespmem:$0x1FF60]  }
0x208: {  	[tilespmem:$0x1FA30] =	vst v0;
	v5 =	vld.idx.msk [tilespmem:v5+s11+$0x0], $0xffff  }
0x209: {  	[tilespmem:$0x1FA40] =	vst v2;
	v0 =	vld.idx.msk [tilespmem:v36+s11+$0x0], $0xffff  }
0x20a: {  	[tilespmem:$0x1FA50] =	vst v3;
	v2 =	vld.idx.msk [tilespmem:v37+s11+$0x0], $0xffff  }
0x20b: {  	v3 =	vld.idx.msk [tilespmem:v42+s11+$0x0], $0xffff;
	[tilespmem:$0x1FB00] =	vst v4;
	v4 =	vadd.s32 $0x3B6, v1  }
0x20c: {  	[tilespmem:$0x1FB80] =	vst v52;
	v42 =	vld [tilespmem:$0x1FE90]  }
0x20d: {  	v52 =	vld [tilespmem:$0x1FF30];
	[tilespmem:$0x1FB10] =	vst v5;
	v5 =	vadd.s32 $0x3E8, v1  }
0x20e: {  	v43 =	vadd.s32 $0x226, v1;
	[tilespmem:$0x1FB90] =	vst v54;
	v54 =	vld [tilespmem:$0x1FF50]  }
0x20f: {  	v44 =	vadd.s32 $0x258, v1;
	[tilespmem:$0x1FBC0] =	vst v58;
	v58 =	vld [tilespmem:$0x1FF90]  }
0x210: {  	v45 =	vadd.s32 $0x28A, v1;
	v4 =	vld.idx.msk [tilespmem:v4+s11+$0x0], $0xffff  }
0x211: {  	[tilespmem:$0x1FBD0] =	vst v59;
	v59 =	vld [tilespmem:$0x1FFA0]  }
0x212: {  	[tilespmem:$0x1FA80] =	vst v0;
	v5 =	vld.idx.msk [tilespmem:v5+s11+$0x0], $0xffff  }
0x213: {  	v46 =	vadd.s32 $0x320, v1;
	[tilespmem:$0x1FA90] =	vst v2;
	v0 =	vld.idx.msk [tilespmem:v43+s11+$0x0], $0xffff  }
0x214: {  	v47 =	vadd.s32 $0x352, v1;
	[tilespmem:$0x1FAA0] =	vst v3;
	v2 =	vld.idx.msk [tilespmem:v44+s11+$0x0], $0xffff  }
0x215: {  	v3 =	vld.idx.msk [tilespmem:v45+s11+$0x0], $0xffff;
	[tilespmem:$0x1FB50] =	vst v4;
	v4 =	vadd.s32 $0x4B0, v1  }
0x216: {  	v48 =	vadd.s32 $0x384, v1;
	v43 =	vld [tilespmem:$0x1FEA0]  }
0x217: {  	v44 =	vld [tilespmem:$0x1FEB0];
	[tilespmem:$0x1FB60] =	vst v5;
	v5 =	vadd.s32 $0x4E2, v1  }
0x218: {  	v49 =	vadd.s32 $0x41A, v1;
	[tilespmem:$0x1FAD0] =	vst v0;
	v0 =	vld.idx.msk [tilespmem:v46+s11+$0x0], $0xffff  }
0x219: {  	[tilespmem:$0x1FAE0] =	vst v2;
	v2 =	vld.idx.msk [tilespmem:v47+s11+$0x0], $0xffff  }
0x21a: {  	v56 =	vld.idx.msk [tilespmem:v4+s11+$0x0], $0xffff;
	v4 =	vadd.s32 $0x5AA, v1  }
0x21b: {  	[tilespmem:$0x1FAF0] =	vst v3;
	v3 =	vld.idx.msk [tilespmem:v48+s11+$0x0], $0xffff  }
0x21c: {  	v57 =	vld.idx.msk [tilespmem:v5+s11+$0x0], $0xffff;
	v5 =	vadd.s32 $0x5DC, v1  }
0x21d: {  	[tilespmem:$0x1FB20] =	vst v0;
	v0 =	vld.idx.msk [tilespmem:v49+s11+$0x0], $0xffff;
	v1 =	vadd.s32 $0x60E, v1  }
0x21e: {  	v45 =	vld [tilespmem:$0x1FEC0]  }
0x21f: {  	[tilespmem:$0x1FBE0] =	vst v60;
	v61 =	vld.idx.msk [tilespmem:v4+s11+$0x0], $0xffff  }
0x220: {  	v46 =	vld [tilespmem:$0x1FED0];
	[tilespmem:$0x1FB30] =	vst v2  }
0x221: {  	[tilespmem:$0x1FB40] =	vst v3;
	v62 =	vld.idx.msk [tilespmem:v5+s11+$0x0], $0xffff  }
0x222: {  	[tilespmem:$0x1FB70] =	vst v0;
	v63 =	vld.idx.msk [tilespmem:v1+s11+$0x0], $0xffff  }
0x223: {  	v47 =	vld [tilespmem:$0x1FEE0];
	[tilespmem:$0x1FBA0] =	vst v56  }
0x224: {  	v48 =	vld [tilespmem:$0x1FEF0];
	[tilespmem:$0x1FBF0] =	vst v61  }
0x225: {  	v49 =	vld [tilespmem:$0x1FF00];
	[tilespmem:$0x1FBB0] =	vst v57  }
0x226: {  	v56 =	vld [tilespmem:$0x1FF70];
	[tilespmem:$0x1FC00] =	vst v62  }
0x227: {  	s23 =	simm.s32 $0xFFFFFFF8;
	s24 =	simm.s32 $0x70;
	s25 =	simm.s32 $0x70;
	v57 =	vld [tilespmem:$0x1FF80];
	[tilespmem:$0x1FC10] =	vst v63  }
.LBB2_9:
0x228: {  	_ = 	snop  }
0x229: {  	s0 =	sadd.s32 $0xFFFFFF90, s24  }
0x22a: {  	v1 =	vmov s0  }
0x22b: {  	v1 =	vshrl.u32 v1, $0x7  }
0x22c: {  	v1 =	vshll.u32 v1, v12  }
0x22d: {  	v1 =	vbroadcast v1, $0x0;
	_ =	sdelay $0x1  }
0x22e: {  	v1 =	vor.u32 v25, v1;
	_ =	sdelay $0x4  }
0x22f: {  	v1 =	vld.idx.msk [tilespmem:v1+s13+$0x0], $0xffff;
	_ =	sdelay $0x6  }
0x230: {  	v33 =	vld [tilespmem:$0x1FA20]  }
0x231: {  	v2 =	vld.idx.msk [tilespmem:v1+s3+$0x0], $0xffff  }
0x232: {  	s26 =	sadd.s32 $0xFFFFFF90, s25  }
0x233: {  	v3 =	vor.u32 s26, v25  }
0x234: {  	v4 =	vadd.s32 $0x3E8, v1;
	_ =	sdelay $0x1  }
0x235: {  	v2 =	vmul.f32 v2, v33;
	_ =	sdelay $0x1  }
0x236: {  	v34 =	vld [tilespmem:$0x1FA30];
	[tilespmem:v3+s18+$0x0] =	vst.idx.msk $0xffff, v2  }
0x237: {  	v2 =	vld.idx.msk [tilespmem:v4+s3+$0x0], $0xffff;
	_ =	sdelay $0x1  }
0x238: {  	v61 =	vor.u32 s26, v23  }
0x239: {  	v4 =	vadd.s32 $0x7D0, v1;
	_ =	sdelay $0x1  }
0x23a: {  	v2 =	vmul.f32 v2, v34;
	_ =	sdelay $0x1  }
0x23b: {  	v35 =	vld [tilespmem:$0x1FA40];
	[tilespmem:v61+s18+$0x0] =	vst.idx.msk $0xffff, v2  }
0x23c: {  	v2 =	vld.idx.msk [tilespmem:v4+s3+$0x0], $0xffff;
	_ =	sdelay $0x1  }
0x23d: {  	v62 =	vor.u32 s26, v24  }
0x23e: {  	v4 =	vadd.s32 $0xBB8, v1;
	_ =	sdelay $0x1  }
0x23f: {  	v2 =	vmul.f32 v2, v35;
	_ =	sdelay $0x1  }
0x240: {  	v0 =	vld [tilespmem:$0x1FA50];
	[tilespmem:v62+s18+$0x0] =	vst.idx.msk $0xffff, v2  }
0x241: {  	v2 =	vld.idx.msk [tilespmem:v4+s3+$0x0], $0xffff;
	_ =	sdelay $0x1  }
0x242: {  	v63 =	vor.u32 s26, v7  }
0x243: {  	v4 =	vadd.s32 $0xFA0, v1;
	_ =	sdelay $0x1  }
0x244: {  	v2 =	vmul.f32 v2, v0;
	_ =	sdelay $0x1  }
0x245: {  	v36 =	vld [tilespmem:$0x1FA60];
	[tilespmem:v63+s18+$0x0] =	vst.idx.msk $0xffff, v2  }
0x246: {  	v2 =	vld.idx.msk [tilespmem:v4+s3+$0x0], $0xffff;
	_ =	sdelay $0x1  }
0x247: {  	v16 =	vor.u32 s26, v8  }
0x248: {  	v4 =	vadd.s32 $0x1388, v1;
	_ =	sdelay $0x1  }
0x249: {  	v2 =	vmul.f32 v2, v36;
	_ =	sdelay $0x1  }
0x24a: {  	v37 =	vld [tilespmem:$0x1FA70];
	[tilespmem:v16+s18+$0x0] =	vst.idx.msk $0xffff, v2  }
0x24b: {  	v2 =	vld.idx.msk [tilespmem:v4+s3+$0x0], $0xffff;
	_ =	sdelay $0x1  }
0x24c: {  	v17 =	vor.u32 s26, v9  }
0x24d: {  	v4 =	vadd.s32 $0x1770, v1;
	_ =	sdelay $0x1  }
0x24e: {  	v2 =	vmul.f32 v2, v37;
	_ =	sdelay $0x1  }
0x24f: {  	v60 =	vld [tilespmem:$0x1FA80];
	[tilespmem:v17+s18+$0x0] =	vst.idx.msk $0xffff, v2  }
0x250: {  	v2 =	vld.idx.msk [tilespmem:v4+s3+$0x0], $0xffff;
	_ =	sdelay $0x1  }
0x251: {  	v18 =	vor.u32 s26, v10  }
0x252: {  	v4 =	vadd.s32 $0x1B58, v1;
	_ =	sdelay $0x1  }
0x253: {  	v2 =	vmul.f32 v2, v60;
	_ =	sdelay $0x1  }
0x254: {  	v61 =	vld [tilespmem:$0x1FA90];
	[tilespmem:v18+s18+$0x0] =	vst.idx.msk $0xffff, v2  }
0x255: {  	v2 =	vld.idx.msk [tilespmem:v4+s3+$0x0], $0xffff;
	_ =	sdelay $0x1  }
0x256: {  	v19 =	vor.u32 s26, v11  }
0x257: {  	v4 =	vadd.s32 $0x1F40, v1;
	_ =	sdelay $0x1  }
0x258: {  	v2 =	vmul.f32 v2, v61;
	_ =	sdelay $0x1  }
0x259: {  	v62 =	vld [tilespmem:$0x1FAA0];
	[tilespmem:v19+s18+$0x0] =	vst.idx.msk $0xffff, v2  }
0x25a: {  	v2 =	vld.idx.msk [tilespmem:v4+s3+$0x0], $0xffff  }
0x25b: {  	s31 =	sadd.s32 $0xFFFFFFA0, s24  }
0x25c: {  	v8 =	vld [tilespmem:$0x1FC20];
	v16 =	vor.u32 s26, v13;
	v17 =	vmov s31  }
0x25d: {  	v3 =	vshrl.u32 v17, $0x7;
	v4 =	vadd.s32 $0x2328, v1  }
0x25e: {  	v3 =	vshll.u32 v3, v12  }
0x25f: {  	v3 =	vbroadcast v3, $0x0;
	v2 =	vmul.f32 v2, v62;
	_ =	sdelay $0x1  }
0x260: {  	s1 =	sadd.s32 $0xFFFFFFB0, s24;
	v3 =	vor.u32 v8, v3;
	v8 =	vld [tilespmem:$0x1FC30];
	[tilespmem:v16+s18+$0x0] =	vst.idx.msk $0xffff, v2  }
0x261: {  	v2 =	vld.idx.msk [tilespmem:v4+s3+$0x0], $0xffff;
	v4 =	vmov s1  }
0x262: {  	v4 =	vshrl.u32 v4, $0x7  }
0x263: {  	v4 =	vshll.u32 v4, v12  }
0x264: {  	v4 =	vbroadcast v4, $0x0  }
0x265: {  	s28 =	sadd.s32 $0xFFFFFFC0, s24  }
0x266: {  	v5 =	vmov s28;
	v4 =	vor.u32 v8, v4;
	v8 =	vld [tilespmem:$0x1FC40]  }
0x267: {  	v5 =	vshrl.u32 v5, $0x7  }
0x268: {  	v5 =	vshll.u32 v5, v12  }
0x269: {  	s29 =	sadd.s32 $0xFFFFFFD0, s24;
	v5 =	vbroadcast v5, $0x0;
	v63 =	vld [tilespmem:$0x1FAB0]  }
0x26a: {  	s30 =	sadd.s32 $0xFFFFFFE0, s24;
	v6 =	vor.u32 s26, v14;
	v7 =	vmov s29;
	v11 =	vld [tilespmem:$0x1FC50]  }
0x26b: {  	v7 =	vshrl.u32 v7, $0x7;
	s31 =	sadd.s32 $0xFFFFFFF0, s24;
	v18 =	vld [tilespmem:$0x1FC60];
	v5 =	vor.u32 v8, v5;
	v8 =	vmov s30  }
0x26c: {  	v7 =	vshll.u32 v7, v12;
	v9 =	vmov s31;
	v19 =	vld [tilespmem:$0x1FC70];
	v8 =	vshrl.u32 v8, $0x7  }
0x26d: {  	v7 =	vbroadcast v7, $0x0;
	v9 =	vshrl.u32 v9, $0x7;
	v8 =	vshll.u32 v8, v12  }
0x26e: {  	v9 =	vshll.u32 v9, v12;
	v2 =	vmul.f32 v2, v63;
	v8 =	vbroadcast v8, $0x0  }
0x26f: {  	v11 =	vor.u32 v11, v7;
	v7 =	vbroadcast v9, $0x0  }
0x270: {  	[tilespmem:v6+s18+$0x0] =	vst.idx.msk $0xffff, v2;
	v2 =	vor.u32 v18, v8;
	v8 =	vld.idx.msk [tilespmem:v3+s13+$0x0], $0xffff  }
0x271: {  	v3 =	vor.u32 v19, v7;
	v7 =	vld.idx.msk [tilespmem:v4+s13+$0x0], $0xffff  }
0x272: {  	v10 =	vmov s24;
	v4 =	vld [tilespmem:$0x1FC80]  }
0x273: {  	v10 =	vshrl.u32 v10, $0x7  }
0x274: {  	v9 =	vshll.u32 v10, v12  }
0x275: {  	v6 =	vbroadcast v9, $0x0;
	_ =	sdelay $0x1  }
0x276: {  	v9 =	vor.u32 v4, v6;
	v6 =	vld.idx.msk [tilespmem:v5+s13+$0x0], $0xffff  }
0x277: {  	v5 =	vld.idx.msk [tilespmem:v11+s13+$0x0], $0xffff  }
0x278: {  	v4 =	vld.idx.msk [tilespmem:v2+s13+$0x0], $0xffff  }
0x279: {  	v3 =	vld.idx.msk [tilespmem:v3+s13+$0x0], $0xffff  }
0x27a: {  	v10 =	vld.idx.msk [tilespmem:v7+s3+$0x0], $0xffff  }
0x27b: {  	s0 =	sadd.s32 $0xFFFFFFB0, s25;
	v2 =	vld.idx.msk [tilespmem:v9+s13+$0x0], $0xffff  }
0x27c: {  	v14 =	vor.u32 s0, v25;
	v9 =	vld.idx.msk [tilespmem:v8+s3+$0x0], $0xffff  }
0x27d: {  	s29 =	sadd.s32 $0xFFFFFFA0, s25;
	v16 =	vadd.s32 $0x3E8, v7  }
0x27e: {  	v11 =	vor.u32 s29, v25;
	v12 =	vld.idx.msk [tilespmem:v6+s3+$0x0], $0xffff  }
0x27f: {  	s1 =	sadd.s32 $0xFFFFFFC0, s25;
	v13 =	vadd.s32 $0x3E8, v8;
	v15 =	vld.idx.msk [tilespmem:v5+s3+$0x0], $0xffff;
	v10 =	vmul.f32 v10, v33  }
0x280: {  	s28 =	sadd.s32 $0xFFFFFFD0, s25;
	v17 =	vor.u32 s1, v25;
	v18 =	vld.idx.msk [tilespmem:v4+s3+$0x0], $0xffff  }
0x281: {  	v20 =	vor.u32 s28, v25;
	v21 =	vld.idx.msk [tilespmem:v3+s3+$0x0], $0xffff;
	v9 =	vmul.f32 v9, v33;
	[tilespmem:v14+s18+$0x0] =	vst.idx.msk $0xffff, v10  }
0x282: {  	s30 =	sadd.s32 $0xFFFFFFE0, s25;
	v19 =	vadd.s32 $0x3E8, v6;
	v16 =	vld.idx.msk [tilespmem:v16+s3+$0x0], $0xffff  }
0x283: {  	s31 =	sadd.s32 $0xFFFFFFF0, s25;
	v23 =	vor.u32 s30, v25;
	[tilespmem:v11+s18+$0x0] =	vst.idx.msk $0xffff, v9;
	v24 =	vld.idx.msk [tilespmem:v2+s3+$0x0], $0xffff;
	v9 =	vmul.f32 v12, v33  }
0x284: {  	v12 =	vor.u32 s31, v25;
	v13 =	vld.idx.msk [tilespmem:v13+s3+$0x0], $0xffff;
	v10 =	vmul.f32 v15, v33  }
0x285: {  	[tilespmem:v17+s18+$0x0] =	vst.idx.msk $0xffff, v9;
	v9 =	vmul.f32 v18, v33;
	v18 =	vld [tilespmem:$0x1FFE0]  }
0x286: {  	v22 =	vadd.s32 $0x3E8, v5;
	[tilespmem:v20+s18+$0x0] =	vst.idx.msk $0xffff, v10;
	v10 =	vmul.f32 v21, v33;
	v21 =	vld [tilespmem:$0x1FFE0]  }
0x287: {  	v11 =	vadd.s32 $0x3E8, v4;
	v19 =	vld.idx.msk [tilespmem:v19+s3+$0x0], $0xffff  }
0x288: {  	v14 =	vadd.s32 $0x3E8, v3;
	v15 =	vor.u32 s25, v25;
	[tilespmem:v23+s18+$0x0] =	vst.idx.msk $0xffff, v9;
	v9 =	vmul.f32 v24, v33;
	v24 =	vld [tilespmem:$0x1FFE0]  }
0x289: {  	v17 =	vadd.s32 $0x3E8, v2;
	[tilespmem:v12+s18+$0x0] =	vst.idx.msk $0xffff, v10;
	v10 =	vmul.f32 v13, v34;
	v13 =	vld [tilespmem:$0x1FFE0]  }
0x28a: {  	v33 =	vld [tilespmem:$0x1FFE0];
	v18 =	vadd.s32 s29, v18  }
0x28b: {  	v22 =	vld.idx.msk [tilespmem:v22+s3+$0x0], $0xffff;
	v21 =	vadd.s32 s0, v21  }
0x28c: {  	v20 =	vadd.s32 $0x7D0, v8;
	v11 =	vld.idx.msk [tilespmem:v11+s3+$0x0], $0xffff  }
0x28d: {  	v23 =	vadd.s32 $0x7D0, v7;
	v14 =	vld.idx.msk [tilespmem:v14+s3+$0x0], $0xffff;
	[tilespmem:v15+s18+$0x0] =	vst.idx.msk $0xffff, v9  }
0x28e: {  	v9 =	vmul.f32 v16, v34;
	v17 =	vld.idx.msk [tilespmem:v17+s3+$0x0], $0xffff;
	v24 =	vadd.s32 s1, v24  }
0x28f: {  	v13 =	vadd.s32 s28, v13;
	v16 =	vadd.s32 s30, v33;
	v33 =	vld [tilespmem:$0x1FFE0];
	[tilespmem:v18+s18+$0x0] =	vst.idx.msk $0xffff, v10  }
0x290: {  	[tilespmem:v21+s18+$0x0] =	vst.idx.msk $0xffff, v9;
	v9 =	vmul.f32 v22, v34;
	v22 =	vld [tilespmem:$0x1FFE0]  }
0x291: {  	v10 =	vmul.f32 v19, v34;
	v20 =	vld.idx.msk [tilespmem:v20+s3+$0x0], $0xffff  }
0x292: {  	v23 =	vld.idx.msk [tilespmem:v23+s3+$0x0], $0xffff  }
0x293: {  	v12 =	vadd.s32 $0x7D0, v6;
	[tilespmem:v24+s18+$0x0] =	vst.idx.msk $0xffff, v10;
	v24 =	vld [tilespmem:$0x1FFF0]  }
0x294: {  	v15 =	vadd.s32 $0x7D0, v5;
	[tilespmem:v13+s18+$0x0] =	vst.idx.msk $0xffff, v9;
	v9 =	vmul.f32 v14, v34;
	v14 =	vld [tilespmem:$0x1FFF0];
	_ =	sdelay $0x1  }
0x295: {  	v19 =	vadd.s32 s31, v33  }
0x296: {  	v22 =	vadd.s32 s25, v22  }
0x297: {  	v10 =	vmul.f32 v11, v34;
	v12 =	vld.idx.msk [tilespmem:v12+s3+$0x0], $0xffff;
	v24 =	vadd.s32 s29, v24  }
0x298: {  	v15 =	vld.idx.msk [tilespmem:v15+s3+$0x0], $0xffff;
	v14 =	vadd.s32 s0, v14  }
0x299: {  	v18 =	vadd.s32 $0x7D0, v4;
	[tilespmem:v16+s18+$0x0] =	vst.idx.msk $0xffff, v10;
	v10 =	vmul.f32 v17, v34;
	v34 =	vld [tilespmem:$0x1FFF0]  }
0x29a: {  	v21 =	vadd.s32 $0x7D0, v3;
	[tilespmem:v19+s18+$0x0] =	vst.idx.msk $0xffff, v9;
	v9 =	vmul.f32 v20, v35;
	v20 =	vld [tilespmem:$0x1FFF0]  }
0x29b: {  	v11 =	vadd.s32 $0x7D0, v2;
	[tilespmem:v22+s18+$0x0] =	vst.idx.msk $0xffff, v10;
	v10 =	vmul.f32 v23, v35;
	v23 =	vld [tilespmem:$0x1FFF0]  }
0x29c: {  	[tilespmem:v24+s18+$0x0] =	vst.idx.msk $0xffff, v9;
	v24 =	vld [tilespmem:$0x1FFF0]  }
0x29d: {  	v13 =	vadd.s32 $0xBB8, v8;
	[tilespmem:v14+s18+$0x0] =	vst.idx.msk $0xffff, v10;
	v10 =	vmul.f32 v15, v35;
	v15 =	vld [tilespmem:$0x1FFF0]  }
0x29e: {  	v16 =	vadd.s32 $0xBB8, v7;
	v18 =	vld.idx.msk [tilespmem:v18+s3+$0x0], $0xffff;
	v17 =	vadd.s32 s1, v34  }
0x29f: {  	v33 =	vadd.s32 $0xBB8, v6;
	v21 =	vld.idx.msk [tilespmem:v21+s3+$0x0], $0xffff;
	v20 =	vadd.s32 s28, v20  }
0x2a0: {  	v22 =	vadd.s32 $0xBB8, v5;
	v11 =	vld.idx.msk [tilespmem:v11+s3+$0x0], $0xffff;
	v23 =	vadd.s32 s30, v23  }
0x2a1: {  	v9 =	vmul.f32 v12, v35;
	v12 =	vadd.s32 $0xBB8, v4;
	v24 =	vadd.s32 s31, v24  }
0x2a2: {  	v14 =	vadd.s32 $0xBB8, v3;
	v13 =	vld.idx.msk [tilespmem:v13+s3+$0x0], $0xffff;
	v15 =	vadd.s32 s25, v15  }
0x2a3: {  	v16 =	vld.idx.msk [tilespmem:v16+s3+$0x0], $0xffff;
	[tilespmem:v17+s18+$0x0] =	vst.idx.msk $0xffff, v9;
	v9 =	vmul.f32 v18, v35;
	v17 =	vadd.s32 $0xBB8, v2  }
0x2a4: {  	v34 =	vadd.s32 s29, v26;
	v19 =	vld.idx.msk [tilespmem:v33+s3+$0x0], $0xffff;
	[tilespmem:v20+s18+$0x0] =	vst.idx.msk $0xffff, v10;
	v10 =	vmul.f32 v21, v35  }
0x2a5: {  	v20 =	vadd.s32 $0xFA0, v8;
	v21 =	vadd.s32 s0, v26;
	v22 =	vld.idx.msk [tilespmem:v22+s3+$0x0], $0xffff;
	[tilespmem:v23+s18+$0x0] =	vst.idx.msk $0xffff, v9;
	v9 =	vmul.f32 v11, v35  }
0x2a6: {  	v11 =	vadd.s32 $0xFA0, v7;
	v23 =	vadd.s32 s1, v26;
	v12 =	vld.idx.msk [tilespmem:v12+s3+$0x0], $0xffff;
	[tilespmem:v24+s18+$0x0] =	vst.idx.msk $0xffff, v10  }
0x2a7: {  	v10 =	vmul.f32 v13, v0;
	v13 =	vadd.s32 $0xFA0, v6;
	v24 =	vadd.s32 s28, v26;
	[tilespmem:v15+s18+$0x0] =	vst.idx.msk $0xffff, v9;
	v14 =	vld.idx.msk [tilespmem:v14+s3+$0x0], $0xffff  }
0x2a8: {  	v33 =	vadd.s32 s30, v26;
	v9 =	vmul.f32 v16, v0;
	v15 =	vadd.s32 $0xFA0, v5;
	v17 =	vld.idx.msk [tilespmem:v17+s3+$0x0], $0xffff  }
0x2a9: {  	v35 =	vadd.s32 s31, v26;
	[tilespmem:v34+s18+$0x0] =	vst.idx.msk $0xffff, v10;
	v10 =	vmul.f32 v19, v0;
	v34 =	vadd.s32 $0xFA0, v4  }
0x2aa: {  	[tilespmem:v21+s18+$0x0] =	vst.idx.msk $0xffff, v9;
	v9 =	vmul.f32 v22, v0;
	v21 =	vadd.s32 $0xFA0, v3;
	v22 =	vadd.s32 s25, v26;
	v20 =	vld.idx.msk [tilespmem:v20+s3+$0x0], $0xffff  }
0x2ab: {  	v11 =	vld.idx.msk [tilespmem:v11+s3+$0x0], $0xffff;
	[tilespmem:v23+s18+$0x0] =	vst.idx.msk $0xffff, v10;
	v10 =	vmul.f32 v12, v0;
	v12 =	vadd.s32 $0xFA0, v2  }
0x2ac: {  	v23 =	vadd.s32 s29, v27;
	v13 =	vld.idx.msk [tilespmem:v13+s3+$0x0], $0xffff;
	[tilespmem:v24+s18+$0x0] =	vst.idx.msk $0xffff, v9;
	v9 =	vmul.f32 v14, v0  }
0x2ad: {  	v24 =	vadd.s32 s0, v27;
	v14 =	vadd.s32 $0x1388, v8;
	v15 =	vld.idx.msk [tilespmem:v15+s3+$0x0], $0xffff;
	[tilespmem:v33+s18+$0x0] =	vst.idx.msk $0xffff, v10;
	v10 =	vmul.f32 v17, v0  }
0x2ae: {  	v0 =	vadd.s32 $0x1388, v7;
	v33 =	vadd.s32 s1, v27;
	v18 =	vld.idx.msk [tilespmem:v34+s3+$0x0], $0xffff;
	[tilespmem:v35+s18+$0x0] =	vst.idx.msk $0xffff, v9  }
0x2af: {  	v34 =	vadd.s32 $0x1388, v6;
	v9 =	vmul.f32 v20, v36;
	v20 =	vadd.s32 s28, v27;
	[tilespmem:v22+s18+$0x0] =	vst.idx.msk $0xffff, v10;
	v21 =	vld.idx.msk [tilespmem:v21+s3+$0x0], $0xffff  }
0x2b0: {  	v10 =	vmul.f32 v11, v36;
	v11 =	vadd.s32 $0x1388, v5;
	v22 =	vadd.s32 s30, v27;
	v12 =	vld.idx.msk [tilespmem:v12+s3+$0x0], $0xffff  }
0x2b1: {  	[tilespmem:v23+s18+$0x0] =	vst.idx.msk $0xffff, v9;
	v9 =	vmul.f32 v13, v36;
	v13 =	vadd.s32 $0x1388, v4;
	v23 =	vadd.s32 s31, v27  }
0x2b2: {  	[tilespmem:v24+s18+$0x0] =	vst.idx.msk $0xffff, v10;
	v24 =	vadd.s32 s25, v27;
	v14 =	vld.idx.msk [tilespmem:v14+s3+$0x0], $0xffff;
	v10 =	vmul.f32 v15, v36;
	v15 =	vadd.s32 $0x1388, v3  }
0x2b3: {  	v35 =	vadd.s32 $0x1388, v2;
	v16 =	vld.idx.msk [tilespmem:v0+s3+$0x0], $0xffff;
	[tilespmem:v33+s18+$0x0] =	vst.idx.msk $0xffff, v9;
	v9 =	vmul.f32 v18, v36  }
0x2b4: {  	v0 =	vadd.s32 s29, v28;
	v19 =	vld.idx.msk [tilespmem:v34+s3+$0x0], $0xffff;
	[tilespmem:v20+s18+$0x0] =	vst.idx.msk $0xffff, v10;
	v10 =	vmul.f32 v21, v36  }
0x2b5: {  	v20 =	vadd.s32 $0x1770, v8;
	v21 =	vadd.s32 s0, v28;
	v11 =	vld.idx.msk [tilespmem:v11+s3+$0x0], $0xffff;
	[tilespmem:v22+s18+$0x0] =	vst.idx.msk $0xffff, v9;
	v9 =	vmul.f32 v12, v36  }
0x2b6: {  	v12 =	vadd.s32 $0x1770, v7;
	v22 =	vadd.s32 s1, v28;
	v13 =	vld.idx.msk [tilespmem:v13+s3+$0x0], $0xffff;
	[tilespmem:v23+s18+$0x0] =	vst.idx.msk $0xffff, v10  }
0x2b7: {  	v10 =	vmul.f32 v14, v37;
	v14 =	vadd.s32 $0x1770, v6;
	v23 =	vadd.s32 s28, v28;
	[tilespmem:v24+s18+$0x0] =	vst.idx.msk $0xffff, v9;
	v15 =	vld.idx.msk [tilespmem:v15+s3+$0x0], $0xffff  }
0x2b8: {  	v33 =	vadd.s32 $0x1770, v5;
	v9 =	vmul.f32 v16, v37;
	v24 =	vadd.s32 s30, v28;
	v17 =	vld.idx.msk [tilespmem:v35+s3+$0x0], $0xffff  }
0x2b9: {  	v34 =	vadd.s32 $0x1770, v4;
	v35 =	vadd.s32 s31, v28;
	[tilespmem:v0+s18+$0x0] =	vst.idx.msk $0xffff, v10;
	v10 =	vmul.f32 v19, v37  }
0x2ba: {  	v20 =	vld.idx.msk [tilespmem:v20+s3+$0x0], $0xffff;
	[tilespmem:v21+s18+$0x0] =	vst.idx.msk $0xffff, v9;
	v9 =	vmul.f32 v11, v37;
	v11 =	vadd.s32 $0x1770, v3;
	v21 =	vadd.s32 s25, v28  }
0x2bb: {  	v12 =	vld.idx.msk [tilespmem:v12+s3+$0x0], $0xffff;
	[tilespmem:v22+s18+$0x0] =	vst.idx.msk $0xffff, v10;
	v10 =	vmul.f32 v13, v37;
	v13 =	vadd.s32 $0x1770, v2  }
0x2bc: {  	v22 =	vadd.s32 s29, v29;
	v14 =	vld.idx.msk [tilespmem:v14+s3+$0x0], $0xffff;
	[tilespmem:v23+s18+$0x0] =	vst.idx.msk $0xffff, v9;
	v9 =	vmul.f32 v15, v37  }
0x2bd: {  	v23 =	vadd.s32 s0, v29;
	v15 =	vadd.s32 $0x1B58, v8;
	v16 =	vld.idx.msk [tilespmem:v33+s3+$0x0], $0xffff;
	[tilespmem:v24+s18+$0x0] =	vst.idx.msk $0xffff, v10;
	v10 =	vmul.f32 v17, v37  }
0x2be: {  	v36 =	vadd.s32 $0x1B58, v7;
	v24 =	vadd.s32 s1, v29;
	v18 =	vld.idx.msk [tilespmem:v34+s3+$0x0], $0xffff;
	[tilespmem:v35+s18+$0x0] =	vst.idx.msk $0xffff, v9  }
0x2bf: {  	v37 =	vadd.s32 $0x1B58, v6;
	v9 =	vmul.f32 v20, v60;
	v20 =	vadd.s32 s28, v29;
	[tilespmem:v21+s18+$0x0] =	vst.idx.msk $0xffff, v10;
	v11 =	vld.idx.msk [tilespmem:v11+s3+$0x0], $0xffff  }
0x2c0: {  	v21 =	vadd.s32 s30, v29;
	v10 =	vmul.f32 v12, v60;
	v12 =	vadd.s32 $0x1B58, v5;
	v13 =	vld.idx.msk [tilespmem:v13+s3+$0x0], $0xffff  }
0x2c1: {  	[tilespmem:v22+s18+$0x0] =	vst.idx.msk $0xffff, v9;
	v9 =	vmul.f32 v14, v60;
	v14 =	vadd.s32 $0x1B58, v4;
	v22 =	vadd.s32 s31, v29  }
0x2c2: {  	v0 =	vadd.s32 $0x1B58, v3;
	v15 =	vld.idx.msk [tilespmem:v15+s3+$0x0], $0xffff;
	[tilespmem:v23+s18+$0x0] =	vst.idx.msk $0xffff, v10;
	v10 =	vmul.f32 v16, v60;
	v23 =	vadd.s32 s25, v29  }
0x2c3: {  	v33 =	vadd.s32 $0x1B58, v2;
	v17 =	vld.idx.msk [tilespmem:v36+s3+$0x0], $0xffff;
	[tilespmem:v24+s18+$0x0] =	vst.idx.msk $0xffff, v9;
	v9 =	vmul.f32 v18, v60  }
0x2c4: {  	v24 =	vadd.s32 s29, v30;
	v19 =	vld.idx.msk [tilespmem:v37+s3+$0x0], $0xffff;
	[tilespmem:v20+s18+$0x0] =	vst.idx.msk $0xffff, v10;
	v10 =	vmul.f32 v11, v60  }
0x2c5: {  	v20 =	vadd.s32 s0, v30;
	v11 =	vadd.s32 $0x1F40, v8;
	v12 =	vld.idx.msk [tilespmem:v12+s3+$0x0], $0xffff;
	[tilespmem:v21+s18+$0x0] =	vst.idx.msk $0xffff, v9;
	v9 =	vmul.f32 v13, v60  }
0x2c6: {  	v13 =	vadd.s32 $0x1F40, v7;
	v21 =	vadd.s32 s1, v30;
	v14 =	vld.idx.msk [tilespmem:v14+s3+$0x0], $0xffff;
	[tilespmem:v22+s18+$0x0] =	vst.idx.msk $0xffff, v10  }
0x2c7: {  	v10 =	vmul.f32 v15, v61;
	v15 =	vadd.s32 $0x1F40, v6;
	v22 =	vadd.s32 s28, v30;
	[tilespmem:v23+s18+$0x0] =	vst.idx.msk $0xffff, v9;
	v16 =	vld.idx.msk [tilespmem:v0+s3+$0x0], $0xffff  }
0x2c8: {  	v34 =	vadd.s32 $0x1F40, v5;
	v23 =	vadd.s32 s30, v30;
	v9 =	vmul.f32 v17, v61;
	v18 =	vld.idx.msk [tilespmem:v33+s3+$0x0], $0xffff  }
0x2c9: {  	v35 =	vadd.s32 $0x1F40, v4;
	[tilespmem:v24+s18+$0x0] =	vst.idx.msk $0xffff, v10;
	v10 =	vmul.f32 v19, v61;
	v24 =	vadd.s32 s31, v30  }
0x2ca: {  	v11 =	vld.idx.msk [tilespmem:v11+s3+$0x0], $0xffff;
	[tilespmem:v20+s18+$0x0] =	vst.idx.msk $0xffff, v9;
	v9 =	vmul.f32 v12, v61;
	v12 =	vadd.s32 $0x1F40, v3;
	v20 =	vadd.s32 s25, v30  }
0x2cb: {  	v13 =	vld.idx.msk [tilespmem:v13+s3+$0x0], $0xffff;
	[tilespmem:v21+s18+$0x0] =	vst.idx.msk $0xffff, v10;
	v10 =	vmul.f32 v14, v61;
	v14 =	vadd.s32 $0x1F40, v2  }
0x2cc: {  	v21 =	vadd.s32 s29, v40;
	v15 =	vld.idx.msk [tilespmem:v15+s3+$0x0], $0xffff;
	[tilespmem:v22+s18+$0x0] =	vst.idx.msk $0xffff, v9;
	v9 =	vmul.f32 v16, v61  }
0x2cd: {  	v36 =	vadd.s32 $0x2328, v8;
	v22 =	vadd.s32 s0, v40;
	v17 =	vld.idx.msk [tilespmem:v34+s3+$0x0], $0xffff;
	[tilespmem:v23+s18+$0x0] =	vst.idx.msk $0xffff, v10;
	v10 =	vmul.f32 v18, v61  }
0x2ce: {  	v37 =	vadd.s32 $0x2328, v7;
	v23 =	vadd.s32 s1, v40;
	v19 =	vld.idx.msk [tilespmem:v35+s3+$0x0], $0xffff;
	[tilespmem:v24+s18+$0x0] =	vst.idx.msk $0xffff, v9  }
0x2cf: {  	v9 =	vmul.f32 v11, v62;
	v11 =	vadd.s32 $0x2328, v6;
	v24 =	vadd.s32 s28, v40;
	[tilespmem:v20+s18+$0x0] =	vst.idx.msk $0xffff, v10;
	v12 =	vld.idx.msk [tilespmem:v12+s3+$0x0], $0xffff  }
0x2d0: {  	v20 =	vadd.s32 s30, v40;
	v10 =	vmul.f32 v13, v62;
	v13 =	vadd.s32 $0x2328, v5;
	v14 =	vld.idx.msk [tilespmem:v14+s3+$0x0], $0xffff  }
0x2d1: {  	v34 =	vld [tilespmem:$0x1FAC0];
	[tilespmem:v21+s18+$0x0] =	vst.idx.msk $0xffff, v9;
	v9 =	vmul.f32 v15, v62;
	v15 =	vadd.s32 $0x2328, v4;
	v21 =	vadd.s32 s31, v40  }
0x2d2: {  	v60 =	vadd.s32 $0x2328, v3;
	v16 =	vld.idx.msk [tilespmem:v36+s3+$0x0], $0xffff;
	[tilespmem:v22+s18+$0x0] =	vst.idx.msk $0xffff, v10;
	v10 =	vmul.f32 v17, v62;
	v22 =	vadd.s32 s25, v40  }
0x2d3: {  	v61 =	vadd.s32 $0x2328, v2;
	v18 =	vld.idx.msk [tilespmem:v37+s3+$0x0], $0xffff;
	[tilespmem:v23+s18+$0x0] =	vst.idx.msk $0xffff, v9;
	v9 =	vmul.f32 v19, v62  }
0x2d4: {  	v23 =	vadd.s32 $0x2710, v1;
	v11 =	vld.idx.msk [tilespmem:v11+s3+$0x0], $0xffff;
	[tilespmem:v24+s18+$0x0] =	vst.idx.msk $0xffff, v10;
	v10 =	vmul.f32 v12, v62  }
0x2d5: {  	v25 =	vadd.s32 s29, v41;
	v13 =	vld.idx.msk [tilespmem:v13+s3+$0x0], $0xffff;
	[tilespmem:v20+s18+$0x0] =	vst.idx.msk $0xffff, v9;
	v9 =	vmul.f32 v14, v62  }
0x2d6: {  	v24 =	vadd.s32 s0, v41;
	v12 =	vadd.s32 $0x2710, v8;
	v15 =	vld.idx.msk [tilespmem:v15+s3+$0x0], $0xffff;
	[tilespmem:v21+s18+$0x0] =	vst.idx.msk $0xffff, v10  }
0x2d7: {  	v14 =	vadd.s32 $0x2710, v7;
	v20 =	vadd.s32 s1, v41;
	[tilespmem:v22+s18+$0x0] =	vst.idx.msk $0xffff, v9;
	v17 =	vld.idx.msk [tilespmem:v60+s3+$0x0], $0xffff  }
0x2d8: {  	v0 =	vadd.s32 $0x2710, v6;
	v10 =	vmul.f32 v16, v63;
	v21 =	vadd.s32 s28, v41;
	v19 =	vld.idx.msk [tilespmem:v61+s3+$0x0], $0xffff  }
0x2d9: {  	v33 =	vadd.s32 $0x2710, v5;
	v22 =	vadd.s32 s30, v41;
	v9 =	vmul.f32 v18, v63;
	v23 =	vld.idx.msk [tilespmem:v23+s3+$0x0], $0xffff  }
0x2da: {  	v61 =	vld [tilespmem:$0x1FAD0];
	[tilespmem:v25+s18+$0x0] =	vst.idx.msk $0xffff, v10;
	v10 =	vmul.f32 v11, v63;
	v11 =	vadd.s32 $0x2710, v4;
	v25 =	vadd.s32 s31, v41  }
0x2db: {  	v12 =	vld.idx.msk [tilespmem:v12+s3+$0x0], $0xffff;
	[tilespmem:v24+s18+$0x0] =	vst.idx.msk $0xffff, v9;
	v9 =	vmul.f32 v13, v63;
	v13 =	vadd.s32 $0x2710, v3;
	v24 =	vadd.s32 s25, v41  }
0x2dc: {  	[tilespmem:v20+s18+$0x0] =	vst.idx.msk $0xffff, v10;
	v10 =	vor.u32 s26, v42;
	v14 =	vld.idx.msk [tilespmem:v14+s3+$0x0], $0xffff;
	v15 =	vmul.f32 v15, v63;
	v20 =	vadd.s32 $0x2710, v2  }
0x2dd: {  	[tilespmem:v21+s18+$0x0] =	vst.idx.msk $0xffff, v9;
	v9 =	vadd.s32 $0x2AF8, v1;
	v21 =	vadd.s32 s29, v42;
	v16 =	vld.idx.msk [tilespmem:v0+s3+$0x0], $0xffff;
	v17 =	vmul.f32 v17, v63  }
0x2de: {  	[tilespmem:v22+s18+$0x0] =	vst.idx.msk $0xffff, v15;
	v15 =	vadd.s32 $0x2AF8, v8;
	v22 =	vadd.s32 s0, v42;
	v18 =	vld.idx.msk [tilespmem:v33+s3+$0x0], $0xffff;
	v19 =	vmul.f32 v19, v63  }
0x2df: {  	v35 =	vadd.s32 $0x2AF8, v7;
	v23 =	vmul.f32 v23, v34;
	v11 =	vld.idx.msk [tilespmem:v11+s3+$0x0], $0xffff;
	[tilespmem:v25+s18+$0x0] =	vst.idx.msk $0xffff, v17  }
0x2e0: {  	v25 =	vadd.s32 s1, v42;
	v12 =	vmul.f32 v12, v34;
	[tilespmem:v24+s18+$0x0] =	vst.idx.msk $0xffff, v19;
	v13 =	vld.idx.msk [tilespmem:v13+s3+$0x0], $0xffff  }
0x2e1: {  	v36 =	vadd.s32 $0x2AF8, v6;
	v24 =	vadd.s32 s28, v42;
	[tilespmem:v10+s18+$0x0] =	vst.idx.msk $0xffff, v23;
	v10 =	vmul.f32 v14, v34;
	v20 =	vld.idx.msk [tilespmem:v20+s3+$0x0], $0xffff  }
0x2e2: {  	v14 =	vadd.s32 $0x2AF8, v5;
	v23 =	vadd.s32 s30, v42;
	v9 =	vld.idx.msk [tilespmem:v9+s3+$0x0], $0xffff;
	[tilespmem:v21+s18+$0x0] =	vst.idx.msk $0xffff, v12  }
0x2e3: {  	v37 =	vadd.s32 $0x2AF8, v4;
	v12 =	vmul.f32 v16, v34;
	v21 =	vadd.s32 s31, v42;
	v15 =	vld.idx.msk [tilespmem:v15+s3+$0x0], $0xffff;
	[tilespmem:v22+s18+$0x0] =	vst.idx.msk $0xffff, v10  }
0x2e4: {  	v60 =	vadd.s32 $0x2AF8, v3;
	v10 =	vmul.f32 v18, v34;
	v22 =	vadd.s32 s25, v42;
	v17 =	vld.idx.msk [tilespmem:v35+s3+$0x0], $0xffff  }
0x2e5: {  	v11 =	vmul.f32 v11, v34;
	v35 =	vld [tilespmem:$0x1FAE0];
	[tilespmem:v25+s18+$0x0] =	vst.idx.msk $0xffff, v12;
	v12 =	vor.u32 s26, v43;
	v25 =	vadd.s32 $0x2AF8, v2  }
0x2e6: {  	[tilespmem:v24+s18+$0x0] =	vst.idx.msk $0xffff, v10;
	v10 =	vadd.s32 $0x2EE0, v1;
	v24 =	vadd.s32 s29, v43;
	v19 =	vld.idx.msk [tilespmem:v36+s3+$0x0], $0xffff;
	v13 =	vmul.f32 v13, v34  }
0x2e7: {  	[tilespmem:v23+s18+$0x0] =	vst.idx.msk $0xffff, v11;
	v11 =	vadd.s32 $0x2EE0, v8;
	v23 =	vadd.s32 s0, v43;
	v14 =	vld.idx.msk [tilespmem:v14+s3+$0x0], $0xffff;
	v20 =	vmul.f32 v20, v34  }
0x2e8: {  	v9 =	vmul.f32 v9, v61;
	v16 =	vld.idx.msk [tilespmem:v37+s3+$0x0], $0xffff;
	[tilespmem:v21+s18+$0x0] =	vst.idx.msk $0xffff, v13;
	v13 =	vadd.s32 $0x2EE0, v7;
	v21 =	vadd.s32 s1, v43  }
0x2e9: {  	v15 =	vmul.f32 v15, v61;
	[tilespmem:v22+s18+$0x0] =	vst.idx.msk $0xffff, v20;
	v20 =	vadd.s32 $0x2EE0, v6;
	v22 =	vadd.s32 s28, v43;
	v18 =	vld.idx.msk [tilespmem:v60+s3+$0x0], $0xffff  }
0x2ea: {  	v62 =	vadd.s32 s30, v43;
	[tilespmem:v12+s18+$0x0] =	vst.idx.msk $0xffff, v9;
	v9 =	vmul.f32 v17, v61;
	v12 =	vadd.s32 $0x2EE0, v5;
	v25 =	vld.idx.msk [tilespmem:v25+s3+$0x0], $0xffff  }
0x2eb: {  	v63 =	vadd.s32 $0x2EE0, v4;
	[tilespmem:v24+s18+$0x0] =	vst.idx.msk $0xffff, v15;
	v10 =	vld.idx.msk [tilespmem:v10+s3+$0x0], $0xffff;
	v15 =	vmul.f32 v19, v61  }
0x2ec: {  	v24 =	vadd.s32 s31, v43;
	v11 =	vld.idx.msk [tilespmem:v11+s3+$0x0], $0xffff;
	[tilespmem:v23+s18+$0x0] =	vst.idx.msk $0xffff, v9;
	v9 =	vmul.f32 v14, v61  }
0x2ed: {  	v14 =	vadd.s32 $0x2EE0, v3;
	v23 =	vadd.s32 s25, v43;
	v16 =	vmul.f32 v16, v61;
	[tilespmem:v21+s18+$0x0] =	vst.idx.msk $0xffff, v15;
	v13 =	vld.idx.msk [tilespmem:v13+s3+$0x0], $0xffff  }
0x2ee: {  	v15 =	vor.u32 s26, v44;
	v21 =	vadd.s32 $0x2EE0, v2;
	[tilespmem:v22+s18+$0x0] =	vst.idx.msk $0xffff, v9;
	v20 =	vld.idx.msk [tilespmem:v20+s3+$0x0], $0xffff  }
0x2ef: {  	v9 =	vadd.s32 $0x32C8, v1;
	v22 =	vadd.s32 s29, v44;
	v18 =	vmul.f32 v18, v61;
	[tilespmem:v62+s18+$0x0] =	vst.idx.msk $0xffff, v16;
	v12 =	vld.idx.msk [tilespmem:v12+s3+$0x0], $0xffff  }
0x2f0: {  	v33 =	vadd.s32 $0x32C8, v8;
	v34 =	vadd.s32 s0, v44;
	v25 =	vmul.f32 v25, v61;
	v19 =	vld.idx.msk [tilespmem:v63+s3+$0x0], $0xffff  }
0x2f1: {  	v36 =	vadd.s32 $0x32C8, v7;
	v61 =	vld [tilespmem:$0x1FAF0];
	v10 =	vmul.f32 v10, v35;
	[tilespmem:v24+s18+$0x0] =	vst.idx.msk $0xffff, v18;
	v24 =	vadd.s32 s1, v44  }
0x2f2: {  	v11 =	vmul.f32 v11, v35;
	[tilespmem:v23+s18+$0x0] =	vst.idx.msk $0xffff, v25;
	v23 =	vadd.s32 $0x32C8, v6;
	v25 =	vadd.s32 s28, v44;
	v14 =	vld.idx.msk [tilespmem:v14+s3+$0x0], $0xffff  }
0x2f3: {  	[tilespmem:v15+s18+$0x0] =	vst.idx.msk $0xffff, v10;
	v10 =	vmul.f32 v13, v35;
	v13 =	vadd.s32 $0x32C8, v5;
	v15 =	vadd.s32 s30, v44;
	v21 =	vld.idx.msk [tilespmem:v21+s3+$0x0], $0xffff  }
0x2f4: {  	v9 =	vld.idx.msk [tilespmem:v9+s3+$0x0], $0xffff;
	[tilespmem:v22+s18+$0x0] =	vst.idx.msk $0xffff, v11;
	v11 =	vmul.f32 v20, v35;
	v20 =	vadd.s32 $0x32C8, v4;
	v22 =	vadd.s32 s31, v44  }
0x2f5: {  	v16 =	vld.idx.msk [tilespmem:v33+s3+$0x0], $0xffff;
	[tilespmem:v34+s18+$0x0] =	vst.idx.msk $0xffff, v10;
	v10 =	vmul.f32 v12, v35;
	v12 =	vadd.s32 $0x32C8, v3  }
0x2f6: {  	v37 =	vadd.s32 s25, v44;
	v19 =	vmul.f32 v19, v35;
	[tilespmem:v24+s18+$0x0] =	vst.idx.msk $0xffff, v11;
	v18 =	vld.idx.msk [tilespmem:v36+s3+$0x0], $0xffff  }
0x2f7: {  	v11 =	vor.u32 s26, v45;
	v24 =	vadd.s32 $0x32C8, v2;
	[tilespmem:v25+s18+$0x0] =	vst.idx.msk $0xffff, v10;
	v23 =	vld.idx.msk [tilespmem:v23+s3+$0x0], $0xffff;
	v14 =	vmul.f32 v14, v35  }
0x2f8: {  	v10 =	vadd.s32 $0x36B0, v1;
	v25 =	vadd.s32 s29, v45;
	[tilespmem:v15+s18+$0x0] =	vst.idx.msk $0xffff, v19;
	v13 =	vld.idx.msk [tilespmem:v13+s3+$0x0], $0xffff  }
0x2f9: {  	v60 =	vadd.s32 s0, v45;
	v15 =	vadd.s32 $0x36B0, v8;
	v21 =	vmul.f32 v21, v35;
	[tilespmem:v22+s18+$0x0] =	vst.idx.msk $0xffff, v14;
	v20 =	vld.idx.msk [tilespmem:v20+s3+$0x0], $0xffff  }
0x2fa: {  	v9 =	vmul.f32 v9, v61;
	v14 =	vadd.s32 $0x36B0, v7;
	v12 =	vld.idx.msk [tilespmem:v12+s3+$0x0], $0xffff  }
0x2fb: {  	v22 =	vadd.s32 s1, v45;
	v16 =	vmul.f32 v16, v61;
	[tilespmem:v37+s18+$0x0] =	vst.idx.msk $0xffff, v21;
	v37 =	vld [tilespmem:$0x1FB00]  }
0x2fc: {  	v62 =	vadd.s32 $0x36B0, v6;
	v21 =	vadd.s32 s28, v45;
	[tilespmem:v11+s18+$0x0] =	vst.idx.msk $0xffff, v9;
	v9 =	vmul.f32 v18, v61;
	v24 =	vld.idx.msk [tilespmem:v24+s3+$0x0], $0xffff  }
0x2fd: {  	v63 =	vadd.s32 s30, v45;
	v11 =	vadd.s32 $0x36B0, v5;
	v10 =	vld.idx.msk [tilespmem:v10+s3+$0x0], $0xffff;
	[tilespmem:v25+s18+$0x0] =	vst.idx.msk $0xffff, v16  }
0x2fe: {  	v33 =	vmul.f32 v23, v61;
	v23 =	vadd.s32 $0x36B0, v4;
	v25 =	vadd.s32 s31, v45;
	v15 =	vld.idx.msk [tilespmem:v15+s3+$0x0], $0xffff;
	[tilespmem:v60+s18+$0x0] =	vst.idx.msk $0xffff, v9  }
0x2ff: {  	v34 =	vadd.s32 s25, v45;
	v9 =	vmul.f32 v13, v61;
	v13 =	vadd.s32 $0x36B0, v3;
	v14 =	vld.idx.msk [tilespmem:v14+s3+$0x0], $0xffff  }
0x300: {  	v35 =	vor.u32 s26, v46;
	[tilespmem:v22+s18+$0x0] =	vst.idx.msk $0xffff, v33;
	v20 =	vmul.f32 v20, v61;
	v22 =	vadd.s32 $0x36B0, v2;
	v33 =	vld [tilespmem:$0x1FB10]  }
0x301: {  	[tilespmem:v21+s18+$0x0] =	vst.idx.msk $0xffff, v9;
	v9 =	vadd.s32 $0x3A98, v1;
	v21 =	vadd.s32 s29, v46;
	v17 =	vld.idx.msk [tilespmem:v62+s3+$0x0], $0xffff;
	v12 =	vmul.f32 v12, v61  }
0x302: {  	v36 =	vadd.s32 $0x3A98, v8;
	[tilespmem:v63+s18+$0x0] =	vst.idx.msk $0xffff, v20;
	v20 =	vadd.s32 s0, v46;
	v11 =	vld.idx.msk [tilespmem:v11+s3+$0x0], $0xffff;
	v24 =	vmul.f32 v24, v61  }
0x303: {  	v10 =	vmul.f32 v10, v37;
	[tilespmem:v25+s18+$0x0] =	vst.idx.msk $0xffff, v12;
	v12 =	vadd.s32 $0x3A98, v7;
	v25 =	vadd.s32 s1, v46;
	v23 =	vld.idx.msk [tilespmem:v23+s3+$0x0], $0xffff  }
0x304: {  	v60 =	vadd.s32 $0x3A98, v6;
	v15 =	vmul.f32 v15, v37;
	[tilespmem:v34+s18+$0x0] =	vst.idx.msk $0xffff, v24;
	v13 =	vld.idx.msk [tilespmem:v13+s3+$0x0], $0xffff  }
0x305: {  	v24 =	vadd.s32 s28, v46;
	[tilespmem:v35+s18+$0x0] =	vst.idx.msk $0xffff, v10;
	v10 =	vmul.f32 v14, v37;
	v22 =	vld.idx.msk [tilespmem:v22+s3+$0x0], $0xffff  }
0x306: {  	v61 =	vadd.s32 s30, v46;
	v14 =	vadd.s32 $0x3A98, v5;
	v9 =	vld.idx.msk [tilespmem:v9+s3+$0x0], $0xffff;
	[tilespmem:v21+s18+$0x0] =	vst.idx.msk $0xffff, v15;
	v15 =	vmul.f32 v17, v37  }
0x307: {  	v62 =	vadd.s32 $0x3A98, v4;
	v21 =	vadd.s32 s31, v46;
	v18 =	vld.idx.msk [tilespmem:v36+s3+$0x0], $0xffff;
	[tilespmem:v20+s18+$0x0] =	vst.idx.msk $0xffff, v10  }
0x308: {  	v10 =	vmul.f32 v11, v37;
	v11 =	vadd.s32 $0x3A98, v3;
	v20 =	vadd.s32 s25, v46;
	[tilespmem:v25+s18+$0x0] =	vst.idx.msk $0xffff, v15;
	v12 =	vld.idx.msk [tilespmem:v12+s3+$0x0], $0xffff  }
0x309: {  	v15 =	vor.u32 s26, v47;
	v23 =	vmul.f32 v23, v37;
	v25 =	vadd.s32 $0x3A98, v2;
	v19 =	vld.idx.msk [tilespmem:v60+s3+$0x0], $0xffff  }
0x30a: {  	[tilespmem:v24+s18+$0x0] =	vst.idx.msk $0xffff, v10;
	v10 =	vadd.s32 $0x3E80, v1;
	v24 =	vadd.s32 s29, v47;
	v13 =	vmul.f32 v13, v37;
	v60 =	vld [tilespmem:$0x1FB20]  }
0x30b: {  	v63 =	vadd.s32 $0x3E80, v8;
	[tilespmem:v61+s18+$0x0] =	vst.idx.msk $0xffff, v23;
	v23 =	vadd.s32 s0, v47;
	v14 =	vld.idx.msk [tilespmem:v14+s3+$0x0], $0xffff;
	v22 =	vmul.f32 v22, v37  }
0x30c: {  	v9 =	vmul.f32 v9, v33;
	[tilespmem:v21+s18+$0x0] =	vst.idx.msk $0xffff, v13;
	v13 =	vadd.s32 $0x3E80, v7;
	v21 =	vadd.s32 s1, v47;
	v17 =	vld.idx.msk [tilespmem:v62+s3+$0x0], $0xffff  }
0x30d: {  	v18 =	vmul.f32 v18, v33;
	[tilespmem:v20+s18+$0x0] =	vst.idx.msk $0xffff, v22;
	v20 =	vadd.s32 $0x3E80, v6;
	v22 =	vadd.s32 s28, v47;
	v11 =	vld.idx.msk [tilespmem:v11+s3+$0x0], $0xffff  }
0x30e: {  	[tilespmem:v15+s18+$0x0] =	vst.idx.msk $0xffff, v9;
	v9 =	vmul.f32 v12, v33;
	v12 =	vadd.s32 $0x3E80, v5;
	v15 =	vadd.s32 s30, v47;
	v25 =	vld.idx.msk [tilespmem:v25+s3+$0x0], $0xffff  }
0x30f: {  	v35 =	vadd.s32 $0x3E80, v4;
	v10 =	vld.idx.msk [tilespmem:v10+s3+$0x0], $0xffff;
	[tilespmem:v24+s18+$0x0] =	vst.idx.msk $0xffff, v18;
	v34 =	vmul.f32 v19, v33;
	v24 =	vadd.s32 s31, v47  }
0x310: {  	v16 =	vld.idx.msk [tilespmem:v63+s3+$0x0], $0xffff;
	[tilespmem:v23+s18+$0x0] =	vst.idx.msk $0xffff, v9;
	v9 =	vmul.f32 v14, v33;
	v14 =	vadd.s32 $0x3E80, v3;
	v23 =	vadd.s32 s25, v47  }
0x311: {  	[tilespmem:v21+s18+$0x0] =	vst.idx.msk $0xffff, v34;
	v13 =	vld.idx.msk [tilespmem:v13+s3+$0x0], $0xffff;
	v17 =	vmul.f32 v17, v33;
	v21 =	vadd.s32 $0x3E80, v2  }
0x312: {  	v36 =	vor.u32 s26, v48;
	[tilespmem:v22+s18+$0x0] =	vst.idx.msk $0xffff, v9;
	v20 =	vld.idx.msk [tilespmem:v20+s3+$0x0], $0xffff;
	v11 =	vmul.f32 v11, v33  }
0x313: {  	v9 =	vadd.s32 $0x4268, v1;
	v22 =	vadd.s32 s29, v48;
	[tilespmem:v15+s18+$0x0] =	vst.idx.msk $0xffff, v17;
	v12 =	vld.idx.msk [tilespmem:v12+s3+$0x0], $0xffff;
	v25 =	vmul.f32 v25, v33  }
0x314: {  	v37 =	vadd.s32 s0, v48;
	v15 =	vadd.s32 $0x4268, v8;
	[tilespmem:v24+s18+$0x0] =	vst.idx.msk $0xffff, v11;
	v19 =	vld.idx.msk [tilespmem:v35+s3+$0x0], $0xffff  }
0x315: {  	v10 =	vmul.f32 v10, v60;
	v11 =	vadd.s32 $0x4268, v7;
	v24 =	vadd.s32 s1, v48;
	[tilespmem:v23+s18+$0x0] =	vst.idx.msk $0xffff, v25;
	v14 =	vld.idx.msk [tilespmem:v14+s3+$0x0], $0xffff  }
0x316: {  	v16 =	vmul.f32 v16, v60;
	v23 =	vadd.s32 $0x4268, v6;
	v25 =	vadd.s32 s28, v48;
	v21 =	vld.idx.msk [tilespmem:v21+s3+$0x0], $0xffff  }
0x317: {  	v61 =	vadd.s32 s30, v48;
	[tilespmem:v36+s18+$0x0] =	vst.idx.msk $0xffff, v10;
	v10 =	vmul.f32 v13, v60;
	v13 =	vadd.s32 $0x4268, v5;
	v36 =	vld [tilespmem:$0x1FB30]  }
0x318: {  	v9 =	vld.idx.msk [tilespmem:v9+s3+$0x0], $0xffff;
	[tilespmem:v22+s18+$0x0] =	vst.idx.msk $0xffff, v16;
	v62 =	vmul.f32 v20, v60;
	v20 =	vadd.s32 $0x4268, v4;
	v22 =	vadd.s32 s31, v48  }
0x319: {  	v15 =	vld.idx.msk [tilespmem:v15+s3+$0x0], $0xffff;
	[tilespmem:v37+s18+$0x0] =	vst.idx.msk $0xffff, v10;
	v10 =	vmul.f32 v12, v60;
	v12 =	vadd.s32 $0x4268, v3  }
0x31a: {  	v63 =	vadd.s32 s25, v48;
	[tilespmem:v24+s18+$0x0] =	vst.idx.msk $0xffff, v62;
	v11 =	vld.idx.msk [tilespmem:v11+s3+$0x0], $0xffff;
	v19 =	vmul.f32 v19, v60  }
0x31b: {  	v33 =	vor.u32 s26, v49;
	v24 =	vadd.s32 $0x4268, v2;
	[tilespmem:v25+s18+$0x0] =	vst.idx.msk $0xffff, v10;
	v23 =	vld.idx.msk [tilespmem:v23+s3+$0x0], $0xffff;
	v14 =	vmul.f32 v14, v60  }
0x31c: {  	v10 =	vadd.s32 $0x4650, v1;
	v25 =	vadd.s32 s29, v49;
	[tilespmem:v61+s18+$0x0] =	vst.idx.msk $0xffff, v19;
	v13 =	vld.idx.msk [tilespmem:v13+s3+$0x0], $0xffff  }
0x31d: {  	v34 =	vadd.s32 $0x4650, v8;
	v35 =	vadd.s32 s0, v49;
	v21 =	vmul.f32 v21, v60;
	[tilespmem:v22+s18+$0x0] =	vst.idx.msk $0xffff, v14;
	v20 =	vld.idx.msk [tilespmem:v20+s3+$0x0], $0xffff  }
0x31e: {  	v9 =	vmul.f32 v9, v36;
	v14 =	vadd.s32 $0x4650, v7;
	v22 =	vadd.s32 s1, v49;
	v12 =	vld.idx.msk [tilespmem:v12+s3+$0x0], $0xffff  }
0x31f: {  	v37 =	vadd.s32 $0x4650, v6;
	v15 =	vmul.f32 v15, v36;
	[tilespmem:v63+s18+$0x0] =	vst.idx.msk $0xffff, v21;
	v21 =	vadd.s32 s28, v49;
	v63 =	vld [tilespmem:$0x1FB40]  }
0x320: {  	[tilespmem:v33+s18+$0x0] =	vst.idx.msk $0xffff, v9;
	v9 =	vmul.f32 v11, v36;
	v11 =	vadd.s32 $0x4650, v5;
	v24 =	vld.idx.msk [tilespmem:v24+s3+$0x0], $0xffff  }
0x321: {  	v60 =	vadd.s32 s30, v49;
	v10 =	vld.idx.msk [tilespmem:v10+s3+$0x0], $0xffff;
	[tilespmem:v25+s18+$0x0] =	vst.idx.msk $0xffff, v15;
	v15 =	vmul.f32 v23, v36  }
0x322: {  	v23 =	vadd.s32 $0x4650, v4;
	v25 =	vadd.s32 s31, v49;
	v18 =	vld.idx.msk [tilespmem:v34+s3+$0x0], $0xffff;
	[tilespmem:v35+s18+$0x0] =	vst.idx.msk $0xffff, v9;
	v9 =	vmul.f32 v13, v36  }
0x323: {  	v61 =	vadd.s32 s25, v49;
	v13 =	vadd.s32 $0x4650, v3;
	[tilespmem:v22+s18+$0x0] =	vst.idx.msk $0xffff, v15;
	v14 =	vld.idx.msk [tilespmem:v14+s3+$0x0], $0xffff  }
0x324: {  	v15 =	vor.u32 s26, v50;
	v20 =	vmul.f32 v20, v36;
	v22 =	vadd.s32 $0x4650, v2;
	[tilespmem:v21+s18+$0x0] =	vst.idx.msk $0xffff, v9;
	v17 =	vld.idx.msk [tilespmem:v37+s3+$0x0], $0xffff  }
0x325: {  	v9 =	vadd.s32 $0x4A38, v1;
	v21 =	vadd.s32 s29, v50;
	v12 =	vmul.f32 v12, v36;
	v11 =	vld.idx.msk [tilespmem:v11+s3+$0x0], $0xffff  }
0x326: {  	v62 =	vadd.s32 $0x4A38, v8;
	[tilespmem:v60+s18+$0x0] =	vst.idx.msk $0xffff, v20;
	v20 =	vadd.s32 s0, v50;
	v24 =	vmul.f32 v24, v36;
	v36 =	vld [tilespmem:$0x1FB50]  }
0x327: {  	v10 =	vmul.f32 v10, v63;
	[tilespmem:v25+s18+$0x0] =	vst.idx.msk $0xffff, v12;
	v12 =	vadd.s32 $0x4A38, v7;
	v25 =	vadd.s32 s1, v50;
	v23 =	vld.idx.msk [tilespmem:v23+s3+$0x0], $0xffff  }
0x328: {  	v33 =	vadd.s32 $0x4A38, v6;
	v18 =	vmul.f32 v18, v63;
	[tilespmem:v61+s18+$0x0] =	vst.idx.msk $0xffff, v24;
	v24 =	vadd.s32 s28, v50;
	v13 =	vld.idx.msk [tilespmem:v13+s3+$0x0], $0xffff  }
0x329: {  	[tilespmem:v15+s18+$0x0] =	vst.idx.msk $0xffff, v10;
	v10 =	vmul.f32 v14, v63;
	v14 =	vadd.s32 $0x4A38, v5;
	v15 =	vadd.s32 s30, v50;
	v22 =	vld.idx.msk [tilespmem:v22+s3+$0x0], $0xffff  }
0x32a: {  	v34 =	vadd.s32 $0x4A38, v4;
	v9 =	vld.idx.msk [tilespmem:v9+s3+$0x0], $0xffff;
	[tilespmem:v21+s18+$0x0] =	vst.idx.msk $0xffff, v18;
	v17 =	vmul.f32 v17, v63  }
0x32b: {  	v21 =	vadd.s32 s31, v50;
	v16 =	vld.idx.msk [tilespmem:v62+s3+$0x0], $0xffff;
	[tilespmem:v20+s18+$0x0] =	vst.idx.msk $0xffff, v10;
	v10 =	vmul.f32 v11, v63  }
0x32c: {  	v11 =	vadd.s32 $0x4A38, v3;
	v20 =	vadd.s32 s25, v50;
	[tilespmem:v25+s18+$0x0] =	vst.idx.msk $0xffff, v17;
	v12 =	vld.idx.msk [tilespmem:v12+s3+$0x0], $0xffff;
	v23 =	vmul.f32 v23, v63  }
0x32d: {  	v35 =	vor.u32 s26, v51;
	v25 =	vadd.s32 $0x4A38, v2;
	[tilespmem:v24+s18+$0x0] =	vst.idx.msk $0xffff, v10;
	v19 =	vld.idx.msk [tilespmem:v33+s3+$0x0], $0xffff  }
0x32e: {  	v10 =	vadd.s32 $0x4E20, v1;
	v24 =	vadd.s32 s29, v51;
	v13 =	vmul.f32 v13, v63;
	[tilespmem:v15+s18+$0x0] =	vst.idx.msk $0xffff, v23;
	v14 =	vld.idx.msk [tilespmem:v14+s3+$0x0], $0xffff  }
0x32f: {  	v15 =	vadd.s32 $0x4E20, v8;
	v23 =	vadd.s32 s0, v51;
	v22 =	vmul.f32 v22, v63;
	v18 =	vld.idx.msk [tilespmem:v34+s3+$0x0], $0xffff  }
0x330: {  	v9 =	vmul.f32 v9, v36;
	[tilespmem:v21+s18+$0x0] =	vst.idx.msk $0xffff, v13;
	v13 =	vadd.s32 $0x4E20, v7;
	v21 =	vadd.s32 s1, v51;
	v34 =	vld [tilespmem:$0x1FB60]  }
0x331: {  	v16 =	vmul.f32 v16, v36;
	[tilespmem:v20+s18+$0x0] =	vst.idx.msk $0xffff, v22;
	v20 =	vadd.s32 $0x4E20, v6;
	v22 =	vadd.s32 s28, v51;
	v11 =	vld.idx.msk [tilespmem:v11+s3+$0x0], $0xffff  }
0x332: {  	v37 =	vadd.s32 s30, v51;
	[tilespmem:v35+s18+$0x0] =	vst.idx.msk $0xffff, v9;
	v9 =	vmul.f32 v12, v36;
	v12 =	vadd.s32 $0x4E20, v5;
	v25 =	vld.idx.msk [tilespmem:v25+s3+$0x0], $0xffff  }
0x333: {  	v61 =	vadd.s32 $0x4E20, v4;
	v10 =	vld.idx.msk [tilespmem:v10+s3+$0x0], $0xffff;
	[tilespmem:v24+s18+$0x0] =	vst.idx.msk $0xffff, v16;
	v60 =	vmul.f32 v19, v36  }
0x334: {  	v24 =	vadd.s32 s31, v51;
	v15 =	vld.idx.msk [tilespmem:v15+s3+$0x0], $0xffff;
	[tilespmem:v23+s18+$0x0] =	vst.idx.msk $0xffff, v9;
	v9 =	vmul.f32 v14, v36  }
0x335: {  	v14 =	vadd.s32 $0x4E20, v3;
	v23 =	vadd.s32 s25, v51;
	[tilespmem:v21+s18+$0x0] =	vst.idx.msk $0xffff, v60;
	v13 =	vld.idx.msk [tilespmem:v13+s3+$0x0], $0xffff;
	v18 =	vmul.f32 v18, v36  }
0x336: {  	v62 =	vor.u32 s26, v52;
	v21 =	vadd.s32 $0x4E20, v2;
	[tilespmem:v22+s18+$0x0] =	vst.idx.msk $0xffff, v9;
	v20 =	vld.idx.msk [tilespmem:v20+s3+$0x0], $0xffff  }
0x337: {  	v9 =	vadd.s32 $0x5208, v1;
	v22 =	vadd.s32 s29, v52;
	v11 =	vmul.f32 v11, v36;
	[tilespmem:v37+s18+$0x0] =	vst.idx.msk $0xffff, v18;
	v12 =	vld.idx.msk [tilespmem:v12+s3+$0x0], $0xffff  }
0x338: {  	v33 =	vadd.s32 s0, v52;
	v63 =	vadd.s32 $0x5208, v8;
	v25 =	vmul.f32 v25, v36;
	v19 =	vld.idx.msk [tilespmem:v61+s3+$0x0], $0xffff  }
0x339: {  	v10 =	vmul.f32 v10, v34;
	[tilespmem:v24+s18+$0x0] =	vst.idx.msk $0xffff, v11;
	v11 =	vadd.s32 $0x5208, v7;
	v24 =	vadd.s32 s1, v52;
	v61 =	vld [tilespmem:$0x1FB70]  }
0x33a: {  	v15 =	vmul.f32 v15, v34;
	[tilespmem:v23+s18+$0x0] =	vst.idx.msk $0xffff, v25;
	v23 =	vadd.s32 $0x5208, v6;
	v25 =	vadd.s32 s28, v52;
	v14 =	vld.idx.msk [tilespmem:v14+s3+$0x0], $0xffff  }
0x33b: {  	[tilespmem:v62+s18+$0x0] =	vst.idx.msk $0xffff, v10;
	v10 =	vmul.f32 v13, v34;
	v13 =	vadd.s32 $0x5208, v5;
	v21 =	vld.idx.msk [tilespmem:v21+s3+$0x0], $0xffff  }
0x33c: {  	v35 =	vadd.s32 s30, v52;
	v9 =	vld.idx.msk [tilespmem:v9+s3+$0x0], $0xffff;
	[tilespmem:v22+s18+$0x0] =	vst.idx.msk $0xffff, v15;
	v15 =	vmul.f32 v20, v34  }
0x33d: {  	v20 =	vadd.s32 $0x5208, v4;
	v22 =	vadd.s32 s31, v52;
	v17 =	vld.idx.msk [tilespmem:v63+s3+$0x0], $0xffff;
	[tilespmem:v33+s18+$0x0] =	vst.idx.msk $0xffff, v10;
	v10 =	vmul.f32 v12, v34  }
0x33e: {  	v36 =	vadd.s32 s25, v52;
	v12 =	vadd.s32 $0x5208, v3;
	[tilespmem:v24+s18+$0x0] =	vst.idx.msk $0xffff, v15;
	v11 =	vld.idx.msk [tilespmem:v11+s3+$0x0], $0xffff  }
0x33f: {  	v15 =	vor.u32 s26, v53;
	v19 =	vmul.f32 v19, v34;
	v24 =	vadd.s32 $0x5208, v2;
	[tilespmem:v25+s18+$0x0] =	vst.idx.msk $0xffff, v10;
	v23 =	vld.idx.msk [tilespmem:v23+s3+$0x0], $0xffff  }
0x340: {  	v10 =	vadd.s32 $0x55F0, v1;
	v25 =	vadd.s32 s29, v53;
	v14 =	vmul.f32 v14, v34;
	v13 =	vld.idx.msk [tilespmem:v13+s3+$0x0], $0xffff  }
0x341: {  	v60 =	vadd.s32 s0, v53;
	v37 =	vadd.s32 $0x55F0, v8;
	[tilespmem:v35+s18+$0x0] =	vst.idx.msk $0xffff, v19;
	v21 =	vmul.f32 v21, v34;
	v35 =	vld [tilespmem:$0x1FB80]  }
0x342: {  	v9 =	vmul.f32 v9, v61;
	[tilespmem:v22+s18+$0x0] =	vst.idx.msk $0xffff, v14;
	v14 =	vadd.s32 $0x55F0, v7;
	v22 =	vadd.s32 s1, v53;
	v20 =	vld.idx.msk [tilespmem:v20+s3+$0x0], $0xffff  }
0x343: {  	v62 =	vadd.s32 $0x55F0, v6;
	v17 =	vmul.f32 v17, v61;
	[tilespmem:v36+s18+$0x0] =	vst.idx.msk $0xffff, v21;
	v21 =	vadd.s32 s28, v53;
	v12 =	vld.idx.msk [tilespmem:v12+s3+$0x0], $0xffff  }
0x344: {  	[tilespmem:v15+s18+$0x0] =	vst.idx.msk $0xffff, v9;
	v9 =	vmul.f32 v11, v61;
	v11 =	vadd.s32 $0x55F0, v5;
	v15 =	vadd.s32 s30, v53;
	v24 =	vld.idx.msk [tilespmem:v24+s3+$0x0], $0xffff  }
0x345: {  	v10 =	vld.idx.msk [tilespmem:v10+s3+$0x0], $0xffff;
	[tilespmem:v25+s18+$0x0] =	vst.idx.msk $0xffff, v17;
	v63 =	vmul.f32 v23, v61;
	v23 =	vadd.s32 $0x55F0, v4;
	v25 =	vadd.s32 s31, v53  }
0x346: {  	v16 =	vld.idx.msk [tilespmem:v37+s3+$0x0], $0xffff;
	[tilespmem:v60+s18+$0x0] =	vst.idx.msk $0xffff, v9;
	v9 =	vmul.f32 v13, v61;
	v13 =	vadd.s32 $0x55F0, v3  }
0x347: {  	v33 =	vadd.s32 s25, v53;
	[tilespmem:v22+s18+$0x0] =	vst.idx.msk $0xffff, v63;
	v14 =	vld.idx.msk [tilespmem:v14+s3+$0x0], $0xffff;
	v20 =	vmul.f32 v20, v61  }
0x348: {  	v34 =	vor.u32 s26, v54;
	v22 =	vadd.s32 $0x55F0, v2;
	[tilespmem:v21+s18+$0x0] =	vst.idx.msk $0xffff, v9;
	v18 =	vld.idx.msk [tilespmem:v62+s3+$0x0], $0xffff;
	v12 =	vmul.f32 v12, v61  }
0x349: {  	v9 =	vadd.s32 $0x59D8, v1;
	v21 =	vadd.s32 s29, v54;
	[tilespmem:v15+s18+$0x0] =	vst.idx.msk $0xffff, v20;
	v11 =	vld.idx.msk [tilespmem:v11+s3+$0x0], $0xffff  }
0x34a: {  	v15 =	vadd.s32 $0x59D8, v8;
	v20 =	vadd.s32 s0, v54;
	v24 =	vmul.f32 v24, v61;
	[tilespmem:v25+s18+$0x0] =	vst.idx.msk $0xffff, v12;
	v23 =	vld.idx.msk [tilespmem:v23+s3+$0x0], $0xffff  }
0x34b: {  	v10 =	vmul.f32 v10, v35;
	v12 =	vadd.s32 $0x59D8, v7;
	v13 =	vld.idx.msk [tilespmem:v13+s3+$0x0], $0xffff  }
0x34c: {  	v25 =	vadd.s32 s1, v54;
	v16 =	vmul.f32 v16, v35;
	[tilespmem:v33+s18+$0x0] =	vst.idx.msk $0xffff, v24;
	v33 =	vld [tilespmem:$0x1FB90]  }
0x34d: {  	v36 =	vadd.s32 $0x59D8, v6;
	v24 =	vadd.s32 s28, v54;
	[tilespmem:v34+s18+$0x0] =	vst.idx.msk $0xffff, v10;
	v10 =	vmul.f32 v14, v35;
	v22 =	vld.idx.msk [tilespmem:v22+s3+$0x0], $0xffff  }
0x34e: {  	v37 =	vadd.s32 s30, v54;
	v14 =	vadd.s32 $0x59D8, v5;
	v9 =	vld.idx.msk [tilespmem:v9+s3+$0x0], $0xffff;
	[tilespmem:v21+s18+$0x0] =	vst.idx.msk $0xffff, v16  }
0x34f: {  	v61 =	vadd.s32 $0x59D8, v4;
	v60 =	vmul.f32 v18, v35;
	v21 =	vadd.s32 s31, v54;
	v15 =	vld.idx.msk [tilespmem:v15+s3+$0x0], $0xffff;
	[tilespmem:v20+s18+$0x0] =	vst.idx.msk $0xffff, v10  }
0x350: {  	v10 =	vmul.f32 v11, v35;
	v11 =	vadd.s32 $0x59D8, v3;
	v20 =	vadd.s32 s25, v54;
	v12 =	vld.idx.msk [tilespmem:v12+s3+$0x0], $0xffff  }
0x351: {  	v62 =	vor.u32 s26, v55;
	[tilespmem:v25+s18+$0x0] =	vst.idx.msk $0xffff, v60;
	v23 =	vmul.f32 v23, v35;
	v25 =	vadd.s32 $0x59D8, v2;
	v60 =	vld [tilespmem:$0x1FBA0]  }
0x352: {  	[tilespmem:v24+s18+$0x0] =	vst.idx.msk $0xffff, v10;
	v10 =	vadd.s32 $0x5DC0, v1;
	v24 =	vadd.s32 s29, v55;
	v19 =	vld.idx.msk [tilespmem:v36+s3+$0x0], $0xffff;
	v13 =	vmul.f32 v13, v35  }
0x353: {  	v63 =	vadd.s32 $0x5DC0, v8;
	[tilespmem:v37+s18+$0x0] =	vst.idx.msk $0xffff, v23;
	v23 =	vadd.s32 s0, v55;
	v14 =	vld.idx.msk [tilespmem:v14+s3+$0x0], $0xffff;
	v22 =	vmul.f32 v22, v35  }
0x354: {  	v9 =	vmul.f32 v9, v33;
	[tilespmem:v21+s18+$0x0] =	vst.idx.msk $0xffff, v13;
	v13 =	vadd.s32 $0x5DC0, v7;
	v21 =	vadd.s32 s1, v55;
	v18 =	vld.idx.msk [tilespmem:v61+s3+$0x0], $0xffff  }
0x355: {  	v15 =	vmul.f32 v15, v33;
	[tilespmem:v20+s18+$0x0] =	vst.idx.msk $0xffff, v22;
	v20 =	vadd.s32 $0x5DC0, v6;
	v22 =	vadd.s32 s28, v55;
	v11 =	vld.idx.msk [tilespmem:v11+s3+$0x0], $0xffff  }
0x356: {  	[tilespmem:v62+s18+$0x0] =	vst.idx.msk $0xffff, v9;
	v9 =	vmul.f32 v12, v33;
	v12 =	vadd.s32 $0x5DC0, v5;
	v25 =	vld.idx.msk [tilespmem:v25+s3+$0x0], $0xffff  }
0x357: {  	v34 =	vadd.s32 s30, v55;
	v10 =	vld.idx.msk [tilespmem:v10+s3+$0x0], $0xffff;
	[tilespmem:v24+s18+$0x0] =	vst.idx.msk $0xffff, v15;
	v15 =	vmul.f32 v19, v33  }
0x358: {  	v35 =	vadd.s32 $0x5DC0, v4;
	v24 =	vadd.s32 s31, v55;
	v17 =	vld.idx.msk [tilespmem:v63+s3+$0x0], $0xffff;
	[tilespmem:v23+s18+$0x0] =	vst.idx.msk $0xffff, v9;
	v9 =	vmul.f32 v14, v33  }
0x359: {  	v14 =	vadd.s32 $0x5DC0, v3;
	v23 =	vadd.s32 s25, v55;
	[tilespmem:v21+s18+$0x0] =	vst.idx.msk $0xffff, v15;
	v13 =	vld.idx.msk [tilespmem:v13+s3+$0x0], $0xffff  }
0x35a: {  	v15 =	vor.u32 s26, v56;
	v18 =	vmul.f32 v18, v33;
	v21 =	vadd.s32 $0x5DC0, v2;
	[tilespmem:v22+s18+$0x0] =	vst.idx.msk $0xffff, v9;
	v20 =	vld.idx.msk [tilespmem:v20+s3+$0x0], $0xffff  }
0x35b: {  	v9 =	vadd.s32 $0x61A8, v1;
	v22 =	vadd.s32 s29, v56;
	v11 =	vmul.f32 v11, v33;
	v12 =	vld.idx.msk [tilespmem:v12+s3+$0x0], $0xffff  }
0x35c: {  	v36 =	vadd.s32 $0x61A8, v8;
	v37 =	vadd.s32 s0, v56;
	[tilespmem:v34+s18+$0x0] =	vst.idx.msk $0xffff, v18;
	v25 =	vmul.f32 v25, v33;
	v34 =	vld [tilespmem:$0x1FBB0]  }
0x35d: {  	v10 =	vmul.f32 v10, v60;
	[tilespmem:v24+s18+$0x0] =	vst.idx.msk $0xffff, v11;
	v11 =	vadd.s32 $0x61A8, v7;
	v24 =	vadd.s32 s1, v56;
	v19 =	vld.idx.msk [tilespmem:v35+s3+$0x0], $0xffff  }
0x35e: {  	v17 =	vmul.f32 v17, v60;
	[tilespmem:v23+s18+$0x0] =	vst.idx.msk $0xffff, v25;
	v23 =	vadd.s32 $0x61A8, v6;
	v25 =	vadd.s32 s28, v56;
	v14 =	vld.idx.msk [tilespmem:v14+s3+$0x0], $0xffff  }
0x35f: {  	[tilespmem:v15+s18+$0x0] =	vst.idx.msk $0xffff, v10;
	v10 =	vmul.f32 v13, v60;
	v13 =	vadd.s32 $0x61A8, v5;
	v15 =	vadd.s32 s30, v56;
	v21 =	vld.idx.msk [tilespmem:v21+s3+$0x0], $0xffff  }
0x360: {  	v9 =	vld.idx.msk [tilespmem:v9+s3+$0x0], $0xffff;
	[tilespmem:v22+s18+$0x0] =	vst.idx.msk $0xffff, v17;
	v61 =	vmul.f32 v20, v60;
	v20 =	vadd.s32 $0x61A8, v4;
	v22 =	vadd.s32 s31, v56  }
0x361: {  	v62 =	vadd.s32 s25, v56;
	v16 =	vld.idx.msk [tilespmem:v36+s3+$0x0], $0xffff;
	[tilespmem:v37+s18+$0x0] =	vst.idx.msk $0xffff, v10;
	v10 =	vmul.f32 v12, v60;
	v12 =	vadd.s32 $0x61A8, v3  }
0x362: {  	[tilespmem:v24+s18+$0x0] =	vst.idx.msk $0xffff, v61;
	v11 =	vld.idx.msk [tilespmem:v11+s3+$0x0], $0xffff;
	v19 =	vmul.f32 v19, v60;
	v24 =	vadd.s32 $0x61A8, v2  }
0x363: {  	v63 =	vor.u32 s26, v57;
	[tilespmem:v25+s18+$0x0] =	vst.idx.msk $0xffff, v10;
	v23 =	vld.idx.msk [tilespmem:v23+s3+$0x0], $0xffff;
	v14 =	vmul.f32 v14, v60  }
0x364: {  	v10 =	vadd.s32 $0x6590, v1;
	v25 =	vadd.s32 s29, v57;
	[tilespmem:v15+s18+$0x0] =	vst.idx.msk $0xffff, v19;
	v13 =	vld.idx.msk [tilespmem:v13+s3+$0x0], $0xffff;
	v21 =	vmul.f32 v21, v60  }
0x365: {  	v33 =	vadd.s32 s0, v57;
	v15 =	vadd.s32 $0x6590, v8;
	[tilespmem:v22+s18+$0x0] =	vst.idx.msk $0xffff, v14;
	v20 =	vld.idx.msk [tilespmem:v20+s3+$0x0], $0xffff  }
0x366: {  	v9 =	vmul.f32 v9, v34;
	v14 =	vadd.s32 $0x6590, v7;
	[tilespmem:v62+s18+$0x0] =	vst.idx.msk $0xffff, v21;
	v12 =	vld.idx.msk [tilespmem:v12+s3+$0x0], $0xffff  }
0x367: {  	v22 =	vadd.s32 s1, v57;
	v16 =	vmul.f32 v16, v34;
	v24 =	vld.idx.msk [tilespmem:v24+s3+$0x0], $0xffff  }
0x368: {  	v35 =	vadd.s32 $0x6590, v6;
	v21 =	vadd.s32 s28, v57;
	[tilespmem:v63+s18+$0x0] =	vst.idx.msk $0xffff, v9;
	v9 =	vmul.f32 v11, v34;
	v63 =	vld [tilespmem:$0x1FBC0]  }
0x369: {  	v36 =	vadd.s32 s30, v57;
	v11 =	vadd.s32 $0x6590, v5;
	v10 =	vld.idx.msk [tilespmem:v10+s3+$0x0], $0xffff;
	[tilespmem:v25+s18+$0x0] =	vst.idx.msk $0xffff, v16  }
0x36a: {  	v37 =	vmul.f32 v23, v34;
	v23 =	vadd.s32 $0x6590, v4;
	v25 =	vadd.s32 s31, v57;
	v15 =	vld.idx.msk [tilespmem:v15+s3+$0x0], $0xffff;
	[tilespmem:v33+s18+$0x0] =	vst.idx.msk $0xffff, v9  }
0x36b: {  	v60 =	vadd.s32 s25, v57;
	v9 =	vmul.f32 v13, v34;
	v13 =	vadd.s32 $0x6590, v3;
	v14 =	vld.idx.msk [tilespmem:v14+s3+$0x0], $0xffff  }
0x36c: {  	v61 =	vor.u32 s26, v58;
	[tilespmem:v22+s18+$0x0] =	vst.idx.msk $0xffff, v37;
	v20 =	vmul.f32 v20, v34;
	v22 =	vadd.s32 $0x6590, v2;
	v37 =	vld [tilespmem:$0x1FBD0]  }
0x36d: {  	[tilespmem:v21+s18+$0x0] =	vst.idx.msk $0xffff, v9;
	v9 =	vadd.s32 $0x6978, v1;
	v21 =	vadd.s32 s29, v58;
	v18 =	vld.idx.msk [tilespmem:v35+s3+$0x0], $0xffff;
	v12 =	vmul.f32 v12, v34  }
0x36e: {  	v62 =	vadd.s32 $0x6978, v8;
	[tilespmem:v36+s18+$0x0] =	vst.idx.msk $0xffff, v20;
	v20 =	vadd.s32 s0, v58;
	v11 =	vld.idx.msk [tilespmem:v11+s3+$0x0], $0xffff;
	v24 =	vmul.f32 v24, v34  }
0x36f: {  	v10 =	vmul.f32 v10, v63;
	[tilespmem:v25+s18+$0x0] =	vst.idx.msk $0xffff, v12;
	v12 =	vadd.s32 $0x6978, v7;
	v25 =	vadd.s32 s1, v58;
	v23 =	vld.idx.msk [tilespmem:v23+s3+$0x0], $0xffff  }
0x370: {  	v33 =	vadd.s32 $0x6978, v6;
	v15 =	vmul.f32 v15, v63;
	[tilespmem:v60+s18+$0x0] =	vst.idx.msk $0xffff, v24;
	v13 =	vld.idx.msk [tilespmem:v13+s3+$0x0], $0xffff  }
0x371: {  	v24 =	vadd.s32 s28, v58;
	[tilespmem:v61+s18+$0x0] =	vst.idx.msk $0xffff, v10;
	v10 =	vmul.f32 v14, v63;
	v22 =	vld.idx.msk [tilespmem:v22+s3+$0x0], $0xffff  }
0x372: {  	v34 =	vadd.s32 s30, v58;
	v14 =	vadd.s32 $0x6978, v5;
	v9 =	vld.idx.msk [tilespmem:v9+s3+$0x0], $0xffff;
	[tilespmem:v21+s18+$0x0] =	vst.idx.msk $0xffff, v15;
	v15 =	vmul.f32 v18, v63  }
0x373: {  	v35 =	vadd.s32 $0x6978, v4;
	v21 =	vadd.s32 s31, v58;
	v17 =	vld.idx.msk [tilespmem:v62+s3+$0x0], $0xffff;
	[tilespmem:v20+s18+$0x0] =	vst.idx.msk $0xffff, v10  }
0x374: {  	v10 =	vmul.f32 v11, v63;
	v11 =	vadd.s32 $0x6978, v3;
	v20 =	vadd.s32 s25, v58;
	[tilespmem:v25+s18+$0x0] =	vst.idx.msk $0xffff, v15;
	v12 =	vld.idx.msk [tilespmem:v12+s3+$0x0], $0xffff  }
0x375: {  	v15 =	vor.u32 s26, v59;
	v23 =	vmul.f32 v23, v63;
	v25 =	vadd.s32 $0x6978, v2;
	v19 =	vld.idx.msk [tilespmem:v33+s3+$0x0], $0xffff  }
0x376: {  	[tilespmem:v24+s18+$0x0] =	vst.idx.msk $0xffff, v10;
	v10 =	vadd.s32 $0x6D60, v1;
	v24 =	vadd.s32 s29, v59;
	v13 =	vmul.f32 v13, v63;
	v33 =	vld [tilespmem:$0x1FBE0]  }
0x377: {  	v36 =	vadd.s32 $0x6D60, v8;
	[tilespmem:v34+s18+$0x0] =	vst.idx.msk $0xffff, v23;
	v23 =	vadd.s32 s0, v59;
	v14 =	vld.idx.msk [tilespmem:v14+s3+$0x0], $0xffff;
	v22 =	vmul.f32 v22, v63  }
0x378: {  	v9 =	vmul.f32 v9, v37;
	[tilespmem:v21+s18+$0x0] =	vst.idx.msk $0xffff, v13;
	v13 =	vadd.s32 $0x6D60, v7;
	v21 =	vadd.s32 s1, v59;
	v18 =	vld.idx.msk [tilespmem:v35+s3+$0x0], $0xffff  }
0x379: {  	v17 =	vmul.f32 v17, v37;
	[tilespmem:v20+s18+$0x0] =	vst.idx.msk $0xffff, v22;
	v20 =	vadd.s32 $0x6D60, v6;
	v22 =	vadd.s32 s28, v59;
	v11 =	vld.idx.msk [tilespmem:v11+s3+$0x0], $0xffff  }
0x37a: {  	[tilespmem:v15+s18+$0x0] =	vst.idx.msk $0xffff, v9;
	v9 =	vmul.f32 v12, v37;
	v12 =	vadd.s32 $0x6D60, v5;
	v15 =	vadd.s32 s30, v59;
	v25 =	vld.idx.msk [tilespmem:v25+s3+$0x0], $0xffff  }
0x37b: {  	v61 =	vadd.s32 $0x6D60, v4;
	v10 =	vld.idx.msk [tilespmem:v10+s3+$0x0], $0xffff;
	[tilespmem:v24+s18+$0x0] =	vst.idx.msk $0xffff, v17;
	v60 =	vmul.f32 v19, v37;
	v24 =	vadd.s32 s31, v59  }
0x37c: {  	v16 =	vld.idx.msk [tilespmem:v36+s3+$0x0], $0xffff;
	[tilespmem:v23+s18+$0x0] =	vst.idx.msk $0xffff, v9;
	v9 =	vmul.f32 v14, v37;
	v14 =	vadd.s32 $0x6D60, v3;
	v23 =	vadd.s32 s25, v59  }
0x37d: {  	[tilespmem:v21+s18+$0x0] =	vst.idx.msk $0xffff, v60;
	v13 =	vld.idx.msk [tilespmem:v13+s3+$0x0], $0xffff;
	v18 =	vmul.f32 v18, v37;
	v21 =	vadd.s32 $0x6D60, v2  }
0x37e: {  	v62 =	vor.u32 s26, v31;
	[tilespmem:v22+s18+$0x0] =	vst.idx.msk $0xffff, v9;
	v20 =	vld.idx.msk [tilespmem:v20+s3+$0x0], $0xffff;
	v11 =	vmul.f32 v11, v37  }
0x37f: {  	v9 =	vadd.s32 $0x7148, v1;
	v22 =	vadd.s32 s29, v31;
	[tilespmem:v15+s18+$0x0] =	vst.idx.msk $0xffff, v18;
	v12 =	vld.idx.msk [tilespmem:v12+s3+$0x0], $0xffff;
	v25 =	vmul.f32 v25, v37  }
0x380: {  	v63 =	vadd.s32 s0, v31;
	v15 =	vadd.s32 $0x7148, v8;
	[tilespmem:v24+s18+$0x0] =	vst.idx.msk $0xffff, v11;
	v19 =	vld.idx.msk [tilespmem:v61+s3+$0x0], $0xffff  }
0x381: {  	v10 =	vmul.f32 v10, v33;
	v11 =	vadd.s32 $0x7148, v7;
	v24 =	vadd.s32 s1, v31;
	[tilespmem:v23+s18+$0x0] =	vst.idx.msk $0xffff, v25;
	v14 =	vld.idx.msk [tilespmem:v14+s3+$0x0], $0xffff  }
0x382: {  	v16 =	vmul.f32 v16, v33;
	v23 =	vadd.s32 $0x7148, v6;
	v25 =	vadd.s32 s28, v31;
	v21 =	vld.idx.msk [tilespmem:v21+s3+$0x0], $0xffff  }
0x383: {  	v34 =	vadd.s32 s30, v31;
	[tilespmem:v62+s18+$0x0] =	vst.idx.msk $0xffff, v10;
	v10 =	vmul.f32 v13, v33;
	v13 =	vadd.s32 $0x7148, v5;
	v62 =	vld [tilespmem:$0x1FBF0]  }
0x384: {  	v9 =	vld.idx.msk [tilespmem:v9+s3+$0x0], $0xffff;
	[tilespmem:v22+s18+$0x0] =	vst.idx.msk $0xffff, v16;
	v35 =	vmul.f32 v20, v33;
	v20 =	vadd.s32 $0x7148, v4;
	v22 =	vadd.s32 s31, v31  }
0x385: {  	v15 =	vld.idx.msk [tilespmem:v15+s3+$0x0], $0xffff;
	[tilespmem:v63+s18+$0x0] =	vst.idx.msk $0xffff, v10;
	v10 =	vmul.f32 v12, v33;
	v12 =	vadd.s32 $0x7148, v3  }
0x386: {  	v36 =	vadd.s32 s25, v31;
	[tilespmem:v24+s18+$0x0] =	vst.idx.msk $0xffff, v35;
	v11 =	vld.idx.msk [tilespmem:v11+s3+$0x0], $0xffff;
	v19 =	vmul.f32 v19, v33  }
0x387: {  	v37 =	vor.u32 s26, v32;
	v24 =	vadd.s32 $0x7148, v2;
	[tilespmem:v25+s18+$0x0] =	vst.idx.msk $0xffff, v10;
	v23 =	vld.idx.msk [tilespmem:v23+s3+$0x0], $0xffff;
	v14 =	vmul.f32 v14, v33  }
0x388: {  	v10 =	vadd.s32 $0x7530, v1;
	v25 =	vadd.s32 s29, v32;
	[tilespmem:v34+s18+$0x0] =	vst.idx.msk $0xffff, v19;
	v13 =	vld.idx.msk [tilespmem:v13+s3+$0x0], $0xffff  }
0x389: {  	v60 =	vadd.s32 $0x7530, v8;
	v21 =	vmul.f32 v21, v33;
	[tilespmem:v22+s18+$0x0] =	vst.idx.msk $0xffff, v14;
	v20 =	vld.idx.msk [tilespmem:v20+s3+$0x0], $0xffff  }
0x38a: {  	v61 =	vadd.s32 s0, v32;
	v9 =	vmul.f32 v9, v62;
	v12 =	vld.idx.msk [tilespmem:v12+s3+$0x0], $0xffff  }
0x38b: {  	v14 =	vadd.s32 $0x7530, v7;
	v22 =	vadd.s32 s1, v32;
	v15 =	vmul.f32 v15, v62;
	[tilespmem:v36+s18+$0x0] =	vst.idx.msk $0xffff, v21;
	v36 =	vld [tilespmem:$0x1FC00]  }
0x38c: {  	v63 =	vadd.s32 $0x7530, v6;
	v21 =	vadd.s32 s28, v32;
	[tilespmem:v37+s18+$0x0] =	vst.idx.msk $0xffff, v9;
	v24 =	vld.idx.msk [tilespmem:v24+s3+$0x0], $0xffff  }
0x38d: {  	v33 =	vadd.s32 s30, v32;
	v9 =	vmul.f32 v11, v62;
	v11 =	vadd.s32 $0x7530, v5;
	v10 =	vld.idx.msk [tilespmem:v10+s3+$0x0], $0xffff;
	[tilespmem:v25+s18+$0x0] =	vst.idx.msk $0xffff, v15  }
0x38e: {  	v15 =	vmul.f32 v23, v62;
	v23 =	vadd.s32 $0x7530, v4;
	v25 =	vadd.s32 s31, v32;
	v17 =	vld.idx.msk [tilespmem:v60+s3+$0x0], $0xffff  }
0x38f: {  	v34 =	vadd.s32 s25, v32;
	[tilespmem:v61+s18+$0x0] =	vst.idx.msk $0xffff, v9;
	v9 =	vmul.f32 v13, v62;
	v13 =	vadd.s32 $0x7530, v3;
	v61 =	vld [tilespmem:$0x1FC10]  }
0x390: {  	[tilespmem:v22+s18+$0x0] =	vst.idx.msk $0xffff, v15;
	v15 =	vor.u32 s26, v38;
	v14 =	vld.idx.msk [tilespmem:v14+s3+$0x0], $0xffff;
	v20 =	vmul.f32 v20, v62;
	v22 =	vadd.s32 $0x7530, v2  }
0x391: {  	v1 =	vadd.s32 $0x7918, v1;
	[tilespmem:v21+s18+$0x0] =	vst.idx.msk $0xffff, v9;
	v9 =	vadd.s32 s29, v38;
	v18 =	vld.idx.msk [tilespmem:v63+s3+$0x0], $0xffff;
	v12 =	vmul.f32 v12, v62  }
0x392: {  	v8 =	vadd.s32 $0x7918, v8;
	v35 =	vadd.s32 s0, v38;
	[tilespmem:v33+s18+$0x0] =	vst.idx.msk $0xffff, v20;
	v11 =	vld.idx.msk [tilespmem:v11+s3+$0x0], $0xffff;
	v20 =	vmul.f32 v24, v62  }
0x393: {  	v7 =	vadd.s32 $0x7918, v7;
	[tilespmem:v25+s18+$0x0] =	vst.idx.msk $0xffff, v12;
	v10 =	vmul.f32 v10, v36;
	v12 =	vadd.s32 s1, v38;
	v21 =	vld.idx.msk [tilespmem:v23+s3+$0x0], $0xffff  }
0x394: {  	v6 =	vadd.s32 $0x7918, v6;
	v37 =	vadd.s32 s28, v38;
	[tilespmem:v34+s18+$0x0] =	vst.idx.msk $0xffff, v20;
	v17 =	vmul.f32 v17, v36;
	v13 =	vld.idx.msk [tilespmem:v13+s3+$0x0], $0xffff  }
0x395: {  	v5 =	vadd.s32 $0x7918, v5;
	[tilespmem:v15+s18+$0x0] =	vst.idx.msk $0xffff, v10;
	v10 =	vmul.f32 v14, v36;
	v14 =	vadd.s32 s30, v38;
	v15 =	vld.idx.msk [tilespmem:v22+s3+$0x0], $0xffff  }
0x396: {  	v4 =	vadd.s32 $0x7918, v4;
	v60 =	vadd.s32 s31, v38;
	[tilespmem:v9+s18+$0x0] =	vst.idx.msk $0xffff, v17;
	v1 =	vld.idx.msk [tilespmem:v1+s3+$0x0], $0xffff;
	v9 =	vmul.f32 v18, v36  }
0x397: {  	v3 =	vadd.s32 $0x7918, v3;
	[tilespmem:v35+s18+$0x0] =	vst.idx.msk $0xffff, v10;
	v8 =	vld.idx.msk [tilespmem:v8+s3+$0x0], $0xffff;
	v10 =	vmul.f32 v11, v36;
	v11 =	vadd.s32 s25, v38  }
0x398: {  	v2 =	vadd.s32 $0x7918, v2;
	[tilespmem:v12+s18+$0x0] =	vst.idx.msk $0xffff, v9;
	v9 =	vor.u32 s26, v39;
	v7 =	vld.idx.msk [tilespmem:v7+s3+$0x0], $0xffff;
	v12 =	vmul.f32 v21, v36  }
0x399: {  	[tilespmem:v37+s18+$0x0] =	vst.idx.msk $0xffff, v10;
	v10 =	vadd.s32 s29, v39;
	v6 =	vld.idx.msk [tilespmem:v6+s3+$0x0], $0xffff;
	v13 =	vmul.f32 v13, v36  }
0x39a: {  	[tilespmem:v14+s18+$0x0] =	vst.idx.msk $0xffff, v12;
	v12 =	vadd.s32 s0, v39;
	v5 =	vld.idx.msk [tilespmem:v5+s3+$0x0], $0xffff;
	v14 =	vmul.f32 v15, v36  }
0x39b: {  	[tilespmem:v60+s18+$0x0] =	vst.idx.msk $0xffff, v13;
	v13 =	vadd.s32 s1, v39;
	v1 =	vmul.f32 v1, v61;
	v4 =	vld.idx.msk [tilespmem:v4+s3+$0x0], $0xffff  }
0x39c: {  	[tilespmem:v11+s18+$0x0] =	vst.idx.msk $0xffff, v14;
	v11 =	vadd.s32 s28, v39;
	v8 =	vmul.f32 v8, v61;
	v3 =	vld.idx.msk [tilespmem:v3+s3+$0x0], $0xffff  }
0x39d: {  	v62 =	vadd.s32 s30, v39;
	[tilespmem:v9+s18+$0x0] =	vst.idx.msk $0xffff, v1;
	v7 =	vmul.f32 v7, v61;
	v2 =	vld.idx.msk [tilespmem:v2+s3+$0x0], $0xffff  }
0x39e: {  	s23 =	sadd.s32 $0x8, s23;
	[tilespmem:v10+s18+$0x0] =	vst.idx.msk $0xffff, v8;
	v6 =	vmul.f32 v6, v61;
	v8 =	vadd.s32 s31, v39  }
0x39f: {  	p0 =	slt.u32 s23, $0x38;
	[tilespmem:v12+s18+$0x0] =	vst.idx.msk $0xffff, v7;
	v5 =	vmul.f32 v5, v61;
	v7 =	vadd.s32 s25, v39  }
.Ltmp4:
0x3a0: {  	[tilespmem:v13+s18+$0x0] =	vst.idx.msk $0xffff, v6;
	v4 =	vmul.f32 v4, v61;
	(pc) =	sbr.rel @p0 .LBB2_9-.Ltmp4, $4  }
0x3a1: {  	[tilespmem:v11+s18+$0x0] =	vst.idx.msk $0xffff, v5;
	v3 =	vmul.f32 v3, v61  }
0x3a2: {  	v24 =	vld [tilespmem:$0x1FFF0];
	[tilespmem:v62+s18+$0x0] =	vst.idx.msk $0xffff, v4;
	v63 =	vmul.f32 v2, v61  }
0x3a3: {  	v25 =	vlaneseq.u32;
	v23 =	vld [tilespmem:$0x1FFE0];
	v9 =	vmov v28;
	v14 =	vmov v41;
	[tilespmem:v8+s18+$0x0] =	vst.idx.msk $0xffff, v3  }
0x3a4: {  	s24 =	sadd.s32 $0x80, s24;
	v10 =	vmovc v29;
	v12 =	vld [tilespmem:$0x1FFD0];
	s25 =	sadd.s32 $0x400, s25;
	v13 =	vmovc v40;
	v11 =	vmov v30;
	v8 =	vmov v27;
	[tilespmem:v7+s18+$0x0] =	vst.idx.msk $0xffff, v63;
	v7 =	vmov v26  }
0x3a5: {  	s21 =	sadd.s32 $0x1, s21  }
0x3a6: {  	s0 =	smul.u32 $0xFA000, s22;
	p0 =	sne.s32 s21, $0x19  }
.Ltmp5:
0x3a7: {  	_ = 	snop;
	(pc) =	sbr.rel @p0 .LBB2_2-.Ltmp5, $4  }
0x3a8: {  	s0 =	sadd.s32 s7, s0  }
0x3a9: {  	s0 =	sshrl.u32 s0, $0x3  }
0x3aa: {  	s0 =	sadd.s32 s2, s0  }
0x3ab: {  	[hbm4b:s0+s3] =	stream.linear.scatter [tilespmem:s18], [sflag:$0x4], $0x8000, $0x38;
	[tilespmem:$0x18B80] =	vst v63  }
0x3ac: {  	s20 =	sadd.s32 $0x1, s20  }
0x3ad: {  	_ =	swait.ge [sflag:s19], $0x8000;
	p0 =	sne.s32 s20, s9  }
.Ltmp6:
0x3ae: {  	[sflag:s19] =	ssyncset.done $0x0;
	(pc) =	sbr.rel @p0 .LBB2_1-.Ltmp6, $4  }
0x3af: {  	[sflag:s19] =	ssyncadd.s32 $0xFFFF8000  }
0x3b0: {  	_ =	swait.ge [sflag:s17], $0x8000  }
0x3b1: {  	[sflag:s17] =	ssyncset.done $0x0  }
0x3b2: {  	[sflag:s17] =	ssyncadd.s32 $0xFFFF8000  }
0x3b3: {  	_ =	sfence.sel $0x180000  }
0x3b4: {  	[bflag:$0x0] =	sbarrier.arrive $0xFFFF  }
0x3b5: {  	_ =	strace $0x9000004A  }
0x3b6: {  	s0 =	stileid.u32;
	[bflag:$0x2] =	sbarrier.arrive $0xFFFF  }
0x3b7: {  	p0 =	sne.s32 s0, $0x0;
	s0 =	rddreg [dreg:$0x2]  }
0x3b8: {  	s0 =	sadd.s32 @!p0 $0x100000, s0  }
0x3b9: {  	[sflag:s0] =	ssyncadd.tile.s32 @!p0 $0x1;
	_ =	shalt  }
.Lfunc_end2:
_tile_overlayer_lowered:
.L_overlay_start_2:
0x3ba: {  	(tag) =	ssettag $0x2  }
0x3bb: {  	s0 =	rddreg [dreg:$0x0];
	s2 =	stileid.u32  }
0x3bc: {  	s1 =	rddreg [dreg:$0x1];
	p0 =	sne.s32 s2, $0x0  }
0x3bd: {  	s3 =	rddreg [dreg:$0x2];
	[bflag:$0x3] =	sbarrier.arrive $0xFFFF;
	s2 =	simm.s32 @!p0 $0x1C05  }
0x3be: {  	[timem:s3], [sflag:s2] =	dma.local @!p0 [hbm:s0], s1  }
0x3bf: {  	s0 =	simm.s32 @!p0 $0x5  }
0x3c0: {  	_ =	swait.ge @!p0 [sflag:s0], s1  }
0x3c1: {  	s1 =	ssub.s32 @!p0 $0x0, s1;
	[sflag:s0] =	ssyncset.done @!p0 $0x0  }
0x3c2: {  	[sflag:s0] =	ssyncadd.s32 @!p0 s1  }
0x3c3: {  	[bflag:$0x3] =	sbarrier.arrive $0xFFFF  }
0x3c4: {  	_ =	shalt  }

</sc_bundles>
